<compile_context>
chip_gen: v7x
topology: tpu7x:2x2x1
jax: 0.10.2.dev20260603
libtpu: 0.0.44.dev20260713+nightly
codegen_flags: <defaults>
</compile_context>

<pallas_src>
import functools

import jax
import jax.numpy as jnp
from jax import lax
from jax.experimental import pallas as pl
from jax.experimental.pallas import tpu as pltpu
from jax.experimental.pallas import tpu_sc as plsc

N = 10000
E = 320000
D = 128
K = 2

NS = 16
CHUNK = 128
EROWS = E // CHUNK
RPT = 157
RLAST = EROWS - 15 * RPT
EPT_PAD = RPT * CHUNK
NPAD = 10240
SLICE = NPAD // NS
VL = 16
SCHUNKS = [(0, 4), (4, 8), (12, 12), (24, 16),
           (40, 20), (60, 24), (84, 32), (116, 41)]


def _matvec_body(x_ref, w_ref, o_ref):
    o_ref[...] = jax.lax.dot_general(
        w_ref[...], x_ref[...],
        dimension_numbers=(((1,), (1,)), ((), ())),
        preferred_element_type=jnp.float32).reshape(N)


def _matvec(x, w2):
    return pl.pallas_call(
        _matvec_body,
        in_specs=[
            pl.BlockSpec((N, D), lambda: (0, 0)),
            pl.BlockSpec((1, D), lambda: (0, 0)),
        ],
        out_specs=pl.BlockSpec((N,), lambda: (0,)),
        out_shape=jax.ShapeDtypeStruct((N,), jnp.float32),
    )(x, w2)


_mesh = plsc.VectorSubcoreMesh(
    core_axis_name="c", subcore_axis_name="s", num_cores=1)


@functools.partial(
    pl.kernel,
    out_type=jax.ShapeDtypeStruct((NPAD,), jnp.float32),
    mesh=_mesh,
    compiler_params=pltpu.CompilerParams(
        use_tc_tiling_on_sc=False, needs_layout_passes=False),
    scratch_types=[
        pltpu.VMEM((NPAD,), jnp.float32),
        pltpu.VMEM((RPT, CHUNK), jnp.int32),
        pltpu.VMEM((RPT, CHUNK), jnp.int32),
        pltpu.VMEM((RPT, CHUNK), jnp.float32),
        pltpu.VMEM((EPT_PAD,), jnp.float32),
        pltpu.VMEM((EPT_PAD,), jnp.int32),
        pltpu.VMEM((SLICE,), jnp.float32),
        pltpu.VMEM_SHARED((NPAD,), jnp.float32),
        pltpu.VMEM_SHARED((NPAD,), jnp.float32),
        pltpu.SemaphoreType.DMA,
        pltpu.SemaphoreType.DMA,
    ],
)
def _sgc_sc(y0_hbm, ei_hbm, ew_hbm, out_hbm,
            y_l, src_l, dst_l, ew_l, msg_f, dst_f, sbuf,
            acc0, acc1, ssem, sem):
    sid = lax.axis_index("s")
    row0 = sid * RPT

    @pl.when(sid < NS - 1)
    def _():
        pltpu.async_copy(ei_hbm.at[pl.ds(row0, RPT), 0], src_l, ssem)
        pltpu.async_copy(ei_hbm.at[pl.ds(row0, RPT), 1], dst_l, ssem)
        pltpu.async_copy(ew_hbm.at[pl.ds(row0, RPT)], ew_l, ssem)

    @pl.when(sid == NS - 1)
    def _():
        pltpu.async_copy(ei_hbm.at[pl.ds(row0, RLAST), 0],
                         src_l.at[pl.ds(0, RLAST)], ssem)
        pltpu.async_copy(ei_hbm.at[pl.ds(row0, RLAST), 1],
                         dst_l.at[pl.ds(0, RLAST)], ssem)
        pltpu.async_copy(ew_hbm.at[pl.ds(row0, RLAST)],
                         ew_l.at[pl.ds(0, RLAST)], ssem)
    pltpu.async_copy(y0_hbm, y_l.at[pl.ds(0, N)], ssem)

    def _zero(i, _):
        sbuf[pl.ds(i * VL, VL)] = jnp.zeros((VL,), jnp.float32)
        return 0

    lax.fori_loop(0, SLICE // VL, _zero, 0)

    @pl.when(sid < NS - 1)
    def _():
        pltpu.make_async_copy(ei_hbm.at[pl.ds(0, RPT), 0], src_l, ssem).wait()
        pltpu.make_async_copy(ei_hbm.at[pl.ds(0, RPT), 1], dst_l, ssem).wait()
        pltpu.make_async_copy(ew_hbm.at[pl.ds(0, RPT)], ew_l, ssem).wait()

    @pl.when(sid == NS - 1)
    def _():
        pltpu.make_async_copy(ei_hbm.at[pl.ds(0, RLAST), 0],
                              src_l.at[pl.ds(0, RLAST)], ssem).wait()
        pltpu.make_async_copy(ei_hbm.at[pl.ds(0, RLAST), 1],
                              dst_l.at[pl.ds(0, RLAST)], ssem).wait()
        pltpu.make_async_copy(ew_hbm.at[pl.ds(0, RLAST)],
                              ew_l.at[pl.ds(0, RLAST)], ssem).wait()
    pltpu.make_async_copy(y0_hbm, y_l.at[pl.ds(0, N)], ssem).wait()

    @pl.when(sid == NS - 1)
    def _():
        def _fill(j, _):
            for g in range(CHUNK // VL):
                src_l[j, pl.ds(g * VL, VL)] = jnp.zeros((VL,), jnp.int32)
                ew_l[j, pl.ds(g * VL, VL)] = jnp.zeros((VL,), jnp.float32)
                dst_l[j, pl.ds(g * VL, VL)] = jnp.full((VL,), N, jnp.int32)
            return 0
        lax.fori_loop(RLAST, RPT, _fill, 0)

    pltpu.sync_copy(sbuf, acc0.at[pl.ds(sid * SLICE, SLICE)])
    pltpu.sync_copy(sbuf, acc1.at[pl.ds(sid * SLICE, SLICE)])
    plsc.subcore_barrier()

    for hop in range(K):
        acc = acc0 if hop == 0 else acc1

        def _row(j, _):
            for g in range(CHUNK // VL):
                s16 = src_l[j, pl.ds(g * VL, VL)]
                e16 = ew_l[j, pl.ds(g * VL, VL)]
                vals = plsc.load_gather(y_l, [s16])
                msg_f[pl.ds(j * CHUNK + g * VL, VL)] = vals * e16
                if hop == 0:
                    dst_f[pl.ds(j * CHUNK + g * VL, VL)] = \
                        dst_l[j, pl.ds(g * VL, VL)]
            return 0

        for (r0, rn) in SCHUNKS:
            lax.fori_loop(r0, r0 + rn, _row, 0)
            pltpu.async_copy(
                msg_f.at[pl.ds(r0 * CHUNK, rn * CHUNK)],
                acc.at[dst_f.at[pl.ds(r0 * CHUNK, rn * CHUNK)]],
                sem, add=True)
        for (r0, rn) in SCHUNKS:
            pltpu.make_async_copy(
                msg_f.at[pl.ds(r0 * CHUNK, rn * CHUNK)],
                acc.at[dst_f.at[pl.ds(r0 * CHUNK, rn * CHUNK)]],
                sem).wait()
        plsc.subcore_barrier()
        if hop + 1 < K:
            pltpu.sync_copy(acc.at[pl.ds(sid * SLICE, SLICE)],
                            out_hbm.at[pl.ds(sid * SLICE, SLICE)])
            plsc.subcore_barrier()
            pltpu.sync_copy(out_hbm, y_l)

    pltpu.sync_copy(acc1.at[pl.ds(sid * SLICE, SLICE)], sbuf)

    def _sig(i, _):
        z = sbuf[pl.ds(i * VL, VL)]
        sbuf[pl.ds(i * VL, VL)] = 1.0 / (1.0 + jnp.exp(-z))
        return 0

    lax.fori_loop(0, SLICE // VL, _sig, 0)
    pltpu.sync_copy(sbuf, out_hbm.at[pl.ds(sid * SLICE, SLICE)])


def kernel(x, edge_index, edge_weight, w):
    ei3 = edge_index.reshape(2, EROWS, CHUNK).transpose(1, 0, 2)
    ew2d = edge_weight.reshape(EROWS, CHUNK)
    y0 = _matvec(x, w.reshape(1, D))
    res = _sgc_sc(y0, ei3, ew2d)
    return res[:N].reshape(N, 1)

# --- scband reference (transcript-rebuilt; emitter-appended) ---
"""Pipeline reference for scband-sgc-49443663512125 (READ-ONLY COPY).

The authoritative reference and input builder live on the scoring server;
editing this copy changes nothing except your own understanding.
"""

import jax, jax.numpy as jnp
import numpy as np

N = 10000   # n_nodes
E = 320000  # n_edges
D = 128     # d_feat
K = 2       # num_layers (propagation steps in SimpleGraphConvolution)


def setup_inputs(seed: int = 0) -> dict:
    key = jax.random.key(seed)
    k1, k2, k3, k4 = jax.random.split(key, 4)
    x = jax.random.normal(k1, (N, D), dtype=jnp.float32)
    # adjacency in COO form: edge_index[0]=src, edge_index[1]=dst, edge_weight = normalized adj values
    edge_index = jax.random.randint(k2, (2, E), 0, N, dtype=jnp.int32)
    edge_weight = jax.random.uniform(k3, (E,), dtype=jnp.float32)
    # learned weight: (d_feat, 1), glorot-ish init
    w = jax.random.normal(k4, (D, 1), dtype=jnp.float32) * (1.0 / np.sqrt(D))
    return {"x": x, "edge_index": edge_index, "edge_weight": edge_weight, "w": w}


def reference(x, edge_index, edge_weight, w):
    # SimpleGraphConvolution.call with dropout=0, g_dropout=0, bias=False, k=num_layers=2,
    # activation=sigmoid (as instantiated in SGC.model_layers).
    # sparse_dense_matmul(adj, x) applied K times, expressed as gather + scatter-add:
    src = edge_index[0]
    dst = edge_index[1]
    h = x
    for _ in range(K):
        msgs = h[src] * edge_weight[:, None]          # gather (SparseCore)
        h = jax.ops.segment_sum(msgs, dst, num_segments=N)  # scatter-add (SparseCore)
    out = jax.nn.sigmoid(h @ w)                        # (N, 1)
    return out

if __name__ == "__main__":
    import jax
    _d = setup_inputs()
    print(jax.jit(kernel)(*tuple(_d.values())))

</pallas_src>

<mosaic_0001>
#map = affine_map<(d0, d1) -> (0)>
#map1 = affine_map<(d0, d1) -> (0, 0, 0)>
#map2 = affine_map<(d0, d1) -> (0, 0)>
module attributes {stable_mosaic.version = 14 : i64} {
  func.func @_sgc_sc(%arg0: i32, %arg1: i32, %arg2: memref<10000xf32, #tpu.memory_space<hbm>>, %arg3: memref<2500x2x128xi32, #tpu.memory_space<hbm>>, %arg4: memref<2500x128xf32, #tpu.memory_space<hbm>>, %arg5: memref<10240xf32, #tpu.memory_space<hbm>>, %arg6: memref<10240xf32, #tpu.memory_space<vmem>>, %arg7: memref<157x128xi32, #tpu.memory_space<vmem>>, %arg8: memref<157x128xi32, #tpu.memory_space<vmem>>, %arg9: memref<157x128xf32, #tpu.memory_space<vmem>>, %arg10: memref<20096xf32, #tpu.memory_space<vmem>>, %arg11: memref<20096xi32, #tpu.memory_space<vmem>>, %arg12: memref<640xf32, #tpu.memory_space<vmem>>, %arg13: memref<10240xf32, #tpu.memory_space<vmem_shared>>, %arg14: memref<10240xf32, #tpu.memory_space<vmem_shared>>, %arg15: memref<!tpu.dma_semaphore, #tpu.memory_space<semaphore_mem>>, %arg16: memref<!tpu.dma_semaphore, #tpu.memory_space<semaphore_mem>>) attributes {dimension_semantics = [#tpu.dimension_semantics<core_parallel>, #tpu.dimension_semantics<subcore_parallel>], iteration_bounds = array<i64: 1, 16>, scalar_prefetch = 0 : i64, scratch_operands = 11 : i64, tpu.core_type = #tpu.core_type<sc_vector_subcore>, window_params = [{transform_indices = #map}, {transform_indices = #map1}, {transform_indices = #map2}, {transform_indices = #map}]} {
    %mul3A = arith.constant 157 : i32
    %mul3A_0 = arith.muli %arg1, %mul3A : i32
    %lt3A = arith.constant 15 : i32
    %lt3A_1 = arith.cmpi slt, %arg1, %lt3A : i32
    %convert_element_type3A = arith.extui %lt3A_1 : i1 to i32
    %cond3A = arith.constant 0 : i32
    %cond3A_2 = arith.cmpi ne, %convert_element_type3A, %cond3A : i32
    scf.if %cond3A_2 {
      %dma_start3A_360 = arith.constant 0 : i32
      %dma_start3A_361 = arith.constant 0 : i32
      %dma_start3A_362 = tpu.memref_slice %arg3[%mul3A_0, %dma_start3A_360, %dma_start3A_361] : memref<2500x2x128xi32, #tpu.memory_space<hbm>> -> memref<157x1x128xi32, #tpu.memory_space<hbm>>
      %dma_start3A_363 = tpu.memref_squeeze %dma_start3A_362 : memref<157x1x128xi32, #tpu.memory_space<hbm>> -> memref<157x128xi32, #tpu.memory_space<hbm>>
      %dma_start3A_364 = arith.constant 0 : i32
      %dma_start3A_365 = tpu.memref_slice %arg3[%mul3A_0, %dma_start3A_360, %dma_start3A_364] : memref<2500x2x128xi32, #tpu.memory_space<hbm>> -> memref<157x1x128xi32, #tpu.memory_space<hbm>>
      %dma_start3A_366 = tpu.memref_squeeze %dma_start3A_365 : memref<157x1x128xi32, #tpu.memory_space<hbm>> -> memref<157x128xi32, #tpu.memory_space<hbm>>
      tpu.enqueue_dma source(%dma_start3A_366 : memref<157x128xi32, #tpu.memory_space<hbm>>) target(%arg7 : memref<157x128xi32, #tpu.memory_space<vmem>>) target_semaphore(%arg15 : memref<!tpu.dma_semaphore, #tpu.memory_space<semaphore_mem>>)
      %dma_start3A_367 = arith.constant 1 : i32
      %dma_start3A_368 = arith.constant 0 : i32
      %dma_start3A_369 = tpu.memref_slice %arg3[%mul3A_0, %dma_start3A_367, %dma_start3A_368] : memref<2500x2x128xi32, #tpu.memory_space<hbm>> -> memref<157x1x128xi32, #tpu.memory_space<hbm>>
      %dma_start3A_370 = tpu.memref_squeeze %dma_start3A_369 : memref<157x1x128xi32, #tpu.memory_space<hbm>> -> memref<157x128xi32, #tpu.memory_space<hbm>>
      %dma_start3A_371 = arith.constant 0 : i32
      %dma_start3A_372 = tpu.memref_slice %arg3[%mul3A_0, %dma_start3A_367, %dma_start3A_371] : memref<2500x2x128xi32, #tpu.memory_space<hbm>> -> memref<157x1x128xi32, #tpu.memory_space<hbm>>
      %dma_start3A_373 = tpu.memref_squeeze %dma_start3A_372 : memref<157x1x128xi32, #tpu.memory_space<hbm>> -> memref<157x128xi32, #tpu.memory_space<hbm>>
      tpu.enqueue_dma source(%dma_start3A_373 : memref<157x128xi32, #tpu.memory_space<hbm>>) target(%arg8 : memref<157x128xi32, #tpu.memory_space<vmem>>) target_semaphore(%arg15 : memref<!tpu.dma_semaphore, #tpu.memory_space<semaphore_mem>>)
      %dma_start3A_374 = arith.constant 0 : i32
      %dma_start3A_375 = tpu.memref_slice %arg4[%mul3A_0, %dma_start3A_374] : memref<2500x128xf32, #tpu.memory_space<hbm>> -> memref<157x128xf32, #tpu.memory_space<hbm>>
      %dma_start3A_376 = arith.constant 0 : i32
      %dma_start3A_377 = tpu.memref_slice %arg4[%mul3A_0, %dma_start3A_376] : memref<2500x128xf32, #tpu.memory_space<hbm>> -> memref<157x128xf32, #tpu.memory_space<hbm>>
      tpu.enqueue_dma source(%dma_start3A_377 : memref<157x128xf32, #tpu.memory_space<hbm>>) target(%arg9 : memref<157x128xf32, #tpu.memory_space<vmem>>) target_semaphore(%arg15 : memref<!tpu.dma_semaphore, #tpu.memory_space<semaphore_mem>>)
    } else {
    }
    %eq3A = arith.constant 15 : i32
    %eq3A_3 = arith.cmpi eq, %arg1, %eq3A : i32
    %convert_element_type3A_4 = arith.extui %eq3A_3 : i1 to i32
    %cond3A_5 = arith.constant 0 : i32
    %cond3A_6 = arith.cmpi ne, %convert_element_type3A_4, %cond3A_5 : i32
    scf.if %cond3A_6 {
      %dma_start3A_360 = arith.constant 0 : i32
      %dma_start3A_361 = arith.constant 0 : i32
      %dma_start3A_362 = arith.constant 0 : i32
      %dma_start3A_363 = tpu.memref_slice %arg7[%dma_start3A_361, %dma_start3A_362] : memref<157x128xi32, #tpu.memory_space<vmem>> -> memref<145x128xi32, #tpu.memory_space<vmem>>
      %dma_start3A_364 = arith.constant 0 : i32
      %dma_start3A_365 = tpu.memref_slice %arg3[%mul3A_0, %dma_start3A_360, %dma_start3A_364] : memref<2500x2x128xi32, #tpu.memory_space<hbm>> -> memref<145x1x128xi32, #tpu.memory_space<hbm>>
      %dma_start3A_366 = tpu.memref_squeeze %dma_start3A_365 : memref<145x1x128xi32, #tpu.memory_space<hbm>> -> memref<145x128xi32, #tpu.memory_space<hbm>>
      %dma_start3A_367 = arith.constant 0 : i32
      %dma_start3A_368 = arith.constant 0 : i32
      %dma_start3A_369 = tpu.memref_slice %arg7[%dma_start3A_367, %dma_start3A_368] : memref<157x128xi32, #tpu.memory_space<vmem>> -> memref<145x128xi32, #tpu.memory_space<vmem>>
      %dma_start3A_370 = arith.constant 0 : i32
      %dma_start3A_371 = tpu.memref_slice %arg3[%mul3A_0, %dma_start3A_360, %dma_start3A_370] : memref<2500x2x128xi32, #tpu.memory_space<hbm>> -> memref<145x1x128xi32, #tpu.memory_space<hbm>>
      %dma_start3A_372 = tpu.memref_squeeze %dma_start3A_371 : memref<145x1x128xi32, #tpu.memory_space<hbm>> -> memref<145x128xi32, #tpu.memory_space<hbm>>
      tpu.enqueue_dma source(%dma_start3A_372 : memref<145x128xi32, #tpu.memory_space<hbm>>) target(%dma_start3A_369 : memref<145x128xi32, #tpu.memory_space<vmem>>) target_semaphore(%arg15 : memref<!tpu.dma_semaphore, #tpu.memory_space<semaphore_mem>>)
      %dma_start3A_373 = arith.constant 1 : i32
      %dma_start3A_374 = arith.constant 0 : i32
      %dma_start3A_375 = arith.constant 0 : i32
      %dma_start3A_376 = tpu.memref_slice %arg8[%dma_start3A_374, %dma_start3A_375] : memref<157x128xi32, #tpu.memory_space<vmem>> -> memref<145x128xi32, #tpu.memory_space<vmem>>
      %dma_start3A_377 = arith.constant 0 : i32
      %dma_start3A_378 = tpu.memref_slice %arg3[%mul3A_0, %dma_start3A_373, %dma_start3A_377] : memref<2500x2x128xi32, #tpu.memory_space<hbm>> -> memref<145x1x128xi32, #tpu.memory_space<hbm>>
      %dma_start3A_379 = tpu.memref_squeeze %dma_start3A_378 : memref<145x1x128xi32, #tpu.memory_space<hbm>> -> memref<145x128xi32, #tpu.memory_space<hbm>>
      %dma_start3A_380 = arith.constant 0 : i32
      %dma_start3A_381 = arith.constant 0 : i32
      %dma_start3A_382 = tpu.memref_slice %arg8[%dma_start3A_380, %dma_start3A_381] : memref<157x128xi32, #tpu.memory_space<vmem>> -> memref<145x128xi32, #tpu.memory_space<vmem>>
      %dma_start3A_383 = arith.constant 0 : i32
      %dma_start3A_384 = tpu.memref_slice %arg3[%mul3A_0, %dma_start3A_373, %dma_start3A_383] : memref<2500x2x128xi32, #tpu.memory_space<hbm>> -> memref<145x1x128xi32, #tpu.memory_space<hbm>>
      %dma_start3A_385 = tpu.memref_squeeze %dma_start3A_384 : memref<145x1x128xi32, #tpu.memory_space<hbm>> -> memref<145x128xi32, #tpu.memory_space<hbm>>
      tpu.enqueue_dma source(%dma_start3A_385 : memref<145x128xi32, #tpu.memory_space<hbm>>) target(%dma_start3A_382 : memref<145x128xi32, #tpu.memory_space<vmem>>) target_semaphore(%arg15 : memref<!tpu.dma_semaphore, #tpu.memory_space<semaphore_mem>>)
      %dma_start3A_386 = arith.constant 0 : i32
      %dma_start3A_387 = arith.constant 0 : i32
      %dma_start3A_388 = tpu.memref_slice %arg9[%dma_start3A_386, %dma_start3A_387] : memref<157x128xf32, #tpu.memory_space<vmem>> -> memref<145x128xf32, #tpu.memory_space<vmem>>
      %dma_start3A_389 = arith.constant 0 : i32
      %dma_start3A_390 = tpu.memref_slice %arg4[%mul3A_0, %dma_start3A_389] : memref<2500x128xf32, #tpu.memory_space<hbm>> -> memref<145x128xf32, #tpu.memory_space<hbm>>
      %dma_start3A_391 = arith.constant 0 : i32
      %dma_start3A_392 = arith.constant 0 : i32
      %dma_start3A_393 = tpu.memref_slice %arg9[%dma_start3A_391, %dma_start3A_392] : memref<157x128xf32, #tpu.memory_space<vmem>> -> memref<145x128xf32, #tpu.memory_space<vmem>>
      %dma_start3A_394 = arith.constant 0 : i32
      %dma_start3A_395 = tpu.memref_slice %arg4[%mul3A_0, %dma_start3A_394] : memref<2500x128xf32, #tpu.memory_space<hbm>> -> memref<145x128xf32, #tpu.memory_space<hbm>>
      tpu.enqueue_dma source(%dma_start3A_395 : memref<145x128xf32, #tpu.memory_space<hbm>>) target(%dma_start3A_393 : memref<145x128xf32, #tpu.memory_space<vmem>>) target_semaphore(%arg15 : memref<!tpu.dma_semaphore, #tpu.memory_space<semaphore_mem>>)
    } else {
    }
    %dma_start3A = arith.constant 0 : i32
    %dma_start3A_7 = tpu.memref_slice %arg6[%dma_start3A] : memref<10240xf32, #tpu.memory_space<vmem>> -> memref<10000xf32, #tpu.memory_space<vmem>>
    %dma_start3A_8 = arith.constant 0 : i32
    %dma_start3A_9 = tpu.memref_slice %arg6[%dma_start3A_8] : memref<10240xf32, #tpu.memory_space<vmem>> -> memref<10000xf32, #tpu.memory_space<vmem>>
    tpu.enqueue_dma source(%arg2 : memref<10000xf32, #tpu.memory_space<hbm>>) target(%dma_start3A_9 : memref<10000xf32, #tpu.memory_space<vmem>>) target_semaphore(%arg15 : memref<!tpu.dma_semaphore, #tpu.memory_space<semaphore_mem>>)
    %scan3A = arith.constant 0 : i32
    %scan3A_10 = arith.constant 0 : i32
    %scan3A_11 = arith.constant 40 : i32
    %scan3A_12 = arith.addi %scan3A_10, %scan3A_11 : i32
    %scan3A_13 = arith.constant 1 : i32
    %scan3A_14 = scf.for %scan3A_360 = %scan3A_10 to %scan3A_12 step %scan3A_13 iter_args(%scan3A_361 = %scan3A) -> (i32)  : i32 {
      %broadcast_in_dim3A = arith.constant 0.000000e+00 : f32
      %broadcast_in_dim3A_362 = vector.broadcast %broadcast_in_dim3A : f32 to vector<16xf32>
      %mul3A_363 = arith.constant 16 : i32
      %mul3A_364 = arith.muli %scan3A_360, %mul3A_363 : i32
      %swap3A = arith.index_cast %mul3A_364 : i32 to index
      %swap3A_365 = tpu.vector_load %arg12[%swap3A] {strides = array<i32>} : memref<640xf32, #tpu.memory_space<vmem>>, vector<16xf32>,
      tpu.vector_store %arg12[%swap3A], %broadcast_in_dim3A_362 {strides = array<i32>} : memref<640xf32, #tpu.memory_space<vmem>>, vector<16xf32>,
      %scan3A_366 = arith.constant 0 : i32
      scf.yield %scan3A_366 : i32
    }
    %scan3A_15 = arith.constant 40 : i32
    %lt3A_16 = arith.constant 15 : i32
    %lt3A_17 = arith.cmpi slt, %arg1, %lt3A_16 : i32
    %convert_element_type3A_18 = arith.extui %lt3A_17 : i1 to i32
    %cond3A_19 = arith.constant 0 : i32
    %cond3A_20 = arith.cmpi ne, %convert_element_type3A_18, %cond3A_19 : i32
    scf.if %cond3A_20 {
      %dma_wait3A_360 = arith.constant 0 : i32
      %dma_wait3A_361 = arith.constant 0 : i32
      %dma_wait3A_362 = arith.constant 0 : i32
      %dma_wait3A_363 = tpu.memref_slice %arg3[%dma_wait3A_361, %dma_wait3A_360, %dma_wait3A_362] : memref<2500x2x128xi32, #tpu.memory_space<hbm>> -> memref<157x1x128xi32, #tpu.memory_space<hbm>>
      %dma_wait3A_364 = tpu.memref_squeeze %dma_wait3A_363 : memref<157x1x128xi32, #tpu.memory_space<hbm>> -> memref<157x128xi32, #tpu.memory_space<hbm>>
      %dma_wait3A_365 = arith.constant 0 : i32
      %dma_wait3A_366 = arith.constant 0 : i32
      %dma_wait3A_367 = tpu.memref_slice %arg3[%dma_wait3A_365, %dma_wait3A_360, %dma_wait3A_366] : memref<2500x2x128xi32, #tpu.memory_space<hbm>> -> memref<157x1x128xi32, #tpu.memory_space<hbm>>
      %dma_wait3A_368 = tpu.memref_squeeze %dma_wait3A_367 : memref<157x1x128xi32, #tpu.memory_space<hbm>> -> memref<157x128xi32, #tpu.memory_space<hbm>>
      tpu.wait_dma2 semaphore(%arg15 : memref<!tpu.dma_semaphore, #tpu.memory_space<semaphore_mem>>) src(%dma_wait3A_368 : memref<157x128xi32, #tpu.memory_space<hbm>>) dst(%arg7 : memref<157x128xi32, #tpu.memory_space<vmem>>)
      %dma_wait3A_369 = arith.constant 1 : i32
      %dma_wait3A_370 = arith.constant 0 : i32
      %dma_wait3A_371 = arith.constant 0 : i32
      %dma_wait3A_372 = tpu.memref_slice %arg3[%dma_wait3A_370, %dma_wait3A_369, %dma_wait3A_371] : memref<2500x2x128xi32, #tpu.memory_space<hbm>> -> memref<157x1x128xi32, #tpu.memory_space<hbm>>
      %dma_wait3A_373 = tpu.memref_squeeze %dma_wait3A_372 : memref<157x1x128xi32, #tpu.memory_space<hbm>> -> memref<157x128xi32, #tpu.memory_space<hbm>>
      %dma_wait3A_374 = arith.constant 0 : i32
      %dma_wait3A_375 = arith.constant 0 : i32
      %dma_wait3A_376 = tpu.memref_slice %arg3[%dma_wait3A_374, %dma_wait3A_369, %dma_wait3A_375] : memref<2500x2x128xi32, #tpu.memory_space<hbm>> -> memref<157x1x128xi32, #tpu.memory_space<hbm>>
      %dma_wait3A_377 = tpu.memref_squeeze %dma_wait3A_376 : memref<157x1x128xi32, #tpu.memory_space<hbm>> -> memref<157x128xi32, #tpu.memory_space<hbm>>
      tpu.wait_dma2 semaphore(%arg15 : memref<!tpu.dma_semaphore, #tpu.memory_space<semaphore_mem>>) src(%dma_wait3A_377 : memref<157x128xi32, #tpu.memory_space<hbm>>) dst(%arg8 : memref<157x128xi32, #tpu.memory_space<vmem>>)
      %dma_wait3A_378 = arith.constant 0 : i32
      %dma_wait3A_379 = arith.constant 0 : i32
      %dma_wait3A_380 = tpu.memref_slice %arg4[%dma_wait3A_378, %dma_wait3A_379] : memref<2500x128xf32, #tpu.memory_space<hbm>> -> memref<157x128xf32, #tpu.memory_space<hbm>>
      %dma_wait3A_381 = arith.constant 0 : i32
      %dma_wait3A_382 = arith.constant 0 : i32
      %dma_wait3A_383 = tpu.memref_slice %arg4[%dma_wait3A_381, %dma_wait3A_382] : memref<2500x128xf32, #tpu.memory_space<hbm>> -> memref<157x128xf32, #tpu.memory_space<hbm>>
      tpu.wait_dma2 semaphore(%arg15 : memref<!tpu.dma_semaphore, #tpu.memory_space<semaphore_mem>>) src(%dma_wait3A_383 : memref<157x128xf32, #tpu.memory_space<hbm>>) dst(%arg9 : memref<157x128xf32, #tpu.memory_space<vmem>>)
    } else {
    }
    %eq3A_21 = arith.constant 15 : i32
    %eq3A_22 = arith.cmpi eq, %arg1, %eq3A_21 : i32
    %convert_element_type3A_23 = arith.extui %eq3A_22 : i1 to i32
    %cond3A_24 = arith.constant 0 : i32
    %cond3A_25 = arith.cmpi ne, %convert_element_type3A_23, %cond3A_24 : i32
    scf.if %cond3A_25 {
      %dma_wait3A_360 = arith.constant 0 : i32
      %dma_wait3A_361 = arith.constant 0 : i32
      %dma_wait3A_362 = arith.constant 0 : i32
      %dma_wait3A_363 = tpu.memref_slice %arg7[%dma_wait3A_361, %dma_wait3A_362] : memref<157x128xi32, #tpu.memory_space<vmem>> -> memref<145x128xi32, #tpu.memory_space<vmem>>
      %dma_wait3A_364 = arith.constant 0 : i32
      %dma_wait3A_365 = arith.constant 0 : i32
      %dma_wait3A_366 = tpu.memref_slice %arg3[%dma_wait3A_364, %dma_wait3A_360, %dma_wait3A_365] : memref<2500x2x128xi32, #tpu.memory_space<hbm>> -> memref<145x1x128xi32, #tpu.memory_space<hbm>>
      %dma_wait3A_367 = tpu.memref_squeeze %dma_wait3A_366 : memref<145x1x128xi32, #tpu.memory_space<hbm>> -> memref<145x128xi32, #tpu.memory_space<hbm>>
      %dma_wait3A_368 = arith.constant 0 : i32
      %dma_wait3A_369 = arith.constant 0 : i32
      %dma_wait3A_370 = tpu.memref_slice %arg7[%dma_wait3A_368, %dma_wait3A_369] : memref<157x128xi32, #tpu.memory_space<vmem>> -> memref<145x128xi32, #tpu.memory_space<vmem>>
      %dma_wait3A_371 = arith.constant 0 : i32
      %dma_wait3A_372 = arith.constant 0 : i32
      %dma_wait3A_373 = tpu.memref_slice %arg3[%dma_wait3A_371, %dma_wait3A_360, %dma_wait3A_372] : memref<2500x2x128xi32, #tpu.memory_space<hbm>> -> memref<145x1x128xi32, #tpu.memory_space<hbm>>
      %dma_wait3A_374 = tpu.memref_squeeze %dma_wait3A_373 : memref<145x1x128xi32, #tpu.memory_space<hbm>> -> memref<145x128xi32, #tpu.memory_space<hbm>>
      tpu.wait_dma2 semaphore(%arg15 : memref<!tpu.dma_semaphore, #tpu.memory_space<semaphore_mem>>) src(%dma_wait3A_374 : memref<145x128xi32, #tpu.memory_space<hbm>>) dst(%dma_wait3A_370 : memref<145x128xi32, #tpu.memory_space<vmem>>)
      %dma_wait3A_375 = arith.constant 1 : i32
      %dma_wait3A_376 = arith.constant 0 : i32
      %dma_wait3A_377 = arith.constant 0 : i32
      %dma_wait3A_378 = tpu.memref_slice %arg8[%dma_wait3A_376, %dma_wait3A_377] : memref<157x128xi32, #tpu.memory_space<vmem>> -> memref<145x128xi32, #tpu.memory_space<vmem>>
      %dma_wait3A_379 = arith.constant 0 : i32
      %dma_wait3A_380 = arith.constant 0 : i32
      %dma_wait3A_381 = tpu.memref_slice %arg3[%dma_wait3A_379, %dma_wait3A_375, %dma_wait3A_380] : memref<2500x2x128xi32, #tpu.memory_space<hbm>> -> memref<145x1x128xi32, #tpu.memory_space<hbm>>
      %dma_wait3A_382 = tpu.memref_squeeze %dma_wait3A_381 : memref<145x1x128xi32, #tpu.memory_space<hbm>> -> memref<145x128xi32, #tpu.memory_space<hbm>>
      %dma_wait3A_383 = arith.constant 0 : i32
      %dma_wait3A_384 = arith.constant 0 : i32
      %dma_wait3A_385 = tpu.memref_slice %arg8[%dma_wait3A_383, %dma_wait3A_384] : memref<157x128xi32, #tpu.memory_space<vmem>> -> memref<145x128xi32, #tpu.memory_space<vmem>>
      %dma_wait3A_386 = arith.constant 0 : i32
      %dma_wait3A_387 = arith.constant 0 : i32
      %dma_wait3A_388 = tpu.memref_slice %arg3[%dma_wait3A_386, %dma_wait3A_375, %dma_wait3A_387] : memref<2500x2x128xi32, #tpu.memory_space<hbm>> -> memref<145x1x128xi32, #tpu.memory_space<hbm>>
      %dma_wait3A_389 = tpu.memref_squeeze %dma_wait3A_388 : memref<145x1x128xi32, #tpu.memory_space<hbm>> -> memref<145x128xi32, #tpu.memory_space<hbm>>
      tpu.wait_dma2 semaphore(%arg15 : memref<!tpu.dma_semaphore, #tpu.memory_space<semaphore_mem>>) src(%dma_wait3A_389 : memref<145x128xi32, #tpu.memory_space<hbm>>) dst(%dma_wait3A_385 : memref<145x128xi32, #tpu.memory_space<vmem>>)
      %dma_wait3A_390 = arith.constant 0 : i32
      %dma_wait3A_391 = arith.constant 0 : i32
      %dma_wait3A_392 = tpu.memref_slice %arg9[%dma_wait3A_390, %dma_wait3A_391] : memref<157x128xf32, #tpu.memory_space<vmem>> -> memref<145x128xf32, #tpu.memory_space<vmem>>
      %dma_wait3A_393 = arith.constant 0 : i32
      %dma_wait3A_394 = arith.constant 0 : i32
      %dma_wait3A_395 = tpu.memref_slice %arg4[%dma_wait3A_393, %dma_wait3A_394] : memref<2500x128xf32, #tpu.memory_space<hbm>> -> memref<145x128xf32, #tpu.memory_space<hbm>>
      %dma_wait3A_396 = arith.constant 0 : i32
      %dma_wait3A_397 = arith.constant 0 : i32
      %dma_wait3A_398 = tpu.memref_slice %arg9[%dma_wait3A_396, %dma_wait3A_397] : memref<157x128xf32, #tpu.memory_space<vmem>> -> memref<145x128xf32, #tpu.memory_space<vmem>>
      %dma_wait3A_399 = arith.constant 0 : i32
      %dma_wait3A_400 = arith.constant 0 : i32
      %dma_wait3A_401 = tpu.memref_slice %arg4[%dma_wait3A_399, %dma_wait3A_400] : memref<2500x128xf32, #tpu.memory_space<hbm>> -> memref<145x128xf32, #tpu.memory_space<hbm>>
      tpu.wait_dma2 semaphore(%arg15 : memref<!tpu.dma_semaphore, #tpu.memory_space<semaphore_mem>>) src(%dma_wait3A_401 : memref<145x128xf32, #tpu.memory_space<hbm>>) dst(%dma_wait3A_398 : memref<145x128xf32, #tpu.memory_space<vmem>>)
    } else {
    }
    %dma_wait3A = arith.constant 0 : i32
    %dma_wait3A_26 = tpu.memref_slice %arg6[%dma_wait3A] : memref<10240xf32, #tpu.memory_space<vmem>> -> memref<10000xf32, #tpu.memory_space<vmem>>
    %dma_wait3A_27 = arith.constant 0 : i32
    %dma_wait3A_28 = tpu.memref_slice %arg6[%dma_wait3A_27] : memref<10240xf32, #tpu.memory_space<vmem>> -> memref<10000xf32, #tpu.memory_space<vmem>>
    tpu.wait_dma2 semaphore(%arg15 : memref<!tpu.dma_semaphore, #tpu.memory_space<semaphore_mem>>) src(%arg2 : memref<10000xf32, #tpu.memory_space<hbm>>) dst(%dma_wait3A_28 : memref<10000xf32, #tpu.memory_space<vmem>>)
    %eq3A_29 = arith.constant 15 : i32
    %eq3A_30 = arith.cmpi eq, %arg1, %eq3A_29 : i32
    %convert_element_type3A_31 = arith.extui %eq3A_30 : i1 to i32
    %cond3A_32 = arith.constant 0 : i32
    %cond3A_33 = arith.cmpi ne, %convert_element_type3A_31, %cond3A_32 : i32
    scf.if %cond3A_33 {
      %scan3A_360 = arith.constant 0 : i32
      %scan3A_361 = arith.constant 145 : i32
      %scan3A_362 = arith.constant 12 : i32
      %scan3A_363 = arith.addi %scan3A_361, %scan3A_362 : i32
      %scan3A_364 = arith.constant 1 : i32
      %scan3A_365 = scf.for %scan3A_367 = %scan3A_361 to %scan3A_363 step %scan3A_364 iter_args(%scan3A_368 = %scan3A_360) -> (i32)  : i32 {
        %broadcast_in_dim3A = arith.constant 0 : i32
        %broadcast_in_dim3A_369 = vector.broadcast %broadcast_in_dim3A : i32 to vector<16xi32>
        %swap3A = arith.index_cast %scan3A_367 : i32 to index
        %swap3A_370 = arith.constant 0 : index
        %swap3A_371 = tpu.vector_load %arg7[%swap3A, %swap3A_370] {strides = array<i32>} : memref<157x128xi32, #tpu.memory_space<vmem>>, vector<16xi32>,
        tpu.vector_store %arg7[%swap3A, %swap3A_370], %broadcast_in_dim3A_369 {strides = array<i32>} : memref<157x128xi32, #tpu.memory_space<vmem>>, vector<16xi32>,
        %broadcast_in_dim3A_372 = arith.constant 0.000000e+00 : f32
        %broadcast_in_dim3A_373 = vector.broadcast %broadcast_in_dim3A_372 : f32 to vector<16xf32>
        %swap3A_374 = arith.index_cast %scan3A_367 : i32 to index
        %swap3A_375 = arith.constant 0 : index
        %swap3A_376 = tpu.vector_load %arg9[%swap3A_374, %swap3A_375] {strides = array<i32>} : memref<157x128xf32, #tpu.memory_space<vmem>>, vector<16xf32>,
        tpu.vector_store %arg9[%swap3A_374, %swap3A_375], %broadcast_in_dim3A_373 {strides = array<i32>} : memref<157x128xf32, #tpu.memory_space<vmem>>, vector<16xf32>,
        %broadcast_in_dim3A_377 = arith.constant 10000 : i32
        %broadcast_in_dim3A_378 = vector.broadcast %broadcast_in_dim3A_377 : i32 to vector<16xi32>
        %swap3A_379 = arith.index_cast %scan3A_367 : i32 to index
        %swap3A_380 = arith.constant 0 : index
        %swap3A_381 = tpu.vector_load %arg8[%swap3A_379, %swap3A_380] {strides = array<i32>} : memref<157x128xi32, #tpu.memory_space<vmem>>, vector<16xi32>,
        tpu.vector_store %arg8[%swap3A_379, %swap3A_380], %broadcast_in_dim3A_378 {strides = array<i32>} : memref<157x128xi32, #tpu.memory_space<vmem>>, vector<16xi32>,
        %broadcast_in_dim3A_382 = arith.constant 0 : i32
        %broadcast_in_dim3A_383 = vector.broadcast %broadcast_in_dim3A_382 : i32 to vector<16xi32>
        %swap3A_384 = arith.index_cast %scan3A_367 : i32 to index
        %swap3A_385 = arith.constant 16 : index
        %swap3A_386 = tpu.vector_load %arg7[%swap3A_384, %swap3A_385] {strides = array<i32>} : memref<157x128xi32, #tpu.memory_space<vmem>>, vector<16xi32>,
        tpu.vector_store %arg7[%swap3A_384, %swap3A_385], %broadcast_in_dim3A_383 {strides = array<i32>} : memref<157x128xi32, #tpu.memory_space<vmem>>, vector<16xi32>,
        %broadcast_in_dim3A_387 = arith.constant 0.000000e+00 : f32
        %broadcast_in_dim3A_388 = vector.broadcast %broadcast_in_dim3A_387 : f32 to vector<16xf32>
        %swap3A_389 = arith.index_cast %scan3A_367 : i32 to index
        %swap3A_390 = arith.constant 16 : index
        %swap3A_391 = tpu.vector_load %arg9[%swap3A_389, %swap3A_390] {strides = array<i32>} : memref<157x128xf32, #tpu.memory_space<vmem>>, vector<16xf32>,
        tpu.vector_store %arg9[%swap3A_389, %swap3A_390], %broadcast_in_dim3A_388 {strides = array<i32>} : memref<157x128xf32, #tpu.memory_space<vmem>>, vector<16xf32>,
        %broadcast_in_dim3A_392 = arith.constant 10000 : i32
        %broadcast_in_dim3A_393 = vector.broadcast %broadcast_in_dim3A_392 : i32 to vector<16xi32>
        %swap3A_394 = arith.index_cast %scan3A_367 : i32 to index
        %swap3A_395 = arith.constant 16 : index
        %swap3A_396 = tpu.vector_load %arg8[%swap3A_394, %swap3A_395] {strides = array<i32>} : memref<157x128xi32, #tpu.memory_space<vmem>>, vector<16xi32>,
        tpu.vector_store %arg8[%swap3A_394, %swap3A_395], %broadcast_in_dim3A_393 {strides = array<i32>} : memref<157x128xi32, #tpu.memory_space<vmem>>, vector<16xi32>,
        %broadcast_in_dim3A_397 = arith.constant 0 : i32
        %broadcast_in_dim3A_398 = vector.broadcast %broadcast_in_dim3A_397 : i32 to vector<16xi32>
        %swap3A_399 = arith.index_cast %scan3A_367 : i32 to index
        %swap3A_400 = arith.constant 32 : index
        %swap3A_401 = tpu.vector_load %arg7[%swap3A_399, %swap3A_400] {strides = array<i32>} : memref<157x128xi32, #tpu.memory_space<vmem>>, vector<16xi32>,
        tpu.vector_store %arg7[%swap3A_399, %swap3A_400], %broadcast_in_dim3A_398 {strides = array<i32>} : memref<157x128xi32, #tpu.memory_space<vmem>>, vector<16xi32>,
        %broadcast_in_dim3A_402 = arith.constant 0.000000e+00 : f32
        %broadcast_in_dim3A_403 = vector.broadcast %broadcast_in_dim3A_402 : f32 to vector<16xf32>
        %swap3A_404 = arith.index_cast %scan3A_367 : i32 to index
        %swap3A_405 = arith.constant 32 : index
        %swap3A_406 = tpu.vector_load %arg9[%swap3A_404, %swap3A_405] {strides = array<i32>} : memref<157x128xf32, #tpu.memory_space<vmem>>, vector<16xf32>,
        tpu.vector_store %arg9[%swap3A_404, %swap3A_405], %broadcast_in_dim3A_403 {strides = array<i32>} : memref<157x128xf32, #tpu.memory_space<vmem>>, vector<16xf32>,
        %broadcast_in_dim3A_407 = arith.constant 10000 : i32
        %broadcast_in_dim3A_408 = vector.broadcast %broadcast_in_dim3A_407 : i32 to vector<16xi32>
        %swap3A_409 = arith.index_cast %scan3A_367 : i32 to index
        %swap3A_410 = arith.constant 32 : index
        %swap3A_411 = tpu.vector_load %arg8[%swap3A_409, %swap3A_410] {strides = array<i32>} : memref<157x128xi32, #tpu.memory_space<vmem>>, vector<16xi32>,
        tpu.vector_store %arg8[%swap3A_409, %swap3A_410], %broadcast_in_dim3A_408 {strides = array<i32>} : memref<157x128xi32, #tpu.memory_space<vmem>>, vector<16xi32>,
        %broadcast_in_dim3A_412 = arith.constant 0 : i32
        %broadcast_in_dim3A_413 = vector.broadcast %broadcast_in_dim3A_412 : i32 to vector<16xi32>
        %swap3A_414 = arith.index_cast %scan3A_367 : i32 to index
        %swap3A_415 = arith.constant 48 : index
        %swap3A_416 = tpu.vector_load %arg7[%swap3A_414, %swap3A_415] {strides = array<i32>} : memref<157x128xi32, #tpu.memory_space<vmem>>, vector<16xi32>,
        tpu.vector_store %arg7[%swap3A_414, %swap3A_415], %broadcast_in_dim3A_413 {strides = array<i32>} : memref<157x128xi32, #tpu.memory_space<vmem>>, vector<16xi32>,
        %broadcast_in_dim3A_417 = arith.constant 0.000000e+00 : f32
        %broadcast_in_dim3A_418 = vector.broadcast %broadcast_in_dim3A_417 : f32 to vector<16xf32>
        %swap3A_419 = arith.index_cast %scan3A_367 : i32 to index
        %swap3A_420 = arith.constant 48 : index
        %swap3A_421 = tpu.vector_load %arg9[%swap3A_419, %swap3A_420] {strides = array<i32>} : memref<157x128xf32, #tpu.memory_space<vmem>>, vector<16xf32>,
        tpu.vector_store %arg9[%swap3A_419, %swap3A_420], %broadcast_in_dim3A_418 {strides = array<i32>} : memref<157x128xf32, #tpu.memory_space<vmem>>, vector<16xf32>,
        %broadcast_in_dim3A_422 = arith.constant 10000 : i32
        %broadcast_in_dim3A_423 = vector.broadcast %broadcast_in_dim3A_422 : i32 to vector<16xi32>
        %swap3A_424 = arith.index_cast %scan3A_367 : i32 to index
        %swap3A_425 = arith.constant 48 : index
        %swap3A_426 = tpu.vector_load %arg8[%swap3A_424, %swap3A_425] {strides = array<i32>} : memref<157x128xi32, #tpu.memory_space<vmem>>, vector<16xi32>,
        tpu.vector_store %arg8[%swap3A_424, %swap3A_425], %broadcast_in_dim3A_423 {strides = array<i32>} : memref<157x128xi32, #tpu.memory_space<vmem>>, vector<16xi32>,
        %broadcast_in_dim3A_427 = arith.constant 0 : i32
        %broadcast_in_dim3A_428 = vector.broadcast %broadcast_in_dim3A_427 : i32 to vector<16xi32>
        %swap3A_429 = arith.index_cast %scan3A_367 : i32 to index
        %swap3A_430 = arith.constant 64 : index
        %swap3A_431 = tpu.vector_load %arg7[%swap3A_429, %swap3A_430] {strides = array<i32>} : memref<157x128xi32, #tpu.memory_space<vmem>>, vector<16xi32>,
        tpu.vector_store %arg7[%swap3A_429, %swap3A_430], %broadcast_in_dim3A_428 {strides = array<i32>} : memref<157x128xi32, #tpu.memory_space<vmem>>, vector<16xi32>,
        %broadcast_in_dim3A_432 = arith.constant 0.000000e+00 : f32
        %broadcast_in_dim3A_433 = vector.broadcast %broadcast_in_dim3A_432 : f32 to vector<16xf32>
        %swap3A_434 = arith.index_cast %scan3A_367 : i32 to index
        %swap3A_435 = arith.constant 64 : index
        %swap3A_436 = tpu.vector_load %arg9[%swap3A_434, %swap3A_435] {strides = array<i32>} : memref<157x128xf32, #tpu.memory_space<vmem>>, vector<16xf32>,
        tpu.vector_store %arg9[%swap3A_434, %swap3A_435], %broadcast_in_dim3A_433 {strides = array<i32>} : memref<157x128xf32, #tpu.memory_space<vmem>>, vector<16xf32>,
        %broadcast_in_dim3A_437 = arith.constant 10000 : i32
        %broadcast_in_dim3A_438 = vector.broadcast %broadcast_in_dim3A_437 : i32 to vector<16xi32>
        %swap3A_439 = arith.index_cast %scan3A_367 : i32 to index
        %swap3A_440 = arith.constant 64 : index
        %swap3A_441 = tpu.vector_load %arg8[%swap3A_439, %swap3A_440] {strides = array<i32>} : memref<157x128xi32, #tpu.memory_space<vmem>>, vector<16xi32>,
        tpu.vector_store %arg8[%swap3A_439, %swap3A_440], %broadcast_in_dim3A_438 {strides = array<i32>} : memref<157x128xi32, #tpu.memory_space<vmem>>, vector<16xi32>,
        %broadcast_in_dim3A_442 = arith.constant 0 : i32
        %broadcast_in_dim3A_443 = vector.broadcast %broadcast_in_dim3A_442 : i32 to vector<16xi32>
        %swap3A_444 = arith.index_cast %scan3A_367 : i32 to index
        %swap3A_445 = arith.constant 80 : index
        %swap3A_446 = tpu.vector_load %arg7[%swap3A_444, %swap3A_445] {strides = array<i32>} : memref<157x128xi32, #tpu.memory_space<vmem>>, vector<16xi32>,
        tpu.vector_store %arg7[%swap3A_444, %swap3A_445], %broadcast_in_dim3A_443 {strides = array<i32>} : memref<157x128xi32, #tpu.memory_space<vmem>>, vector<16xi32>,
        %broadcast_in_dim3A_447 = arith.constant 0.000000e+00 : f32
        %broadcast_in_dim3A_448 = vector.broadcast %broadcast_in_dim3A_447 : f32 to vector<16xf32>
        %swap3A_449 = arith.index_cast %scan3A_367 : i32 to index
        %swap3A_450 = arith.constant 80 : index
        %swap3A_451 = tpu.vector_load %arg9[%swap3A_449, %swap3A_450] {strides = array<i32>} : memref<157x128xf32, #tpu.memory_space<vmem>>, vector<16xf32>,
        tpu.vector_store %arg9[%swap3A_449, %swap3A_450], %broadcast_in_dim3A_448 {strides = array<i32>} : memref<157x128xf32, #tpu.memory_space<vmem>>, vector<16xf32>,
        %broadcast_in_dim3A_452 = arith.constant 10000 : i32
        %broadcast_in_dim3A_453 = vector.broadcast %broadcast_in_dim3A_452 : i32 to vector<16xi32>
        %swap3A_454 = arith.index_cast %scan3A_367 : i32 to index
        %swap3A_455 = arith.constant 80 : index
        %swap3A_456 = tpu.vector_load %arg8[%swap3A_454, %swap3A_455] {strides = array<i32>} : memref<157x128xi32, #tpu.memory_space<vmem>>, vector<16xi32>,
        tpu.vector_store %arg8[%swap3A_454, %swap3A_455], %broadcast_in_dim3A_453 {strides = array<i32>} : memref<157x128xi32, #tpu.memory_space<vmem>>, vector<16xi32>,
        %broadcast_in_dim3A_457 = arith.constant 0 : i32
        %broadcast_in_dim3A_458 = vector.broadcast %broadcast_in_dim3A_457 : i32 to vector<16xi32>
        %swap3A_459 = arith.index_cast %scan3A_367 : i32 to index
        %swap3A_460 = arith.constant 96 : index
        %swap3A_461 = tpu.vector_load %arg7[%swap3A_459, %swap3A_460] {strides = array<i32>} : memref<157x128xi32, #tpu.memory_space<vmem>>, vector<16xi32>,
        tpu.vector_store %arg7[%swap3A_459, %swap3A_460], %broadcast_in_dim3A_458 {strides = array<i32>} : memref<157x128xi32, #tpu.memory_space<vmem>>, vector<16xi32>,
        %broadcast_in_dim3A_462 = arith.constant 0.000000e+00 : f32
        %broadcast_in_dim3A_463 = vector.broadcast %broadcast_in_dim3A_462 : f32 to vector<16xf32>
        %swap3A_464 = arith.index_cast %scan3A_367 : i32 to index
        %swap3A_465 = arith.constant 96 : index
        %swap3A_466 = tpu.vector_load %arg9[%swap3A_464, %swap3A_465] {strides = array<i32>} : memref<157x128xf32, #tpu.memory_space<vmem>>, vector<16xf32>,
        tpu.vector_store %arg9[%swap3A_464, %swap3A_465], %broadcast_in_dim3A_463 {strides = array<i32>} : memref<157x128xf32, #tpu.memory_space<vmem>>, vector<16xf32>,
        %broadcast_in_dim3A_467 = arith.constant 10000 : i32
        %broadcast_in_dim3A_468 = vector.broadcast %broadcast_in_dim3A_467 : i32 to vector<16xi32>
        %swap3A_469 = arith.index_cast %scan3A_367 : i32 to index
        %swap3A_470 = arith.constant 96 : index
        %swap3A_471 = tpu.vector_load %arg8[%swap3A_469, %swap3A_470] {strides = array<i32>} : memref<157x128xi32, #tpu.memory_space<vmem>>, vector<16xi32>,
        tpu.vector_store %arg8[%swap3A_469, %swap3A_470], %broadcast_in_dim3A_468 {strides = array<i32>} : memref<157x128xi32, #tpu.memory_space<vmem>>, vector<16xi32>,
        %broadcast_in_dim3A_472 = arith.constant 0 : i32
        %broadcast_in_dim3A_473 = vector.broadcast %broadcast_in_dim3A_472 : i32 to vector<16xi32>
        %swap3A_474 = arith.index_cast %scan3A_367 : i32 to index
        %swap3A_475 = arith.constant 112 : index
        %swap3A_476 = tpu.vector_load %arg7[%swap3A_474, %swap3A_475] {strides = array<i32>} : memref<157x128xi32, #tpu.memory_space<vmem>>, vector<16xi32>,
        tpu.vector_store %arg7[%swap3A_474, %swap3A_475], %broadcast_in_dim3A_473 {strides = array<i32>} : memref<157x128xi32, #tpu.memory_space<vmem>>, vector<16xi32>,
        %broadcast_in_dim3A_477 = arith.constant 0.000000e+00 : f32
        %broadcast_in_dim3A_478 = vector.broadcast %broadcast_in_dim3A_477 : f32 to vector<16xf32>
        %swap3A_479 = arith.index_cast %scan3A_367 : i32 to index
        %swap3A_480 = arith.constant 112 : index
        %swap3A_481 = tpu.vector_load %arg9[%swap3A_479, %swap3A_480] {strides = array<i32>} : memref<157x128xf32, #tpu.memory_space<vmem>>, vector<16xf32>,
        tpu.vector_store %arg9[%swap3A_479, %swap3A_480], %broadcast_in_dim3A_478 {strides = array<i32>} : memref<157x128xf32, #tpu.memory_space<vmem>>, vector<16xf32>,
        %broadcast_in_dim3A_482 = arith.constant 10000 : i32
        %broadcast_in_dim3A_483 = vector.broadcast %broadcast_in_dim3A_482 : i32 to vector<16xi32>
        %swap3A_484 = arith.index_cast %scan3A_367 : i32 to index
        %swap3A_485 = arith.constant 112 : index
        %swap3A_486 = tpu.vector_load %arg8[%swap3A_484, %swap3A_485] {strides = array<i32>} : memref<157x128xi32, #tpu.memory_space<vmem>>, vector<16xi32>,
        tpu.vector_store %arg8[%swap3A_484, %swap3A_485], %broadcast_in_dim3A_483 {strides = array<i32>} : memref<157x128xi32, #tpu.memory_space<vmem>>, vector<16xi32>,
        %scan3A_487 = arith.constant 0 : i32
        scf.yield %scan3A_487 : i32
      }
      %scan3A_366 = arith.constant 12 : i32
    } else {
    }
    %mul3A_34 = arith.constant 640 : i32
    %mul3A_35 = arith.muli %arg1, %mul3A_34 : i32
    "tpu.region"() ({
      %run_scoped3A = tpu.sem_alloc : memref<!tpu.dma_semaphore, #tpu.memory_space<semaphore_mem>>
      %dma_start3A_360 = tpu.memref_slice %arg13[%mul3A_35] : memref<10240xf32, #tpu.memory_space<vmem_shared>> -> memref<640xf32, #tpu.memory_space<vmem_shared>>
      %dma_start3A_361 = tpu.memref_slice %arg13[%mul3A_35] : memref<10240xf32, #tpu.memory_space<vmem_shared>> -> memref<640xf32, #tpu.memory_space<vmem_shared>>
      tpu.enqueue_dma source(%arg12 : memref<640xf32, #tpu.memory_space<vmem>>) target(%dma_start3A_361 : memref<640xf32, #tpu.memory_space<vmem_shared>>) target_semaphore(%run_scoped3A : memref<!tpu.dma_semaphore, #tpu.memory_space<semaphore_mem>>)
      %dma_wait3A_362 = tpu.memref_slice %arg13[%mul3A_35] : memref<10240xf32, #tpu.memory_space<vmem_shared>> -> memref<640xf32, #tpu.memory_space<vmem_shared>>
      %dma_wait3A_363 = tpu.memref_slice %arg13[%mul3A_35] : memref<10240xf32, #tpu.memory_space<vmem_shared>> -> memref<640xf32, #tpu.memory_space<vmem_shared>>
      tpu.wait_dma2 semaphore(%run_scoped3A : memref<!tpu.dma_semaphore, #tpu.memory_space<semaphore_mem>>) src(%arg12 : memref<640xf32, #tpu.memory_space<vmem>>) dst(%dma_wait3A_363 : memref<640xf32, #tpu.memory_space<vmem_shared>>)
      tpu.yield
    }) : () -> ()
    %mul3A_36 = arith.constant 640 : i32
    %mul3A_37 = arith.muli %arg1, %mul3A_36 : i32
    "tpu.region"() ({
      %run_scoped3A = tpu.sem_alloc : memref<!tpu.dma_semaphore, #tpu.memory_space<semaphore_mem>>
      %dma_start3A_360 = tpu.memref_slice %arg14[%mul3A_37] : memref<10240xf32, #tpu.memory_space<vmem_shared>> -> memref<640xf32, #tpu.memory_space<vmem_shared>>
      %dma_start3A_361 = tpu.memref_slice %arg14[%mul3A_37] : memref<10240xf32, #tpu.memory_space<vmem_shared>> -> memref<640xf32, #tpu.memory_space<vmem_shared>>
      tpu.enqueue_dma source(%arg12 : memref<640xf32, #tpu.memory_space<vmem>>) target(%dma_start3A_361 : memref<640xf32, #tpu.memory_space<vmem_shared>>) target_semaphore(%run_scoped3A : memref<!tpu.dma_semaphore, #tpu.memory_space<semaphore_mem>>)
      %dma_wait3A_362 = tpu.memref_slice %arg14[%mul3A_37] : memref<10240xf32, #tpu.memory_space<vmem_shared>> -> memref<640xf32, #tpu.memory_space<vmem_shared>>
      %dma_wait3A_363 = tpu.memref_slice %arg14[%mul3A_37] : memref<10240xf32, #tpu.memory_space<vmem_shared>> -> memref<640xf32, #tpu.memory_space<vmem_shared>>
      tpu.wait_dma2 semaphore(%run_scoped3A : memref<!tpu.dma_semaphore, #tpu.memory_space<semaphore_mem>>) src(%arg12 : memref<640xf32, #tpu.memory_space<vmem>>) dst(%dma_wait3A_363 : memref<640xf32, #tpu.memory_space<vmem_shared>>)
      tpu.yield
    }) : () -> ()
    %barrier3A = arith.constant 0 : index
    tpu.barrier barrier_id(%barrier3A)
    %scan3A_38 = arith.constant 0 : i32
    %scan3A_39 = arith.constant 0 : i32
    %scan3A_40 = arith.constant 4 : i32
    %scan3A_41 = arith.addi %scan3A_39, %scan3A_40 : i32
    %scan3A_42 = arith.constant 1 : i32
    %scan3A_43 = scf.for %scan3A_360 = %scan3A_39 to %scan3A_41 step %scan3A_42 iter_args(%scan3A_361 = %scan3A_38) -> (i32)  : i32 {
      %get3A = arith.index_cast %scan3A_360 : i32 to index
      %get3A_362 = arith.constant 0 : index
      %get3A_363 = tpu.vector_load %arg7[%get3A, %get3A_362] {strides = array<i32>} : memref<157x128xi32, #tpu.memory_space<vmem>>, vector<16xi32>,
      %get3A_364 = arith.index_cast %scan3A_360 : i32 to index
      %get3A_365 = arith.constant 0 : index
      %get3A_366 = tpu.vector_load %arg9[%get3A_364, %get3A_365] {strides = array<i32>} : memref<157x128xf32, #tpu.memory_space<vmem>>, vector<16xf32>,
      %gather3A = tpu.vector_load_idx %arg6[%get3A_363] : memref<10240xf32, #tpu.memory_space<vmem>>[vector<16xi32>], vector<16xf32>,
      %mul3A_367 = arith.mulf %gather3A, %get3A_366 : vector<16xf32>
      %mul3A_368 = arith.constant 128 : i32
      %mul3A_369 = arith.muli %scan3A_360, %mul3A_368 : i32
      %add3A = arith.constant 0 : i32
      %add3A_370 = arith.addi %mul3A_369, %add3A : i32
      %swap3A = arith.index_cast %add3A_370 : i32 to index
      %swap3A_371 = tpu.vector_load %arg10[%swap3A] {strides = array<i32>} : memref<20096xf32, #tpu.memory_space<vmem>>, vector<16xf32>,
      tpu.vector_store %arg10[%swap3A], %mul3A_367 {strides = array<i32>} : memref<20096xf32, #tpu.memory_space<vmem>>, vector<16xf32>,
      %get3A_372 = arith.index_cast %scan3A_360 : i32 to index
      %get3A_373 = arith.constant 0 : index
      %get3A_374 = tpu.vector_load %arg8[%get3A_372, %get3A_373] {strides = array<i32>} : memref<157x128xi32, #tpu.memory_space<vmem>>, vector<16xi32>,
      %mul3A_375 = arith.constant 128 : i32
      %mul3A_376 = arith.muli %scan3A_360, %mul3A_375 : i32
      %add3A_377 = arith.constant 0 : i32
      %add3A_378 = arith.addi %mul3A_376, %add3A_377 : i32
      %swap3A_379 = arith.index_cast %add3A_378 : i32 to index
      %swap3A_380 = tpu.vector_load %arg11[%swap3A_379] {strides = array<i32>} : memref<20096xi32, #tpu.memory_space<vmem>>, vector<16xi32>,
      tpu.vector_store %arg11[%swap3A_379], %get3A_374 {strides = array<i32>} : memref<20096xi32, #tpu.memory_space<vmem>>, vector<16xi32>,
      %get3A_381 = arith.index_cast %scan3A_360 : i32 to index
      %get3A_382 = arith.constant 16 : index
      %get3A_383 = tpu.vector_load %arg7[%get3A_381, %get3A_382] {strides = array<i32>} : memref<157x128xi32, #tpu.memory_space<vmem>>, vector<16xi32>,
      %get3A_384 = arith.index_cast %scan3A_360 : i32 to index
      %get3A_385 = arith.constant 16 : index
      %get3A_386 = tpu.vector_load %arg9[%get3A_384, %get3A_385] {strides = array<i32>} : memref<157x128xf32, #tpu.memory_space<vmem>>, vector<16xf32>,
      %gather3A_387 = tpu.vector_load_idx %arg6[%get3A_383] : memref<10240xf32, #tpu.memory_space<vmem>>[vector<16xi32>], vector<16xf32>,
      %mul3A_388 = arith.mulf %gather3A_387, %get3A_386 : vector<16xf32>
      %mul3A_389 = arith.constant 128 : i32
      %mul3A_390 = arith.muli %scan3A_360, %mul3A_389 : i32
      %add3A_391 = arith.constant 16 : i32
      %add3A_392 = arith.addi %mul3A_390, %add3A_391 : i32
      %swap3A_393 = arith.index_cast %add3A_392 : i32 to index
      %swap3A_394 = tpu.vector_load %arg10[%swap3A_393] {strides = array<i32>} : memref<20096xf32, #tpu.memory_space<vmem>>, vector<16xf32>,
      tpu.vector_store %arg10[%swap3A_393], %mul3A_388 {strides = array<i32>} : memref<20096xf32, #tpu.memory_space<vmem>>, vector<16xf32>,
      %get3A_395 = arith.index_cast %scan3A_360 : i32 to index
      %get3A_396 = arith.constant 16 : index
      %get3A_397 = tpu.vector_load %arg8[%get3A_395, %get3A_396] {strides = array<i32>} : memref<157x128xi32, #tpu.memory_space<vmem>>, vector<16xi32>,
      %mul3A_398 = arith.constant 128 : i32
      %mul3A_399 = arith.muli %scan3A_360, %mul3A_398 : i32
      %add3A_400 = arith.constant 16 : i32
      %add3A_401 = arith.addi %mul3A_399, %add3A_400 : i32
      %swap3A_402 = arith.index_cast %add3A_401 : i32 to index
      %swap3A_403 = tpu.vector_load %arg11[%swap3A_402] {strides = array<i32>} : memref<20096xi32, #tpu.memory_space<vmem>>, vector<16xi32>,
      tpu.vector_store %arg11[%swap3A_402], %get3A_397 {strides = array<i32>} : memref<20096xi32, #tpu.memory_space<vmem>>, vector<16xi32>,
      %get3A_404 = arith.index_cast %scan3A_360 : i32 to index
      %get3A_405 = arith.constant 32 : index
      %get3A_406 = tpu.vector_load %arg7[%get3A_404, %get3A_405] {strides = array<i32>} : memref<157x128xi32, #tpu.memory_space<vmem>>, vector<16xi32>,
      %get3A_407 = arith.index_cast %scan3A_360 : i32 to index
      %get3A_408 = arith.constant 32 : index
      %get3A_409 = tpu.vector_load %arg9[%get3A_407, %get3A_408] {strides = array<i32>} : memref<157x128xf32, #tpu.memory_space<vmem>>, vector<16xf32>,
      %gather3A_410 = tpu.vector_load_idx %arg6[%get3A_406] : memref<10240xf32, #tpu.memory_space<vmem>>[vector<16xi32>], vector<16xf32>,
      %mul3A_411 = arith.mulf %gather3A_410, %get3A_409 : vector<16xf32>
      %mul3A_412 = arith.constant 128 : i32
      %mul3A_413 = arith.muli %scan3A_360, %mul3A_412 : i32
      %add3A_414 = arith.constant 32 : i32
      %add3A_415 = arith.addi %mul3A_413, %add3A_414 : i32
      %swap3A_416 = arith.index_cast %add3A_415 : i32 to index
      %swap3A_417 = tpu.vector_load %arg10[%swap3A_416] {strides = array<i32>} : memref<20096xf32, #tpu.memory_space<vmem>>, vector<16xf32>,
      tpu.vector_store %arg10[%swap3A_416], %mul3A_411 {strides = array<i32>} : memref<20096xf32, #tpu.memory_space<vmem>>, vector<16xf32>,
      %get3A_418 = arith.index_cast %scan3A_360 : i32 to index
      %get3A_419 = arith.constant 32 : index
      %get3A_420 = tpu.vector_load %arg8[%get3A_418, %get3A_419] {strides = array<i32>} : memref<157x128xi32, #tpu.memory_space<vmem>>, vector<16xi32>,
      %mul3A_421 = arith.constant 128 : i32
      %mul3A_422 = arith.muli %scan3A_360, %mul3A_421 : i32
      %add3A_423 = arith.constant 32 : i32
      %add3A_424 = arith.addi %mul3A_422, %add3A_423 : i32
      %swap3A_425 = arith.index_cast %add3A_424 : i32 to index
      %swap3A_426 = tpu.vector_load %arg11[%swap3A_425] {strides = array<i32>} : memref<20096xi32, #tpu.memory_space<vmem>>, vector<16xi32>,
      tpu.vector_store %arg11[%swap3A_425], %get3A_420 {strides = array<i32>} : memref<20096xi32, #tpu.memory_space<vmem>>, vector<16xi32>,
      %get3A_427 = arith.index_cast %scan3A_360 : i32 to index
      %get3A_428 = arith.constant 48 : index
      %get3A_429 = tpu.vector_load %arg7[%get3A_427, %get3A_428] {strides = array<i32>} : memref<157x128xi32, #tpu.memory_space<vmem>>, vector<16xi32>,
      %get3A_430 = arith.index_cast %scan3A_360 : i32 to index
      %get3A_431 = arith.constant 48 : index
      %get3A_432 = tpu.vector_load %arg9[%get3A_430, %get3A_431] {strides = array<i32>} : memref<157x128xf32, #tpu.memory_space<vmem>>, vector<16xf32>,
      %gather3A_433 = tpu.vector_load_idx %arg6[%get3A_429] : memref<10240xf32, #tpu.memory_space<vmem>>[vector<16xi32>], vector<16xf32>,
      %mul3A_434 = arith.mulf %gather3A_433, %get3A_432 : vector<16xf32>
      %mul3A_435 = arith.constant 128 : i32
      %mul3A_436 = arith.muli %scan3A_360, %mul3A_435 : i32
      %add3A_437 = arith.constant 48 : i32
      %add3A_438 = arith.addi %mul3A_436, %add3A_437 : i32
      %swap3A_439 = arith.index_cast %add3A_438 : i32 to index
      %swap3A_440 = tpu.vector_load %arg10[%swap3A_439] {strides = array<i32>} : memref<20096xf32, #tpu.memory_space<vmem>>, vector<16xf32>,
      tpu.vector_store %arg10[%swap3A_439], %mul3A_434 {strides = array<i32>} : memref<20096xf32, #tpu.memory_space<vmem>>, vector<16xf32>,
      %get3A_441 = arith.index_cast %scan3A_360 : i32 to index
      %get3A_442 = arith.constant 48 : index
      %get3A_443 = tpu.vector_load %arg8[%get3A_441, %get3A_442] {strides = array<i32>} : memref<157x128xi32, #tpu.memory_space<vmem>>, vector<16xi32>,
      %mul3A_444 = arith.constant 128 : i32
      %mul3A_445 = arith.muli %scan3A_360, %mul3A_444 : i32
      %add3A_446 = arith.constant 48 : i32
      %add3A_447 = arith.addi %mul3A_445, %add3A_446 : i32
      %swap3A_448 = arith.index_cast %add3A_447 : i32 to index
      %swap3A_449 = tpu.vector_load %arg11[%swap3A_448] {strides = array<i32>} : memref<20096xi32, #tpu.memory_space<vmem>>, vector<16xi32>,
      tpu.vector_store %arg11[%swap3A_448], %get3A_443 {strides = array<i32>} : memref<20096xi32, #tpu.memory_space<vmem>>, vector<16xi32>,
      %get3A_450 = arith.index_cast %scan3A_360 : i32 to index
      %get3A_451 = arith.constant 64 : index
      %get3A_452 = tpu.vector_load %arg7[%get3A_450, %get3A_451] {strides = array<i32>} : memref<157x128xi32, #tpu.memory_space<vmem>>, vector<16xi32>,
      %get3A_453 = arith.index_cast %scan3A_360 : i32 to index
      %get3A_454 = arith.constant 64 : index
      %get3A_455 = tpu.vector_load %arg9[%get3A_453, %get3A_454] {strides = array<i32>} : memref<157x128xf32, #tpu.memory_space<vmem>>, vector<16xf32>,
      %gather3A_456 = tpu.vector_load_idx %arg6[%get3A_452] : memref<10240xf32, #tpu.memory_space<vmem>>[vector<16xi32>], vector<16xf32>,
      %mul3A_457 = arith.mulf %gather3A_456, %get3A_455 : vector<16xf32>
      %mul3A_458 = arith.constant 128 : i32
      %mul3A_459 = arith.muli %scan3A_360, %mul3A_458 : i32
      %add3A_460 = arith.constant 64 : i32
      %add3A_461 = arith.addi %mul3A_459, %add3A_460 : i32
      %swap3A_462 = arith.index_cast %add3A_461 : i32 to index
      %swap3A_463 = tpu.vector_load %arg10[%swap3A_462] {strides = array<i32>} : memref<20096xf32, #tpu.memory_space<vmem>>, vector<16xf32>,
      tpu.vector_store %arg10[%swap3A_462], %mul3A_457 {strides = array<i32>} : memref<20096xf32, #tpu.memory_space<vmem>>, vector<16xf32>,
      %get3A_464 = arith.index_cast %scan3A_360 : i32 to index
      %get3A_465 = arith.constant 64 : index
      %get3A_466 = tpu.vector_load %arg8[%get3A_464, %get3A_465] {strides = array<i32>} : memref<157x128xi32, #tpu.memory_space<vmem>>, vector<16xi32>,
      %mul3A_467 = arith.constant 128 : i32
      %mul3A_468 = arith.muli %scan3A_360, %mul3A_467 : i32
      %add3A_469 = arith.constant 64 : i32
      %add3A_470 = arith.addi %mul3A_468, %add3A_469 : i32
      %swap3A_471 = arith.index_cast %add3A_470 : i32 to index
      %swap3A_472 = tpu.vector_load %arg11[%swap3A_471] {strides = array<i32>} : memref<20096xi32, #tpu.memory_space<vmem>>, vector<16xi32>,
      tpu.vector_store %arg11[%swap3A_471], %get3A_466 {strides = array<i32>} : memref<20096xi32, #tpu.memory_space<vmem>>, vector<16xi32>,
      %get3A_473 = arith.index_cast %scan3A_360 : i32 to index
      %get3A_474 = arith.constant 80 : index
      %get3A_475 = tpu.vector_load %arg7[%get3A_473, %get3A_474] {strides = array<i32>} : memref<157x128xi32, #tpu.memory_space<vmem>>, vector<16xi32>,
      %get3A_476 = arith.index_cast %scan3A_360 : i32 to index
      %get3A_477 = arith.constant 80 : index
      %get3A_478 = tpu.vector_load %arg9[%get3A_476, %get3A_477] {strides = array<i32>} : memref<157x128xf32, #tpu.memory_space<vmem>>, vector<16xf32>,
      %gather3A_479 = tpu.vector_load_idx %arg6[%get3A_475] : memref<10240xf32, #tpu.memory_space<vmem>>[vector<16xi32>], vector<16xf32>,
      %mul3A_480 = arith.mulf %gather3A_479, %get3A_478 : vector<16xf32>
      %mul3A_481 = arith.constant 128 : i32
      %mul3A_482 = arith.muli %scan3A_360, %mul3A_481 : i32
      %add3A_483 = arith.constant 80 : i32
      %add3A_484 = arith.addi %mul3A_482, %add3A_483 : i32
      %swap3A_485 = arith.index_cast %add3A_484 : i32 to index
      %swap3A_486 = tpu.vector_load %arg10[%swap3A_485] {strides = array<i32>} : memref<20096xf32, #tpu.memory_space<vmem>>, vector<16xf32>,
      tpu.vector_store %arg10[%swap3A_485], %mul3A_480 {strides = array<i32>} : memref<20096xf32, #tpu.memory_space<vmem>>, vector<16xf32>,
      %get3A_487 = arith.index_cast %scan3A_360 : i32 to index
      %get3A_488 = arith.constant 80 : index
      %get3A_489 = tpu.vector_load %arg8[%get3A_487, %get3A_488] {strides = array<i32>} : memref<157x128xi32, #tpu.memory_space<vmem>>, vector<16xi32>,
      %mul3A_490 = arith.constant 128 : i32
      %mul3A_491 = arith.muli %scan3A_360, %mul3A_490 : i32
      %add3A_492 = arith.constant 80 : i32
      %add3A_493 = arith.addi %mul3A_491, %add3A_492 : i32
      %swap3A_494 = arith.index_cast %add3A_493 : i32 to index
      %swap3A_495 = tpu.vector_load %arg11[%swap3A_494] {strides = array<i32>} : memref<20096xi32, #tpu.memory_space<vmem>>, vector<16xi32>,
      tpu.vector_store %arg11[%swap3A_494], %get3A_489 {strides = array<i32>} : memref<20096xi32, #tpu.memory_space<vmem>>, vector<16xi32>,
      %get3A_496 = arith.index_cast %scan3A_360 : i32 to index
      %get3A_497 = arith.constant 96 : index
      %get3A_498 = tpu.vector_load %arg7[%get3A_496, %get3A_497] {strides = array<i32>} : memref<157x128xi32, #tpu.memory_space<vmem>>, vector<16xi32>,
      %get3A_499 = arith.index_cast %scan3A_360 : i32 to index
      %get3A_500 = arith.constant 96 : index
      %get3A_501 = tpu.vector_load %arg9[%get3A_499, %get3A_500] {strides = array<i32>} : memref<157x128xf32, #tpu.memory_space<vmem>>, vector<16xf32>,
      %gather3A_502 = tpu.vector_load_idx %arg6[%get3A_498] : memref<10240xf32, #tpu.memory_space<vmem>>[vector<16xi32>], vector<16xf32>,
      %mul3A_503 = arith.mulf %gather3A_502, %get3A_501 : vector<16xf32>
      %mul3A_504 = arith.constant 128 : i32
      %mul3A_505 = arith.muli %scan3A_360, %mul3A_504 : i32
      %add3A_506 = arith.constant 96 : i32
      %add3A_507 = arith.addi %mul3A_505, %add3A_506 : i32
      %swap3A_508 = arith.index_cast %add3A_507 : i32 to index
      %swap3A_509 = tpu.vector_load %arg10[%swap3A_508] {strides = array<i32>} : memref<20096xf32, #tpu.memory_space<vmem>>, vector<16xf32>,
      tpu.vector_store %arg10[%swap3A_508], %mul3A_503 {strides = array<i32>} : memref<20096xf32, #tpu.memory_space<vmem>>, vector<16xf32>,
      %get3A_510 = arith.index_cast %scan3A_360 : i32 to index
      %get3A_511 = arith.constant 96 : index
      %get3A_512 = tpu.vector_load %arg8[%get3A_510, %get3A_511] {strides = array<i32>} : memref<157x128xi32, #tpu.memory_space<vmem>>, vector<16xi32>,
      %mul3A_513 = arith.constant 128 : i32
      %mul3A_514 = arith.muli %scan3A_360, %mul3A_513 : i32
      %add3A_515 = arith.constant 96 : i32
      %add3A_516 = arith.addi %mul3A_514, %add3A_515 : i32
      %swap3A_517 = arith.index_cast %add3A_516 : i32 to index
      %swap3A_518 = tpu.vector_load %arg11[%swap3A_517] {strides = array<i32>} : memref<20096xi32, #tpu.memory_space<vmem>>, vector<16xi32>,
      tpu.vector_store %arg11[%swap3A_517], %get3A_512 {strides = array<i32>} : memref<20096xi32, #tpu.memory_space<vmem>>, vector<16xi32>,
      %get3A_519 = arith.index_cast %scan3A_360 : i32 to index
      %get3A_520 = arith.constant 112 : index
      %get3A_521 = tpu.vector_load %arg7[%get3A_519, %get3A_520] {strides = array<i32>} : memref<157x128xi32, #tpu.memory_space<vmem>>, vector<16xi32>,
      %get3A_522 = arith.index_cast %scan3A_360 : i32 to index
      %get3A_523 = arith.constant 112 : index
      %get3A_524 = tpu.vector_load %arg9[%get3A_522, %get3A_523] {strides = array<i32>} : memref<157x128xf32, #tpu.memory_space<vmem>>, vector<16xf32>,
      %gather3A_525 = tpu.vector_load_idx %arg6[%get3A_521] : memref<10240xf32, #tpu.memory_space<vmem>>[vector<16xi32>], vector<16xf32>,
      %mul3A_526 = arith.mulf %gather3A_525, %get3A_524 : vector<16xf32>
      %mul3A_527 = arith.constant 128 : i32
      %mul3A_528 = arith.muli %scan3A_360, %mul3A_527 : i32
      %add3A_529 = arith.constant 112 : i32
      %add3A_530 = arith.addi %mul3A_528, %add3A_529 : i32
      %swap3A_531 = arith.index_cast %add3A_530 : i32 to index
      %swap3A_532 = tpu.vector_load %arg10[%swap3A_531] {strides = array<i32>} : memref<20096xf32, #tpu.memory_space<vmem>>, vector<16xf32>,
      tpu.vector_store %arg10[%swap3A_531], %mul3A_526 {strides = array<i32>} : memref<20096xf32, #tpu.memory_space<vmem>>, vector<16xf32>,
      %get3A_533 = arith.index_cast %scan3A_360 : i32 to index
      %get3A_534 = arith.constant 112 : index
      %get3A_535 = tpu.vector_load %arg8[%get3A_533, %get3A_534] {strides = array<i32>} : memref<157x128xi32, #tpu.memory_space<vmem>>, vector<16xi32>,
      %mul3A_536 = arith.constant 128 : i32
      %mul3A_537 = arith.muli %scan3A_360, %mul3A_536 : i32
      %add3A_538 = arith.constant 112 : i32
      %add3A_539 = arith.addi %mul3A_537, %add3A_538 : i32
      %swap3A_540 = arith.index_cast %add3A_539 : i32 to index
      %swap3A_541 = tpu.vector_load %arg11[%swap3A_540] {strides = array<i32>} : memref<20096xi32, #tpu.memory_space<vmem>>, vector<16xi32>,
      tpu.vector_store %arg11[%swap3A_540], %get3A_535 {strides = array<i32>} : memref<20096xi32, #tpu.memory_space<vmem>>, vector<16xi32>,
      %scan3A_542 = arith.constant 0 : i32
      scf.yield %scan3A_542 : i32
    }
    %scan3A_44 = arith.constant 4 : i32
    %dma_start3A_45 = arith.constant 0 : i32
    %dma_start3A_46 = tpu.memref_slice %arg10[%dma_start3A_45] : memref<20096xf32, #tpu.memory_space<vmem>> -> memref<512xf32, #tpu.memory_space<vmem>>
    %dma_start3A_47 = arith.constant 0 : i32
    %dma_start3A_48 = tpu.memref_slice %arg11[%dma_start3A_47] : memref<20096xi32, #tpu.memory_space<vmem>> -> memref<512xi32, #tpu.memory_space<vmem>>
    %dma_start3A_49 = arith.constant 0 : i32
    %dma_start3A_50 = tpu.memref_slice %arg13[%dma_start3A_49] : memref<10240xf32, #tpu.memory_space<vmem_shared>> -> memref<10240xf32, #tpu.memory_space<vmem_shared>>
    tpu.enqueue_indirect_dma source(%dma_start3A_46 : memref<512xf32, #tpu.memory_space<vmem>>) target(%dma_start3A_50 : memref<10240xf32, #tpu.memory_space<vmem_shared>>) offsets(%dma_start3A_48 : memref<512xi32, #tpu.memory_space<vmem>>) semaphore(%arg16 : memref<!tpu.dma_semaphore, #tpu.memory_space<semaphore_mem>>) {add = true}
    %scan3A_51 = arith.constant 0 : i32
    %scan3A_52 = arith.constant 4 : i32
    %scan3A_53 = arith.constant 8 : i32
    %scan3A_54 = arith.addi %scan3A_52, %scan3A_53 : i32
    %scan3A_55 = arith.constant 1 : i32
    %scan3A_56 = scf.for %scan3A_360 = %scan3A_52 to %scan3A_54 step %scan3A_55 iter_args(%scan3A_361 = %scan3A_51) -> (i32)  : i32 {
      %get3A = arith.index_cast %scan3A_360 : i32 to index
      %get3A_362 = arith.constant 0 : index
      %get3A_363 = tpu.vector_load %arg7[%get3A, %get3A_362] {strides = array<i32>} : memref<157x128xi32, #tpu.memory_space<vmem>>, vector<16xi32>,
      %get3A_364 = arith.index_cast %scan3A_360 : i32 to index
      %get3A_365 = arith.constant 0 : index
      %get3A_366 = tpu.vector_load %arg9[%get3A_364, %get3A_365] {strides = array<i32>} : memref<157x128xf32, #tpu.memory_space<vmem>>, vector<16xf32>,
      %gather3A = tpu.vector_load_idx %arg6[%get3A_363] : memref<10240xf32, #tpu.memory_space<vmem>>[vector<16xi32>], vector<16xf32>,
      %mul3A_367 = arith.mulf %gather3A, %get3A_366 : vector<16xf32>
      %mul3A_368 = arith.constant 128 : i32
      %mul3A_369 = arith.muli %scan3A_360, %mul3A_368 : i32
      %add3A = arith.constant 0 : i32
      %add3A_370 = arith.addi %mul3A_369, %add3A : i32
      %swap3A = arith.index_cast %add3A_370 : i32 to index
      %swap3A_371 = tpu.vector_load %arg10[%swap3A] {strides = array<i32>} : memref<20096xf32, #tpu.memory_space<vmem>>, vector<16xf32>,
      tpu.vector_store %arg10[%swap3A], %mul3A_367 {strides = array<i32>} : memref<20096xf32, #tpu.memory_space<vmem>>, vector<16xf32>,
      %get3A_372 = arith.index_cast %scan3A_360 : i32 to index
      %get3A_373 = arith.constant 0 : index
      %get3A_374 = tpu.vector_load %arg8[%get3A_372, %get3A_373] {strides = array<i32>} : memref<157x128xi32, #tpu.memory_space<vmem>>, vector<16xi32>,
      %mul3A_375 = arith.constant 128 : i32
      %mul3A_376 = arith.muli %scan3A_360, %mul3A_375 : i32
      %add3A_377 = arith.constant 0 : i32
      %add3A_378 = arith.addi %mul3A_376, %add3A_377 : i32
      %swap3A_379 = arith.index_cast %add3A_378 : i32 to index
      %swap3A_380 = tpu.vector_load %arg11[%swap3A_379] {strides = array<i32>} : memref<20096xi32, #tpu.memory_space<vmem>>, vector<16xi32>,
      tpu.vector_store %arg11[%swap3A_379], %get3A_374 {strides = array<i32>} : memref<20096xi32, #tpu.memory_space<vmem>>, vector<16xi32>,
      %get3A_381 = arith.index_cast %scan3A_360 : i32 to index
      %get3A_382 = arith.constant 16 : index
      %get3A_383 = tpu.vector_load %arg7[%get3A_381, %get3A_382] {strides = array<i32>} : memref<157x128xi32, #tpu.memory_space<vmem>>, vector<16xi32>,
      %get3A_384 = arith.index_cast %scan3A_360 : i32 to index
      %get3A_385 = arith.constant 16 : index
      %get3A_386 = tpu.vector_load %arg9[%get3A_384, %get3A_385] {strides = array<i32>} : memref<157x128xf32, #tpu.memory_space<vmem>>, vector<16xf32>,
      %gather3A_387 = tpu.vector_load_idx %arg6[%get3A_383] : memref<10240xf32, #tpu.memory_space<vmem>>[vector<16xi32>], vector<16xf32>,
      %mul3A_388 = arith.mulf %gather3A_387, %get3A_386 : vector<16xf32>
      %mul3A_389 = arith.constant 128 : i32
      %mul3A_390 = arith.muli %scan3A_360, %mul3A_389 : i32
      %add3A_391 = arith.constant 16 : i32
      %add3A_392 = arith.addi %mul3A_390, %add3A_391 : i32
      %swap3A_393 = arith.index_cast %add3A_392 : i32 to index
      %swap3A_394 = tpu.vector_load %arg10[%swap3A_393] {strides = array<i32>} : memref<20096xf32, #tpu.memory_space<vmem>>, vector<16xf32>,
      tpu.vector_store %arg10[%swap3A_393], %mul3A_388 {strides = array<i32>} : memref<20096xf32, #tpu.memory_space<vmem>>, vector<16xf32>,
      %get3A_395 = arith.index_cast %scan3A_360 : i32 to index
      %get3A_396 = arith.constant 16 : index
      %get3A_397 = tpu.vector_load %arg8[%get3A_395, %get3A_396] {strides = array<i32>} : memref<157x128xi32, #tpu.memory_space<vmem>>, vector<16xi32>,
      %mul3A_398 = arith.constant 128 : i32
      %mul3A_399 = arith.muli %scan3A_360, %mul3A_398 : i32
      %add3A_400 = arith.constant 16 : i32
      %add3A_401 = arith.addi %mul3A_399, %add3A_400 : i32
      %swap3A_402 = arith.index_cast %add3A_401 : i32 to index
      %swap3A_403 = tpu.vector_load %arg11[%swap3A_402] {strides = array<i32>} : memref<20096xi32, #tpu.memory_space<vmem>>, vector<16xi32>,
      tpu.vector_store %arg11[%swap3A_402], %get3A_397 {strides = array<i32>} : memref<20096xi32, #tpu.memory_space<vmem>>, vector<16xi32>,
      %get3A_404 = arith.index_cast %scan3A_360 : i32 to index
      %get3A_405 = arith.constant 32 : index
      %get3A_406 = tpu.vector_load %arg7[%get3A_404, %get3A_405] {strides = array<i32>} : memref<157x128xi32, #tpu.memory_space<vmem>>, vector<16xi32>,
      %get3A_407 = arith.index_cast %scan3A_360 : i32 to index
      %get3A_408 = arith.constant 32 : index
      %get3A_409 = tpu.vector_load %arg9[%get3A_407, %get3A_408] {strides = array<i32>} : memref<157x128xf32, #tpu.memory_space<vmem>>, vector<16xf32>,
      %gather3A_410 = tpu.vector_load_idx %arg6[%get3A_406] : memref<10240xf32, #tpu.memory_space<vmem>>[vector<16xi32>], vector<16xf32>,
      %mul3A_411 = arith.mulf %gather3A_410, %get3A_409 : vector<16xf32>
      %mul3A_412 = arith.constant 128 : i32
      %mul3A_413 = arith.muli %scan3A_360, %mul3A_412 : i32
      %add3A_414 = arith.constant 32 : i32
      %add3A_415 = arith.addi %mul3A_413, %add3A_414 : i32
      %swap3A_416 = arith.index_cast %add3A_415 : i32 to index
      %swap3A_417 = tpu.vector_load %arg10[%swap3A_416] {strides = array<i32>} : memref<20096xf32, #tpu.memory_space<vmem>>, vector<16xf32>,
      tpu.vector_store %arg10[%swap3A_416], %mul3A_411 {strides = array<i32>} : memref<20096xf32, #tpu.memory_space<vmem>>, vector<16xf32>,
      %get3A_418 = arith.index_cast %scan3A_360 : i32 to index
      %get3A_419 = arith.constant 32 : index
      %get3A_420 = tpu.vector_load %arg8[%get3A_418, %get3A_419] {strides = array<i32>} : memref<157x128xi32, #tpu.memory_space<vmem>>, vector<16xi32>,
      %mul3A_421 = arith.constant 128 : i32
      %mul3A_422 = arith.muli %scan3A_360, %mul3A_421 : i32
      %add3A_423 = arith.constant 32 : i32
      %add3A_424 = arith.addi %mul3A_422, %add3A_423 : i32
      %swap3A_425 = arith.index_cast %add3A_424 : i32 to index
      %swap3A_426 = tpu.vector_load %arg11[%swap3A_425] {strides = array<i32>} : memref<20096xi32, #tpu.memory_space<vmem>>, vector<16xi32>,
      tpu.vector_store %arg11[%swap3A_425], %get3A_420 {strides = array<i32>} : memref<20096xi32, #tpu.memory_space<vmem>>, vector<16xi32>,
      %get3A_427 = arith.index_cast %scan3A_360 : i32 to index
      %get3A_428 = arith.constant 48 : index
      %get3A_429 = tpu.vector_load %arg7[%get3A_427, %get3A_428] {strides = array<i32>} : memref<157x128xi32, #tpu.memory_space<vmem>>, vector<16xi32>,
      %get3A_430 = arith.index_cast %scan3A_360 : i32 to index
      %get3A_431 = arith.constant 48 : index
      %get3A_432 = tpu.vector_load %arg9[%get3A_430, %get3A_431] {strides = array<i32>} : memref<157x128xf32, #tpu.memory_space<vmem>>, vector<16xf32>,
      %gather3A_433 = tpu.vector_load_idx %arg6[%get3A_429] : memref<10240xf32, #tpu.memory_space<vmem>>[vector<16xi32>], vector<16xf32>,
      %mul3A_434 = arith.mulf %gather3A_433, %get3A_432 : vector<16xf32>
      %mul3A_435 = arith.constant 128 : i32
      %mul3A_436 = arith.muli %scan3A_360, %mul3A_435 : i32
      %add3A_437 = arith.constant 48 : i32
      %add3A_438 = arith.addi %mul3A_436, %add3A_437 : i32
      %swap3A_439 = arith.index_cast %add3A_438 : i32 to index
      %swap3A_440 = tpu.vector_load %arg10[%swap3A_439] {strides = array<i32>} : memref<20096xf32, #tpu.memory_space<vmem>>, vector<16xf32>,
      tpu.vector_store %arg10[%swap3A_439], %mul3A_434 {strides = array<i32>} : memref<20096xf32, #tpu.memory_space<vmem>>, vector<16xf32>,
      %get3A_441 = arith.index_cast %scan3A_360 : i32 to index
      %get3A_442 = arith.constant 48 : index
      %get3A_443 = tpu.vector_load %arg8[%get3A_441, %get3A_442] {strides = array<i32>} : memref<157x128xi32, #tpu.memory_space<vmem>>, vector<16xi32>,
      %mul3A_444 = arith.constant 128 : i32
      %mul3A_445 = arith.muli %scan3A_360, %mul3A_444 : i32
      %add3A_446 = arith.constant 48 : i32
      %add3A_447 = arith.addi %mul3A_445, %add3A_446 : i32
      %swap3A_448 = arith.index_cast %add3A_447 : i32 to index
      %swap3A_449 = tpu.vector_load %arg11[%swap3A_448] {strides = array<i32>} : memref<20096xi32, #tpu.memory_space<vmem>>, vector<16xi32>,
      tpu.vector_store %arg11[%swap3A_448], %get3A_443 {strides = array<i32>} : memref<20096xi32, #tpu.memory_space<vmem>>, vector<16xi32>,
      %get3A_450 = arith.index_cast %scan3A_360 : i32 to index
      %get3A_451 = arith.constant 64 : index
      %get3A_452 = tpu.vector_load %arg7[%get3A_450, %get3A_451] {strides = array<i32>} : memref<157x128xi32, #tpu.memory_space<vmem>>, vector<16xi32>,
      %get3A_453 = arith.index_cast %scan3A_360 : i32 to index
      %get3A_454 = arith.constant 64 : index
      %get3A_455 = tpu.vector_load %arg9[%get3A_453, %get3A_454] {strides = array<i32>} : memref<157x128xf32, #tpu.memory_space<vmem>>, vector<16xf32>,
      %gather3A_456 = tpu.vector_load_idx %arg6[%get3A_452] : memref<10240xf32, #tpu.memory_space<vmem>>[vector<16xi32>], vector<16xf32>,
      %mul3A_457 = arith.mulf %gather3A_456, %get3A_455 : vector<16xf32>
      %mul3A_458 = arith.constant 128 : i32
      %mul3A_459 = arith.muli %scan3A_360, %mul3A_458 : i32
      %add3A_460 = arith.constant 64 : i32
      %add3A_461 = arith.addi %mul3A_459, %add3A_460 : i32
      %swap3A_462 = arith.index_cast %add3A_461 : i32 to index
      %swap3A_463 = tpu.vector_load %arg10[%swap3A_462] {strides = array<i32>} : memref<20096xf32, #tpu.memory_space<vmem>>, vector<16xf32>,
      tpu.vector_store %arg10[%swap3A_462], %mul3A_457 {strides = array<i32>} : memref<20096xf32, #tpu.memory_space<vmem>>, vector<16xf32>,
      %get3A_464 = arith.index_cast %scan3A_360 : i32 to index
      %get3A_465 = arith.constant 64 : index
      %get3A_466 = tpu.vector_load %arg8[%get3A_464, %get3A_465] {strides = array<i32>} : memref<157x128xi32, #tpu.memory_space<vmem>>, vector<16xi32>,
      %mul3A_467 = arith.constant 128 : i32
      %mul3A_468 = arith.muli %scan3A_360, %mul3A_467 : i32
      %add3A_469 = arith.constant 64 : i32
      %add3A_470 = arith.addi %mul3A_468, %add3A_469 : i32
      %swap3A_471 = arith.index_cast %add3A_470 : i32 to index
      %swap3A_472 = tpu.vector_load %arg11[%swap3A_471] {strides = array<i32>} : memref<20096xi32, #tpu.memory_space<vmem>>, vector<16xi32>,
      tpu.vector_store %arg11[%swap3A_471], %get3A_466 {strides = array<i32>} : memref<20096xi32, #tpu.memory_space<vmem>>, vector<16xi32>,
      %get3A_473 = arith.index_cast %scan3A_360 : i32 to index
      %get3A_474 = arith.constant 80 : index
      %get3A_475 = tpu.vector_load %arg7[%get3A_473, %get3A_474] {strides = array<i32>} : memref<157x128xi32, #tpu.memory_space<vmem>>, vector<16xi32>,
      %get3A_476 = arith.index_cast %scan3A_360 : i32 to index
      %get3A_477 = arith.constant 80 : index
      %get3A_478 = tpu.vector_load %arg9[%get3A_476, %get3A_477] {strides = array<i32>} : memref<157x128xf32, #tpu.memory_space<vmem>>, vector<16xf32>,
      %gather3A_479 = tpu.vector_load_idx %arg6[%get3A_475] : memref<10240xf32, #tpu.memory_space<vmem>>[vector<16xi32>], vector<16xf32>,
      %mul3A_480 = arith.mulf %gather3A_479, %get3A_478 : vector<16xf32>
      %mul3A_481 = arith.constant 128 : i32
      %mul3A_482 = arith.muli %scan3A_360, %mul3A_481 : i32
      %add3A_483 = arith.constant 80 : i32
      %add3A_484 = arith.addi %mul3A_482, %add3A_483 : i32
      %swap3A_485 = arith.index_cast %add3A_484 : i32 to index
      %swap3A_486 = tpu.vector_load %arg10[%swap3A_485] {strides = array<i32>} : memref<20096xf32, #tpu.memory_space<vmem>>, vector<16xf32>,
      tpu.vector_store %arg10[%swap3A_485], %mul3A_480 {strides = array<i32>} : memref<20096xf32, #tpu.memory_space<vmem>>, vector<16xf32>,
      %get3A_487 = arith.index_cast %scan3A_360 : i32 to index
      %get3A_488 = arith.constant 80 : index
      %get3A_489 = tpu.vector_load %arg8[%get3A_487, %get3A_488] {strides = array<i32>} : memref<157x128xi32, #tpu.memory_space<vmem>>, vector<16xi32>,
      %mul3A_490 = arith.constant 128 : i32
      %mul3A_491 = arith.muli %scan3A_360, %mul3A_490 : i32
      %add3A_492 = arith.constant 80 : i32
      %add3A_493 = arith.addi %mul3A_491, %add3A_492 : i32
      %swap3A_494 = arith.index_cast %add3A_493 : i32 to index
      %swap3A_495 = tpu.vector_load %arg11[%swap3A_494] {strides = array<i32>} : memref<20096xi32, #tpu.memory_space<vmem>>, vector<16xi32>,
      tpu.vector_store %arg11[%swap3A_494], %get3A_489 {strides = array<i32>} : memref<20096xi32, #tpu.memory_space<vmem>>, vector<16xi32>,
      %get3A_496 = arith.index_cast %scan3A_360 : i32 to index
      %get3A_497 = arith.constant 96 : index
      %get3A_498 = tpu.vector_load %arg7[%get3A_496, %get3A_497] {strides = array<i32>} : memref<157x128xi32, #tpu.memory_space<vmem>>, vector<16xi32>,
      %get3A_499 = arith.index_cast %scan3A_360 : i32 to index
      %get3A_500 = arith.constant 96 : index
      %get3A_501 = tpu.vector_load %arg9[%get3A_499, %get3A_500] {strides = array<i32>} : memref<157x128xf32, #tpu.memory_space<vmem>>, vector<16xf32>,
      %gather3A_502 = tpu.vector_load_idx %arg6[%get3A_498] : memref<10240xf32, #tpu.memory_space<vmem>>[vector<16xi32>], vector<16xf32>,
      %mul3A_503 = arith.mulf %gather3A_502, %get3A_501 : vector<16xf32>
      %mul3A_504 = arith.constant 128 : i32
      %mul3A_505 = arith.muli %scan3A_360, %mul3A_504 : i32
      %add3A_506 = arith.constant 96 : i32
      %add3A_507 = arith.addi %mul3A_505, %add3A_506 : i32
      %swap3A_508 = arith.index_cast %add3A_507 : i32 to index
      %swap3A_509 = tpu.vector_load %arg10[%swap3A_508] {strides = array<i32>} : memref<20096xf32, #tpu.memory_space<vmem>>, vector<16xf32>,
      tpu.vector_store %arg10[%swap3A_508], %mul3A_503 {strides = array<i32>} : memref<20096xf32, #tpu.memory_space<vmem>>, vector<16xf32>,
      %get3A_510 = arith.index_cast %scan3A_360 : i32 to index
      %get3A_511 = arith.constant 96 : index
      %get3A_512 = tpu.vector_load %arg8[%get3A_510, %get3A_511] {strides = array<i32>} : memref<157x128xi32, #tpu.memory_space<vmem>>, vector<16xi32>,
      %mul3A_513 = arith.constant 128 : i32
      %mul3A_514 = arith.muli %scan3A_360, %mul3A_513 : i32
      %add3A_515 = arith.constant 96 : i32
      %add3A_516 = arith.addi %mul3A_514, %add3A_515 : i32
      %swap3A_517 = arith.index_cast %add3A_516 : i32 to index
      %swap3A_518 = tpu.vector_load %arg11[%swap3A_517] {strides = array<i32>} : memref<20096xi32, #tpu.memory_space<vmem>>, vector<16xi32>,
      tpu.vector_store %arg11[%swap3A_517], %get3A_512 {strides = array<i32>} : memref<20096xi32, #tpu.memory_space<vmem>>, vector<16xi32>,
      %get3A_519 = arith.index_cast %scan3A_360 : i32 to index
      %get3A_520 = arith.constant 112 : index
      %get3A_521 = tpu.vector_load %arg7[%get3A_519, %get3A_520] {strides = array<i32>} : memref<157x128xi32, #tpu.memory_space<vmem>>, vector<16xi32>,
      %get3A_522 = arith.index_cast %scan3A_360 : i32 to index
      %get3A_523 = arith.constant 112 : index
      %get3A_524 = tpu.vector_load %arg9[%get3A_522, %get3A_523] {strides = array<i32>} : memref<157x128xf32, #tpu.memory_space<vmem>>, vector<16xf32>,
      %gather3A_525 = tpu.vector_load_idx %arg6[%get3A_521] : memref<10240xf32, #tpu.memory_space<vmem>>[vector<16xi32>], vector<16xf32>,
      %mul3A_526 = arith.mulf %gather3A_525, %get3A_524 : vector<16xf32>
      %mul3A_527 = arith.constant 128 : i32
      %mul3A_528 = arith.muli %scan3A_360, %mul3A_527 : i32
      %add3A_529 = arith.constant 112 : i32
      %add3A_530 = arith.addi %mul3A_528, %add3A_529 : i32
      %swap3A_531 = arith.index_cast %add3A_530 : i32 to index
      %swap3A_532 = tpu.vector_load %arg10[%swap3A_531] {strides = array<i32>} : memref<20096xf32, #tpu.memory_space<vmem>>, vector<16xf32>,
      tpu.vector_store %arg10[%swap3A_531], %mul3A_526 {strides = array<i32>} : memref<20096xf32, #tpu.memory_space<vmem>>, vector<16xf32>,
      %get3A_533 = arith.index_cast %scan3A_360 : i32 to index
      %get3A_534 = arith.constant 112 : index
      %get3A_535 = tpu.vector_load %arg8[%get3A_533, %get3A_534] {strides = array<i32>} : memref<157x128xi32, #tpu.memory_space<vmem>>, vector<16xi32>,
      %mul3A_536 = arith.constant 128 : i32
      %mul3A_537 = arith.muli %scan3A_360, %mul3A_536 : i32
      %add3A_538 = arith.constant 112 : i32
      %add3A_539 = arith.addi %mul3A_537, %add3A_538 : i32
      %swap3A_540 = arith.index_cast %add3A_539 : i32 to index
      %swap3A_541 = tpu.vector_load %arg11[%swap3A_540] {strides = array<i32>} : memref<20096xi32, #tpu.memory_space<vmem>>, vector<16xi32>,
      tpu.vector_store %arg11[%swap3A_540], %get3A_535 {strides = array<i32>} : memref<20096xi32, #tpu.memory_space<vmem>>, vector<16xi32>,
      %scan3A_542 = arith.constant 0 : i32
      scf.yield %scan3A_542 : i32
    }
    %scan3A_57 = arith.constant 8 : i32
    %dma_start3A_58 = arith.constant 512 : i32
    %dma_start3A_59 = tpu.memref_slice %arg10[%dma_start3A_58] : memref<20096xf32, #tpu.memory_space<vmem>> -> memref<1024xf32, #tpu.memory_space<vmem>>
    %dma_start3A_60 = arith.constant 512 : i32
    %dma_start3A_61 = tpu.memref_slice %arg11[%dma_start3A_60] : memref<20096xi32, #tpu.memory_space<vmem>> -> memref<1024xi32, #tpu.memory_space<vmem>>
    %dma_start3A_62 = arith.constant 0 : i32
    %dma_start3A_63 = tpu.memref_slice %arg13[%dma_start3A_62] : memref<10240xf32, #tpu.memory_space<vmem_shared>> -> memref<10240xf32, #tpu.memory_space<vmem_shared>>
    tpu.enqueue_indirect_dma source(%dma_start3A_59 : memref<1024xf32, #tpu.memory_space<vmem>>) target(%dma_start3A_63 : memref<10240xf32, #tpu.memory_space<vmem_shared>>) offsets(%dma_start3A_61 : memref<1024xi32, #tpu.memory_space<vmem>>) semaphore(%arg16 : memref<!tpu.dma_semaphore, #tpu.memory_space<semaphore_mem>>) {add = true}
    %scan3A_64 = arith.constant 0 : i32
    %scan3A_65 = arith.constant 12 : i32
    %scan3A_66 = arith.constant 12 : i32
    %scan3A_67 = arith.addi %scan3A_65, %scan3A_66 : i32
    %scan3A_68 = arith.constant 1 : i32
    %scan3A_69 = scf.for %scan3A_360 = %scan3A_65 to %scan3A_67 step %scan3A_68 iter_args(%scan3A_361 = %scan3A_64) -> (i32)  : i32 {
      %get3A = arith.index_cast %scan3A_360 : i32 to index
      %get3A_362 = arith.constant 0 : index
      %get3A_363 = tpu.vector_load %arg7[%get3A, %get3A_362] {strides = array<i32>} : memref<157x128xi32, #tpu.memory_space<vmem>>, vector<16xi32>,
      %get3A_364 = arith.index_cast %scan3A_360 : i32 to index
      %get3A_365 = arith.constant 0 : index
      %get3A_366 = tpu.vector_load %arg9[%get3A_364, %get3A_365] {strides = array<i32>} : memref<157x128xf32, #tpu.memory_space<vmem>>, vector<16xf32>,
      %gather3A = tpu.vector_load_idx %arg6[%get3A_363] : memref<10240xf32, #tpu.memory_space<vmem>>[vector<16xi32>], vector<16xf32>,
      %mul3A_367 = arith.mulf %gather3A, %get3A_366 : vector<16xf32>
      %mul3A_368 = arith.constant 128 : i32
      %mul3A_369 = arith.muli %scan3A_360, %mul3A_368 : i32
      %add3A = arith.constant 0 : i32
      %add3A_370 = arith.addi %mul3A_369, %add3A : i32
      %swap3A = arith.index_cast %add3A_370 : i32 to index
      %swap3A_371 = tpu.vector_load %arg10[%swap3A] {strides = array<i32>} : memref<20096xf32, #tpu.memory_space<vmem>>, vector<16xf32>,
      tpu.vector_store %arg10[%swap3A], %mul3A_367 {strides = array<i32>} : memref<20096xf32, #tpu.memory_space<vmem>>, vector<16xf32>,
      %get3A_372 = arith.index_cast %scan3A_360 : i32 to index
      %get3A_373 = arith.constant 0 : index
      %get3A_374 = tpu.vector_load %arg8[%get3A_372, %get3A_373] {strides = array<i32>} : memref<157x128xi32, #tpu.memory_space<vmem>>, vector<16xi32>,
      %mul3A_375 = arith.constant 128 : i32
      %mul3A_376 = arith.muli %scan3A_360, %mul3A_375 : i32
      %add3A_377 = arith.constant 0 : i32
      %add3A_378 = arith.addi %mul3A_376, %add3A_377 : i32
      %swap3A_379 = arith.index_cast %add3A_378 : i32 to index
      %swap3A_380 = tpu.vector_load %arg11[%swap3A_379] {strides = array<i32>} : memref<20096xi32, #tpu.memory_space<vmem>>, vector<16xi32>,
      tpu.vector_store %arg11[%swap3A_379], %get3A_374 {strides = array<i32>} : memref<20096xi32, #tpu.memory_space<vmem>>, vector<16xi32>,
      %get3A_381 = arith.index_cast %scan3A_360 : i32 to index
      %get3A_382 = arith.constant 16 : index
      %get3A_383 = tpu.vector_load %arg7[%get3A_381, %get3A_382] {strides = array<i32>} : memref<157x128xi32, #tpu.memory_space<vmem>>, vector<16xi32>,
      %get3A_384 = arith.index_cast %scan3A_360 : i32 to index
      %get3A_385 = arith.constant 16 : index
      %get3A_386 = tpu.vector_load %arg9[%get3A_384, %get3A_385] {strides = array<i32>} : memref<157x128xf32, #tpu.memory_space<vmem>>, vector<16xf32>,
      %gather3A_387 = tpu.vector_load_idx %arg6[%get3A_383] : memref<10240xf32, #tpu.memory_space<vmem>>[vector<16xi32>], vector<16xf32>,
      %mul3A_388 = arith.mulf %gather3A_387, %get3A_386 : vector<16xf32>
      %mul3A_389 = arith.constant 128 : i32
      %mul3A_390 = arith.muli %scan3A_360, %mul3A_389 : i32
      %add3A_391 = arith.constant 16 : i32
      %add3A_392 = arith.addi %mul3A_390, %add3A_391 : i32
      %swap3A_393 = arith.index_cast %add3A_392 : i32 to index
      %swap3A_394 = tpu.vector_load %arg10[%swap3A_393] {strides = array<i32>} : memref<20096xf32, #tpu.memory_space<vmem>>, vector<16xf32>,
      tpu.vector_store %arg10[%swap3A_393], %mul3A_388 {strides = array<i32>} : memref<20096xf32, #tpu.memory_space<vmem>>, vector<16xf32>,
      %get3A_395 = arith.index_cast %scan3A_360 : i32 to index
      %get3A_396 = arith.constant 16 : index
      %get3A_397 = tpu.vector_load %arg8[%get3A_395, %get3A_396] {strides = array<i32>} : memref<157x128xi32, #tpu.memory_space<vmem>>, vector<16xi32>,
      %mul3A_398 = arith.constant 128 : i32
      %mul3A_399 = arith.muli %scan3A_360, %mul3A_398 : i32
      %add3A_400 = arith.constant 16 : i32
      %add3A_401 = arith.addi %mul3A_399, %add3A_400 : i32
      %swap3A_402 = arith.index_cast %add3A_401 : i32 to index
      %swap3A_403 = tpu.vector_load %arg11[%swap3A_402] {strides = array<i32>} : memref<20096xi32, #tpu.memory_space<vmem>>, vector<16xi32>,
      tpu.vector_store %arg11[%swap3A_402], %get3A_397 {strides = array<i32>} : memref<20096xi32, #tpu.memory_space<vmem>>, vector<16xi32>,
      %get3A_404 = arith.index_cast %scan3A_360 : i32 to index
      %get3A_405 = arith.constant 32 : index
      %get3A_406 = tpu.vector_load %arg7[%get3A_404, %get3A_405] {strides = array<i32>} : memref<157x128xi32, #tpu.memory_space<vmem>>, vector<16xi32>,
      %get3A_407 = arith.index_cast %scan3A_360 : i32 to index
      %get3A_408 = arith.constant 32 : index
      %get3A_409 = tpu.vector_load %arg9[%get3A_407, %get3A_408] {strides = array<i32>} : memref<157x128xf32, #tpu.memory_space<vmem>>, vector<16xf32>,
      %gather3A_410 = tpu.vector_load_idx %arg6[%get3A_406] : memref<10240xf32, #tpu.memory_space<vmem>>[vector<16xi32>], vector<16xf32>,
      %mul3A_411 = arith.mulf %gather3A_410, %get3A_409 : vector<16xf32>
      %mul3A_412 = arith.constant 128 : i32
      %mul3A_413 = arith.muli %scan3A_360, %mul3A_412 : i32
      %add3A_414 = arith.constant 32 : i32
      %add3A_415 = arith.addi %mul3A_413, %add3A_414 : i32
      %swap3A_416 = arith.index_cast %add3A_415 : i32 to index
      %swap3A_417 = tpu.vector_load %arg10[%swap3A_416] {strides = array<i32>} : memref<20096xf32, #tpu.memory_space<vmem>>, vector<16xf32>,
      tpu.vector_store %arg10[%swap3A_416], %mul3A_411 {strides = array<i32>} : memref<20096xf32, #tpu.memory_space<vmem>>, vector<16xf32>,
      %get3A_418 = arith.index_cast %scan3A_360 : i32 to index
      %get3A_419 = arith.constant 32 : index
      %get3A_420 = tpu.vector_load %arg8[%get3A_418, %get3A_419] {strides = array<i32>} : memref<157x128xi32, #tpu.memory_space<vmem>>, vector<16xi32>,
      %mul3A_421 = arith.constant 128 : i32
      %mul3A_422 = arith.muli %scan3A_360, %mul3A_421 : i32
      %add3A_423 = arith.constant 32 : i32
      %add3A_424 = arith.addi %mul3A_422, %add3A_423 : i32
      %swap3A_425 = arith.index_cast %add3A_424 : i32 to index
      %swap3A_426 = tpu.vector_load %arg11[%swap3A_425] {strides = array<i32>} : memref<20096xi32, #tpu.memory_space<vmem>>, vector<16xi32>,
      tpu.vector_store %arg11[%swap3A_425], %get3A_420 {strides = array<i32>} : memref<20096xi32, #tpu.memory_space<vmem>>, vector<16xi32>,
      %get3A_427 = arith.index_cast %scan3A_360 : i32 to index
      %get3A_428 = arith.constant 48 : index
      %get3A_429 = tpu.vector_load %arg7[%get3A_427, %get3A_428] {strides = array<i32>} : memref<157x128xi32, #tpu.memory_space<vmem>>, vector<16xi32>,
      %get3A_430 = arith.index_cast %scan3A_360 : i32 to index
      %get3A_431 = arith.constant 48 : index
      %get3A_432 = tpu.vector_load %arg9[%get3A_430, %get3A_431] {strides = array<i32>} : memref<157x128xf32, #tpu.memory_space<vmem>>, vector<16xf32>,
      %gather3A_433 = tpu.vector_load_idx %arg6[%get3A_429] : memref<10240xf32, #tpu.memory_space<vmem>>[vector<16xi32>], vector<16xf32>,
      %mul3A_434 = arith.mulf %gather3A_433, %get3A_432 : vector<16xf32>
      %mul3A_435 = arith.constant 128 : i32
      %mul3A_436 = arith.muli %scan3A_360, %mul3A_435 : i32
      %add3A_437 = arith.constant 48 : i32
      %add3A_438 = arith.addi %mul3A_436, %add3A_437 : i32
      %swap3A_439 = arith.index_cast %add3A_438 : i32 to index
      %swap3A_440 = tpu.vector_load %arg10[%swap3A_439] {strides = array<i32>} : memref<20096xf32, #tpu.memory_space<vmem>>, vector<16xf32>,
      tpu.vector_store %arg10[%swap3A_439], %mul3A_434 {strides = array<i32>} : memref<20096xf32, #tpu.memory_space<vmem>>, vector<16xf32>,
      %get3A_441 = arith.index_cast %scan3A_360 : i32 to index
      %get3A_442 = arith.constant 48 : index
      %get3A_443 = tpu.vector_load %arg8[%get3A_441, %get3A_442] {strides = array<i32>} : memref<157x128xi32, #tpu.memory_space<vmem>>, vector<16xi32>,
      %mul3A_444 = arith.constant 128 : i32
      %mul3A_445 = arith.muli %scan3A_360, %mul3A_444 : i32
      %add3A_446 = arith.constant 48 : i32
      %add3A_447 = arith.addi %mul3A_445, %add3A_446 : i32
      %swap3A_448 = arith.index_cast %add3A_447 : i32 to index
      %swap3A_449 = tpu.vector_load %arg11[%swap3A_448] {strides = array<i32>} : memref<20096xi32, #tpu.memory_space<vmem>>, vector<16xi32>,
      tpu.vector_store %arg11[%swap3A_448], %get3A_443 {strides = array<i32>} : memref<20096xi32, #tpu.memory_space<vmem>>, vector<16xi32>,
      %get3A_450 = arith.index_cast %scan3A_360 : i32 to index
      %get3A_451 = arith.constant 64 : index
      %get3A_452 = tpu.vector_load %arg7[%get3A_450, %get3A_451] {strides = array<i32>} : memref<157x128xi32, #tpu.memory_space<vmem>>, vector<16xi32>,
      %get3A_453 = arith.index_cast %scan3A_360 : i32 to index
      %get3A_454 = arith.constant 64 : index
      %get3A_455 = tpu.vector_load %arg9[%get3A_453, %get3A_454] {strides = array<i32>} : memref<157x128xf32, #tpu.memory_space<vmem>>, vector<16xf32>,
      %gather3A_456 = tpu.vector_load_idx %arg6[%get3A_452] : memref<10240xf32, #tpu.memory_space<vmem>>[vector<16xi32>], vector<16xf32>,
      %mul3A_457 = arith.mulf %gather3A_456, %get3A_455 : vector<16xf32>
      %mul3A_458 = arith.constant 128 : i32
      %mul3A_459 = arith.muli %scan3A_360, %mul3A_458 : i32
      %add3A_460 = arith.constant 64 : i32
      %add3A_461 = arith.addi %mul3A_459, %add3A_460 : i32
      %swap3A_462 = arith.index_cast %add3A_461 : i32 to index
      %swap3A_463 = tpu.vector_load %arg10[%swap3A_462] {strides = array<i32>} : memref<20096xf32, #tpu.memory_space<vmem>>, vector<16xf32>,
      tpu.vector_store %arg10[%swap3A_462], %mul3A_457 {strides = array<i32>} : memref<20096xf32, #tpu.memory_space<vmem>>, vector<16xf32>,
      %get3A_464 = arith.index_cast %scan3A_360 : i32 to index
      %get3A_465 = arith.constant 64 : index
      %get3A_466 = tpu.vector_load %arg8[%get3A_464, %get3A_465] {strides = array<i32>} : memref<157x128xi32, #tpu.memory_space<vmem>>, vector<16xi32>,
      %mul3A_467 = arith.constant 128 : i32
      %mul3A_468 = arith.muli %scan3A_360, %mul3A_467 : i32
      %add3A_469 = arith.constant 64 : i32
      %add3A_470 = arith.addi %mul3A_468, %add3A_469 : i32
      %swap3A_471 = arith.index_cast %add3A_470 : i32 to index
      %swap3A_472 = tpu.vector_load %arg11[%swap3A_471] {strides = array<i32>} : memref<20096xi32, #tpu.memory_space<vmem>>, vector<16xi32>,
      tpu.vector_store %arg11[%swap3A_471], %get3A_466 {strides = array<i32>} : memref<20096xi32, #tpu.memory_space<vmem>>, vector<16xi32>,
      %get3A_473 = arith.index_cast %scan3A_360 : i32 to index
      %get3A_474 = arith.constant 80 : index
      %get3A_475 = tpu.vector_load %arg7[%get3A_473, %get3A_474] {strides = array<i32>} : memref<157x128xi32, #tpu.memory_space<vmem>>, vector<16xi32>,
      %get3A_476 = arith.index_cast %scan3A_360 : i32 to index
      %get3A_477 = arith.constant 80 : index
      %get3A_478 = tpu.vector_load %arg9[%get3A_476, %get3A_477] {strides = array<i32>} : memref<157x128xf32, #tpu.memory_space<vmem>>, vector<16xf32>,
      %gather3A_479 = tpu.vector_load_idx %arg6[%get3A_475] : memref<10240xf32, #tpu.memory_space<vmem>>[vector<16xi32>], vector<16xf32>,
      %mul3A_480 = arith.mulf %gather3A_479, %get3A_478 : vector<16xf32>
      %mul3A_481 = arith.constant 128 : i32
      %mul3A_482 = arith.muli %scan3A_360, %mul3A_481 : i32
      %add3A_483 = arith.constant 80 : i32
      %add3A_484 = arith.addi %mul3A_482, %add3A_483 : i32
      %swap3A_485 = arith.index_cast %add3A_484 : i32 to index
      %swap3A_486 = tpu.vector_load %arg10[%swap3A_485] {strides = array<i32>} : memref<20096xf32, #tpu.memory_space<vmem>>, vector<16xf32>,
      tpu.vector_store %arg10[%swap3A_485], %mul3A_480 {strides = array<i32>} : memref<20096xf32, #tpu.memory_space<vmem>>, vector<16xf32>,
      %get3A_487 = arith.index_cast %scan3A_360 : i32 to index
      %get3A_488 = arith.constant 80 : index
      %get3A_489 = tpu.vector_load %arg8[%get3A_487, %get3A_488] {strides = array<i32>} : memref<157x128xi32, #tpu.memory_space<vmem>>, vector<16xi32>,
      %mul3A_490 = arith.constant 128 : i32
      %mul3A_491 = arith.muli %scan3A_360, %mul3A_490 : i32
      %add3A_492 = arith.constant 80 : i32
      %add3A_493 = arith.addi %mul3A_491, %add3A_492 : i32
      %swap3A_494 = arith.index_cast %add3A_493 : i32 to index
      %swap3A_495 = tpu.vector_load %arg11[%swap3A_494] {strides = array<i32>} : memref<20096xi32, #tpu.memory_space<vmem>>, vector<16xi32>,
      tpu.vector_store %arg11[%swap3A_494], %get3A_489 {strides = array<i32>} : memref<20096xi32, #tpu.memory_space<vmem>>, vector<16xi32>,
      %get3A_496 = arith.index_cast %scan3A_360 : i32 to index
      %get3A_497 = arith.constant 96 : index
      %get3A_498 = tpu.vector_load %arg7[%get3A_496, %get3A_497] {strides = array<i32>} : memref<157x128xi32, #tpu.memory_space<vmem>>, vector<16xi32>,
      %get3A_499 = arith.index_cast %scan3A_360 : i32 to index
      %get3A_500 = arith.constant 96 : index
      %get3A_501 = tpu.vector_load %arg9[%get3A_499, %get3A_500] {strides = array<i32>} : memref<157x128xf32, #tpu.memory_space<vmem>>, vector<16xf32>,
      %gather3A_502 = tpu.vector_load_idx %arg6[%get3A_498] : memref<10240xf32, #tpu.memory_space<vmem>>[vector<16xi32>], vector<16xf32>,
      %mul3A_503 = arith.mulf %gather3A_502, %get3A_501 : vector<16xf32>
      %mul3A_504 = arith.constant 128 : i32
      %mul3A_505 = arith.muli %scan3A_360, %mul3A_504 : i32
      %add3A_506 = arith.constant 96 : i32
      %add3A_507 = arith.addi %mul3A_505, %add3A_506 : i32
      %swap3A_508 = arith.index_cast %add3A_507 : i32 to index
      %swap3A_509 = tpu.vector_load %arg10[%swap3A_508] {strides = array<i32>} : memref<20096xf32, #tpu.memory_space<vmem>>, vector<16xf32>,
      tpu.vector_store %arg10[%swap3A_508], %mul3A_503 {strides = array<i32>} : memref<20096xf32, #tpu.memory_space<vmem>>, vector<16xf32>,
      %get3A_510 = arith.index_cast %scan3A_360 : i32 to index
      %get3A_511 = arith.constant 96 : index
      %get3A_512 = tpu.vector_load %arg8[%get3A_510, %get3A_511] {strides = array<i32>} : memref<157x128xi32, #tpu.memory_space<vmem>>, vector<16xi32>,
      %mul3A_513 = arith.constant 128 : i32
      %mul3A_514 = arith.muli %scan3A_360, %mul3A_513 : i32
      %add3A_515 = arith.constant 96 : i32
      %add3A_516 = arith.addi %mul3A_514, %add3A_515 : i32
      %swap3A_517 = arith.index_cast %add3A_516 : i32 to index
      %swap3A_518 = tpu.vector_load %arg11[%swap3A_517] {strides = array<i32>} : memref<20096xi32, #tpu.memory_space<vmem>>, vector<16xi32>,
      tpu.vector_store %arg11[%swap3A_517], %get3A_512 {strides = array<i32>} : memref<20096xi32, #tpu.memory_space<vmem>>, vector<16xi32>,
      %get3A_519 = arith.index_cast %scan3A_360 : i32 to index
      %get3A_520 = arith.constant 112 : index
      %get3A_521 = tpu.vector_load %arg7[%get3A_519, %get3A_520] {strides = array<i32>} : memref<157x128xi32, #tpu.memory_space<vmem>>, vector<16xi32>,
      %get3A_522 = arith.index_cast %scan3A_360 : i32 to index
      %get3A_523 = arith.constant 112 : index
      %get3A_524 = tpu.vector_load %arg9[%get3A_522, %get3A_523] {strides = array<i32>} : memref<157x128xf32, #tpu.memory_space<vmem>>, vector<16xf32>,
      %gather3A_525 = tpu.vector_load_idx %arg6[%get3A_521] : memref<10240xf32, #tpu.memory_space<vmem>>[vector<16xi32>], vector<16xf32>,
      %mul3A_526 = arith.mulf %gather3A_525, %get3A_524 : vector<16xf32>
      %mul3A_527 = arith.constant 128 : i32
      %mul3A_528 = arith.muli %scan3A_360, %mul3A_527 : i32
      %add3A_529 = arith.constant 112 : i32
      %add3A_530 = arith.addi %mul3A_528, %add3A_529 : i32
      %swap3A_531 = arith.index_cast %add3A_530 : i32 to index
      %swap3A_532 = tpu.vector_load %arg10[%swap3A_531] {strides = array<i32>} : memref<20096xf32, #tpu.memory_space<vmem>>, vector<16xf32>,
      tpu.vector_store %arg10[%swap3A_531], %mul3A_526 {strides = array<i32>} : memref<20096xf32, #tpu.memory_space<vmem>>, vector<16xf32>,
      %get3A_533 = arith.index_cast %scan3A_360 : i32 to index
      %get3A_534 = arith.constant 112 : index
      %get3A_535 = tpu.vector_load %arg8[%get3A_533, %get3A_534] {strides = array<i32>} : memref<157x128xi32, #tpu.memory_space<vmem>>, vector<16xi32>,
      %mul3A_536 = arith.constant 128 : i32
      %mul3A_537 = arith.muli %scan3A_360, %mul3A_536 : i32
      %add3A_538 = arith.constant 112 : i32
      %add3A_539 = arith.addi %mul3A_537, %add3A_538 : i32
      %swap3A_540 = arith.index_cast %add3A_539 : i32 to index
      %swap3A_541 = tpu.vector_load %arg11[%swap3A_540] {strides = array<i32>} : memref<20096xi32, #tpu.memory_space<vmem>>, vector<16xi32>,
      tpu.vector_store %arg11[%swap3A_540], %get3A_535 {strides = array<i32>} : memref<20096xi32, #tpu.memory_space<vmem>>, vector<16xi32>,
      %scan3A_542 = arith.constant 0 : i32
      scf.yield %scan3A_542 : i32
    }
    %scan3A_70 = arith.constant 12 : i32
    %dma_start3A_71 = arith.constant 1536 : i32
    %dma_start3A_72 = tpu.memref_slice %arg10[%dma_start3A_71] : memref<20096xf32, #tpu.memory_space<vmem>> -> memref<1536xf32, #tpu.memory_space<vmem>>
    %dma_start3A_73 = arith.constant 1536 : i32
    %dma_start3A_74 = tpu.memref_slice %arg11[%dma_start3A_73] : memref<20096xi32, #tpu.memory_space<vmem>> -> memref<1536xi32, #tpu.memory_space<vmem>>
    %dma_start3A_75 = arith.constant 0 : i32
    %dma_start3A_76 = tpu.memref_slice %arg13[%dma_start3A_75] : memref<10240xf32, #tpu.memory_space<vmem_shared>> -> memref<10240xf32, #tpu.memory_space<vmem_shared>>
    tpu.enqueue_indirect_dma source(%dma_start3A_72 : memref<1536xf32, #tpu.memory_space<vmem>>) target(%dma_start3A_76 : memref<10240xf32, #tpu.memory_space<vmem_shared>>) offsets(%dma_start3A_74 : memref<1536xi32, #tpu.memory_space<vmem>>) semaphore(%arg16 : memref<!tpu.dma_semaphore, #tpu.memory_space<semaphore_mem>>) {add = true}
    %scan3A_77 = arith.constant 0 : i32
    %scan3A_78 = arith.constant 24 : i32
    %scan3A_79 = arith.constant 16 : i32
    %scan3A_80 = arith.addi %scan3A_78, %scan3A_79 : i32
    %scan3A_81 = arith.constant 1 : i32
    %scan3A_82 = scf.for %scan3A_360 = %scan3A_78 to %scan3A_80 step %scan3A_81 iter_args(%scan3A_361 = %scan3A_77) -> (i32)  : i32 {
      %get3A = arith.index_cast %scan3A_360 : i32 to index
      %get3A_362 = arith.constant 0 : index
      %get3A_363 = tpu.vector_load %arg7[%get3A, %get3A_362] {strides = array<i32>} : memref<157x128xi32, #tpu.memory_space<vmem>>, vector<16xi32>,
      %get3A_364 = arith.index_cast %scan3A_360 : i32 to index
      %get3A_365 = arith.constant 0 : index
      %get3A_366 = tpu.vector_load %arg9[%get3A_364, %get3A_365] {strides = array<i32>} : memref<157x128xf32, #tpu.memory_space<vmem>>, vector<16xf32>,
      %gather3A = tpu.vector_load_idx %arg6[%get3A_363] : memref<10240xf32, #tpu.memory_space<vmem>>[vector<16xi32>], vector<16xf32>,
      %mul3A_367 = arith.mulf %gather3A, %get3A_366 : vector<16xf32>
      %mul3A_368 = arith.constant 128 : i32
      %mul3A_369 = arith.muli %scan3A_360, %mul3A_368 : i32
      %add3A = arith.constant 0 : i32
      %add3A_370 = arith.addi %mul3A_369, %add3A : i32
      %swap3A = arith.index_cast %add3A_370 : i32 to index
      %swap3A_371 = tpu.vector_load %arg10[%swap3A] {strides = array<i32>} : memref<20096xf32, #tpu.memory_space<vmem>>, vector<16xf32>,
      tpu.vector_store %arg10[%swap3A], %mul3A_367 {strides = array<i32>} : memref<20096xf32, #tpu.memory_space<vmem>>, vector<16xf32>,
      %get3A_372 = arith.index_cast %scan3A_360 : i32 to index
      %get3A_373 = arith.constant 0 : index
      %get3A_374 = tpu.vector_load %arg8[%get3A_372, %get3A_373] {strides = array<i32>} : memref<157x128xi32, #tpu.memory_space<vmem>>, vector<16xi32>,
      %mul3A_375 = arith.constant 128 : i32
      %mul3A_376 = arith.muli %scan3A_360, %mul3A_375 : i32
      %add3A_377 = arith.constant 0 : i32
      %add3A_378 = arith.addi %mul3A_376, %add3A_377 : i32
      %swap3A_379 = arith.index_cast %add3A_378 : i32 to index
      %swap3A_380 = tpu.vector_load %arg11[%swap3A_379] {strides = array<i32>} : memref<20096xi32, #tpu.memory_space<vmem>>, vector<16xi32>,
      tpu.vector_store %arg11[%swap3A_379], %get3A_374 {strides = array<i32>} : memref<20096xi32, #tpu.memory_space<vmem>>, vector<16xi32>,
      %get3A_381 = arith.index_cast %scan3A_360 : i32 to index
      %get3A_382 = arith.constant 16 : index
      %get3A_383 = tpu.vector_load %arg7[%get3A_381, %get3A_382] {strides = array<i32>} : memref<157x128xi32, #tpu.memory_space<vmem>>, vector<16xi32>,
      %get3A_384 = arith.index_cast %scan3A_360 : i32 to index
      %get3A_385 = arith.constant 16 : index
      %get3A_386 = tpu.vector_load %arg9[%get3A_384, %get3A_385] {strides = array<i32>} : memref<157x128xf32, #tpu.memory_space<vmem>>, vector<16xf32>,
      %gather3A_387 = tpu.vector_load_idx %arg6[%get3A_383] : memref<10240xf32, #tpu.memory_space<vmem>>[vector<16xi32>], vector<16xf32>,
      %mul3A_388 = arith.mulf %gather3A_387, %get3A_386 : vector<16xf32>
      %mul3A_389 = arith.constant 128 : i32
      %mul3A_390 = arith.muli %scan3A_360, %mul3A_389 : i32
      %add3A_391 = arith.constant 16 : i32
      %add3A_392 = arith.addi %mul3A_390, %add3A_391 : i32
      %swap3A_393 = arith.index_cast %add3A_392 : i32 to index
      %swap3A_394 = tpu.vector_load %arg10[%swap3A_393] {strides = array<i32>} : memref<20096xf32, #tpu.memory_space<vmem>>, vector<16xf32>,
      tpu.vector_store %arg10[%swap3A_393], %mul3A_388 {strides = array<i32>} : memref<20096xf32, #tpu.memory_space<vmem>>, vector<16xf32>,
      %get3A_395 = arith.index_cast %scan3A_360 : i32 to index
      %get3A_396 = arith.constant 16 : index
      %get3A_397 = tpu.vector_load %arg8[%get3A_395, %get3A_396] {strides = array<i32>} : memref<157x128xi32, #tpu.memory_space<vmem>>, vector<16xi32>,
      %mul3A_398 = arith.constant 128 : i32
      %mul3A_399 = arith.muli %scan3A_360, %mul3A_398 : i32
      %add3A_400 = arith.constant 16 : i32
      %add3A_401 = arith.addi %mul3A_399, %add3A_400 : i32
      %swap3A_402 = arith.index_cast %add3A_401 : i32 to index
      %swap3A_403 = tpu.vector_load %arg11[%swap3A_402] {strides = array<i32>} : memref<20096xi32, #tpu.memory_space<vmem>>, vector<16xi32>,
      tpu.vector_store %arg11[%swap3A_402], %get3A_397 {strides = array<i32>} : memref<20096xi32, #tpu.memory_space<vmem>>, vector<16xi32>,
      %get3A_404 = arith.index_cast %scan3A_360 : i32 to index
      %get3A_405 = arith.constant 32 : index
      %get3A_406 = tpu.vector_load %arg7[%get3A_404, %get3A_405] {strides = array<i32>} : memref<157x128xi32, #tpu.memory_space<vmem>>, vector<16xi32>,
      %get3A_407 = arith.index_cast %scan3A_360 : i32 to index
      %get3A_408 = arith.constant 32 : index
      %get3A_409 = tpu.vector_load %arg9[%get3A_407, %get3A_408] {strides = array<i32>} : memref<157x128xf32, #tpu.memory_space<vmem>>, vector<16xf32>,
      %gather3A_410 = tpu.vector_load_idx %arg6[%get3A_406] : memref<10240xf32, #tpu.memory_space<vmem>>[vector<16xi32>], vector<16xf32>,
      %mul3A_411 = arith.mulf %gather3A_410, %get3A_409 : vector<16xf32>
      %mul3A_412 = arith.constant 128 : i32
      %mul3A_413 = arith.muli %scan3A_360, %mul3A_412 : i32
      %add3A_414 = arith.constant 32 : i32
      %add3A_415 = arith.addi %mul3A_413, %add3A_414 : i32
      %swap3A_416 = arith.index_cast %add3A_415 : i32 to index
      %swap3A_417 = tpu.vector_load %arg10[%swap3A_416] {strides = array<i32>} : memref<20096xf32, #tpu.memory_space<vmem>>, vector<16xf32>,
      tpu.vector_store %arg10[%swap3A_416], %mul3A_411 {strides = array<i32>} : memref<20096xf32, #tpu.memory_space<vmem>>, vector<16xf32>,
      %get3A_418 = arith.index_cast %scan3A_360 : i32 to index
      %get3A_419 = arith.constant 32 : index
      %get3A_420 = tpu.vector_load %arg8[%get3A_418, %get3A_419] {strides = array<i32>} : memref<157x128xi32, #tpu.memory_space<vmem>>, vector<16xi32>,
      %mul3A_421 = arith.constant 128 : i32
      %mul3A_422 = arith.muli %scan3A_360, %mul3A_421 : i32
      %add3A_423 = arith.constant 32 : i32
      %add3A_424 = arith.addi %mul3A_422, %add3A_423 : i32
      %swap3A_425 = arith.index_cast %add3A_424 : i32 to index
      %swap3A_426 = tpu.vector_load %arg11[%swap3A_425] {strides = array<i32>} : memref<20096xi32, #tpu.memory_space<vmem>>, vector<16xi32>,
      tpu.vector_store %arg11[%swap3A_425], %get3A_420 {strides = array<i32>} : memref<20096xi32, #tpu.memory_space<vmem>>, vector<16xi32>,
      %get3A_427 = arith.index_cast %scan3A_360 : i32 to index
      %get3A_428 = arith.constant 48 : index
      %get3A_429 = tpu.vector_load %arg7[%get3A_427, %get3A_428] {strides = array<i32>} : memref<157x128xi32, #tpu.memory_space<vmem>>, vector<16xi32>,
      %get3A_430 = arith.index_cast %scan3A_360 : i32 to index
      %get3A_431 = arith.constant 48 : index
      %get3A_432 = tpu.vector_load %arg9[%get3A_430, %get3A_431] {strides = array<i32>} : memref<157x128xf32, #tpu.memory_space<vmem>>, vector<16xf32>,
      %gather3A_433 = tpu.vector_load_idx %arg6[%get3A_429] : memref<10240xf32, #tpu.memory_space<vmem>>[vector<16xi32>], vector<16xf32>,
      %mul3A_434 = arith.mulf %gather3A_433, %get3A_432 : vector<16xf32>
      %mul3A_435 = arith.constant 128 : i32
      %mul3A_436 = arith.muli %scan3A_360, %mul3A_435 : i32
      %add3A_437 = arith.constant 48 : i32
      %add3A_438 = arith.addi %mul3A_436, %add3A_437 : i32
      %swap3A_439 = arith.index_cast %add3A_438 : i32 to index
      %swap3A_440 = tpu.vector_load %arg10[%swap3A_439] {strides = array<i32>} : memref<20096xf32, #tpu.memory_space<vmem>>, vector<16xf32>,
      tpu.vector_store %arg10[%swap3A_439], %mul3A_434 {strides = array<i32>} : memref<20096xf32, #tpu.memory_space<vmem>>, vector<16xf32>,
      %get3A_441 = arith.index_cast %scan3A_360 : i32 to index
      %get3A_442 = arith.constant 48 : index
      %get3A_443 = tpu.vector_load %arg8[%get3A_441, %get3A_442] {strides = array<i32>} : memref<157x128xi32, #tpu.memory_space<vmem>>, vector<16xi32>,
      %mul3A_444 = arith.constant 128 : i32
      %mul3A_445 = arith.muli %scan3A_360, %mul3A_444 : i32
      %add3A_446 = arith.constant 48 : i32
      %add3A_447 = arith.addi %mul3A_445, %add3A_446 : i32
      %swap3A_448 = arith.index_cast %add3A_447 : i32 to index
      %swap3A_449 = tpu.vector_load %arg11[%swap3A_448] {strides = array<i32>} : memref<20096xi32, #tpu.memory_space<vmem>>, vector<16xi32>,
      tpu.vector_store %arg11[%swap3A_448], %get3A_443 {strides = array<i32>} : memref<20096xi32, #tpu.memory_space<vmem>>, vector<16xi32>,
      %get3A_450 = arith.index_cast %scan3A_360 : i32 to index
      %get3A_451 = arith.constant 64 : index
      %get3A_452 = tpu.vector_load %arg7[%get3A_450, %get3A_451] {strides = array<i32>} : memref<157x128xi32, #tpu.memory_space<vmem>>, vector<16xi32>,
      %get3A_453 = arith.index_cast %scan3A_360 : i32 to index
      %get3A_454 = arith.constant 64 : index
      %get3A_455 = tpu.vector_load %arg9[%get3A_453, %get3A_454] {strides = array<i32>} : memref<157x128xf32, #tpu.memory_space<vmem>>, vector<16xf32>,
      %gather3A_456 = tpu.vector_load_idx %arg6[%get3A_452] : memref<10240xf32, #tpu.memory_space<vmem>>[vector<16xi32>], vector<16xf32>,
      %mul3A_457 = arith.mulf %gather3A_456, %get3A_455 : vector<16xf32>
      %mul3A_458 = arith.constant 128 : i32
      %mul3A_459 = arith.muli %scan3A_360, %mul3A_458 : i32
      %add3A_460 = arith.constant 64 : i32
      %add3A_461 = arith.addi %mul3A_459, %add3A_460 : i32
      %swap3A_462 = arith.index_cast %add3A_461 : i32 to index
      %swap3A_463 = tpu.vector_load %arg10[%swap3A_462] {strides = array<i32>} : memref<20096xf32, #tpu.memory_space<vmem>>, vector<16xf32>,
      tpu.vector_store %arg10[%swap3A_462], %mul3A_457 {strides = array<i32>} : memref<20096xf32, #tpu.memory_space<vmem>>, vector<16xf32>,
      %get3A_464 = arith.index_cast %scan3A_360 : i32 to index
      %get3A_465 = arith.constant 64 : index
      %get3A_466 = tpu.vector_load %arg8[%get3A_464, %get3A_465] {strides = array<i32>} : memref<157x128xi32, #tpu.memory_space<vmem>>, vector<16xi32>,
      %mul3A_467 = arith.constant 128 : i32
      %mul3A_468 = arith.muli %scan3A_360, %mul3A_467 : i32
      %add3A_469 = arith.constant 64 : i32
      %add3A_470 = arith.addi %mul3A_468, %add3A_469 : i32
      %swap3A_471 = arith.index_cast %add3A_470 : i32 to index
      %swap3A_472 = tpu.vector_load %arg11[%swap3A_471] {strides = array<i32>} : memref<20096xi32, #tpu.memory_space<vmem>>, vector<16xi32>,
      tpu.vector_store %arg11[%swap3A_471], %get3A_466 {strides = array<i32>} : memref<20096xi32, #tpu.memory_space<vmem>>, vector<16xi32>,
      %get3A_473 = arith.index_cast %scan3A_360 : i32 to index
      %get3A_474 = arith.constant 80 : index
      %get3A_475 = tpu.vector_load %arg7[%get3A_473, %get3A_474] {strides = array<i32>} : memref<157x128xi32, #tpu.memory_space<vmem>>, vector<16xi32>,
      %get3A_476 = arith.index_cast %scan3A_360 : i32 to index
      %get3A_477 = arith.constant 80 : index
      %get3A_478 = tpu.vector_load %arg9[%get3A_476, %get3A_477] {strides = array<i32>} : memref<157x128xf32, #tpu.memory_space<vmem>>, vector<16xf32>,
      %gather3A_479 = tpu.vector_load_idx %arg6[%get3A_475] : memref<10240xf32, #tpu.memory_space<vmem>>[vector<16xi32>], vector<16xf32>,
      %mul3A_480 = arith.mulf %gather3A_479, %get3A_478 : vector<16xf32>
      %mul3A_481 = arith.constant 128 : i32
      %mul3A_482 = arith.muli %scan3A_360, %mul3A_481 : i32
      %add3A_483 = arith.constant 80 : i32
      %add3A_484 = arith.addi %mul3A_482, %add3A_483 : i32
      %swap3A_485 = arith.index_cast %add3A_484 : i32 to index
      %swap3A_486 = tpu.vector_load %arg10[%swap3A_485] {strides = array<i32>} : memref<20096xf32, #tpu.memory_space<vmem>>, vector<16xf32>,
      tpu.vector_store %arg10[%swap3A_485], %mul3A_480 {strides = array<i32>} : memref<20096xf32, #tpu.memory_space<vmem>>, vector<16xf32>,
      %get3A_487 = arith.index_cast %scan3A_360 : i32 to index
      %get3A_488 = arith.constant 80 : index
      %get3A_489 = tpu.vector_load %arg8[%get3A_487, %get3A_488] {strides = array<i32>} : memref<157x128xi32, #tpu.memory_space<vmem>>, vector<16xi32>,
      %mul3A_490 = arith.constant 128 : i32
      %mul3A_491 = arith.muli %scan3A_360, %mul3A_490 : i32
      %add3A_492 = arith.constant 80 : i32
      %add3A_493 = arith.addi %mul3A_491, %add3A_492 : i32
      %swap3A_494 = arith.index_cast %add3A_493 : i32 to index
      %swap3A_495 = tpu.vector_load %arg11[%swap3A_494] {strides = array<i32>} : memref<20096xi32, #tpu.memory_space<vmem>>, vector<16xi32>,
      tpu.vector_store %arg11[%swap3A_494], %get3A_489 {strides = array<i32>} : memref<20096xi32, #tpu.memory_space<vmem>>, vector<16xi32>,
      %get3A_496 = arith.index_cast %scan3A_360 : i32 to index
      %get3A_497 = arith.constant 96 : index
      %get3A_498 = tpu.vector_load %arg7[%get3A_496, %get3A_497] {strides = array<i32>} : memref<157x128xi32, #tpu.memory_space<vmem>>, vector<16xi32>,
      %get3A_499 = arith.index_cast %scan3A_360 : i32 to index
      %get3A_500 = arith.constant 96 : index
      %get3A_501 = tpu.vector_load %arg9[%get3A_499, %get3A_500] {strides = array<i32>} : memref<157x128xf32, #tpu.memory_space<vmem>>, vector<16xf32>,
      %gather3A_502 = tpu.vector_load_idx %arg6[%get3A_498] : memref<10240xf32, #tpu.memory_space<vmem>>[vector<16xi32>], vector<16xf32>,
      %mul3A_503 = arith.mulf %gather3A_502, %get3A_501 : vector<16xf32>
      %mul3A_504 = arith.constant 128 : i32
      %mul3A_505 = arith.muli %scan3A_360, %mul3A_504 : i32
      %add3A_506 = arith.constant 96 : i32
      %add3A_507 = arith.addi %mul3A_505, %add3A_506 : i32
      %swap3A_508 = arith.index_cast %add3A_507 : i32 to index
      %swap3A_509 = tpu.vector_load %arg10[%swap3A_508] {strides = array<i32>} : memref<20096xf32, #tpu.memory_space<vmem>>, vector<16xf32>,
      tpu.vector_store %arg10[%swap3A_508], %mul3A_503 {strides = array<i32>} : memref<20096xf32, #tpu.memory_space<vmem>>, vector<16xf32>,
      %get3A_510 = arith.index_cast %scan3A_360 : i32 to index
      %get3A_511 = arith.constant 96 : index
      %get3A_512 = tpu.vector_load %arg8[%get3A_510, %get3A_511] {strides = array<i32>} : memref<157x128xi32, #tpu.memory_space<vmem>>, vector<16xi32>,
      %mul3A_513 = arith.constant 128 : i32
      %mul3A_514 = arith.muli %scan3A_360, %mul3A_513 : i32
      %add3A_515 = arith.constant 96 : i32
      %add3A_516 = arith.addi %mul3A_514, %add3A_515 : i32
      %swap3A_517 = arith.index_cast %add3A_516 : i32 to index
      %swap3A_518 = tpu.vector_load %arg11[%swap3A_517] {strides = array<i32>} : memref<20096xi32, #tpu.memory_space<vmem>>, vector<16xi32>,
      tpu.vector_store %arg11[%swap3A_517], %get3A_512 {strides = array<i32>} : memref<20096xi32, #tpu.memory_space<vmem>>, vector<16xi32>,
      %get3A_519 = arith.index_cast %scan3A_360 : i32 to index
      %get3A_520 = arith.constant 112 : index
      %get3A_521 = tpu.vector_load %arg7[%get3A_519, %get3A_520] {strides = array<i32>} : memref<157x128xi32, #tpu.memory_space<vmem>>, vector<16xi32>,
      %get3A_522 = arith.index_cast %scan3A_360 : i32 to index
      %get3A_523 = arith.constant 112 : index
      %get3A_524 = tpu.vector_load %arg9[%get3A_522, %get3A_523] {strides = array<i32>} : memref<157x128xf32, #tpu.memory_space<vmem>>, vector<16xf32>,
      %gather3A_525 = tpu.vector_load_idx %arg6[%get3A_521] : memref<10240xf32, #tpu.memory_space<vmem>>[vector<16xi32>], vector<16xf32>,
      %mul3A_526 = arith.mulf %gather3A_525, %get3A_524 : vector<16xf32>
      %mul3A_527 = arith.constant 128 : i32
      %mul3A_528 = arith.muli %scan3A_360, %mul3A_527 : i32
      %add3A_529 = arith.constant 112 : i32
      %add3A_530 = arith.addi %mul3A_528, %add3A_529 : i32
      %swap3A_531 = arith.index_cast %add3A_530 : i32 to index
      %swap3A_532 = tpu.vector_load %arg10[%swap3A_531] {strides = array<i32>} : memref<20096xf32, #tpu.memory_space<vmem>>, vector<16xf32>,
      tpu.vector_store %arg10[%swap3A_531], %mul3A_526 {strides = array<i32>} : memref<20096xf32, #tpu.memory_space<vmem>>, vector<16xf32>,
      %get3A_533 = arith.index_cast %scan3A_360 : i32 to index
      %get3A_534 = arith.constant 112 : index
      %get3A_535 = tpu.vector_load %arg8[%get3A_533, %get3A_534] {strides = array<i32>} : memref<157x128xi32, #tpu.memory_space<vmem>>, vector<16xi32>,
      %mul3A_536 = arith.constant 128 : i32
      %mul3A_537 = arith.muli %scan3A_360, %mul3A_536 : i32
      %add3A_538 = arith.constant 112 : i32
      %add3A_539 = arith.addi %mul3A_537, %add3A_538 : i32
      %swap3A_540 = arith.index_cast %add3A_539 : i32 to index
      %swap3A_541 = tpu.vector_load %arg11[%swap3A_540] {strides = array<i32>} : memref<20096xi32, #tpu.memory_space<vmem>>, vector<16xi32>,
      tpu.vector_store %arg11[%swap3A_540], %get3A_535 {strides = array<i32>} : memref<20096xi32, #tpu.memory_space<vmem>>, vector<16xi32>,
      %scan3A_542 = arith.constant 0 : i32
      scf.yield %scan3A_542 : i32
    }
    %scan3A_83 = arith.constant 16 : i32
    %dma_start3A_84 = arith.constant 3072 : i32
    %dma_start3A_85 = tpu.memref_slice %arg10[%dma_start3A_84] : memref<20096xf32, #tpu.memory_space<vmem>> -> memref<2048xf32, #tpu.memory_space<vmem>>
    %dma_start3A_86 = arith.constant 3072 : i32
    %dma_start3A_87 = tpu.memref_slice %arg11[%dma_start3A_86] : memref<20096xi32, #tpu.memory_space<vmem>> -> memref<2048xi32, #tpu.memory_space<vmem>>
    %dma_start3A_88 = arith.constant 0 : i32
    %dma_start3A_89 = tpu.memref_slice %arg13[%dma_start3A_88] : memref<10240xf32, #tpu.memory_space<vmem_shared>> -> memref<10240xf32, #tpu.memory_space<vmem_shared>>
    tpu.enqueue_indirect_dma source(%dma_start3A_85 : memref<2048xf32, #tpu.memory_space<vmem>>) target(%dma_start3A_89 : memref<10240xf32, #tpu.memory_space<vmem_shared>>) offsets(%dma_start3A_87 : memref<2048xi32, #tpu.memory_space<vmem>>) semaphore(%arg16 : memref<!tpu.dma_semaphore, #tpu.memory_space<semaphore_mem>>) {add = true}
    %scan3A_90 = arith.constant 0 : i32
    %scan3A_91 = arith.constant 40 : i32
    %scan3A_92 = arith.constant 20 : i32
    %scan3A_93 = arith.addi %scan3A_91, %scan3A_92 : i32
    %scan3A_94 = arith.constant 1 : i32
    %scan3A_95 = scf.for %scan3A_360 = %scan3A_91 to %scan3A_93 step %scan3A_94 iter_args(%scan3A_361 = %scan3A_90) -> (i32)  : i32 {
      %get3A = arith.index_cast %scan3A_360 : i32 to index
      %get3A_362 = arith.constant 0 : index
      %get3A_363 = tpu.vector_load %arg7[%get3A, %get3A_362] {strides = array<i32>} : memref<157x128xi32, #tpu.memory_space<vmem>>, vector<16xi32>,
      %get3A_364 = arith.index_cast %scan3A_360 : i32 to index
      %get3A_365 = arith.constant 0 : index
      %get3A_366 = tpu.vector_load %arg9[%get3A_364, %get3A_365] {strides = array<i32>} : memref<157x128xf32, #tpu.memory_space<vmem>>, vector<16xf32>,
      %gather3A = tpu.vector_load_idx %arg6[%get3A_363] : memref<10240xf32, #tpu.memory_space<vmem>>[vector<16xi32>], vector<16xf32>,
      %mul3A_367 = arith.mulf %gather3A, %get3A_366 : vector<16xf32>
      %mul3A_368 = arith.constant 128 : i32
      %mul3A_369 = arith.muli %scan3A_360, %mul3A_368 : i32
      %add3A = arith.constant 0 : i32
      %add3A_370 = arith.addi %mul3A_369, %add3A : i32
      %swap3A = arith.index_cast %add3A_370 : i32 to index
      %swap3A_371 = tpu.vector_load %arg10[%swap3A] {strides = array<i32>} : memref<20096xf32, #tpu.memory_space<vmem>>, vector<16xf32>,
      tpu.vector_store %arg10[%swap3A], %mul3A_367 {strides = array<i32>} : memref<20096xf32, #tpu.memory_space<vmem>>, vector<16xf32>,
      %get3A_372 = arith.index_cast %scan3A_360 : i32 to index
      %get3A_373 = arith.constant 0 : index
      %get3A_374 = tpu.vector_load %arg8[%get3A_372, %get3A_373] {strides = array<i32>} : memref<157x128xi32, #tpu.memory_space<vmem>>, vector<16xi32>,
      %mul3A_375 = arith.constant 128 : i32
      %mul3A_376 = arith.muli %scan3A_360, %mul3A_375 : i32
      %add3A_377 = arith.constant 0 : i32
      %add3A_378 = arith.addi %mul3A_376, %add3A_377 : i32
      %swap3A_379 = arith.index_cast %add3A_378 : i32 to index
      %swap3A_380 = tpu.vector_load %arg11[%swap3A_379] {strides = array<i32>} : memref<20096xi32, #tpu.memory_space<vmem>>, vector<16xi32>,
      tpu.vector_store %arg11[%swap3A_379], %get3A_374 {strides = array<i32>} : memref<20096xi32, #tpu.memory_space<vmem>>, vector<16xi32>,
      %get3A_381 = arith.index_cast %scan3A_360 : i32 to index
      %get3A_382 = arith.constant 16 : index
      %get3A_383 = tpu.vector_load %arg7[%get3A_381, %get3A_382] {strides = array<i32>} : memref<157x128xi32, #tpu.memory_space<vmem>>, vector<16xi32>,
      %get3A_384 = arith.index_cast %scan3A_360 : i32 to index
      %get3A_385 = arith.constant 16 : index
      %get3A_386 = tpu.vector_load %arg9[%get3A_384, %get3A_385] {strides = array<i32>} : memref<157x128xf32, #tpu.memory_space<vmem>>, vector<16xf32>,
      %gather3A_387 = tpu.vector_load_idx %arg6[%get3A_383] : memref<10240xf32, #tpu.memory_space<vmem>>[vector<16xi32>], vector<16xf32>,
      %mul3A_388 = arith.mulf %gather3A_387, %get3A_386 : vector<16xf32>
      %mul3A_389 = arith.constant 128 : i32
      %mul3A_390 = arith.muli %scan3A_360, %mul3A_389 : i32
      %add3A_391 = arith.constant 16 : i32
      %add3A_392 = arith.addi %mul3A_390, %add3A_391 : i32
      %swap3A_393 = arith.index_cast %add3A_392 : i32 to index
      %swap3A_394 = tpu.vector_load %arg10[%swap3A_393] {strides = array<i32>} : memref<20096xf32, #tpu.memory_space<vmem>>, vector<16xf32>,
      tpu.vector_store %arg10[%swap3A_393], %mul3A_388 {strides = array<i32>} : memref<20096xf32, #tpu.memory_space<vmem>>, vector<16xf32>,
      %get3A_395 = arith.index_cast %scan3A_360 : i32 to index
      %get3A_396 = arith.constant 16 : index
      %get3A_397 = tpu.vector_load %arg8[%get3A_395, %get3A_396] {strides = array<i32>} : memref<157x128xi32, #tpu.memory_space<vmem>>, vector<16xi32>,
      %mul3A_398 = arith.constant 128 : i32
      %mul3A_399 = arith.muli %scan3A_360, %mul3A_398 : i32
      %add3A_400 = arith.constant 16 : i32
      %add3A_401 = arith.addi %mul3A_399, %add3A_400 : i32
      %swap3A_402 = arith.index_cast %add3A_401 : i32 to index
      %swap3A_403 = tpu.vector_load %arg11[%swap3A_402] {strides = array<i32>} : memref<20096xi32, #tpu.memory_space<vmem>>, vector<16xi32>,
      tpu.vector_store %arg11[%swap3A_402], %get3A_397 {strides = array<i32>} : memref<20096xi32, #tpu.memory_space<vmem>>, vector<16xi32>,
      %get3A_404 = arith.index_cast %scan3A_360 : i32 to index
      %get3A_405 = arith.constant 32 : index
      %get3A_406 = tpu.vector_load %arg7[%get3A_404, %get3A_405] {strides = array<i32>} : memref<157x128xi32, #tpu.memory_space<vmem>>, vector<16xi32>,
      %get3A_407 = arith.index_cast %scan3A_360 : i32 to index
      %get3A_408 = arith.constant 32 : index
      %get3A_409 = tpu.vector_load %arg9[%get3A_407, %get3A_408] {strides = array<i32>} : memref<157x128xf32, #tpu.memory_space<vmem>>, vector<16xf32>,
      %gather3A_410 = tpu.vector_load_idx %arg6[%get3A_406] : memref<10240xf32, #tpu.memory_space<vmem>>[vector<16xi32>], vector<16xf32>,
      %mul3A_411 = arith.mulf %gather3A_410, %get3A_409 : vector<16xf32>
      %mul3A_412 = arith.constant 128 : i32
      %mul3A_413 = arith.muli %scan3A_360, %mul3A_412 : i32
      %add3A_414 = arith.constant 32 : i32
      %add3A_415 = arith.addi %mul3A_413, %add3A_414 : i32
      %swap3A_416 = arith.index_cast %add3A_415 : i32 to index
      %swap3A_417 = tpu.vector_load %arg10[%swap3A_416] {strides = array<i32>} : memref<20096xf32, #tpu.memory_space<vmem>>, vector<16xf32>,
      tpu.vector_store %arg10[%swap3A_416], %mul3A_411 {strides = array<i32>} : memref<20096xf32, #tpu.memory_space<vmem>>, vector<16xf32>,
      %get3A_418 = arith.index_cast %scan3A_360 : i32 to index
      %get3A_419 = arith.constant 32 : index
      %get3A_420 = tpu.vector_load %arg8[%get3A_418, %get3A_419] {strides = array<i32>} : memref<157x128xi32, #tpu.memory_space<vmem>>, vector<16xi32>,
      %mul3A_421 = arith.constant 128 : i32
      %mul3A_422 = arith.muli %scan3A_360, %mul3A_421 : i32
      %add3A_423 = arith.constant 32 : i32
      %add3A_424 = arith.addi %mul3A_422, %add3A_423 : i32
      %swap3A_425 = arith.index_cast %add3A_424 : i32 to index
      %swap3A_426 = tpu.vector_load %arg11[%swap3A_425] {strides = array<i32>} : memref<20096xi32, #tpu.memory_space<vmem>>, vector<16xi32>,
      tpu.vector_store %arg11[%swap3A_425], %get3A_420 {strides = array<i32>} : memref<20096xi32, #tpu.memory_space<vmem>>, vector<16xi32>,
      %get3A_427 = arith.index_cast %scan3A_360 : i32 to index
      %get3A_428 = arith.constant 48 : index
      %get3A_429 = tpu.vector_load %arg7[%get3A_427, %get3A_428] {strides = array<i32>} : memref<157x128xi32, #tpu.memory_space<vmem>>, vector<16xi32>,
      %get3A_430 = arith.index_cast %scan3A_360 : i32 to index
      %get3A_431 = arith.constant 48 : index
      %get3A_432 = tpu.vector_load %arg9[%get3A_430, %get3A_431] {strides = array<i32>} : memref<157x128xf32, #tpu.memory_space<vmem>>, vector<16xf32>,
      %gather3A_433 = tpu.vector_load_idx %arg6[%get3A_429] : memref<10240xf32, #tpu.memory_space<vmem>>[vector<16xi32>], vector<16xf32>,
      %mul3A_434 = arith.mulf %gather3A_433, %get3A_432 : vector<16xf32>
      %mul3A_435 = arith.constant 128 : i32
      %mul3A_436 = arith.muli %scan3A_360, %mul3A_435 : i32
      %add3A_437 = arith.constant 48 : i32
      %add3A_438 = arith.addi %mul3A_436, %add3A_437 : i32
      %swap3A_439 = arith.index_cast %add3A_438 : i32 to index
      %swap3A_440 = tpu.vector_load %arg10[%swap3A_439] {strides = array<i32>} : memref<20096xf32, #tpu.memory_space<vmem>>, vector<16xf32>,
      tpu.vector_store %arg10[%swap3A_439], %mul3A_434 {strides = array<i32>} : memref<20096xf32, #tpu.memory_space<vmem>>, vector<16xf32>,
      %get3A_441 = arith.index_cast %scan3A_360 : i32 to index
      %get3A_442 = arith.constant 48 : index
      %get3A_443 = tpu.vector_load %arg8[%get3A_441, %get3A_442] {strides = array<i32>} : memref<157x128xi32, #tpu.memory_space<vmem>>, vector<16xi32>,
      %mul3A_444 = arith.constant 128 : i32
      %mul3A_445 = arith.muli %scan3A_360, %mul3A_444 : i32
      %add3A_446 = arith.constant 48 : i32
      %add3A_447 = arith.addi %mul3A_445, %add3A_446 : i32
      %swap3A_448 = arith.index_cast %add3A_447 : i32 to index
      %swap3A_449 = tpu.vector_load %arg11[%swap3A_448] {strides = array<i32>} : memref<20096xi32, #tpu.memory_space<vmem>>, vector<16xi32>,
      tpu.vector_store %arg11[%swap3A_448], %get3A_443 {strides = array<i32>} : memref<20096xi32, #tpu.memory_space<vmem>>, vector<16xi32>,
      %get3A_450 = arith.index_cast %scan3A_360 : i32 to index
      %get3A_451 = arith.constant 64 : index
      %get3A_452 = tpu.vector_load %arg7[%get3A_450, %get3A_451] {strides = array<i32>} : memref<157x128xi32, #tpu.memory_space<vmem>>, vector<16xi32>,
      %get3A_453 = arith.index_cast %scan3A_360 : i32 to index
      %get3A_454 = arith.constant 64 : index
      %get3A_455 = tpu.vector_load %arg9[%get3A_453, %get3A_454] {strides = array<i32>} : memref<157x128xf32, #tpu.memory_space<vmem>>, vector<16xf32>,
      %gather3A_456 = tpu.vector_load_idx %arg6[%get3A_452] : memref<10240xf32, #tpu.memory_space<vmem>>[vector<16xi32>], vector<16xf32>,
      %mul3A_457 = arith.mulf %gather3A_456, %get3A_455 : vector<16xf32>
      %mul3A_458 = arith.constant 128 : i32
      %mul3A_459 = arith.muli %scan3A_360, %mul3A_458 : i32
      %add3A_460 = arith.constant 64 : i32
      %add3A_461 = arith.addi %mul3A_459, %add3A_460 : i32
      %swap3A_462 = arith.index_cast %add3A_461 : i32 to index
      %swap3A_463 = tpu.vector_load %arg10[%swap3A_462] {strides = array<i32>} : memref<20096xf32, #tpu.memory_space<vmem>>, vector<16xf32>,
      tpu.vector_store %arg10[%swap3A_462], %mul3A_457 {strides = array<i32>} : memref<20096xf32, #tpu.memory_space<vmem>>, vector<16xf32>,
      %get3A_464 = arith.index_cast %scan3A_360 : i32 to index
      %get3A_465 = arith.constant 64 : index
      %get3A_466 = tpu.vector_load %arg8[%get3A_464, %get3A_465] {strides = array<i32>} : memref<157x128xi32, #tpu.memory_space<vmem>>, vector<16xi32>,
      %mul3A_467 = arith.constant 128 : i32
      %mul3A_468 = arith.muli %scan3A_360, %mul3A_467 : i32
      %add3A_469 = arith.constant 64 : i32
      %add3A_470 = arith.addi %mul3A_468, %add3A_469 : i32
      %swap3A_471 = arith.index_cast %add3A_470 : i32 to index
      %swap3A_472 = tpu.vector_load %arg11[%swap3A_471] {strides = array<i32>} : memref<20096xi32, #tpu.memory_space<vmem>>, vector<16xi32>,
      tpu.vector_store %arg11[%swap3A_471], %get3A_466 {strides = array<i32>} : memref<20096xi32, #tpu.memory_space<vmem>>, vector<16xi32>,
      %get3A_473 = arith.index_cast %scan3A_360 : i32 to index
      %get3A_474 = arith.constant 80 : index
      %get3A_475 = tpu.vector_load %arg7[%get3A_473, %get3A_474] {strides = array<i32>} : memref<157x128xi32, #tpu.memory_space<vmem>>, vector<16xi32>,
      %get3A_476 = arith.index_cast %scan3A_360 : i32 to index
      %get3A_477 = arith.constant 80 : index
      %get3A_478 = tpu.vector_load %arg9[%get3A_476, %get3A_477] {strides = array<i32>} : memref<157x128xf32, #tpu.memory_space<vmem>>, vector<16xf32>,
      %gather3A_479 = tpu.vector_load_idx %arg6[%get3A_475] : memref<10240xf32, #tpu.memory_space<vmem>>[vector<16xi32>], vector<16xf32>,
      %mul3A_480 = arith.mulf %gather3A_479, %get3A_478 : vector<16xf32>
      %mul3A_481 = arith.constant 128 : i32
      %mul3A_482 = arith.muli %scan3A_360, %mul3A_481 : i32
      %add3A_483 = arith.constant 80 : i32
      %add3A_484 = arith.addi %mul3A_482, %add3A_483 : i32
      %swap3A_485 = arith.index_cast %add3A_484 : i32 to index
      %swap3A_486 = tpu.vector_load %arg10[%swap3A_485] {strides = array<i32>} : memref<20096xf32, #tpu.memory_space<vmem>>, vector<16xf32>,
      tpu.vector_store %arg10[%swap3A_485], %mul3A_480 {strides = array<i32>} : memref<20096xf32, #tpu.memory_space<vmem>>, vector<16xf32>,
      %get3A_487 = arith.index_cast %scan3A_360 : i32 to index
      %get3A_488 = arith.constant 80 : index
      %get3A_489 = tpu.vector_load %arg8[%get3A_487, %get3A_488] {strides = array<i32>} : memref<157x128xi32, #tpu.memory_space<vmem>>, vector<16xi32>,
      %mul3A_490 = arith.constant 128 : i32
      %mul3A_491 = arith.muli %scan3A_360, %mul3A_490 : i32
      %add3A_492 = arith.constant 80 : i32
      %add3A_493 = arith.addi %mul3A_491, %add3A_492 : i32
      %swap3A_494 = arith.index_cast %add3A_493 : i32 to index
      %swap3A_495 = tpu.vector_load %arg11[%swap3A_494] {strides = array<i32>} : memref<20096xi32, #tpu.memory_space<vmem>>, vector<16xi32>,
      tpu.vector_store %arg11[%swap3A_494], %get3A_489 {strides = array<i32>} : memref<20096xi32, #tpu.memory_space<vmem>>, vector<16xi32>,
      %get3A_496 = arith.index_cast %scan3A_360 : i32 to index
      %get3A_497 = arith.constant 96 : index
      %get3A_498 = tpu.vector_load %arg7[%get3A_496, %get3A_497] {strides = array<i32>} : memref<157x128xi32, #tpu.memory_space<vmem>>, vector<16xi32>,
      %get3A_499 = arith.index_cast %scan3A_360 : i32 to index
      %get3A_500 = arith.constant 96 : index
      %get3A_501 = tpu.vector_load %arg9[%get3A_499, %get3A_500] {strides = array<i32>} : memref<157x128xf32, #tpu.memory_space<vmem>>, vector<16xf32>,
      %gather3A_502 = tpu.vector_load_idx %arg6[%get3A_498] : memref<10240xf32, #tpu.memory_space<vmem>>[vector<16xi32>], vector<16xf32>,
      %mul3A_503 = arith.mulf %gather3A_502, %get3A_501 : vector<16xf32>
      %mul3A_504 = arith.constant 128 : i32
      %mul3A_505 = arith.muli %scan3A_360, %mul3A_504 : i32
      %add3A_506 = arith.constant 96 : i32
      %add3A_507 = arith.addi %mul3A_505, %add3A_506 : i32
      %swap3A_508 = arith.index_cast %add3A_507 : i32 to index
      %swap3A_509 = tpu.vector_load %arg10[%swap3A_508] {strides = array<i32>} : memref<20096xf32, #tpu.memory_space<vmem>>, vector<16xf32>,
      tpu.vector_store %arg10[%swap3A_508], %mul3A_503 {strides = array<i32>} : memref<20096xf32, #tpu.memory_space<vmem>>, vector<16xf32>,
      %get3A_510 = arith.index_cast %scan3A_360 : i32 to index
      %get3A_511 = arith.constant 96 : index
      %get3A_512 = tpu.vector_load %arg8[%get3A_510, %get3A_511] {strides = array<i32>} : memref<157x128xi32, #tpu.memory_space<vmem>>, vector<16xi32>,
      %mul3A_513 = arith.constant 128 : i32
      %mul3A_514 = arith.muli %scan3A_360, %mul3A_513 : i32
      %add3A_515 = arith.constant 96 : i32
      %add3A_516 = arith.addi %mul3A_514, %add3A_515 : i32
      %swap3A_517 = arith.index_cast %add3A_516 : i32 to index
      %swap3A_518 = tpu.vector_load %arg11[%swap3A_517] {strides = array<i32>} : memref<20096xi32, #tpu.memory_space<vmem>>, vector<16xi32>,
      tpu.vector_store %arg11[%swap3A_517], %get3A_512 {strides = array<i32>} : memref<20096xi32, #tpu.memory_space<vmem>>, vector<16xi32>,
      %get3A_519 = arith.index_cast %scan3A_360 : i32 to index
      %get3A_520 = arith.constant 112 : index
      %get3A_521 = tpu.vector_load %arg7[%get3A_519, %get3A_520] {strides = array<i32>} : memref<157x128xi32, #tpu.memory_space<vmem>>, vector<16xi32>,
      %get3A_522 = arith.index_cast %scan3A_360 : i32 to index
      %get3A_523 = arith.constant 112 : index
      %get3A_524 = tpu.vector_load %arg9[%get3A_522, %get3A_523] {strides = array<i32>} : memref<157x128xf32, #tpu.memory_space<vmem>>, vector<16xf32>,
      %gather3A_525 = tpu.vector_load_idx %arg6[%get3A_521] : memref<10240xf32, #tpu.memory_space<vmem>>[vector<16xi32>], vector<16xf32>,
      %mul3A_526 = arith.mulf %gather3A_525, %get3A_524 : vector<16xf32>
      %mul3A_527 = arith.constant 128 : i32
      %mul3A_528 = arith.muli %scan3A_360, %mul3A_527 : i32
      %add3A_529 = arith.constant 112 : i32
      %add3A_530 = arith.addi %mul3A_528, %add3A_529 : i32
      %swap3A_531 = arith.index_cast %add3A_530 : i32 to index
      %swap3A_532 = tpu.vector_load %arg10[%swap3A_531] {strides = array<i32>} : memref<20096xf32, #tpu.memory_space<vmem>>, vector<16xf32>,
      tpu.vector_store %arg10[%swap3A_531], %mul3A_526 {strides = array<i32>} : memref<20096xf32, #tpu.memory_space<vmem>>, vector<16xf32>,
      %get3A_533 = arith.index_cast %scan3A_360 : i32 to index
      %get3A_534 = arith.constant 112 : index
      %get3A_535 = tpu.vector_load %arg8[%get3A_533, %get3A_534] {strides = array<i32>} : memref<157x128xi32, #tpu.memory_space<vmem>>, vector<16xi32>,
      %mul3A_536 = arith.constant 128 : i32
      %mul3A_537 = arith.muli %scan3A_360, %mul3A_536 : i32
      %add3A_538 = arith.constant 112 : i32
      %add3A_539 = arith.addi %mul3A_537, %add3A_538 : i32
      %swap3A_540 = arith.index_cast %add3A_539 : i32 to index
      %swap3A_541 = tpu.vector_load %arg11[%swap3A_540] {strides = array<i32>} : memref<20096xi32, #tpu.memory_space<vmem>>, vector<16xi32>,
      tpu.vector_store %arg11[%swap3A_540], %get3A_535 {strides = array<i32>} : memref<20096xi32, #tpu.memory_space<vmem>>, vector<16xi32>,
      %scan3A_542 = arith.constant 0 : i32
      scf.yield %scan3A_542 : i32
    }
    %scan3A_96 = arith.constant 20 : i32
    %dma_start3A_97 = arith.constant 5120 : i32
    %dma_start3A_98 = tpu.memref_slice %arg10[%dma_start3A_97] : memref<20096xf32, #tpu.memory_space<vmem>> -> memref<2560xf32, #tpu.memory_space<vmem>>
    %dma_start3A_99 = arith.constant 5120 : i32
    %dma_start3A_100 = tpu.memref_slice %arg11[%dma_start3A_99] : memref<20096xi32, #tpu.memory_space<vmem>> -> memref<2560xi32, #tpu.memory_space<vmem>>
    %dma_start3A_101 = arith.constant 0 : i32
    %dma_start3A_102 = tpu.memref_slice %arg13[%dma_start3A_101] : memref<10240xf32, #tpu.memory_space<vmem_shared>> -> memref<10240xf32, #tpu.memory_space<vmem_shared>>
    tpu.enqueue_indirect_dma source(%dma_start3A_98 : memref<2560xf32, #tpu.memory_space<vmem>>) target(%dma_start3A_102 : memref<10240xf32, #tpu.memory_space<vmem_shared>>) offsets(%dma_start3A_100 : memref<2560xi32, #tpu.memory_space<vmem>>) semaphore(%arg16 : memref<!tpu.dma_semaphore, #tpu.memory_space<semaphore_mem>>) {add = true}
    %scan3A_103 = arith.constant 0 : i32
    %scan3A_104 = arith.constant 60 : i32
    %scan3A_105 = arith.constant 24 : i32
    %scan3A_106 = arith.addi %scan3A_104, %scan3A_105 : i32
    %scan3A_107 = arith.constant 1 : i32
    %scan3A_108 = scf.for %scan3A_360 = %scan3A_104 to %scan3A_106 step %scan3A_107 iter_args(%scan3A_361 = %scan3A_103) -> (i32)  : i32 {
      %get3A = arith.index_cast %scan3A_360 : i32 to index
      %get3A_362 = arith.constant 0 : index
      %get3A_363 = tpu.vector_load %arg7[%get3A, %get3A_362] {strides = array<i32>} : memref<157x128xi32, #tpu.memory_space<vmem>>, vector<16xi32>,
      %get3A_364 = arith.index_cast %scan3A_360 : i32 to index
      %get3A_365 = arith.constant 0 : index
      %get3A_366 = tpu.vector_load %arg9[%get3A_364, %get3A_365] {strides = array<i32>} : memref<157x128xf32, #tpu.memory_space<vmem>>, vector<16xf32>,
      %gather3A = tpu.vector_load_idx %arg6[%get3A_363] : memref<10240xf32, #tpu.memory_space<vmem>>[vector<16xi32>], vector<16xf32>,
      %mul3A_367 = arith.mulf %gather3A, %get3A_366 : vector<16xf32>
      %mul3A_368 = arith.constant 128 : i32
      %mul3A_369 = arith.muli %scan3A_360, %mul3A_368 : i32
      %add3A = arith.constant 0 : i32
      %add3A_370 = arith.addi %mul3A_369, %add3A : i32
      %swap3A = arith.index_cast %add3A_370 : i32 to index
      %swap3A_371 = tpu.vector_load %arg10[%swap3A] {strides = array<i32>} : memref<20096xf32, #tpu.memory_space<vmem>>, vector<16xf32>,
      tpu.vector_store %arg10[%swap3A], %mul3A_367 {strides = array<i32>} : memref<20096xf32, #tpu.memory_space<vmem>>, vector<16xf32>,
      %get3A_372 = arith.index_cast %scan3A_360 : i32 to index
      %get3A_373 = arith.constant 0 : index
      %get3A_374 = tpu.vector_load %arg8[%get3A_372, %get3A_373] {strides = array<i32>} : memref<157x128xi32, #tpu.memory_space<vmem>>, vector<16xi32>,
      %mul3A_375 = arith.constant 128 : i32
      %mul3A_376 = arith.muli %scan3A_360, %mul3A_375 : i32
      %add3A_377 = arith.constant 0 : i32
      %add3A_378 = arith.addi %mul3A_376, %add3A_377 : i32
      %swap3A_379 = arith.index_cast %add3A_378 : i32 to index
      %swap3A_380 = tpu.vector_load %arg11[%swap3A_379] {strides = array<i32>} : memref<20096xi32, #tpu.memory_space<vmem>>, vector<16xi32>,
      tpu.vector_store %arg11[%swap3A_379], %get3A_374 {strides = array<i32>} : memref<20096xi32, #tpu.memory_space<vmem>>, vector<16xi32>,
      %get3A_381 = arith.index_cast %scan3A_360 : i32 to index
      %get3A_382 = arith.constant 16 : index
      %get3A_383 = tpu.vector_load %arg7[%get3A_381, %get3A_382] {strides = array<i32>} : memref<157x128xi32, #tpu.memory_space<vmem>>, vector<16xi32>,
      %get3A_384 = arith.index_cast %scan3A_360 : i32 to index
      %get3A_385 = arith.constant 16 : index
      %get3A_386 = tpu.vector_load %arg9[%get3A_384, %get3A_385] {strides = array<i32>} : memref<157x128xf32, #tpu.memory_space<vmem>>, vector<16xf32>,
      %gather3A_387 = tpu.vector_load_idx %arg6[%get3A_383] : memref<10240xf32, #tpu.memory_space<vmem>>[vector<16xi32>], vector<16xf32>,
      %mul3A_388 = arith.mulf %gather3A_387, %get3A_386 : vector<16xf32>
      %mul3A_389 = arith.constant 128 : i32
      %mul3A_390 = arith.muli %scan3A_360, %mul3A_389 : i32
      %add3A_391 = arith.constant 16 : i32
      %add3A_392 = arith.addi %mul3A_390, %add3A_391 : i32
      %swap3A_393 = arith.index_cast %add3A_392 : i32 to index
      %swap3A_394 = tpu.vector_load %arg10[%swap3A_393] {strides = array<i32>} : memref<20096xf32, #tpu.memory_space<vmem>>, vector<16xf32>,
      tpu.vector_store %arg10[%swap3A_393], %mul3A_388 {strides = array<i32>} : memref<20096xf32, #tpu.memory_space<vmem>>, vector<16xf32>,
      %get3A_395 = arith.index_cast %scan3A_360 : i32 to index
      %get3A_396 = arith.constant 16 : index
      %get3A_397 = tpu.vector_load %arg8[%get3A_395, %get3A_396] {strides = array<i32>} : memref<157x128xi32, #tpu.memory_space<vmem>>, vector<16xi32>,
      %mul3A_398 = arith.constant 128 : i32
      %mul3A_399 = arith.muli %scan3A_360, %mul3A_398 : i32
      %add3A_400 = arith.constant 16 : i32
      %add3A_401 = arith.addi %mul3A_399, %add3A_400 : i32
      %swap3A_402 = arith.index_cast %add3A_401 : i32 to index
      %swap3A_403 = tpu.vector_load %arg11[%swap3A_402] {strides = array<i32>} : memref<20096xi32, #tpu.memory_space<vmem>>, vector<16xi32>,
      tpu.vector_store %arg11[%swap3A_402], %get3A_397 {strides = array<i32>} : memref<20096xi32, #tpu.memory_space<vmem>>, vector<16xi32>,
      %get3A_404 = arith.index_cast %scan3A_360 : i32 to index
      %get3A_405 = arith.constant 32 : index
      %get3A_406 = tpu.vector_load %arg7[%get3A_404, %get3A_405] {strides = array<i32>} : memref<157x128xi32, #tpu.memory_space<vmem>>, vector<16xi32>,
      %get3A_407 = arith.index_cast %scan3A_360 : i32 to index
      %get3A_408 = arith.constant 32 : index
      %get3A_409 = tpu.vector_load %arg9[%get3A_407, %get3A_408] {strides = array<i32>} : memref<157x128xf32, #tpu.memory_space<vmem>>, vector<16xf32>,
      %gather3A_410 = tpu.vector_load_idx %arg6[%get3A_406] : memref<10240xf32, #tpu.memory_space<vmem>>[vector<16xi32>], vector<16xf32>,
      %mul3A_411 = arith.mulf %gather3A_410, %get3A_409 : vector<16xf32>
      %mul3A_412 = arith.constant 128 : i32
      %mul3A_413 = arith.muli %scan3A_360, %mul3A_412 : i32
      %add3A_414 = arith.constant 32 : i32
      %add3A_415 = arith.addi %mul3A_413, %add3A_414 : i32
      %swap3A_416 = arith.index_cast %add3A_415 : i32 to index
      %swap3A_417 = tpu.vector_load %arg10[%swap3A_416] {strides = array<i32>} : memref<20096xf32, #tpu.memory_space<vmem>>, vector<16xf32>,
      tpu.vector_store %arg10[%swap3A_416], %mul3A_411 {strides = array<i32>} : memref<20096xf32, #tpu.memory_space<vmem>>, vector<16xf32>,
      %get3A_418 = arith.index_cast %scan3A_360 : i32 to index
      %get3A_419 = arith.constant 32 : index
      %get3A_420 = tpu.vector_load %arg8[%get3A_418, %get3A_419] {strides = array<i32>} : memref<157x128xi32, #tpu.memory_space<vmem>>, vector<16xi32>,
      %mul3A_421 = arith.constant 128 : i32
      %mul3A_422 = arith.muli %scan3A_360, %mul3A_421 : i32
      %add3A_423 = arith.constant 32 : i32
      %add3A_424 = arith.addi %mul3A_422, %add3A_423 : i32
      %swap3A_425 = arith.index_cast %add3A_424 : i32 to index
      %swap3A_426 = tpu.vector_load %arg11[%swap3A_425] {strides = array<i32>} : memref<20096xi32, #tpu.memory_space<vmem>>, vector<16xi32>,
      tpu.vector_store %arg11[%swap3A_425], %get3A_420 {strides = array<i32>} : memref<20096xi32, #tpu.memory_space<vmem>>, vector<16xi32>,
      %get3A_427 = arith.index_cast %scan3A_360 : i32 to index
      %get3A_428 = arith.constant 48 : index
      %get3A_429 = tpu.vector_load %arg7[%get3A_427, %get3A_428] {strides = array<i32>} : memref<157x128xi32, #tpu.memory_space<vmem>>, vector<16xi32>,
      %get3A_430 = arith.index_cast %scan3A_360 : i32 to index
      %get3A_431 = arith.constant 48 : index
      %get3A_432 = tpu.vector_load %arg9[%get3A_430, %get3A_431] {strides = array<i32>} : memref<157x128xf32, #tpu.memory_space<vmem>>, vector<16xf32>,
      %gather3A_433 = tpu.vector_load_idx %arg6[%get3A_429] : memref<10240xf32, #tpu.memory_space<vmem>>[vector<16xi32>], vector<16xf32>,
      %mul3A_434 = arith.mulf %gather3A_433, %get3A_432 : vector<16xf32>
      %mul3A_435 = arith.constant 128 : i32
      %mul3A_436 = arith.muli %scan3A_360, %mul3A_435 : i32
      %add3A_437 = arith.constant 48 : i32
      %add3A_438 = arith.addi %mul3A_436, %add3A_437 : i32
      %swap3A_439 = arith.index_cast %add3A_438 : i32 to index
      %swap3A_440 = tpu.vector_load %arg10[%swap3A_439] {strides = array<i32>} : memref<20096xf32, #tpu.memory_space<vmem>>, vector<16xf32>,
      tpu.vector_store %arg10[%swap3A_439], %mul3A_434 {strides = array<i32>} : memref<20096xf32, #tpu.memory_space<vmem>>, vector<16xf32>,
      %get3A_441 = arith.index_cast %scan3A_360 : i32 to index
      %get3A_442 = arith.constant 48 : index
      %get3A_443 = tpu.vector_load %arg8[%get3A_441, %get3A_442] {strides = array<i32>} : memref<157x128xi32, #tpu.memory_space<vmem>>, vector<16xi32>,
      %mul3A_444 = arith.constant 128 : i32
      %mul3A_445 = arith.muli %scan3A_360, %mul3A_444 : i32
      %add3A_446 = arith.constant 48 : i32
      %add3A_447 = arith.addi %mul3A_445, %add3A_446 : i32
      %swap3A_448 = arith.index_cast %add3A_447 : i32 to index
      %swap3A_449 = tpu.vector_load %arg11[%swap3A_448] {strides = array<i32>} : memref<20096xi32, #tpu.memory_space<vmem>>, vector<16xi32>,
      tpu.vector_store %arg11[%swap3A_448], %get3A_443 {strides = array<i32>} : memref<20096xi32, #tpu.memory_space<vmem>>, vector<16xi32>,
      %get3A_450 = arith.index_cast %scan3A_360 : i32 to index
      %get3A_451 = arith.constant 64 : index
      %get3A_452 = tpu.vector_load %arg7[%get3A_450, %get3A_451] {strides = array<i32>} : memref<157x128xi32, #tpu.memory_space<vmem>>, vector<16xi32>,
      %get3A_453 = arith.index_cast %scan3A_360 : i32 to index
      %get3A_454 = arith.constant 64 : index
      %get3A_455 = tpu.vector_load %arg9[%get3A_453, %get3A_454] {strides = array<i32>} : memref<157x128xf32, #tpu.memory_space<vmem>>, vector<16xf32>,
      %gather3A_456 = tpu.vector_load_idx %arg6[%get3A_452] : memref<10240xf32, #tpu.memory_space<vmem>>[vector<16xi32>], vector<16xf32>,
      %mul3A_457 = arith.mulf %gather3A_456, %get3A_455 : vector<16xf32>
      %mul3A_458 = arith.constant 128 : i32
      %mul3A_459 = arith.muli %scan3A_360, %mul3A_458 : i32
      %add3A_460 = arith.constant 64 : i32
      %add3A_461 = arith.addi %mul3A_459, %add3A_460 : i32
      %swap3A_462 = arith.index_cast %add3A_461 : i32 to index
      %swap3A_463 = tpu.vector_load %arg10[%swap3A_462] {strides = array<i32>} : memref<20096xf32, #tpu.memory_space<vmem>>, vector<16xf32>,
      tpu.vector_store %arg10[%swap3A_462], %mul3A_457 {strides = array<i32>} : memref<20096xf32, #tpu.memory_space<vmem>>, vector<16xf32>,
      %get3A_464 = arith.index_cast %scan3A_360 : i32 to index
      %get3A_465 = arith.constant 64 : index
      %get3A_466 = tpu.vector_load %arg8[%get3A_464, %get3A_465] {strides = array<i32>} : memref<157x128xi32, #tpu.memory_space<vmem>>, vector<16xi32>,
      %mul3A_467 = arith.constant 128 : i32
      %mul3A_468 = arith.muli %scan3A_360, %mul3A_467 : i32
      %add3A_469 = arith.constant 64 : i32
      %add3A_470 = arith.addi %mul3A_468, %add3A_469 : i32
      %swap3A_471 = arith.index_cast %add3A_470 : i32 to index
      %swap3A_472 = tpu.vector_load %arg11[%swap3A_471] {strides = array<i32>} : memref<20096xi32, #tpu.memory_space<vmem>>, vector<16xi32>,
      tpu.vector_store %arg11[%swap3A_471], %get3A_466 {strides = array<i32>} : memref<20096xi32, #tpu.memory_space<vmem>>, vector<16xi32>,
      %get3A_473 = arith.index_cast %scan3A_360 : i32 to index
      %get3A_474 = arith.constant 80 : index
      %get3A_475 = tpu.vector_load %arg7[%get3A_473, %get3A_474] {strides = array<i32>} : memref<157x128xi32, #tpu.memory_space<vmem>>, vector<16xi32>,
      %get3A_476 = arith.index_cast %scan3A_360 : i32 to index
      %get3A_477 = arith.constant 80 : index
      %get3A_478 = tpu.vector_load %arg9[%get3A_476, %get3A_477] {strides = array<i32>} : memref<157x128xf32, #tpu.memory_space<vmem>>, vector<16xf32>,
      %gather3A_479 = tpu.vector_load_idx %arg6[%get3A_475] : memref<10240xf32, #tpu.memory_space<vmem>>[vector<16xi32>], vector<16xf32>,
      %mul3A_480 = arith.mulf %gather3A_479, %get3A_478 : vector<16xf32>
      %mul3A_481 = arith.constant 128 : i32
      %mul3A_482 = arith.muli %scan3A_360, %mul3A_481 : i32
      %add3A_483 = arith.constant 80 : i32
      %add3A_484 = arith.addi %mul3A_482, %add3A_483 : i32
      %swap3A_485 = arith.index_cast %add3A_484 : i32 to index
      %swap3A_486 = tpu.vector_load %arg10[%swap3A_485] {strides = array<i32>} : memref<20096xf32, #tpu.memory_space<vmem>>, vector<16xf32>,
      tpu.vector_store %arg10[%swap3A_485], %mul3A_480 {strides = array<i32>} : memref<20096xf32, #tpu.memory_space<vmem>>, vector<16xf32>,
      %get3A_487 = arith.index_cast %scan3A_360 : i32 to index
      %get3A_488 = arith.constant 80 : index
      %get3A_489 = tpu.vector_load %arg8[%get3A_487, %get3A_488] {strides = array<i32>} : memref<157x128xi32, #tpu.memory_space<vmem>>, vector<16xi32>,
      %mul3A_490 = arith.constant 128 : i32
      %mul3A_491 = arith.muli %scan3A_360, %mul3A_490 : i32
      %add3A_492 = arith.constant 80 : i32
      %add3A_493 = arith.addi %mul3A_491, %add3A_492 : i32
      %swap3A_494 = arith.index_cast %add3A_493 : i32 to index
      %swap3A_495 = tpu.vector_load %arg11[%swap3A_494] {strides = array<i32>} : memref<20096xi32, #tpu.memory_space<vmem>>, vector<16xi32>,
      tpu.vector_store %arg11[%swap3A_494], %get3A_489 {strides = array<i32>} : memref<20096xi32, #tpu.memory_space<vmem>>, vector<16xi32>,
      %get3A_496 = arith.index_cast %scan3A_360 : i32 to index
      %get3A_497 = arith.constant 96 : index
      %get3A_498 = tpu.vector_load %arg7[%get3A_496, %get3A_497] {strides = array<i32>} : memref<157x128xi32, #tpu.memory_space<vmem>>, vector<16xi32>,
      %get3A_499 = arith.index_cast %scan3A_360 : i32 to index
      %get3A_500 = arith.constant 96 : index
      %get3A_501 = tpu.vector_load %arg9[%get3A_499, %get3A_500] {strides = array<i32>} : memref<157x128xf32, #tpu.memory_space<vmem>>, vector<16xf32>,
      %gather3A_502 = tpu.vector_load_idx %arg6[%get3A_498] : memref<10240xf32, #tpu.memory_space<vmem>>[vector<16xi32>], vector<16xf32>,
      %mul3A_503 = arith.mulf %gather3A_502, %get3A_501 : vector<16xf32>
      %mul3A_504 = arith.constant 128 : i32
      %mul3A_505 = arith.muli %scan3A_360, %mul3A_504 : i32
      %add3A_506 = arith.constant 96 : i32
      %add3A_507 = arith.addi %mul3A_505, %add3A_506 : i32
      %swap3A_508 = arith.index_cast %add3A_507 : i32 to index
      %swap3A_509 = tpu.vector_load %arg10[%swap3A_508] {strides = array<i32>} : memref<20096xf32, #tpu.memory_space<vmem>>, vector<16xf32>,
      tpu.vector_store %arg10[%swap3A_508], %mul3A_503 {strides = array<i32>} : memref<20096xf32, #tpu.memory_space<vmem>>, vector<16xf32>,
      %get3A_510 = arith.index_cast %scan3A_360 : i32 to index
      %get3A_511 = arith.constant 96 : index
      %get3A_512 = tpu.vector_load %arg8[%get3A_510, %get3A_511] {strides = array<i32>} : memref<157x128xi32, #tpu.memory_space<vmem>>, vector<16xi32>,
      %mul3A_513 = arith.constant 128 : i32
      %mul3A_514 = arith.muli %scan3A_360, %mul3A_513 : i32
      %add3A_515 = arith.constant 96 : i32
      %add3A_516 = arith.addi %mul3A_514, %add3A_515 : i32
      %swap3A_517 = arith.index_cast %add3A_516 : i32 to index
      %swap3A_518 = tpu.vector_load %arg11[%swap3A_517] {strides = array<i32>} : memref<20096xi32, #tpu.memory_space<vmem>>, vector<16xi32>,
      tpu.vector_store %arg11[%swap3A_517], %get3A_512 {strides = array<i32>} : memref<20096xi32, #tpu.memory_space<vmem>>, vector<16xi32>,
      %get3A_519 = arith.index_cast %scan3A_360 : i32 to index
      %get3A_520 = arith.constant 112 : index
      %get3A_521 = tpu.vector_load %arg7[%get3A_519, %get3A_520] {strides = array<i32>} : memref<157x128xi32, #tpu.memory_space<vmem>>, vector<16xi32>,
      %get3A_522 = arith.index_cast %scan3A_360 : i32 to index
      %get3A_523 = arith.constant 112 : index
      %get3A_524 = tpu.vector_load %arg9[%get3A_522, %get3A_523] {strides = array<i32>} : memref<157x128xf32, #tpu.memory_space<vmem>>, vector<16xf32>,
      %gather3A_525 = tpu.vector_load_idx %arg6[%get3A_521] : memref<10240xf32, #tpu.memory_space<vmem>>[vector<16xi32>], vector<16xf32>,
      %mul3A_526 = arith.mulf %gather3A_525, %get3A_524 : vector<16xf32>
      %mul3A_527 = arith.constant 128 : i32
      %mul3A_528 = arith.muli %scan3A_360, %mul3A_527 : i32
      %add3A_529 = arith.constant 112 : i32
      %add3A_530 = arith.addi %mul3A_528, %add3A_529 : i32
      %swap3A_531 = arith.index_cast %add3A_530 : i32 to index
      %swap3A_532 = tpu.vector_load %arg10[%swap3A_531] {strides = array<i32>} : memref<20096xf32, #tpu.memory_space<vmem>>, vector<16xf32>,
      tpu.vector_store %arg10[%swap3A_531], %mul3A_526 {strides = array<i32>} : memref<20096xf32, #tpu.memory_space<vmem>>, vector<16xf32>,
      %get3A_533 = arith.index_cast %scan3A_360 : i32 to index
      %get3A_534 = arith.constant 112 : index
      %get3A_535 = tpu.vector_load %arg8[%get3A_533, %get3A_534] {strides = array<i32>} : memref<157x128xi32, #tpu.memory_space<vmem>>, vector<16xi32>,
      %mul3A_536 = arith.constant 128 : i32
      %mul3A_537 = arith.muli %scan3A_360, %mul3A_536 : i32
      %add3A_538 = arith.constant 112 : i32
      %add3A_539 = arith.addi %mul3A_537, %add3A_538 : i32
      %swap3A_540 = arith.index_cast %add3A_539 : i32 to index
      %swap3A_541 = tpu.vector_load %arg11[%swap3A_540] {strides = array<i32>} : memref<20096xi32, #tpu.memory_space<vmem>>, vector<16xi32>,
      tpu.vector_store %arg11[%swap3A_540], %get3A_535 {strides = array<i32>} : memref<20096xi32, #tpu.memory_space<vmem>>, vector<16xi32>,
      %scan3A_542 = arith.constant 0 : i32
      scf.yield %scan3A_542 : i32
    }
    %scan3A_109 = arith.constant 24 : i32
    %dma_start3A_110 = arith.constant 7680 : i32
    %dma_start3A_111 = tpu.memref_slice %arg10[%dma_start3A_110] : memref<20096xf32, #tpu.memory_space<vmem>> -> memref<3072xf32, #tpu.memory_space<vmem>>
    %dma_start3A_112 = arith.constant 7680 : i32
    %dma_start3A_113 = tpu.memref_slice %arg11[%dma_start3A_112] : memref<20096xi32, #tpu.memory_space<vmem>> -> memref<3072xi32, #tpu.memory_space<vmem>>
    %dma_start3A_114 = arith.constant 0 : i32
    %dma_start3A_115 = tpu.memref_slice %arg13[%dma_start3A_114] : memref<10240xf32, #tpu.memory_space<vmem_shared>> -> memref<10240xf32, #tpu.memory_space<vmem_shared>>
    tpu.enqueue_indirect_dma source(%dma_start3A_111 : memref<3072xf32, #tpu.memory_space<vmem>>) target(%dma_start3A_115 : memref<10240xf32, #tpu.memory_space<vmem_shared>>) offsets(%dma_start3A_113 : memref<3072xi32, #tpu.memory_space<vmem>>) semaphore(%arg16 : memref<!tpu.dma_semaphore, #tpu.memory_space<semaphore_mem>>) {add = true}
    %scan3A_116 = arith.constant 0 : i32
    %scan3A_117 = arith.constant 84 : i32
    %scan3A_118 = arith.constant 32 : i32
    %scan3A_119 = arith.addi %scan3A_117, %scan3A_118 : i32
    %scan3A_120 = arith.constant 1 : i32
    %scan3A_121 = scf.for %scan3A_360 = %scan3A_117 to %scan3A_119 step %scan3A_120 iter_args(%scan3A_361 = %scan3A_116) -> (i32)  : i32 {
      %get3A = arith.index_cast %scan3A_360 : i32 to index
      %get3A_362 = arith.constant 0 : index
      %get3A_363 = tpu.vector_load %arg7[%get3A, %get3A_362] {strides = array<i32>} : memref<157x128xi32, #tpu.memory_space<vmem>>, vector<16xi32>,
      %get3A_364 = arith.index_cast %scan3A_360 : i32 to index
      %get3A_365 = arith.constant 0 : index
      %get3A_366 = tpu.vector_load %arg9[%get3A_364, %get3A_365] {strides = array<i32>} : memref<157x128xf32, #tpu.memory_space<vmem>>, vector<16xf32>,
      %gather3A = tpu.vector_load_idx %arg6[%get3A_363] : memref<10240xf32, #tpu.memory_space<vmem>>[vector<16xi32>], vector<16xf32>,
      %mul3A_367 = arith.mulf %gather3A, %get3A_366 : vector<16xf32>
      %mul3A_368 = arith.constant 128 : i32
      %mul3A_369 = arith.muli %scan3A_360, %mul3A_368 : i32
      %add3A = arith.constant 0 : i32
      %add3A_370 = arith.addi %mul3A_369, %add3A : i32
      %swap3A = arith.index_cast %add3A_370 : i32 to index
      %swap3A_371 = tpu.vector_load %arg10[%swap3A] {strides = array<i32>} : memref<20096xf32, #tpu.memory_space<vmem>>, vector<16xf32>,
      tpu.vector_store %arg10[%swap3A], %mul3A_367 {strides = array<i32>} : memref<20096xf32, #tpu.memory_space<vmem>>, vector<16xf32>,
      %get3A_372 = arith.index_cast %scan3A_360 : i32 to index
      %get3A_373 = arith.constant 0 : index
      %get3A_374 = tpu.vector_load %arg8[%get3A_372, %get3A_373] {strides = array<i32>} : memref<157x128xi32, #tpu.memory_space<vmem>>, vector<16xi32>,
      %mul3A_375 = arith.constant 128 : i32
      %mul3A_376 = arith.muli %scan3A_360, %mul3A_375 : i32
      %add3A_377 = arith.constant 0 : i32
      %add3A_378 = arith.addi %mul3A_376, %add3A_377 : i32
      %swap3A_379 = arith.index_cast %add3A_378 : i32 to index
      %swap3A_380 = tpu.vector_load %arg11[%swap3A_379] {strides = array<i32>} : memref<20096xi32, #tpu.memory_space<vmem>>, vector<16xi32>,
      tpu.vector_store %arg11[%swap3A_379], %get3A_374 {strides = array<i32>} : memref<20096xi32, #tpu.memory_space<vmem>>, vector<16xi32>,
      %get3A_381 = arith.index_cast %scan3A_360 : i32 to index
      %get3A_382 = arith.constant 16 : index
      %get3A_383 = tpu.vector_load %arg7[%get3A_381, %get3A_382] {strides = array<i32>} : memref<157x128xi32, #tpu.memory_space<vmem>>, vector<16xi32>,
      %get3A_384 = arith.index_cast %scan3A_360 : i32 to index
      %get3A_385 = arith.constant 16 : index
      %get3A_386 = tpu.vector_load %arg9[%get3A_384, %get3A_385] {strides = array<i32>} : memref<157x128xf32, #tpu.memory_space<vmem>>, vector<16xf32>,
      %gather3A_387 = tpu.vector_load_idx %arg6[%get3A_383] : memref<10240xf32, #tpu.memory_space<vmem>>[vector<16xi32>], vector<16xf32>,
      %mul3A_388 = arith.mulf %gather3A_387, %get3A_386 : vector<16xf32>
      %mul3A_389 = arith.constant 128 : i32
      %mul3A_390 = arith.muli %scan3A_360, %mul3A_389 : i32
      %add3A_391 = arith.constant 16 : i32
      %add3A_392 = arith.addi %mul3A_390, %add3A_391 : i32
      %swap3A_393 = arith.index_cast %add3A_392 : i32 to index
      %swap3A_394 = tpu.vector_load %arg10[%swap3A_393] {strides = array<i32>} : memref<20096xf32, #tpu.memory_space<vmem>>, vector<16xf32>,
      tpu.vector_store %arg10[%swap3A_393], %mul3A_388 {strides = array<i32>} : memref<20096xf32, #tpu.memory_space<vmem>>, vector<16xf32>,
      %get3A_395 = arith.index_cast %scan3A_360 : i32 to index
      %get3A_396 = arith.constant 16 : index
      %get3A_397 = tpu.vector_load %arg8[%get3A_395, %get3A_396] {strides = array<i32>} : memref<157x128xi32, #tpu.memory_space<vmem>>, vector<16xi32>,
      %mul3A_398 = arith.constant 128 : i32
      %mul3A_399 = arith.muli %scan3A_360, %mul3A_398 : i32
      %add3A_400 = arith.constant 16 : i32
      %add3A_401 = arith.addi %mul3A_399, %add3A_400 : i32
      %swap3A_402 = arith.index_cast %add3A_401 : i32 to index
      %swap3A_403 = tpu.vector_load %arg11[%swap3A_402] {strides = array<i32>} : memref<20096xi32, #tpu.memory_space<vmem>>, vector<16xi32>,
      tpu.vector_store %arg11[%swap3A_402], %get3A_397 {strides = array<i32>} : memref<20096xi32, #tpu.memory_space<vmem>>, vector<16xi32>,
      %get3A_404 = arith.index_cast %scan3A_360 : i32 to index
      %get3A_405 = arith.constant 32 : index
      %get3A_406 = tpu.vector_load %arg7[%get3A_404, %get3A_405] {strides = array<i32>} : memref<157x128xi32, #tpu.memory_space<vmem>>, vector<16xi32>,
      %get3A_407 = arith.index_cast %scan3A_360 : i32 to index
      %get3A_408 = arith.constant 32 : index
      %get3A_409 = tpu.vector_load %arg9[%get3A_407, %get3A_408] {strides = array<i32>} : memref<157x128xf32, #tpu.memory_space<vmem>>, vector<16xf32>,
      %gather3A_410 = tpu.vector_load_idx %arg6[%get3A_406] : memref<10240xf32, #tpu.memory_space<vmem>>[vector<16xi32>], vector<16xf32>,
      %mul3A_411 = arith.mulf %gather3A_410, %get3A_409 : vector<16xf32>
      %mul3A_412 = arith.constant 128 : i32
      %mul3A_413 = arith.muli %scan3A_360, %mul3A_412 : i32
      %add3A_414 = arith.constant 32 : i32
      %add3A_415 = arith.addi %mul3A_413, %add3A_414 : i32
      %swap3A_416 = arith.index_cast %add3A_415 : i32 to index
      %swap3A_417 = tpu.vector_load %arg10[%swap3A_416] {strides = array<i32>} : memref<20096xf32, #tpu.memory_space<vmem>>, vector<16xf32>,
      tpu.vector_store %arg10[%swap3A_416], %mul3A_411 {strides = array<i32>} : memref<20096xf32, #tpu.memory_space<vmem>>, vector<16xf32>,
      %get3A_418 = arith.index_cast %scan3A_360 : i32 to index
      %get3A_419 = arith.constant 32 : index
      %get3A_420 = tpu.vector_load %arg8[%get3A_418, %get3A_419] {strides = array<i32>} : memref<157x128xi32, #tpu.memory_space<vmem>>, vector<16xi32>,
      %mul3A_421 = arith.constant 128 : i32
      %mul3A_422 = arith.muli %scan3A_360, %mul3A_421 : i32
      %add3A_423 = arith.constant 32 : i32
      %add3A_424 = arith.addi %mul3A_422, %add3A_423 : i32
      %swap3A_425 = arith.index_cast %add3A_424 : i32 to index
      %swap3A_426 = tpu.vector_load %arg11[%swap3A_425] {strides = array<i32>} : memref<20096xi32, #tpu.memory_space<vmem>>, vector<16xi32>,
      tpu.vector_store %arg11[%swap3A_425], %get3A_420 {strides = array<i32>} : memref<20096xi32, #tpu.memory_space<vmem>>, vector<16xi32>,
      %get3A_427 = arith.index_cast %scan3A_360 : i32 to index
      %get3A_428 = arith.constant 48 : index
      %get3A_429 = tpu.vector_load %arg7[%get3A_427, %get3A_428] {strides = array<i32>} : memref<157x128xi32, #tpu.memory_space<vmem>>, vector<16xi32>,
      %get3A_430 = arith.index_cast %scan3A_360 : i32 to index
      %get3A_431 = arith.constant 48 : index
      %get3A_432 = tpu.vector_load %arg9[%get3A_430, %get3A_431] {strides = array<i32>} : memref<157x128xf32, #tpu.memory_space<vmem>>, vector<16xf32>,
      %gather3A_433 = tpu.vector_load_idx %arg6[%get3A_429] : memref<10240xf32, #tpu.memory_space<vmem>>[vector<16xi32>], vector<16xf32>,
      %mul3A_434 = arith.mulf %gather3A_433, %get3A_432 : vector<16xf32>
      %mul3A_435 = arith.constant 128 : i32
      %mul3A_436 = arith.muli %scan3A_360, %mul3A_435 : i32
      %add3A_437 = arith.constant 48 : i32
      %add3A_438 = arith.addi %mul3A_436, %add3A_437 : i32
      %swap3A_439 = arith.index_cast %add3A_438 : i32 to index
      %swap3A_440 = tpu.vector_load %arg10[%swap3A_439] {strides = array<i32>} : memref<20096xf32, #tpu.memory_space<vmem>>, vector<16xf32>,
      tpu.vector_store %arg10[%swap3A_439], %mul3A_434 {strides = array<i32>} : memref<20096xf32, #tpu.memory_space<vmem>>, vector<16xf32>,
      %get3A_441 = arith.index_cast %scan3A_360 : i32 to index
      %get3A_442 = arith.constant 48 : index
      %get3A_443 = tpu.vector_load %arg8[%get3A_441, %get3A_442] {strides = array<i32>} : memref<157x128xi32, #tpu.memory_space<vmem>>, vector<16xi32>,
      %mul3A_444 = arith.constant 128 : i32
      %mul3A_445 = arith.muli %scan3A_360, %mul3A_444 : i32
      %add3A_446 = arith.constant 48 : i32
      %add3A_447 = arith.addi %mul3A_445, %add3A_446 : i32
      %swap3A_448 = arith.index_cast %add3A_447 : i32 to index
      %swap3A_449 = tpu.vector_load %arg11[%swap3A_448] {strides = array<i32>} : memref<20096xi32, #tpu.memory_space<vmem>>, vector<16xi32>,
      tpu.vector_store %arg11[%swap3A_448], %get3A_443 {strides = array<i32>} : memref<20096xi32, #tpu.memory_space<vmem>>, vector<16xi32>,
      %get3A_450 = arith.index_cast %scan3A_360 : i32 to index
      %get3A_451 = arith.constant 64 : index
      %get3A_452 = tpu.vector_load %arg7[%get3A_450, %get3A_451] {strides = array<i32>} : memref<157x128xi32, #tpu.memory_space<vmem>>, vector<16xi32>,
      %get3A_453 = arith.index_cast %scan3A_360 : i32 to index
      %get3A_454 = arith.constant 64 : index
      %get3A_455 = tpu.vector_load %arg9[%get3A_453, %get3A_454] {strides = array<i32>} : memref<157x128xf32, #tpu.memory_space<vmem>>, vector<16xf32>,
      %gather3A_456 = tpu.vector_load_idx %arg6[%get3A_452] : memref<10240xf32, #tpu.memory_space<vmem>>[vector<16xi32>], vector<16xf32>,
      %mul3A_457 = arith.mulf %gather3A_456, %get3A_455 : vector<16xf32>
      %mul3A_458 = arith.constant 128 : i32
      %mul3A_459 = arith.muli %scan3A_360, %mul3A_458 : i32
      %add3A_460 = arith.constant 64 : i32
      %add3A_461 = arith.addi %mul3A_459, %add3A_460 : i32
      %swap3A_462 = arith.index_cast %add3A_461 : i32 to index
      %swap3A_463 = tpu.vector_load %arg10[%swap3A_462] {strides = array<i32>} : memref<20096xf32, #tpu.memory_space<vmem>>, vector<16xf32>,
      tpu.vector_store %arg10[%swap3A_462], %mul3A_457 {strides = array<i32>} : memref<20096xf32, #tpu.memory_space<vmem>>, vector<16xf32>,
      %get3A_464 = arith.index_cast %scan3A_360 : i32 to index
      %get3A_465 = arith.constant 64 : index
      %get3A_466 = tpu.vector_load %arg8[%get3A_464, %get3A_465] {strides = array<i32>} : memref<157x128xi32, #tpu.memory_space<vmem>>, vector<16xi32>,
      %mul3A_467 = arith.constant 128 : i32
      %mul3A_468 = arith.muli %scan3A_360, %mul3A_467 : i32
      %add3A_469 = arith.constant 64 : i32
      %add3A_470 = arith.addi %mul3A_468, %add3A_469 : i32
      %swap3A_471 = arith.index_cast %add3A_470 : i32 to index
      %swap3A_472 = tpu.vector_load %arg11[%swap3A_471] {strides = array<i32>} : memref<20096xi32, #tpu.memory_space<vmem>>, vector<16xi32>,
      tpu.vector_store %arg11[%swap3A_471], %get3A_466 {strides = array<i32>} : memref<20096xi32, #tpu.memory_space<vmem>>, vector<16xi32>,
      %get3A_473 = arith.index_cast %scan3A_360 : i32 to index
      %get3A_474 = arith.constant 80 : index
      %get3A_475 = tpu.vector_load %arg7[%get3A_473, %get3A_474] {strides = array<i32>} : memref<157x128xi32, #tpu.memory_space<vmem>>, vector<16xi32>,
      %get3A_476 = arith.index_cast %scan3A_360 : i32 to index
      %get3A_477 = arith.constant 80 : index
      %get3A_478 = tpu.vector_load %arg9[%get3A_476, %get3A_477] {strides = array<i32>} : memref<157x128xf32, #tpu.memory_space<vmem>>, vector<16xf32>,
      %gather3A_479 = tpu.vector_load_idx %arg6[%get3A_475] : memref<10240xf32, #tpu.memory_space<vmem>>[vector<16xi32>], vector<16xf32>,
      %mul3A_480 = arith.mulf %gather3A_479, %get3A_478 : vector<16xf32>
      %mul3A_481 = arith.constant 128 : i32
      %mul3A_482 = arith.muli %scan3A_360, %mul3A_481 : i32
      %add3A_483 = arith.constant 80 : i32
      %add3A_484 = arith.addi %mul3A_482, %add3A_483 : i32
      %swap3A_485 = arith.index_cast %add3A_484 : i32 to index
      %swap3A_486 = tpu.vector_load %arg10[%swap3A_485] {strides = array<i32>} : memref<20096xf32, #tpu.memory_space<vmem>>, vector<16xf32>,
      tpu.vector_store %arg10[%swap3A_485], %mul3A_480 {strides = array<i32>} : memref<20096xf32, #tpu.memory_space<vmem>>, vector<16xf32>,
      %get3A_487 = arith.index_cast %scan3A_360 : i32 to index
      %get3A_488 = arith.constant 80 : index
      %get3A_489 = tpu.vector_load %arg8[%get3A_487, %get3A_488] {strides = array<i32>} : memref<157x128xi32, #tpu.memory_space<vmem>>, vector<16xi32>,
      %mul3A_490 = arith.constant 128 : i32
      %mul3A_491 = arith.muli %scan3A_360, %mul3A_490 : i32
      %add3A_492 = arith.constant 80 : i32
      %add3A_493 = arith.addi %mul3A_491, %add3A_492 : i32
      %swap3A_494 = arith.index_cast %add3A_493 : i32 to index
      %swap3A_495 = tpu.vector_load %arg11[%swap3A_494] {strides = array<i32>} : memref<20096xi32, #tpu.memory_space<vmem>>, vector<16xi32>,
      tpu.vector_store %arg11[%swap3A_494], %get3A_489 {strides = array<i32>} : memref<20096xi32, #tpu.memory_space<vmem>>, vector<16xi32>,
      %get3A_496 = arith.index_cast %scan3A_360 : i32 to index
      %get3A_497 = arith.constant 96 : index
      %get3A_498 = tpu.vector_load %arg7[%get3A_496, %get3A_497] {strides = array<i32>} : memref<157x128xi32, #tpu.memory_space<vmem>>, vector<16xi32>,
      %get3A_499 = arith.index_cast %scan3A_360 : i32 to index
      %get3A_500 = arith.constant 96 : index
      %get3A_501 = tpu.vector_load %arg9[%get3A_499, %get3A_500] {strides = array<i32>} : memref<157x128xf32, #tpu.memory_space<vmem>>, vector<16xf32>,
      %gather3A_502 = tpu.vector_load_idx %arg6[%get3A_498] : memref<10240xf32, #tpu.memory_space<vmem>>[vector<16xi32>], vector<16xf32>,
      %mul3A_503 = arith.mulf %gather3A_502, %get3A_501 : vector<16xf32>
      %mul3A_504 = arith.constant 128 : i32
      %mul3A_505 = arith.muli %scan3A_360, %mul3A_504 : i32
      %add3A_506 = arith.constant 96 : i32
      %add3A_507 = arith.addi %mul3A_505, %add3A_506 : i32
      %swap3A_508 = arith.index_cast %add3A_507 : i32 to index
      %swap3A_509 = tpu.vector_load %arg10[%swap3A_508] {strides = array<i32>} : memref<20096xf32, #tpu.memory_space<vmem>>, vector<16xf32>,
      tpu.vector_store %arg10[%swap3A_508], %mul3A_503 {strides = array<i32>} : memref<20096xf32, #tpu.memory_space<vmem>>, vector<16xf32>,
      %get3A_510 = arith.index_cast %scan3A_360 : i32 to index
      %get3A_511 = arith.constant 96 : index
      %get3A_512 = tpu.vector_load %arg8[%get3A_510, %get3A_511] {strides = array<i32>} : memref<157x128xi32, #tpu.memory_space<vmem>>, vector<16xi32>,
      %mul3A_513 = arith.constant 128 : i32
      %mul3A_514 = arith.muli %scan3A_360, %mul3A_513 : i32
      %add3A_515 = arith.constant 96 : i32
      %add3A_516 = arith.addi %mul3A_514, %add3A_515 : i32
      %swap3A_517 = arith.index_cast %add3A_516 : i32 to index
      %swap3A_518 = tpu.vector_load %arg11[%swap3A_517] {strides = array<i32>} : memref<20096xi32, #tpu.memory_space<vmem>>, vector<16xi32>,
      tpu.vector_store %arg11[%swap3A_517], %get3A_512 {strides = array<i32>} : memref<20096xi32, #tpu.memory_space<vmem>>, vector<16xi32>,
      %get3A_519 = arith.index_cast %scan3A_360 : i32 to index
      %get3A_520 = arith.constant 112 : index
      %get3A_521 = tpu.vector_load %arg7[%get3A_519, %get3A_520] {strides = array<i32>} : memref<157x128xi32, #tpu.memory_space<vmem>>, vector<16xi32>,
      %get3A_522 = arith.index_cast %scan3A_360 : i32 to index
      %get3A_523 = arith.constant 112 : index
      %get3A_524 = tpu.vector_load %arg9[%get3A_522, %get3A_523] {strides = array<i32>} : memref<157x128xf32, #tpu.memory_space<vmem>>, vector<16xf32>,
      %gather3A_525 = tpu.vector_load_idx %arg6[%get3A_521] : memref<10240xf32, #tpu.memory_space<vmem>>[vector<16xi32>], vector<16xf32>,
      %mul3A_526 = arith.mulf %gather3A_525, %get3A_524 : vector<16xf32>
      %mul3A_527 = arith.constant 128 : i32
      %mul3A_528 = arith.muli %scan3A_360, %mul3A_527 : i32
      %add3A_529 = arith.constant 112 : i32
      %add3A_530 = arith.addi %mul3A_528, %add3A_529 : i32
      %swap3A_531 = arith.index_cast %add3A_530 : i32 to index
      %swap3A_532 = tpu.vector_load %arg10[%swap3A_531] {strides = array<i32>} : memref<20096xf32, #tpu.memory_space<vmem>>, vector<16xf32>,
      tpu.vector_store %arg10[%swap3A_531], %mul3A_526 {strides = array<i32>} : memref<20096xf32, #tpu.memory_space<vmem>>, vector<16xf32>,
      %get3A_533 = arith.index_cast %scan3A_360 : i32 to index
      %get3A_534 = arith.constant 112 : index
      %get3A_535 = tpu.vector_load %arg8[%get3A_533, %get3A_534] {strides = array<i32>} : memref<157x128xi32, #tpu.memory_space<vmem>>, vector<16xi32>,
      %mul3A_536 = arith.constant 128 : i32
      %mul3A_537 = arith.muli %scan3A_360, %mul3A_536 : i32
      %add3A_538 = arith.constant 112 : i32
      %add3A_539 = arith.addi %mul3A_537, %add3A_538 : i32
      %swap3A_540 = arith.index_cast %add3A_539 : i32 to index
      %swap3A_541 = tpu.vector_load %arg11[%swap3A_540] {strides = array<i32>} : memref<20096xi32, #tpu.memory_space<vmem>>, vector<16xi32>,
      tpu.vector_store %arg11[%swap3A_540], %get3A_535 {strides = array<i32>} : memref<20096xi32, #tpu.memory_space<vmem>>, vector<16xi32>,
      %scan3A_542 = arith.constant 0 : i32
      scf.yield %scan3A_542 : i32
    }
    %scan3A_122 = arith.constant 32 : i32
    %dma_start3A_123 = arith.constant 10752 : i32
    %dma_start3A_124 = tpu.memref_slice %arg10[%dma_start3A_123] : memref<20096xf32, #tpu.memory_space<vmem>> -> memref<4096xf32, #tpu.memory_space<vmem>>
    %dma_start3A_125 = arith.constant 10752 : i32
    %dma_start3A_126 = tpu.memref_slice %arg11[%dma_start3A_125] : memref<20096xi32, #tpu.memory_space<vmem>> -> memref<4096xi32, #tpu.memory_space<vmem>>
    %dma_start3A_127 = arith.constant 0 : i32
    %dma_start3A_128 = tpu.memref_slice %arg13[%dma_start3A_127] : memref<10240xf32, #tpu.memory_space<vmem_shared>> -> memref<10240xf32, #tpu.memory_space<vmem_shared>>
    tpu.enqueue_indirect_dma source(%dma_start3A_124 : memref<4096xf32, #tpu.memory_space<vmem>>) target(%dma_start3A_128 : memref<10240xf32, #tpu.memory_space<vmem_shared>>) offsets(%dma_start3A_126 : memref<4096xi32, #tpu.memory_space<vmem>>) semaphore(%arg16 : memref<!tpu.dma_semaphore, #tpu.memory_space<semaphore_mem>>) {add = true}
    %scan3A_129 = arith.constant 0 : i32
    %scan3A_130 = arith.constant 116 : i32
    %scan3A_131 = arith.constant 41 : i32
    %scan3A_132 = arith.addi %scan3A_130, %scan3A_131 : i32
    %scan3A_133 = arith.constant 1 : i32
    %scan3A_134 = scf.for %scan3A_360 = %scan3A_130 to %scan3A_132 step %scan3A_133 iter_args(%scan3A_361 = %scan3A_129) -> (i32)  : i32 {
      %get3A = arith.index_cast %scan3A_360 : i32 to index
      %get3A_362 = arith.constant 0 : index
      %get3A_363 = tpu.vector_load %arg7[%get3A, %get3A_362] {strides = array<i32>} : memref<157x128xi32, #tpu.memory_space<vmem>>, vector<16xi32>,
      %get3A_364 = arith.index_cast %scan3A_360 : i32 to index
      %get3A_365 = arith.constant 0 : index
      %get3A_366 = tpu.vector_load %arg9[%get3A_364, %get3A_365] {strides = array<i32>} : memref<157x128xf32, #tpu.memory_space<vmem>>, vector<16xf32>,
      %gather3A = tpu.vector_load_idx %arg6[%get3A_363] : memref<10240xf32, #tpu.memory_space<vmem>>[vector<16xi32>], vector<16xf32>,
      %mul3A_367 = arith.mulf %gather3A, %get3A_366 : vector<16xf32>
      %mul3A_368 = arith.constant 128 : i32
      %mul3A_369 = arith.muli %scan3A_360, %mul3A_368 : i32
      %add3A = arith.constant 0 : i32
      %add3A_370 = arith.addi %mul3A_369, %add3A : i32
      %swap3A = arith.index_cast %add3A_370 : i32 to index
      %swap3A_371 = tpu.vector_load %arg10[%swap3A] {strides = array<i32>} : memref<20096xf32, #tpu.memory_space<vmem>>, vector<16xf32>,
      tpu.vector_store %arg10[%swap3A], %mul3A_367 {strides = array<i32>} : memref<20096xf32, #tpu.memory_space<vmem>>, vector<16xf32>,
      %get3A_372 = arith.index_cast %scan3A_360 : i32 to index
      %get3A_373 = arith.constant 0 : index
      %get3A_374 = tpu.vector_load %arg8[%get3A_372, %get3A_373] {strides = array<i32>} : memref<157x128xi32, #tpu.memory_space<vmem>>, vector<16xi32>,
      %mul3A_375 = arith.constant 128 : i32
      %mul3A_376 = arith.muli %scan3A_360, %mul3A_375 : i32
      %add3A_377 = arith.constant 0 : i32
      %add3A_378 = arith.addi %mul3A_376, %add3A_377 : i32
      %swap3A_379 = arith.index_cast %add3A_378 : i32 to index
      %swap3A_380 = tpu.vector_load %arg11[%swap3A_379] {strides = array<i32>} : memref<20096xi32, #tpu.memory_space<vmem>>, vector<16xi32>,
      tpu.vector_store %arg11[%swap3A_379], %get3A_374 {strides = array<i32>} : memref<20096xi32, #tpu.memory_space<vmem>>, vector<16xi32>,
      %get3A_381 = arith.index_cast %scan3A_360 : i32 to index
      %get3A_382 = arith.constant 16 : index
      %get3A_383 = tpu.vector_load %arg7[%get3A_381, %get3A_382] {strides = array<i32>} : memref<157x128xi32, #tpu.memory_space<vmem>>, vector<16xi32>,
      %get3A_384 = arith.index_cast %scan3A_360 : i32 to index
      %get3A_385 = arith.constant 16 : index
      %get3A_386 = tpu.vector_load %arg9[%get3A_384, %get3A_385] {strides = array<i32>} : memref<157x128xf32, #tpu.memory_space<vmem>>, vector<16xf32>,
      %gather3A_387 = tpu.vector_load_idx %arg6[%get3A_383] : memref<10240xf32, #tpu.memory_space<vmem>>[vector<16xi32>], vector<16xf32>,
      %mul3A_388 = arith.mulf %gather3A_387, %get3A_386 : vector<16xf32>
      %mul3A_389 = arith.constant 128 : i32
      %mul3A_390 = arith.muli %scan3A_360, %mul3A_389 : i32
      %add3A_391 = arith.constant 16 : i32
      %add3A_392 = arith.addi %mul3A_390, %add3A_391 : i32
      %swap3A_393 = arith.index_cast %add3A_392 : i32 to index
      %swap3A_394 = tpu.vector_load %arg10[%swap3A_393] {strides = array<i32>} : memref<20096xf32, #tpu.memory_space<vmem>>, vector<16xf32>,
      tpu.vector_store %arg10[%swap3A_393], %mul3A_388 {strides = array<i32>} : memref<20096xf32, #tpu.memory_space<vmem>>, vector<16xf32>,
      %get3A_395 = arith.index_cast %scan3A_360 : i32 to index
      %get3A_396 = arith.constant 16 : index
      %get3A_397 = tpu.vector_load %arg8[%get3A_395, %get3A_396] {strides = array<i32>} : memref<157x128xi32, #tpu.memory_space<vmem>>, vector<16xi32>,
      %mul3A_398 = arith.constant 128 : i32
      %mul3A_399 = arith.muli %scan3A_360, %mul3A_398 : i32
      %add3A_400 = arith.constant 16 : i32
      %add3A_401 = arith.addi %mul3A_399, %add3A_400 : i32
      %swap3A_402 = arith.index_cast %add3A_401 : i32 to index
      %swap3A_403 = tpu.vector_load %arg11[%swap3A_402] {strides = array<i32>} : memref<20096xi32, #tpu.memory_space<vmem>>, vector<16xi32>,
      tpu.vector_store %arg11[%swap3A_402], %get3A_397 {strides = array<i32>} : memref<20096xi32, #tpu.memory_space<vmem>>, vector<16xi32>,
      %get3A_404 = arith.index_cast %scan3A_360 : i32 to index
      %get3A_405 = arith.constant 32 : index
      %get3A_406 = tpu.vector_load %arg7[%get3A_404, %get3A_405] {strides = array<i32>} : memref<157x128xi32, #tpu.memory_space<vmem>>, vector<16xi32>,
      %get3A_407 = arith.index_cast %scan3A_360 : i32 to index
      %get3A_408 = arith.constant 32 : index
      %get3A_409 = tpu.vector_load %arg9[%get3A_407, %get3A_408] {strides = array<i32>} : memref<157x128xf32, #tpu.memory_space<vmem>>, vector<16xf32>,
      %gather3A_410 = tpu.vector_load_idx %arg6[%get3A_406] : memref<10240xf32, #tpu.memory_space<vmem>>[vector<16xi32>], vector<16xf32>,
      %mul3A_411 = arith.mulf %gather3A_410, %get3A_409 : vector<16xf32>
      %mul3A_412 = arith.constant 128 : i32
      %mul3A_413 = arith.muli %scan3A_360, %mul3A_412 : i32
      %add3A_414 = arith.constant 32 : i32
      %add3A_415 = arith.addi %mul3A_413, %add3A_414 : i32
      %swap3A_416 = arith.index_cast %add3A_415 : i32 to index
      %swap3A_417 = tpu.vector_load %arg10[%swap3A_416] {strides = array<i32>} : memref<20096xf32, #tpu.memory_space<vmem>>, vector<16xf32>,
      tpu.vector_store %arg10[%swap3A_416], %mul3A_411 {strides = array<i32>} : memref<20096xf32, #tpu.memory_space<vmem>>, vector<16xf32>,
      %get3A_418 = arith.index_cast %scan3A_360 : i32 to index
      %get3A_419 = arith.constant 32 : index
      %get3A_420 = tpu.vector_load %arg8[%get3A_418, %get3A_419] {strides = array<i32>} : memref<157x128xi32, #tpu.memory_space<vmem>>, vector<16xi32>,
      %mul3A_421 = arith.constant 128 : i32
      %mul3A_422 = arith.muli %scan3A_360, %mul3A_421 : i32
      %add3A_423 = arith.constant 32 : i32
      %add3A_424 = arith.addi %mul3A_422, %add3A_423 : i32
      %swap3A_425 = arith.index_cast %add3A_424 : i32 to index
      %swap3A_426 = tpu.vector_load %arg11[%swap3A_425] {strides = array<i32>} : memref<20096xi32, #tpu.memory_space<vmem>>, vector<16xi32>,
      tpu.vector_store %arg11[%swap3A_425], %get3A_420 {strides = array<i32>} : memref<20096xi32, #tpu.memory_space<vmem>>, vector<16xi32>,
      %get3A_427 = arith.index_cast %scan3A_360 : i32 to index
      %get3A_428 = arith.constant 48 : index
      %get3A_429 = tpu.vector_load %arg7[%get3A_427, %get3A_428] {strides = array<i32>} : memref<157x128xi32, #tpu.memory_space<vmem>>, vector<16xi32>,
      %get3A_430 = arith.index_cast %scan3A_360 : i32 to index
      %get3A_431 = arith.constant 48 : index
      %get3A_432 = tpu.vector_load %arg9[%get3A_430, %get3A_431] {strides = array<i32>} : memref<157x128xf32, #tpu.memory_space<vmem>>, vector<16xf32>,
      %gather3A_433 = tpu.vector_load_idx %arg6[%get3A_429] : memref<10240xf32, #tpu.memory_space<vmem>>[vector<16xi32>], vector<16xf32>,
      %mul3A_434 = arith.mulf %gather3A_433, %get3A_432 : vector<16xf32>
      %mul3A_435 = arith.constant 128 : i32
      %mul3A_436 = arith.muli %scan3A_360, %mul3A_435 : i32
      %add3A_437 = arith.constant 48 : i32
      %add3A_438 = arith.addi %mul3A_436, %add3A_437 : i32
      %swap3A_439 = arith.index_cast %add3A_438 : i32 to index
      %swap3A_440 = tpu.vector_load %arg10[%swap3A_439] {strides = array<i32>} : memref<20096xf32, #tpu.memory_space<vmem>>, vector<16xf32>,
      tpu.vector_store %arg10[%swap3A_439], %mul3A_434 {strides = array<i32>} : memref<20096xf32, #tpu.memory_space<vmem>>, vector<16xf32>,
      %get3A_441 = arith.index_cast %scan3A_360 : i32 to index
      %get3A_442 = arith.constant 48 : index
      %get3A_443 = tpu.vector_load %arg8[%get3A_441, %get3A_442] {strides = array<i32>} : memref<157x128xi32, #tpu.memory_space<vmem>>, vector<16xi32>,
      %mul3A_444 = arith.constant 128 : i32
      %mul3A_445 = arith.muli %scan3A_360, %mul3A_444 : i32
      %add3A_446 = arith.constant 48 : i32
      %add3A_447 = arith.addi %mul3A_445, %add3A_446 : i32
      %swap3A_448 = arith.index_cast %add3A_447 : i32 to index
      %swap3A_449 = tpu.vector_load %arg11[%swap3A_448] {strides = array<i32>} : memref<20096xi32, #tpu.memory_space<vmem>>, vector<16xi32>,
      tpu.vector_store %arg11[%swap3A_448], %get3A_443 {strides = array<i32>} : memref<20096xi32, #tpu.memory_space<vmem>>, vector<16xi32>,
      %get3A_450 = arith.index_cast %scan3A_360 : i32 to index
      %get3A_451 = arith.constant 64 : index
      %get3A_452 = tpu.vector_load %arg7[%get3A_450, %get3A_451] {strides = array<i32>} : memref<157x128xi32, #tpu.memory_space<vmem>>, vector<16xi32>,
      %get3A_453 = arith.index_cast %scan3A_360 : i32 to index
      %get3A_454 = arith.constant 64 : index
      %get3A_455 = tpu.vector_load %arg9[%get3A_453, %get3A_454] {strides = array<i32>} : memref<157x128xf32, #tpu.memory_space<vmem>>, vector<16xf32>,
      %gather3A_456 = tpu.vector_load_idx %arg6[%get3A_452] : memref<10240xf32, #tpu.memory_space<vmem>>[vector<16xi32>], vector<16xf32>,
      %mul3A_457 = arith.mulf %gather3A_456, %get3A_455 : vector<16xf32>
      %mul3A_458 = arith.constant 128 : i32
      %mul3A_459 = arith.muli %scan3A_360, %mul3A_458 : i32
      %add3A_460 = arith.constant 64 : i32
      %add3A_461 = arith.addi %mul3A_459, %add3A_460 : i32
      %swap3A_462 = arith.index_cast %add3A_461 : i32 to index
      %swap3A_463 = tpu.vector_load %arg10[%swap3A_462] {strides = array<i32>} : memref<20096xf32, #tpu.memory_space<vmem>>, vector<16xf32>,
      tpu.vector_store %arg10[%swap3A_462], %mul3A_457 {strides = array<i32>} : memref<20096xf32, #tpu.memory_space<vmem>>, vector<16xf32>,
      %get3A_464 = arith.index_cast %scan3A_360 : i32 to index
      %get3A_465 = arith.constant 64 : index
      %get3A_466 = tpu.vector_load %arg8[%get3A_464, %get3A_465] {strides = array<i32>} : memref<157x128xi32, #tpu.memory_space<vmem>>, vector<16xi32>,
      %mul3A_467 = arith.constant 128 : i32
      %mul3A_468 = arith.muli %scan3A_360, %mul3A_467 : i32
      %add3A_469 = arith.constant 64 : i32
      %add3A_470 = arith.addi %mul3A_468, %add3A_469 : i32
      %swap3A_471 = arith.index_cast %add3A_470 : i32 to index
      %swap3A_472 = tpu.vector_load %arg11[%swap3A_471] {strides = array<i32>} : memref<20096xi32, #tpu.memory_space<vmem>>, vector<16xi32>,
      tpu.vector_store %arg11[%swap3A_471], %get3A_466 {strides = array<i32>} : memref<20096xi32, #tpu.memory_space<vmem>>, vector<16xi32>,
      %get3A_473 = arith.index_cast %scan3A_360 : i32 to index
      %get3A_474 = arith.constant 80 : index
      %get3A_475 = tpu.vector_load %arg7[%get3A_473, %get3A_474] {strides = array<i32>} : memref<157x128xi32, #tpu.memory_space<vmem>>, vector<16xi32>,
      %get3A_476 = arith.index_cast %scan3A_360 : i32 to index
      %get3A_477 = arith.constant 80 : index
      %get3A_478 = tpu.vector_load %arg9[%get3A_476, %get3A_477] {strides = array<i32>} : memref<157x128xf32, #tpu.memory_space<vmem>>, vector<16xf32>,
      %gather3A_479 = tpu.vector_load_idx %arg6[%get3A_475] : memref<10240xf32, #tpu.memory_space<vmem>>[vector<16xi32>], vector<16xf32>,
      %mul3A_480 = arith.mulf %gather3A_479, %get3A_478 : vector<16xf32>
      %mul3A_481 = arith.constant 128 : i32
      %mul3A_482 = arith.muli %scan3A_360, %mul3A_481 : i32
      %add3A_483 = arith.constant 80 : i32
      %add3A_484 = arith.addi %mul3A_482, %add3A_483 : i32
      %swap3A_485 = arith.index_cast %add3A_484 : i32 to index
      %swap3A_486 = tpu.vector_load %arg10[%swap3A_485] {strides = array<i32>} : memref<20096xf32, #tpu.memory_space<vmem>>, vector<16xf32>,
      tpu.vector_store %arg10[%swap3A_485], %mul3A_480 {strides = array<i32>} : memref<20096xf32, #tpu.memory_space<vmem>>, vector<16xf32>,
      %get3A_487 = arith.index_cast %scan3A_360 : i32 to index
      %get3A_488 = arith.constant 80 : index
      %get3A_489 = tpu.vector_load %arg8[%get3A_487, %get3A_488] {strides = array<i32>} : memref<157x128xi32, #tpu.memory_space<vmem>>, vector<16xi32>,
      %mul3A_490 = arith.constant 128 : i32
      %mul3A_491 = arith.muli %scan3A_360, %mul3A_490 : i32
      %add3A_492 = arith.constant 80 : i32
      %add3A_493 = arith.addi %mul3A_491, %add3A_492 : i32
      %swap3A_494 = arith.index_cast %add3A_493 : i32 to index
      %swap3A_495 = tpu.vector_load %arg11[%swap3A_494] {strides = array<i32>} : memref<20096xi32, #tpu.memory_space<vmem>>, vector<16xi32>,
      tpu.vector_store %arg11[%swap3A_494], %get3A_489 {strides = array<i32>} : memref<20096xi32, #tpu.memory_space<vmem>>, vector<16xi32>,
      %get3A_496 = arith.index_cast %scan3A_360 : i32 to index
      %get3A_497 = arith.constant 96 : index
      %get3A_498 = tpu.vector_load %arg7[%get3A_496, %get3A_497] {strides = array<i32>} : memref<157x128xi32, #tpu.memory_space<vmem>>, vector<16xi32>,
      %get3A_499 = arith.index_cast %scan3A_360 : i32 to index
      %get3A_500 = arith.constant 96 : index
      %get3A_501 = tpu.vector_load %arg9[%get3A_499, %get3A_500] {strides = array<i32>} : memref<157x128xf32, #tpu.memory_space<vmem>>, vector<16xf32>,
      %gather3A_502 = tpu.vector_load_idx %arg6[%get3A_498] : memref<10240xf32, #tpu.memory_space<vmem>>[vector<16xi32>], vector<16xf32>,
      %mul3A_503 = arith.mulf %gather3A_502, %get3A_501 : vector<16xf32>
      %mul3A_504 = arith.constant 128 : i32
      %mul3A_505 = arith.muli %scan3A_360, %mul3A_504 : i32
      %add3A_506 = arith.constant 96 : i32
      %add3A_507 = arith.addi %mul3A_505, %add3A_506 : i32
      %swap3A_508 = arith.index_cast %add3A_507 : i32 to index
      %swap3A_509 = tpu.vector_load %arg10[%swap3A_508] {strides = array<i32>} : memref<20096xf32, #tpu.memory_space<vmem>>, vector<16xf32>,
      tpu.vector_store %arg10[%swap3A_508], %mul3A_503 {strides = array<i32>} : memref<20096xf32, #tpu.memory_space<vmem>>, vector<16xf32>,
      %get3A_510 = arith.index_cast %scan3A_360 : i32 to index
      %get3A_511 = arith.constant 96 : index
      %get3A_512 = tpu.vector_load %arg8[%get3A_510, %get3A_511] {strides = array<i32>} : memref<157x128xi32, #tpu.memory_space<vmem>>, vector<16xi32>,
      %mul3A_513 = arith.constant 128 : i32
      %mul3A_514 = arith.muli %scan3A_360, %mul3A_513 : i32
      %add3A_515 = arith.constant 96 : i32
      %add3A_516 = arith.addi %mul3A_514, %add3A_515 : i32
      %swap3A_517 = arith.index_cast %add3A_516 : i32 to index
      %swap3A_518 = tpu.vector_load %arg11[%swap3A_517] {strides = array<i32>} : memref<20096xi32, #tpu.memory_space<vmem>>, vector<16xi32>,
      tpu.vector_store %arg11[%swap3A_517], %get3A_512 {strides = array<i32>} : memref<20096xi32, #tpu.memory_space<vmem>>, vector<16xi32>,
      %get3A_519 = arith.index_cast %scan3A_360 : i32 to index
      %get3A_520 = arith.constant 112 : index
      %get3A_521 = tpu.vector_load %arg7[%get3A_519, %get3A_520] {strides = array<i32>} : memref<157x128xi32, #tpu.memory_space<vmem>>, vector<16xi32>,
      %get3A_522 = arith.index_cast %scan3A_360 : i32 to index
      %get3A_523 = arith.constant 112 : index
      %get3A_524 = tpu.vector_load %arg9[%get3A_522, %get3A_523] {strides = array<i32>} : memref<157x128xf32, #tpu.memory_space<vmem>>, vector<16xf32>,
      %gather3A_525 = tpu.vector_load_idx %arg6[%get3A_521] : memref<10240xf32, #tpu.memory_space<vmem>>[vector<16xi32>], vector<16xf32>,
      %mul3A_526 = arith.mulf %gather3A_525, %get3A_524 : vector<16xf32>
      %mul3A_527 = arith.constant 128 : i32
      %mul3A_528 = arith.muli %scan3A_360, %mul3A_527 : i32
      %add3A_529 = arith.constant 112 : i32
      %add3A_530 = arith.addi %mul3A_528, %add3A_529 : i32
      %swap3A_531 = arith.index_cast %add3A_530 : i32 to index
      %swap3A_532 = tpu.vector_load %arg10[%swap3A_531] {strides = array<i32>} : memref<20096xf32, #tpu.memory_space<vmem>>, vector<16xf32>,
      tpu.vector_store %arg10[%swap3A_531], %mul3A_526 {strides = array<i32>} : memref<20096xf32, #tpu.memory_space<vmem>>, vector<16xf32>,
      %get3A_533 = arith.index_cast %scan3A_360 : i32 to index
      %get3A_534 = arith.constant 112 : index
      %get3A_535 = tpu.vector_load %arg8[%get3A_533, %get3A_534] {strides = array<i32>} : memref<157x128xi32, #tpu.memory_space<vmem>>, vector<16xi32>,
      %mul3A_536 = arith.constant 128 : i32
      %mul3A_537 = arith.muli %scan3A_360, %mul3A_536 : i32
      %add3A_538 = arith.constant 112 : i32
      %add3A_539 = arith.addi %mul3A_537, %add3A_538 : i32
      %swap3A_540 = arith.index_cast %add3A_539 : i32 to index
      %swap3A_541 = tpu.vector_load %arg11[%swap3A_540] {strides = array<i32>} : memref<20096xi32, #tpu.memory_space<vmem>>, vector<16xi32>,
      tpu.vector_store %arg11[%swap3A_540], %get3A_535 {strides = array<i32>} : memref<20096xi32, #tpu.memory_space<vmem>>, vector<16xi32>,
      %scan3A_542 = arith.constant 0 : i32
      scf.yield %scan3A_542 : i32
    }
    %scan3A_135 = arith.constant 41 : i32
    %dma_start3A_136 = arith.constant 14848 : i32
    %dma_start3A_137 = tpu.memref_slice %arg10[%dma_start3A_136] : memref<20096xf32, #tpu.memory_space<vmem>> -> memref<5248xf32, #tpu.memory_space<vmem>>
    %dma_start3A_138 = arith.constant 14848 : i32
    %dma_start3A_139 = tpu.memref_slice %arg11[%dma_start3A_138] : memref<20096xi32, #tpu.memory_space<vmem>> -> memref<5248xi32, #tpu.memory_space<vmem>>
    %dma_start3A_140 = arith.constant 0 : i32
    %dma_start3A_141 = tpu.memref_slice %arg13[%dma_start3A_140] : memref<10240xf32, #tpu.memory_space<vmem_shared>> -> memref<10240xf32, #tpu.memory_space<vmem_shared>>
    tpu.enqueue_indirect_dma source(%dma_start3A_137 : memref<5248xf32, #tpu.memory_space<vmem>>) target(%dma_start3A_141 : memref<10240xf32, #tpu.memory_space<vmem_shared>>) offsets(%dma_start3A_139 : memref<5248xi32, #tpu.memory_space<vmem>>) semaphore(%arg16 : memref<!tpu.dma_semaphore, #tpu.memory_space<semaphore_mem>>) {add = true}
    %dma_wait3A_142 = arith.constant 0 : i32
    %dma_wait3A_143 = tpu.memref_slice %arg10[%dma_wait3A_142] : memref<20096xf32, #tpu.memory_space<vmem>> -> memref<512xf32, #tpu.memory_space<vmem>>
    %dma_wait3A_144 = arith.constant 0 : i32
    %dma_wait3A_145 = tpu.memref_slice %arg11[%dma_wait3A_144] : memref<20096xi32, #tpu.memory_space<vmem>> -> memref<512xi32, #tpu.memory_space<vmem>>
    %dma_wait3A_146 = arith.constant 0 : i32
    %dma_wait3A_147 = tpu.memref_slice %arg13[%dma_wait3A_146] : memref<10240xf32, #tpu.memory_space<vmem_shared>> -> memref<10240xf32, #tpu.memory_space<vmem_shared>>
    tpu.wait_indirect_dma semaphore(%arg16 : memref<!tpu.dma_semaphore, #tpu.memory_space<semaphore_mem>>) src(%dma_wait3A_143 : memref<512xf32, #tpu.memory_space<vmem>>) dst(%dma_wait3A_147 : memref<10240xf32, #tpu.memory_space<vmem_shared>>)
    %dma_wait3A_148 = arith.constant 512 : i32
    %dma_wait3A_149 = tpu.memref_slice %arg10[%dma_wait3A_148] : memref<20096xf32, #tpu.memory_space<vmem>> -> memref<1024xf32, #tpu.memory_space<vmem>>
    %dma_wait3A_150 = arith.constant 512 : i32
    %dma_wait3A_151 = tpu.memref_slice %arg11[%dma_wait3A_150] : memref<20096xi32, #tpu.memory_space<vmem>> -> memref<1024xi32, #tpu.memory_space<vmem>>
    %dma_wait3A_152 = arith.constant 0 : i32
    %dma_wait3A_153 = tpu.memref_slice %arg13[%dma_wait3A_152] : memref<10240xf32, #tpu.memory_space<vmem_shared>> -> memref<10240xf32, #tpu.memory_space<vmem_shared>>
    tpu.wait_indirect_dma semaphore(%arg16 : memref<!tpu.dma_semaphore, #tpu.memory_space<semaphore_mem>>) src(%dma_wait3A_149 : memref<1024xf32, #tpu.memory_space<vmem>>) dst(%dma_wait3A_153 : memref<10240xf32, #tpu.memory_space<vmem_shared>>)
    %dma_wait3A_154 = arith.constant 1536 : i32
    %dma_wait3A_155 = tpu.memref_slice %arg10[%dma_wait3A_154] : memref<20096xf32, #tpu.memory_space<vmem>> -> memref<1536xf32, #tpu.memory_space<vmem>>
    %dma_wait3A_156 = arith.constant 1536 : i32
    %dma_wait3A_157 = tpu.memref_slice %arg11[%dma_wait3A_156] : memref<20096xi32, #tpu.memory_space<vmem>> -> memref<1536xi32, #tpu.memory_space<vmem>>
    %dma_wait3A_158 = arith.constant 0 : i32
    %dma_wait3A_159 = tpu.memref_slice %arg13[%dma_wait3A_158] : memref<10240xf32, #tpu.memory_space<vmem_shared>> -> memref<10240xf32, #tpu.memory_space<vmem_shared>>
    tpu.wait_indirect_dma semaphore(%arg16 : memref<!tpu.dma_semaphore, #tpu.memory_space<semaphore_mem>>) src(%dma_wait3A_155 : memref<1536xf32, #tpu.memory_space<vmem>>) dst(%dma_wait3A_159 : memref<10240xf32, #tpu.memory_space<vmem_shared>>)
    %dma_wait3A_160 = arith.constant 3072 : i32
    %dma_wait3A_161 = tpu.memref_slice %arg10[%dma_wait3A_160] : memref<20096xf32, #tpu.memory_space<vmem>> -> memref<2048xf32, #tpu.memory_space<vmem>>
    %dma_wait3A_162 = arith.constant 3072 : i32
    %dma_wait3A_163 = tpu.memref_slice %arg11[%dma_wait3A_162] : memref<20096xi32, #tpu.memory_space<vmem>> -> memref<2048xi32, #tpu.memory_space<vmem>>
    %dma_wait3A_164 = arith.constant 0 : i32
    %dma_wait3A_165 = tpu.memref_slice %arg13[%dma_wait3A_164] : memref<10240xf32, #tpu.memory_space<vmem_shared>> -> memref<10240xf32, #tpu.memory_space<vmem_shared>>
    tpu.wait_indirect_dma semaphore(%arg16 : memref<!tpu.dma_semaphore, #tpu.memory_space<semaphore_mem>>) src(%dma_wait3A_161 : memref<2048xf32, #tpu.memory_space<vmem>>) dst(%dma_wait3A_165 : memref<10240xf32, #tpu.memory_space<vmem_shared>>)
    %dma_wait3A_166 = arith.constant 5120 : i32
    %dma_wait3A_167 = tpu.memref_slice %arg10[%dma_wait3A_166] : memref<20096xf32, #tpu.memory_space<vmem>> -> memref<2560xf32, #tpu.memory_space<vmem>>
    %dma_wait3A_168 = arith.constant 5120 : i32
    %dma_wait3A_169 = tpu.memref_slice %arg11[%dma_wait3A_168] : memref<20096xi32, #tpu.memory_space<vmem>> -> memref<2560xi32, #tpu.memory_space<vmem>>
    %dma_wait3A_170 = arith.constant 0 : i32
    %dma_wait3A_171 = tpu.memref_slice %arg13[%dma_wait3A_170] : memref<10240xf32, #tpu.memory_space<vmem_shared>> -> memref<10240xf32, #tpu.memory_space<vmem_shared>>
    tpu.wait_indirect_dma semaphore(%arg16 : memref<!tpu.dma_semaphore, #tpu.memory_space<semaphore_mem>>) src(%dma_wait3A_167 : memref<2560xf32, #tpu.memory_space<vmem>>) dst(%dma_wait3A_171 : memref<10240xf32, #tpu.memory_space<vmem_shared>>)
    %dma_wait3A_172 = arith.constant 7680 : i32
    %dma_wait3A_173 = tpu.memref_slice %arg10[%dma_wait3A_172] : memref<20096xf32, #tpu.memory_space<vmem>> -> memref<3072xf32, #tpu.memory_space<vmem>>
    %dma_wait3A_174 = arith.constant 7680 : i32
    %dma_wait3A_175 = tpu.memref_slice %arg11[%dma_wait3A_174] : memref<20096xi32, #tpu.memory_space<vmem>> -> memref<3072xi32, #tpu.memory_space<vmem>>
    %dma_wait3A_176 = arith.constant 0 : i32
    %dma_wait3A_177 = tpu.memref_slice %arg13[%dma_wait3A_176] : memref<10240xf32, #tpu.memory_space<vmem_shared>> -> memref<10240xf32, #tpu.memory_space<vmem_shared>>
    tpu.wait_indirect_dma semaphore(%arg16 : memref<!tpu.dma_semaphore, #tpu.memory_space<semaphore_mem>>) src(%dma_wait3A_173 : memref<3072xf32, #tpu.memory_space<vmem>>) dst(%dma_wait3A_177 : memref<10240xf32, #tpu.memory_space<vmem_shared>>)
    %dma_wait3A_178 = arith.constant 10752 : i32
    %dma_wait3A_179 = tpu.memref_slice %arg10[%dma_wait3A_178] : memref<20096xf32, #tpu.memory_space<vmem>> -> memref<4096xf32, #tpu.memory_space<vmem>>
    %dma_wait3A_180 = arith.constant 10752 : i32
    %dma_wait3A_181 = tpu.memref_slice %arg11[%dma_wait3A_180] : memref<20096xi32, #tpu.memory_space<vmem>> -> memref<4096xi32, #tpu.memory_space<vmem>>
    %dma_wait3A_182 = arith.constant 0 : i32
    %dma_wait3A_183 = tpu.memref_slice %arg13[%dma_wait3A_182] : memref<10240xf32, #tpu.memory_space<vmem_shared>> -> memref<10240xf32, #tpu.memory_space<vmem_shared>>
    tpu.wait_indirect_dma semaphore(%arg16 : memref<!tpu.dma_semaphore, #tpu.memory_space<semaphore_mem>>) src(%dma_wait3A_179 : memref<4096xf32, #tpu.memory_space<vmem>>) dst(%dma_wait3A_183 : memref<10240xf32, #tpu.memory_space<vmem_shared>>)
    %dma_wait3A_184 = arith.constant 14848 : i32
    %dma_wait3A_185 = tpu.memref_slice %arg10[%dma_wait3A_184] : memref<20096xf32, #tpu.memory_space<vmem>> -> memref<5248xf32, #tpu.memory_space<vmem>>
    %dma_wait3A_186 = arith.constant 14848 : i32
    %dma_wait3A_187 = tpu.memref_slice %arg11[%dma_wait3A_186] : memref<20096xi32, #tpu.memory_space<vmem>> -> memref<5248xi32, #tpu.memory_space<vmem>>
    %dma_wait3A_188 = arith.constant 0 : i32
    %dma_wait3A_189 = tpu.memref_slice %arg13[%dma_wait3A_188] : memref<10240xf32, #tpu.memory_space<vmem_shared>> -> memref<10240xf32, #tpu.memory_space<vmem_shared>>
    tpu.wait_indirect_dma semaphore(%arg16 : memref<!tpu.dma_semaphore, #tpu.memory_space<semaphore_mem>>) src(%dma_wait3A_185 : memref<5248xf32, #tpu.memory_space<vmem>>) dst(%dma_wait3A_189 : memref<10240xf32, #tpu.memory_space<vmem_shared>>)
    %barrier3A_190 = arith.constant 0 : index
    tpu.barrier barrier_id(%barrier3A_190)
    %mul3A_191 = arith.constant 640 : i32
    %mul3A_192 = arith.muli %arg1, %mul3A_191 : i32
    %mul3A_193 = arith.constant 640 : i32
    %mul3A_194 = arith.muli %arg1, %mul3A_193 : i32
    "tpu.region"() ({
      %run_scoped3A = tpu.sem_alloc : memref<!tpu.dma_semaphore, #tpu.memory_space<semaphore_mem>>
      %dma_start3A_360 = tpu.memref_slice %arg5[%mul3A_194] : memref<10240xf32, #tpu.memory_space<hbm>> -> memref<640xf32, #tpu.memory_space<hbm>>
      %dma_start3A_361 = tpu.memref_slice %arg13[%mul3A_192] : memref<10240xf32, #tpu.memory_space<vmem_shared>> -> memref<640xf32, #tpu.memory_space<vmem_shared>>
      tpu.enqueue_dma source(%dma_start3A_361 : memref<640xf32, #tpu.memory_space<vmem_shared>>) target(%dma_start3A_360 : memref<640xf32, #tpu.memory_space<hbm>>) target_semaphore(%run_scoped3A : memref<!tpu.dma_semaphore, #tpu.memory_space<semaphore_mem>>)
      %dma_wait3A_362 = tpu.memref_slice %arg5[%mul3A_194] : memref<10240xf32, #tpu.memory_space<hbm>> -> memref<640xf32, #tpu.memory_space<hbm>>
      %dma_wait3A_363 = tpu.memref_slice %arg13[%mul3A_192] : memref<10240xf32, #tpu.memory_space<vmem_shared>> -> memref<640xf32, #tpu.memory_space<vmem_shared>>
      tpu.wait_dma2 semaphore(%run_scoped3A : memref<!tpu.dma_semaphore, #tpu.memory_space<semaphore_mem>>) src(%dma_wait3A_363 : memref<640xf32, #tpu.memory_space<vmem_shared>>) dst(%dma_wait3A_362 : memref<640xf32, #tpu.memory_space<hbm>>)
      tpu.yield
    }) : () -> ()
    %barrier3A_195 = arith.constant 0 : index
    tpu.barrier barrier_id(%barrier3A_195)
    "tpu.region"() ({
      %run_scoped3A = tpu.sem_alloc : memref<!tpu.dma_semaphore, #tpu.memory_space<semaphore_mem>>
      tpu.enqueue_dma source(%arg5 : memref<10240xf32, #tpu.memory_space<hbm>>) target(%arg6 : memref<10240xf32, #tpu.memory_space<vmem>>) target_semaphore(%run_scoped3A : memref<!tpu.dma_semaphore, #tpu.memory_space<semaphore_mem>>)
      tpu.wait_dma2 semaphore(%run_scoped3A : memref<!tpu.dma_semaphore, #tpu.memory_space<semaphore_mem>>) src(%arg5 : memref<10240xf32, #tpu.memory_space<hbm>>) dst(%arg6 : memref<10240xf32, #tpu.memory_space<vmem>>)
      tpu.yield
    }) : () -> ()
    %scan3A_196 = arith.constant 0 : i32
    %scan3A_197 = arith.constant 0 : i32
    %scan3A_198 = arith.constant 4 : i32
    %scan3A_199 = arith.addi %scan3A_197, %scan3A_198 : i32
    %scan3A_200 = arith.constant 1 : i32
    %scan3A_201 = scf.for %scan3A_360 = %scan3A_197 to %scan3A_199 step %scan3A_200 iter_args(%scan3A_361 = %scan3A_196) -> (i32)  : i32 {
      %get3A = arith.index_cast %scan3A_360 : i32 to index
      %get3A_362 = arith.constant 0 : index
      %get3A_363 = tpu.vector_load %arg7[%get3A, %get3A_362] {strides = array<i32>} : memref<157x128xi32, #tpu.memory_space<vmem>>, vector<16xi32>,
      %get3A_364 = arith.index_cast %scan3A_360 : i32 to index
      %get3A_365 = arith.constant 0 : index
      %get3A_366 = tpu.vector_load %arg9[%get3A_364, %get3A_365] {strides = array<i32>} : memref<157x128xf32, #tpu.memory_space<vmem>>, vector<16xf32>,
      %gather3A = tpu.vector_load_idx %arg6[%get3A_363] : memref<10240xf32, #tpu.memory_space<vmem>>[vector<16xi32>], vector<16xf32>,
      %mul3A_367 = arith.mulf %gather3A, %get3A_366 : vector<16xf32>
      %mul3A_368 = arith.constant 128 : i32
      %mul3A_369 = arith.muli %scan3A_360, %mul3A_368 : i32
      %add3A = arith.constant 0 : i32
      %add3A_370 = arith.addi %mul3A_369, %add3A : i32
      %swap3A = arith.index_cast %add3A_370 : i32 to index
      %swap3A_371 = tpu.vector_load %arg10[%swap3A] {strides = array<i32>} : memref<20096xf32, #tpu.memory_space<vmem>>, vector<16xf32>,
      tpu.vector_store %arg10[%swap3A], %mul3A_367 {strides = array<i32>} : memref<20096xf32, #tpu.memory_space<vmem>>, vector<16xf32>,
      %get3A_372 = arith.index_cast %scan3A_360 : i32 to index
      %get3A_373 = arith.constant 16 : index
      %get3A_374 = tpu.vector_load %arg7[%get3A_372, %get3A_373] {strides = array<i32>} : memref<157x128xi32, #tpu.memory_space<vmem>>, vector<16xi32>,
      %get3A_375 = arith.index_cast %scan3A_360 : i32 to index
      %get3A_376 = arith.constant 16 : index
      %get3A_377 = tpu.vector_load %arg9[%get3A_375, %get3A_376] {strides = array<i32>} : memref<157x128xf32, #tpu.memory_space<vmem>>, vector<16xf32>,
      %gather3A_378 = tpu.vector_load_idx %arg6[%get3A_374] : memref<10240xf32, #tpu.memory_space<vmem>>[vector<16xi32>], vector<16xf32>,
      %mul3A_379 = arith.mulf %gather3A_378, %get3A_377 : vector<16xf32>
      %mul3A_380 = arith.constant 128 : i32
      %mul3A_381 = arith.muli %scan3A_360, %mul3A_380 : i32
      %add3A_382 = arith.constant 16 : i32
      %add3A_383 = arith.addi %mul3A_381, %add3A_382 : i32
      %swap3A_384 = arith.index_cast %add3A_383 : i32 to index
      %swap3A_385 = tpu.vector_load %arg10[%swap3A_384] {strides = array<i32>} : memref<20096xf32, #tpu.memory_space<vmem>>, vector<16xf32>,
      tpu.vector_store %arg10[%swap3A_384], %mul3A_379 {strides = array<i32>} : memref<20096xf32, #tpu.memory_space<vmem>>, vector<16xf32>,
      %get3A_386 = arith.index_cast %scan3A_360 : i32 to index
      %get3A_387 = arith.constant 32 : index
      %get3A_388 = tpu.vector_load %arg7[%get3A_386, %get3A_387] {strides = array<i32>} : memref<157x128xi32, #tpu.memory_space<vmem>>, vector<16xi32>,
      %get3A_389 = arith.index_cast %scan3A_360 : i32 to index
      %get3A_390 = arith.constant 32 : index
      %get3A_391 = tpu.vector_load %arg9[%get3A_389, %get3A_390] {strides = array<i32>} : memref<157x128xf32, #tpu.memory_space<vmem>>, vector<16xf32>,
      %gather3A_392 = tpu.vector_load_idx %arg6[%get3A_388] : memref<10240xf32, #tpu.memory_space<vmem>>[vector<16xi32>], vector<16xf32>,
      %mul3A_393 = arith.mulf %gather3A_392, %get3A_391 : vector<16xf32>
      %mul3A_394 = arith.constant 128 : i32
      %mul3A_395 = arith.muli %scan3A_360, %mul3A_394 : i32
      %add3A_396 = arith.constant 32 : i32
      %add3A_397 = arith.addi %mul3A_395, %add3A_396 : i32
      %swap3A_398 = arith.index_cast %add3A_397 : i32 to index
      %swap3A_399 = tpu.vector_load %arg10[%swap3A_398] {strides = array<i32>} : memref<20096xf32, #tpu.memory_space<vmem>>, vector<16xf32>,
      tpu.vector_store %arg10[%swap3A_398], %mul3A_393 {strides = array<i32>} : memref<20096xf32, #tpu.memory_space<vmem>>, vector<16xf32>,
      %get3A_400 = arith.index_cast %scan3A_360 : i32 to index
      %get3A_401 = arith.constant 48 : index
      %get3A_402 = tpu.vector_load %arg7[%get3A_400, %get3A_401] {strides = array<i32>} : memref<157x128xi32, #tpu.memory_space<vmem>>, vector<16xi32>,
      %get3A_403 = arith.index_cast %scan3A_360 : i32 to index
      %get3A_404 = arith.constant 48 : index
      %get3A_405 = tpu.vector_load %arg9[%get3A_403, %get3A_404] {strides = array<i32>} : memref<157x128xf32, #tpu.memory_space<vmem>>, vector<16xf32>,
      %gather3A_406 = tpu.vector_load_idx %arg6[%get3A_402] : memref<10240xf32, #tpu.memory_space<vmem>>[vector<16xi32>], vector<16xf32>,
      %mul3A_407 = arith.mulf %gather3A_406, %get3A_405 : vector<16xf32>
      %mul3A_408 = arith.constant 128 : i32
      %mul3A_409 = arith.muli %scan3A_360, %mul3A_408 : i32
      %add3A_410 = arith.constant 48 : i32
      %add3A_411 = arith.addi %mul3A_409, %add3A_410 : i32
      %swap3A_412 = arith.index_cast %add3A_411 : i32 to index
      %swap3A_413 = tpu.vector_load %arg10[%swap3A_412] {strides = array<i32>} : memref<20096xf32, #tpu.memory_space<vmem>>, vector<16xf32>,
      tpu.vector_store %arg10[%swap3A_412], %mul3A_407 {strides = array<i32>} : memref<20096xf32, #tpu.memory_space<vmem>>, vector<16xf32>,
      %get3A_414 = arith.index_cast %scan3A_360 : i32 to index
      %get3A_415 = arith.constant 64 : index
      %get3A_416 = tpu.vector_load %arg7[%get3A_414, %get3A_415] {strides = array<i32>} : memref<157x128xi32, #tpu.memory_space<vmem>>, vector<16xi32>,
      %get3A_417 = arith.index_cast %scan3A_360 : i32 to index
      %get3A_418 = arith.constant 64 : index
      %get3A_419 = tpu.vector_load %arg9[%get3A_417, %get3A_418] {strides = array<i32>} : memref<157x128xf32, #tpu.memory_space<vmem>>, vector<16xf32>,
      %gather3A_420 = tpu.vector_load_idx %arg6[%get3A_416] : memref<10240xf32, #tpu.memory_space<vmem>>[vector<16xi32>], vector<16xf32>,
      %mul3A_421 = arith.mulf %gather3A_420, %get3A_419 : vector<16xf32>
      %mul3A_422 = arith.constant 128 : i32
      %mul3A_423 = arith.muli %scan3A_360, %mul3A_422 : i32
      %add3A_424 = arith.constant 64 : i32
      %add3A_425 = arith.addi %mul3A_423, %add3A_424 : i32
      %swap3A_426 = arith.index_cast %add3A_425 : i32 to index
      %swap3A_427 = tpu.vector_load %arg10[%swap3A_426] {strides = array<i32>} : memref<20096xf32, #tpu.memory_space<vmem>>, vector<16xf32>,
      tpu.vector_store %arg10[%swap3A_426], %mul3A_421 {strides = array<i32>} : memref<20096xf32, #tpu.memory_space<vmem>>, vector<16xf32>,
      %get3A_428 = arith.index_cast %scan3A_360 : i32 to index
      %get3A_429 = arith.constant 80 : index
      %get3A_430 = tpu.vector_load %arg7[%get3A_428, %get3A_429] {strides = array<i32>} : memref<157x128xi32, #tpu.memory_space<vmem>>, vector<16xi32>,
      %get3A_431 = arith.index_cast %scan3A_360 : i32 to index
      %get3A_432 = arith.constant 80 : index
      %get3A_433 = tpu.vector_load %arg9[%get3A_431, %get3A_432] {strides = array<i32>} : memref<157x128xf32, #tpu.memory_space<vmem>>, vector<16xf32>,
      %gather3A_434 = tpu.vector_load_idx %arg6[%get3A_430] : memref<10240xf32, #tpu.memory_space<vmem>>[vector<16xi32>], vector<16xf32>,
      %mul3A_435 = arith.mulf %gather3A_434, %get3A_433 : vector<16xf32>
      %mul3A_436 = arith.constant 128 : i32
      %mul3A_437 = arith.muli %scan3A_360, %mul3A_436 : i32
      %add3A_438 = arith.constant 80 : i32
      %add3A_439 = arith.addi %mul3A_437, %add3A_438 : i32
      %swap3A_440 = arith.index_cast %add3A_439 : i32 to index
      %swap3A_441 = tpu.vector_load %arg10[%swap3A_440] {strides = array<i32>} : memref<20096xf32, #tpu.memory_space<vmem>>, vector<16xf32>,
      tpu.vector_store %arg10[%swap3A_440], %mul3A_435 {strides = array<i32>} : memref<20096xf32, #tpu.memory_space<vmem>>, vector<16xf32>,
      %get3A_442 = arith.index_cast %scan3A_360 : i32 to index
      %get3A_443 = arith.constant 96 : index
      %get3A_444 = tpu.vector_load %arg7[%get3A_442, %get3A_443] {strides = array<i32>} : memref<157x128xi32, #tpu.memory_space<vmem>>, vector<16xi32>,
      %get3A_445 = arith.index_cast %scan3A_360 : i32 to index
      %get3A_446 = arith.constant 96 : index
      %get3A_447 = tpu.vector_load %arg9[%get3A_445, %get3A_446] {strides = array<i32>} : memref<157x128xf32, #tpu.memory_space<vmem>>, vector<16xf32>,
      %gather3A_448 = tpu.vector_load_idx %arg6[%get3A_444] : memref<10240xf32, #tpu.memory_space<vmem>>[vector<16xi32>], vector<16xf32>,
      %mul3A_449 = arith.mulf %gather3A_448, %get3A_447 : vector<16xf32>
      %mul3A_450 = arith.constant 128 : i32
      %mul3A_451 = arith.muli %scan3A_360, %mul3A_450 : i32
      %add3A_452 = arith.constant 96 : i32
      %add3A_453 = arith.addi %mul3A_451, %add3A_452 : i32
      %swap3A_454 = arith.index_cast %add3A_453 : i32 to index
      %swap3A_455 = tpu.vector_load %arg10[%swap3A_454] {strides = array<i32>} : memref<20096xf32, #tpu.memory_space<vmem>>, vector<16xf32>,
      tpu.vector_store %arg10[%swap3A_454], %mul3A_449 {strides = array<i32>} : memref<20096xf32, #tpu.memory_space<vmem>>, vector<16xf32>,
      %get3A_456 = arith.index_cast %scan3A_360 : i32 to index
      %get3A_457 = arith.constant 112 : index
      %get3A_458 = tpu.vector_load %arg7[%get3A_456, %get3A_457] {strides = array<i32>} : memref<157x128xi32, #tpu.memory_space<vmem>>, vector<16xi32>,
      %get3A_459 = arith.index_cast %scan3A_360 : i32 to index
      %get3A_460 = arith.constant 112 : index
      %get3A_461 = tpu.vector_load %arg9[%get3A_459, %get3A_460] {strides = array<i32>} : memref<157x128xf32, #tpu.memory_space<vmem>>, vector<16xf32>,
      %gather3A_462 = tpu.vector_load_idx %arg6[%get3A_458] : memref<10240xf32, #tpu.memory_space<vmem>>[vector<16xi32>], vector<16xf32>,
      %mul3A_463 = arith.mulf %gather3A_462, %get3A_461 : vector<16xf32>
      %mul3A_464 = arith.constant 128 : i32
      %mul3A_465 = arith.muli %scan3A_360, %mul3A_464 : i32
      %add3A_466 = arith.constant 112 : i32
      %add3A_467 = arith.addi %mul3A_465, %add3A_466 : i32
      %swap3A_468 = arith.index_cast %add3A_467 : i32 to index
      %swap3A_469 = tpu.vector_load %arg10[%swap3A_468] {strides = array<i32>} : memref<20096xf32, #tpu.memory_space<vmem>>, vector<16xf32>,
      tpu.vector_store %arg10[%swap3A_468], %mul3A_463 {strides = array<i32>} : memref<20096xf32, #tpu.memory_space<vmem>>, vector<16xf32>,
      %scan3A_470 = arith.constant 0 : i32
      scf.yield %scan3A_470 : i32
    }
    %scan3A_202 = arith.constant 4 : i32
    %dma_start3A_203 = arith.constant 0 : i32
    %dma_start3A_204 = tpu.memref_slice %arg10[%dma_start3A_203] : memref<20096xf32, #tpu.memory_space<vmem>> -> memref<512xf32, #tpu.memory_space<vmem>>
    %dma_start3A_205 = arith.constant 0 : i32
    %dma_start3A_206 = tpu.memref_slice %arg11[%dma_start3A_205] : memref<20096xi32, #tpu.memory_space<vmem>> -> memref<512xi32, #tpu.memory_space<vmem>>
    %dma_start3A_207 = arith.constant 0 : i32
    %dma_start3A_208 = tpu.memref_slice %arg14[%dma_start3A_207] : memref<10240xf32, #tpu.memory_space<vmem_shared>> -> memref<10240xf32, #tpu.memory_space<vmem_shared>>
    tpu.enqueue_indirect_dma source(%dma_start3A_204 : memref<512xf32, #tpu.memory_space<vmem>>) target(%dma_start3A_208 : memref<10240xf32, #tpu.memory_space<vmem_shared>>) offsets(%dma_start3A_206 : memref<512xi32, #tpu.memory_space<vmem>>) semaphore(%arg16 : memref<!tpu.dma_semaphore, #tpu.memory_space<semaphore_mem>>) {add = true}
    %scan3A_209 = arith.constant 0 : i32
    %scan3A_210 = arith.constant 4 : i32
    %scan3A_211 = arith.constant 8 : i32
    %scan3A_212 = arith.addi %scan3A_210, %scan3A_211 : i32
    %scan3A_213 = arith.constant 1 : i32
    %scan3A_214 = scf.for %scan3A_360 = %scan3A_210 to %scan3A_212 step %scan3A_213 iter_args(%scan3A_361 = %scan3A_209) -> (i32)  : i32 {
      %get3A = arith.index_cast %scan3A_360 : i32 to index
      %get3A_362 = arith.constant 0 : index
      %get3A_363 = tpu.vector_load %arg7[%get3A, %get3A_362] {strides = array<i32>} : memref<157x128xi32, #tpu.memory_space<vmem>>, vector<16xi32>,
      %get3A_364 = arith.index_cast %scan3A_360 : i32 to index
      %get3A_365 = arith.constant 0 : index
      %get3A_366 = tpu.vector_load %arg9[%get3A_364, %get3A_365] {strides = array<i32>} : memref<157x128xf32, #tpu.memory_space<vmem>>, vector<16xf32>,
      %gather3A = tpu.vector_load_idx %arg6[%get3A_363] : memref<10240xf32, #tpu.memory_space<vmem>>[vector<16xi32>], vector<16xf32>,
      %mul3A_367 = arith.mulf %gather3A, %get3A_366 : vector<16xf32>
      %mul3A_368 = arith.constant 128 : i32
      %mul3A_369 = arith.muli %scan3A_360, %mul3A_368 : i32
      %add3A = arith.constant 0 : i32
      %add3A_370 = arith.addi %mul3A_369, %add3A : i32
      %swap3A = arith.index_cast %add3A_370 : i32 to index
      %swap3A_371 = tpu.vector_load %arg10[%swap3A] {strides = array<i32>} : memref<20096xf32, #tpu.memory_space<vmem>>, vector<16xf32>,
      tpu.vector_store %arg10[%swap3A], %mul3A_367 {strides = array<i32>} : memref<20096xf32, #tpu.memory_space<vmem>>, vector<16xf32>,
      %get3A_372 = arith.index_cast %scan3A_360 : i32 to index
      %get3A_373 = arith.constant 16 : index
      %get3A_374 = tpu.vector_load %arg7[%get3A_372, %get3A_373] {strides = array<i32>} : memref<157x128xi32, #tpu.memory_space<vmem>>, vector<16xi32>,
      %get3A_375 = arith.index_cast %scan3A_360 : i32 to index
      %get3A_376 = arith.constant 16 : index
      %get3A_377 = tpu.vector_load %arg9[%get3A_375, %get3A_376] {strides = array<i32>} : memref<157x128xf32, #tpu.memory_space<vmem>>, vector<16xf32>,
      %gather3A_378 = tpu.vector_load_idx %arg6[%get3A_374] : memref<10240xf32, #tpu.memory_space<vmem>>[vector<16xi32>], vector<16xf32>,
      %mul3A_379 = arith.mulf %gather3A_378, %get3A_377 : vector<16xf32>
      %mul3A_380 = arith.constant 128 : i32
      %mul3A_381 = arith.muli %scan3A_360, %mul3A_380 : i32
      %add3A_382 = arith.constant 16 : i32
      %add3A_383 = arith.addi %mul3A_381, %add3A_382 : i32
      %swap3A_384 = arith.index_cast %add3A_383 : i32 to index
      %swap3A_385 = tpu.vector_load %arg10[%swap3A_384] {strides = array<i32>} : memref<20096xf32, #tpu.memory_space<vmem>>, vector<16xf32>,
      tpu.vector_store %arg10[%swap3A_384], %mul3A_379 {strides = array<i32>} : memref<20096xf32, #tpu.memory_space<vmem>>, vector<16xf32>,
      %get3A_386 = arith.index_cast %scan3A_360 : i32 to index
      %get3A_387 = arith.constant 32 : index
      %get3A_388 = tpu.vector_load %arg7[%get3A_386, %get3A_387] {strides = array<i32>} : memref<157x128xi32, #tpu.memory_space<vmem>>, vector<16xi32>,
      %get3A_389 = arith.index_cast %scan3A_360 : i32 to index
      %get3A_390 = arith.constant 32 : index
      %get3A_391 = tpu.vector_load %arg9[%get3A_389, %get3A_390] {strides = array<i32>} : memref<157x128xf32, #tpu.memory_space<vmem>>, vector<16xf32>,
      %gather3A_392 = tpu.vector_load_idx %arg6[%get3A_388] : memref<10240xf32, #tpu.memory_space<vmem>>[vector<16xi32>], vector<16xf32>,
      %mul3A_393 = arith.mulf %gather3A_392, %get3A_391 : vector<16xf32>
      %mul3A_394 = arith.constant 128 : i32
      %mul3A_395 = arith.muli %scan3A_360, %mul3A_394 : i32
      %add3A_396 = arith.constant 32 : i32
      %add3A_397 = arith.addi %mul3A_395, %add3A_396 : i32
      %swap3A_398 = arith.index_cast %add3A_397 : i32 to index
      %swap3A_399 = tpu.vector_load %arg10[%swap3A_398] {strides = array<i32>} : memref<20096xf32, #tpu.memory_space<vmem>>, vector<16xf32>,
      tpu.vector_store %arg10[%swap3A_398], %mul3A_393 {strides = array<i32>} : memref<20096xf32, #tpu.memory_space<vmem>>, vector<16xf32>,
      %get3A_400 = arith.index_cast %scan3A_360 : i32 to index
      %get3A_401 = arith.constant 48 : index
      %get3A_402 = tpu.vector_load %arg7[%get3A_400, %get3A_401] {strides = array<i32>} : memref<157x128xi32, #tpu.memory_space<vmem>>, vector<16xi32>,
      %get3A_403 = arith.index_cast %scan3A_360 : i32 to index
      %get3A_404 = arith.constant 48 : index
      %get3A_405 = tpu.vector_load %arg9[%get3A_403, %get3A_404] {strides = array<i32>} : memref<157x128xf32, #tpu.memory_space<vmem>>, vector<16xf32>,
      %gather3A_406 = tpu.vector_load_idx %arg6[%get3A_402] : memref<10240xf32, #tpu.memory_space<vmem>>[vector<16xi32>], vector<16xf32>,
      %mul3A_407 = arith.mulf %gather3A_406, %get3A_405 : vector<16xf32>
      %mul3A_408 = arith.constant 128 : i32
      %mul3A_409 = arith.muli %scan3A_360, %mul3A_408 : i32
      %add3A_410 = arith.constant 48 : i32
      %add3A_411 = arith.addi %mul3A_409, %add3A_410 : i32
      %swap3A_412 = arith.index_cast %add3A_411 : i32 to index
      %swap3A_413 = tpu.vector_load %arg10[%swap3A_412] {strides = array<i32>} : memref<20096xf32, #tpu.memory_space<vmem>>, vector<16xf32>,
      tpu.vector_store %arg10[%swap3A_412], %mul3A_407 {strides = array<i32>} : memref<20096xf32, #tpu.memory_space<vmem>>, vector<16xf32>,
      %get3A_414 = arith.index_cast %scan3A_360 : i32 to index
      %get3A_415 = arith.constant 64 : index
      %get3A_416 = tpu.vector_load %arg7[%get3A_414, %get3A_415] {strides = array<i32>} : memref<157x128xi32, #tpu.memory_space<vmem>>, vector<16xi32>,
      %get3A_417 = arith.index_cast %scan3A_360 : i32 to index
      %get3A_418 = arith.constant 64 : index
      %get3A_419 = tpu.vector_load %arg9[%get3A_417, %get3A_418] {strides = array<i32>} : memref<157x128xf32, #tpu.memory_space<vmem>>, vector<16xf32>,
      %gather3A_420 = tpu.vector_load_idx %arg6[%get3A_416] : memref<10240xf32, #tpu.memory_space<vmem>>[vector<16xi32>], vector<16xf32>,
      %mul3A_421 = arith.mulf %gather3A_420, %get3A_419 : vector<16xf32>
      %mul3A_422 = arith.constant 128 : i32
      %mul3A_423 = arith.muli %scan3A_360, %mul3A_422 : i32
      %add3A_424 = arith.constant 64 : i32
      %add3A_425 = arith.addi %mul3A_423, %add3A_424 : i32
      %swap3A_426 = arith.index_cast %add3A_425 : i32 to index
      %swap3A_427 = tpu.vector_load %arg10[%swap3A_426] {strides = array<i32>} : memref<20096xf32, #tpu.memory_space<vmem>>, vector<16xf32>,
      tpu.vector_store %arg10[%swap3A_426], %mul3A_421 {strides = array<i32>} : memref<20096xf32, #tpu.memory_space<vmem>>, vector<16xf32>,
      %get3A_428 = arith.index_cast %scan3A_360 : i32 to index
      %get3A_429 = arith.constant 80 : index
      %get3A_430 = tpu.vector_load %arg7[%get3A_428, %get3A_429] {strides = array<i32>} : memref<157x128xi32, #tpu.memory_space<vmem>>, vector<16xi32>,
      %get3A_431 = arith.index_cast %scan3A_360 : i32 to index
      %get3A_432 = arith.constant 80 : index
      %get3A_433 = tpu.vector_load %arg9[%get3A_431, %get3A_432] {strides = array<i32>} : memref<157x128xf32, #tpu.memory_space<vmem>>, vector<16xf32>,
      %gather3A_434 = tpu.vector_load_idx %arg6[%get3A_430] : memref<10240xf32, #tpu.memory_space<vmem>>[vector<16xi32>], vector<16xf32>,
      %mul3A_435 = arith.mulf %gather3A_434, %get3A_433 : vector<16xf32>
      %mul3A_436 = arith.constant 128 : i32
      %mul3A_437 = arith.muli %scan3A_360, %mul3A_436 : i32
      %add3A_438 = arith.constant 80 : i32
      %add3A_439 = arith.addi %mul3A_437, %add3A_438 : i32
      %swap3A_440 = arith.index_cast %add3A_439 : i32 to index
      %swap3A_441 = tpu.vector_load %arg10[%swap3A_440] {strides = array<i32>} : memref<20096xf32, #tpu.memory_space<vmem>>, vector<16xf32>,
      tpu.vector_store %arg10[%swap3A_440], %mul3A_435 {strides = array<i32>} : memref<20096xf32, #tpu.memory_space<vmem>>, vector<16xf32>,
      %get3A_442 = arith.index_cast %scan3A_360 : i32 to index
      %get3A_443 = arith.constant 96 : index
      %get3A_444 = tpu.vector_load %arg7[%get3A_442, %get3A_443] {strides = array<i32>} : memref<157x128xi32, #tpu.memory_space<vmem>>, vector<16xi32>,
      %get3A_445 = arith.index_cast %scan3A_360 : i32 to index
      %get3A_446 = arith.constant 96 : index
      %get3A_447 = tpu.vector_load %arg9[%get3A_445, %get3A_446] {strides = array<i32>} : memref<157x128xf32, #tpu.memory_space<vmem>>, vector<16xf32>,
      %gather3A_448 = tpu.vector_load_idx %arg6[%get3A_444] : memref<10240xf32, #tpu.memory_space<vmem>>[vector<16xi32>], vector<16xf32>,
      %mul3A_449 = arith.mulf %gather3A_448, %get3A_447 : vector<16xf32>
      %mul3A_450 = arith.constant 128 : i32
      %mul3A_451 = arith.muli %scan3A_360, %mul3A_450 : i32
      %add3A_452 = arith.constant 96 : i32
      %add3A_453 = arith.addi %mul3A_451, %add3A_452 : i32
      %swap3A_454 = arith.index_cast %add3A_453 : i32 to index
      %swap3A_455 = tpu.vector_load %arg10[%swap3A_454] {strides = array<i32>} : memref<20096xf32, #tpu.memory_space<vmem>>, vector<16xf32>,
      tpu.vector_store %arg10[%swap3A_454], %mul3A_449 {strides = array<i32>} : memref<20096xf32, #tpu.memory_space<vmem>>, vector<16xf32>,
      %get3A_456 = arith.index_cast %scan3A_360 : i32 to index
      %get3A_457 = arith.constant 112 : index
      %get3A_458 = tpu.vector_load %arg7[%get3A_456, %get3A_457] {strides = array<i32>} : memref<157x128xi32, #tpu.memory_space<vmem>>, vector<16xi32>,
      %get3A_459 = arith.index_cast %scan3A_360 : i32 to index
      %get3A_460 = arith.constant 112 : index
      %get3A_461 = tpu.vector_load %arg9[%get3A_459, %get3A_460] {strides = array<i32>} : memref<157x128xf32, #tpu.memory_space<vmem>>, vector<16xf32>,
      %gather3A_462 = tpu.vector_load_idx %arg6[%get3A_458] : memref<10240xf32, #tpu.memory_space<vmem>>[vector<16xi32>], vector<16xf32>,
      %mul3A_463 = arith.mulf %gather3A_462, %get3A_461 : vector<16xf32>
      %mul3A_464 = arith.constant 128 : i32
      %mul3A_465 = arith.muli %scan3A_360, %mul3A_464 : i32
      %add3A_466 = arith.constant 112 : i32
      %add3A_467 = arith.addi %mul3A_465, %add3A_466 : i32
      %swap3A_468 = arith.index_cast %add3A_467 : i32 to index
      %swap3A_469 = tpu.vector_load %arg10[%swap3A_468] {strides = array<i32>} : memref<20096xf32, #tpu.memory_space<vmem>>, vector<16xf32>,
      tpu.vector_store %arg10[%swap3A_468], %mul3A_463 {strides = array<i32>} : memref<20096xf32, #tpu.memory_space<vmem>>, vector<16xf32>,
      %scan3A_470 = arith.constant 0 : i32
      scf.yield %scan3A_470 : i32
    }
    %scan3A_215 = arith.constant 8 : i32
    %dma_start3A_216 = arith.constant 512 : i32
    %dma_start3A_217 = tpu.memref_slice %arg10[%dma_start3A_216] : memref<20096xf32, #tpu.memory_space<vmem>> -> memref<1024xf32, #tpu.memory_space<vmem>>
    %dma_start3A_218 = arith.constant 512 : i32
    %dma_start3A_219 = tpu.memref_slice %arg11[%dma_start3A_218] : memref<20096xi32, #tpu.memory_space<vmem>> -> memref<1024xi32, #tpu.memory_space<vmem>>
    %dma_start3A_220 = arith.constant 0 : i32
    %dma_start3A_221 = tpu.memref_slice %arg14[%dma_start3A_220] : memref<10240xf32, #tpu.memory_space<vmem_shared>> -> memref<10240xf32, #tpu.memory_space<vmem_shared>>
    tpu.enqueue_indirect_dma source(%dma_start3A_217 : memref<1024xf32, #tpu.memory_space<vmem>>) target(%dma_start3A_221 : memref<10240xf32, #tpu.memory_space<vmem_shared>>) offsets(%dma_start3A_219 : memref<1024xi32, #tpu.memory_space<vmem>>) semaphore(%arg16 : memref<!tpu.dma_semaphore, #tpu.memory_space<semaphore_mem>>) {add = true}
    %scan3A_222 = arith.constant 0 : i32
    %scan3A_223 = arith.constant 12 : i32
    %scan3A_224 = arith.constant 12 : i32
    %scan3A_225 = arith.addi %scan3A_223, %scan3A_224 : i32
    %scan3A_226 = arith.constant 1 : i32
    %scan3A_227 = scf.for %scan3A_360 = %scan3A_223 to %scan3A_225 step %scan3A_226 iter_args(%scan3A_361 = %scan3A_222) -> (i32)  : i32 {
      %get3A = arith.index_cast %scan3A_360 : i32 to index
      %get3A_362 = arith.constant 0 : index
      %get3A_363 = tpu.vector_load %arg7[%get3A, %get3A_362] {strides = array<i32>} : memref<157x128xi32, #tpu.memory_space<vmem>>, vector<16xi32>,
      %get3A_364 = arith.index_cast %scan3A_360 : i32 to index
      %get3A_365 = arith.constant 0 : index
      %get3A_366 = tpu.vector_load %arg9[%get3A_364, %get3A_365] {strides = array<i32>} : memref<157x128xf32, #tpu.memory_space<vmem>>, vector<16xf32>,
      %gather3A = tpu.vector_load_idx %arg6[%get3A_363] : memref<10240xf32, #tpu.memory_space<vmem>>[vector<16xi32>], vector<16xf32>,
      %mul3A_367 = arith.mulf %gather3A, %get3A_366 : vector<16xf32>
      %mul3A_368 = arith.constant 128 : i32
      %mul3A_369 = arith.muli %scan3A_360, %mul3A_368 : i32
      %add3A = arith.constant 0 : i32
      %add3A_370 = arith.addi %mul3A_369, %add3A : i32
      %swap3A = arith.index_cast %add3A_370 : i32 to index
      %swap3A_371 = tpu.vector_load %arg10[%swap3A] {strides = array<i32>} : memref<20096xf32, #tpu.memory_space<vmem>>, vector<16xf32>,
      tpu.vector_store %arg10[%swap3A], %mul3A_367 {strides = array<i32>} : memref<20096xf32, #tpu.memory_space<vmem>>, vector<16xf32>,
      %get3A_372 = arith.index_cast %scan3A_360 : i32 to index
      %get3A_373 = arith.constant 16 : index
      %get3A_374 = tpu.vector_load %arg7[%get3A_372, %get3A_373] {strides = array<i32>} : memref<157x128xi32, #tpu.memory_space<vmem>>, vector<16xi32>,
      %get3A_375 = arith.index_cast %scan3A_360 : i32 to index
      %get3A_376 = arith.constant 16 : index
      %get3A_377 = tpu.vector_load %arg9[%get3A_375, %get3A_376] {strides = array<i32>} : memref<157x128xf32, #tpu.memory_space<vmem>>, vector<16xf32>,
      %gather3A_378 = tpu.vector_load_idx %arg6[%get3A_374] : memref<10240xf32, #tpu.memory_space<vmem>>[vector<16xi32>], vector<16xf32>,
      %mul3A_379 = arith.mulf %gather3A_378, %get3A_377 : vector<16xf32>
      %mul3A_380 = arith.constant 128 : i32
      %mul3A_381 = arith.muli %scan3A_360, %mul3A_380 : i32
      %add3A_382 = arith.constant 16 : i32
      %add3A_383 = arith.addi %mul3A_381, %add3A_382 : i32
      %swap3A_384 = arith.index_cast %add3A_383 : i32 to index
      %swap3A_385 = tpu.vector_load %arg10[%swap3A_384] {strides = array<i32>} : memref<20096xf32, #tpu.memory_space<vmem>>, vector<16xf32>,
      tpu.vector_store %arg10[%swap3A_384], %mul3A_379 {strides = array<i32>} : memref<20096xf32, #tpu.memory_space<vmem>>, vector<16xf32>,
      %get3A_386 = arith.index_cast %scan3A_360 : i32 to index
      %get3A_387 = arith.constant 32 : index
      %get3A_388 = tpu.vector_load %arg7[%get3A_386, %get3A_387] {strides = array<i32>} : memref<157x128xi32, #tpu.memory_space<vmem>>, vector<16xi32>,
      %get3A_389 = arith.index_cast %scan3A_360 : i32 to index
      %get3A_390 = arith.constant 32 : index
      %get3A_391 = tpu.vector_load %arg9[%get3A_389, %get3A_390] {strides = array<i32>} : memref<157x128xf32, #tpu.memory_space<vmem>>, vector<16xf32>,
      %gather3A_392 = tpu.vector_load_idx %arg6[%get3A_388] : memref<10240xf32, #tpu.memory_space<vmem>>[vector<16xi32>], vector<16xf32>,
      %mul3A_393 = arith.mulf %gather3A_392, %get3A_391 : vector<16xf32>
      %mul3A_394 = arith.constant 128 : i32
      %mul3A_395 = arith.muli %scan3A_360, %mul3A_394 : i32
      %add3A_396 = arith.constant 32 : i32
      %add3A_397 = arith.addi %mul3A_395, %add3A_396 : i32
      %swap3A_398 = arith.index_cast %add3A_397 : i32 to index
      %swap3A_399 = tpu.vector_load %arg10[%swap3A_398] {strides = array<i32>} : memref<20096xf32, #tpu.memory_space<vmem>>, vector<16xf32>,
      tpu.vector_store %arg10[%swap3A_398], %mul3A_393 {strides = array<i32>} : memref<20096xf32, #tpu.memory_space<vmem>>, vector<16xf32>,
      %get3A_400 = arith.index_cast %scan3A_360 : i32 to index
      %get3A_401 = arith.constant 48 : index
      %get3A_402 = tpu.vector_load %arg7[%get3A_400, %get3A_401] {strides = array<i32>} : memref<157x128xi32, #tpu.memory_space<vmem>>, vector<16xi32>,
      %get3A_403 = arith.index_cast %scan3A_360 : i32 to index
      %get3A_404 = arith.constant 48 : index
      %get3A_405 = tpu.vector_load %arg9[%get3A_403, %get3A_404] {strides = array<i32>} : memref<157x128xf32, #tpu.memory_space<vmem>>, vector<16xf32>,
      %gather3A_406 = tpu.vector_load_idx %arg6[%get3A_402] : memref<10240xf32, #tpu.memory_space<vmem>>[vector<16xi32>], vector<16xf32>,
      %mul3A_407 = arith.mulf %gather3A_406, %get3A_405 : vector<16xf32>
      %mul3A_408 = arith.constant 128 : i32
      %mul3A_409 = arith.muli %scan3A_360, %mul3A_408 : i32
      %add3A_410 = arith.constant 48 : i32
      %add3A_411 = arith.addi %mul3A_409, %add3A_410 : i32
      %swap3A_412 = arith.index_cast %add3A_411 : i32 to index
      %swap3A_413 = tpu.vector_load %arg10[%swap3A_412] {strides = array<i32>} : memref<20096xf32, #tpu.memory_space<vmem>>, vector<16xf32>,
      tpu.vector_store %arg10[%swap3A_412], %mul3A_407 {strides = array<i32>} : memref<20096xf32, #tpu.memory_space<vmem>>, vector<16xf32>,
      %get3A_414 = arith.index_cast %scan3A_360 : i32 to index
      %get3A_415 = arith.constant 64 : index
      %get3A_416 = tpu.vector_load %arg7[%get3A_414, %get3A_415] {strides = array<i32>} : memref<157x128xi32, #tpu.memory_space<vmem>>, vector<16xi32>,
      %get3A_417 = arith.index_cast %scan3A_360 : i32 to index
      %get3A_418 = arith.constant 64 : index
      %get3A_419 = tpu.vector_load %arg9[%get3A_417, %get3A_418] {strides = array<i32>} : memref<157x128xf32, #tpu.memory_space<vmem>>, vector<16xf32>,
      %gather3A_420 = tpu.vector_load_idx %arg6[%get3A_416] : memref<10240xf32, #tpu.memory_space<vmem>>[vector<16xi32>], vector<16xf32>,
      %mul3A_421 = arith.mulf %gather3A_420, %get3A_419 : vector<16xf32>
      %mul3A_422 = arith.constant 128 : i32
      %mul3A_423 = arith.muli %scan3A_360, %mul3A_422 : i32
      %add3A_424 = arith.constant 64 : i32
      %add3A_425 = arith.addi %mul3A_423, %add3A_424 : i32
      %swap3A_426 = arith.index_cast %add3A_425 : i32 to index
      %swap3A_427 = tpu.vector_load %arg10[%swap3A_426] {strides = array<i32>} : memref<20096xf32, #tpu.memory_space<vmem>>, vector<16xf32>,
      tpu.vector_store %arg10[%swap3A_426], %mul3A_421 {strides = array<i32>} : memref<20096xf32, #tpu.memory_space<vmem>>, vector<16xf32>,
      %get3A_428 = arith.index_cast %scan3A_360 : i32 to index
      %get3A_429 = arith.constant 80 : index
      %get3A_430 = tpu.vector_load %arg7[%get3A_428, %get3A_429] {strides = array<i32>} : memref<157x128xi32, #tpu.memory_space<vmem>>, vector<16xi32>,
      %get3A_431 = arith.index_cast %scan3A_360 : i32 to index
      %get3A_432 = arith.constant 80 : index
      %get3A_433 = tpu.vector_load %arg9[%get3A_431, %get3A_432] {strides = array<i32>} : memref<157x128xf32, #tpu.memory_space<vmem>>, vector<16xf32>,
      %gather3A_434 = tpu.vector_load_idx %arg6[%get3A_430] : memref<10240xf32, #tpu.memory_space<vmem>>[vector<16xi32>], vector<16xf32>,
      %mul3A_435 = arith.mulf %gather3A_434, %get3A_433 : vector<16xf32>
      %mul3A_436 = arith.constant 128 : i32
      %mul3A_437 = arith.muli %scan3A_360, %mul3A_436 : i32
      %add3A_438 = arith.constant 80 : i32
      %add3A_439 = arith.addi %mul3A_437, %add3A_438 : i32
      %swap3A_440 = arith.index_cast %add3A_439 : i32 to index
      %swap3A_441 = tpu.vector_load %arg10[%swap3A_440] {strides = array<i32>} : memref<20096xf32, #tpu.memory_space<vmem>>, vector<16xf32>,
      tpu.vector_store %arg10[%swap3A_440], %mul3A_435 {strides = array<i32>} : memref<20096xf32, #tpu.memory_space<vmem>>, vector<16xf32>,
      %get3A_442 = arith.index_cast %scan3A_360 : i32 to index
      %get3A_443 = arith.constant 96 : index
      %get3A_444 = tpu.vector_load %arg7[%get3A_442, %get3A_443] {strides = array<i32>} : memref<157x128xi32, #tpu.memory_space<vmem>>, vector<16xi32>,
      %get3A_445 = arith.index_cast %scan3A_360 : i32 to index
      %get3A_446 = arith.constant 96 : index
      %get3A_447 = tpu.vector_load %arg9[%get3A_445, %get3A_446] {strides = array<i32>} : memref<157x128xf32, #tpu.memory_space<vmem>>, vector<16xf32>,
      %gather3A_448 = tpu.vector_load_idx %arg6[%get3A_444] : memref<10240xf32, #tpu.memory_space<vmem>>[vector<16xi32>], vector<16xf32>,
      %mul3A_449 = arith.mulf %gather3A_448, %get3A_447 : vector<16xf32>
      %mul3A_450 = arith.constant 128 : i32
      %mul3A_451 = arith.muli %scan3A_360, %mul3A_450 : i32
      %add3A_452 = arith.constant 96 : i32
      %add3A_453 = arith.addi %mul3A_451, %add3A_452 : i32
      %swap3A_454 = arith.index_cast %add3A_453 : i32 to index
      %swap3A_455 = tpu.vector_load %arg10[%swap3A_454] {strides = array<i32>} : memref<20096xf32, #tpu.memory_space<vmem>>, vector<16xf32>,
      tpu.vector_store %arg10[%swap3A_454], %mul3A_449 {strides = array<i32>} : memref<20096xf32, #tpu.memory_space<vmem>>, vector<16xf32>,
      %get3A_456 = arith.index_cast %scan3A_360 : i32 to index
      %get3A_457 = arith.constant 112 : index
      %get3A_458 = tpu.vector_load %arg7[%get3A_456, %get3A_457] {strides = array<i32>} : memref<157x128xi32, #tpu.memory_space<vmem>>, vector<16xi32>,
      %get3A_459 = arith.index_cast %scan3A_360 : i32 to index
      %get3A_460 = arith.constant 112 : index
      %get3A_461 = tpu.vector_load %arg9[%get3A_459, %get3A_460] {strides = array<i32>} : memref<157x128xf32, #tpu.memory_space<vmem>>, vector<16xf32>,
      %gather3A_462 = tpu.vector_load_idx %arg6[%get3A_458] : memref<10240xf32, #tpu.memory_space<vmem>>[vector<16xi32>], vector<16xf32>,
      %mul3A_463 = arith.mulf %gather3A_462, %get3A_461 : vector<16xf32>
      %mul3A_464 = arith.constant 128 : i32
      %mul3A_465 = arith.muli %scan3A_360, %mul3A_464 : i32
      %add3A_466 = arith.constant 112 : i32
      %add3A_467 = arith.addi %mul3A_465, %add3A_466 : i32
      %swap3A_468 = arith.index_cast %add3A_467 : i32 to index
      %swap3A_469 = tpu.vector_load %arg10[%swap3A_468] {strides = array<i32>} : memref<20096xf32, #tpu.memory_space<vmem>>, vector<16xf32>,
      tpu.vector_store %arg10[%swap3A_468], %mul3A_463 {strides = array<i32>} : memref<20096xf32, #tpu.memory_space<vmem>>, vector<16xf32>,
      %scan3A_470 = arith.constant 0 : i32
      scf.yield %scan3A_470 : i32
    }
    %scan3A_228 = arith.constant 12 : i32
    %dma_start3A_229 = arith.constant 1536 : i32
    %dma_start3A_230 = tpu.memref_slice %arg10[%dma_start3A_229] : memref<20096xf32, #tpu.memory_space<vmem>> -> memref<1536xf32, #tpu.memory_space<vmem>>
    %dma_start3A_231 = arith.constant 1536 : i32
    %dma_start3A_232 = tpu.memref_slice %arg11[%dma_start3A_231] : memref<20096xi32, #tpu.memory_space<vmem>> -> memref<1536xi32, #tpu.memory_space<vmem>>
    %dma_start3A_233 = arith.constant 0 : i32
    %dma_start3A_234 = tpu.memref_slice %arg14[%dma_start3A_233] : memref<10240xf32, #tpu.memory_space<vmem_shared>> -> memref<10240xf32, #tpu.memory_space<vmem_shared>>
    tpu.enqueue_indirect_dma source(%dma_start3A_230 : memref<1536xf32, #tpu.memory_space<vmem>>) target(%dma_start3A_234 : memref<10240xf32, #tpu.memory_space<vmem_shared>>) offsets(%dma_start3A_232 : memref<1536xi32, #tpu.memory_space<vmem>>) semaphore(%arg16 : memref<!tpu.dma_semaphore, #tpu.memory_space<semaphore_mem>>) {add = true}
    %scan3A_235 = arith.constant 0 : i32
    %scan3A_236 = arith.constant 24 : i32
    %scan3A_237 = arith.constant 16 : i32
    %scan3A_238 = arith.addi %scan3A_236, %scan3A_237 : i32
    %scan3A_239 = arith.constant 1 : i32
    %scan3A_240 = scf.for %scan3A_360 = %scan3A_236 to %scan3A_238 step %scan3A_239 iter_args(%scan3A_361 = %scan3A_235) -> (i32)  : i32 {
      %get3A = arith.index_cast %scan3A_360 : i32 to index
      %get3A_362 = arith.constant 0 : index
      %get3A_363 = tpu.vector_load %arg7[%get3A, %get3A_362] {strides = array<i32>} : memref<157x128xi32, #tpu.memory_space<vmem>>, vector<16xi32>,
      %get3A_364 = arith.index_cast %scan3A_360 : i32 to index
      %get3A_365 = arith.constant 0 : index
      %get3A_366 = tpu.vector_load %arg9[%get3A_364, %get3A_365] {strides = array<i32>} : memref<157x128xf32, #tpu.memory_space<vmem>>, vector<16xf32>,
      %gather3A = tpu.vector_load_idx %arg6[%get3A_363] : memref<10240xf32, #tpu.memory_space<vmem>>[vector<16xi32>], vector<16xf32>,
      %mul3A_367 = arith.mulf %gather3A, %get3A_366 : vector<16xf32>
      %mul3A_368 = arith.constant 128 : i32
      %mul3A_369 = arith.muli %scan3A_360, %mul3A_368 : i32
      %add3A = arith.constant 0 : i32
      %add3A_370 = arith.addi %mul3A_369, %add3A : i32
      %swap3A = arith.index_cast %add3A_370 : i32 to index
      %swap3A_371 = tpu.vector_load %arg10[%swap3A] {strides = array<i32>} : memref<20096xf32, #tpu.memory_space<vmem>>, vector<16xf32>,
      tpu.vector_store %arg10[%swap3A], %mul3A_367 {strides = array<i32>} : memref<20096xf32, #tpu.memory_space<vmem>>, vector<16xf32>,
      %get3A_372 = arith.index_cast %scan3A_360 : i32 to index
      %get3A_373 = arith.constant 16 : index
      %get3A_374 = tpu.vector_load %arg7[%get3A_372, %get3A_373] {strides = array<i32>} : memref<157x128xi32, #tpu.memory_space<vmem>>, vector<16xi32>,
      %get3A_375 = arith.index_cast %scan3A_360 : i32 to index
      %get3A_376 = arith.constant 16 : index
      %get3A_377 = tpu.vector_load %arg9[%get3A_375, %get3A_376] {strides = array<i32>} : memref<157x128xf32, #tpu.memory_space<vmem>>, vector<16xf32>,
      %gather3A_378 = tpu.vector_load_idx %arg6[%get3A_374] : memref<10240xf32, #tpu.memory_space<vmem>>[vector<16xi32>], vector<16xf32>,
      %mul3A_379 = arith.mulf %gather3A_378, %get3A_377 : vector<16xf32>
      %mul3A_380 = arith.constant 128 : i32
      %mul3A_381 = arith.muli %scan3A_360, %mul3A_380 : i32
      %add3A_382 = arith.constant 16 : i32
      %add3A_383 = arith.addi %mul3A_381, %add3A_382 : i32
      %swap3A_384 = arith.index_cast %add3A_383 : i32 to index
      %swap3A_385 = tpu.vector_load %arg10[%swap3A_384] {strides = array<i32>} : memref<20096xf32, #tpu.memory_space<vmem>>, vector<16xf32>,
      tpu.vector_store %arg10[%swap3A_384], %mul3A_379 {strides = array<i32>} : memref<20096xf32, #tpu.memory_space<vmem>>, vector<16xf32>,
      %get3A_386 = arith.index_cast %scan3A_360 : i32 to index
      %get3A_387 = arith.constant 32 : index
      %get3A_388 = tpu.vector_load %arg7[%get3A_386, %get3A_387] {strides = array<i32>} : memref<157x128xi32, #tpu.memory_space<vmem>>, vector<16xi32>,
      %get3A_389 = arith.index_cast %scan3A_360 : i32 to index
      %get3A_390 = arith.constant 32 : index
      %get3A_391 = tpu.vector_load %arg9[%get3A_389, %get3A_390] {strides = array<i32>} : memref<157x128xf32, #tpu.memory_space<vmem>>, vector<16xf32>,
      %gather3A_392 = tpu.vector_load_idx %arg6[%get3A_388] : memref<10240xf32, #tpu.memory_space<vmem>>[vector<16xi32>], vector<16xf32>,
      %mul3A_393 = arith.mulf %gather3A_392, %get3A_391 : vector<16xf32>
      %mul3A_394 = arith.constant 128 : i32
      %mul3A_395 = arith.muli %scan3A_360, %mul3A_394 : i32
      %add3A_396 = arith.constant 32 : i32
      %add3A_397 = arith.addi %mul3A_395, %add3A_396 : i32
      %swap3A_398 = arith.index_cast %add3A_397 : i32 to index
      %swap3A_399 = tpu.vector_load %arg10[%swap3A_398] {strides = array<i32>} : memref<20096xf32, #tpu.memory_space<vmem>>, vector<16xf32>,
      tpu.vector_store %arg10[%swap3A_398], %mul3A_393 {strides = array<i32>} : memref<20096xf32, #tpu.memory_space<vmem>>, vector<16xf32>,
      %get3A_400 = arith.index_cast %scan3A_360 : i32 to index
      %get3A_401 = arith.constant 48 : index
      %get3A_402 = tpu.vector_load %arg7[%get3A_400, %get3A_401] {strides = array<i32>} : memref<157x128xi32, #tpu.memory_space<vmem>>, vector<16xi32>,
      %get3A_403 = arith.index_cast %scan3A_360 : i32 to index
      %get3A_404 = arith.constant 48 : index
      %get3A_405 = tpu.vector_load %arg9[%get3A_403, %get3A_404] {strides = array<i32>} : memref<157x128xf32, #tpu.memory_space<vmem>>, vector<16xf32>,
      %gather3A_406 = tpu.vector_load_idx %arg6[%get3A_402] : memref<10240xf32, #tpu.memory_space<vmem>>[vector<16xi32>], vector<16xf32>,
      %mul3A_407 = arith.mulf %gather3A_406, %get3A_405 : vector<16xf32>
      %mul3A_408 = arith.constant 128 : i32
      %mul3A_409 = arith.muli %scan3A_360, %mul3A_408 : i32
      %add3A_410 = arith.constant 48 : i32
      %add3A_411 = arith.addi %mul3A_409, %add3A_410 : i32
      %swap3A_412 = arith.index_cast %add3A_411 : i32 to index
      %swap3A_413 = tpu.vector_load %arg10[%swap3A_412] {strides = array<i32>} : memref<20096xf32, #tpu.memory_space<vmem>>, vector<16xf32>,
      tpu.vector_store %arg10[%swap3A_412], %mul3A_407 {strides = array<i32>} : memref<20096xf32, #tpu.memory_space<vmem>>, vector<16xf32>,
      %get3A_414 = arith.index_cast %scan3A_360 : i32 to index
      %get3A_415 = arith.constant 64 : index
      %get3A_416 = tpu.vector_load %arg7[%get3A_414, %get3A_415] {strides = array<i32>} : memref<157x128xi32, #tpu.memory_space<vmem>>, vector<16xi32>,
      %get3A_417 = arith.index_cast %scan3A_360 : i32 to index
      %get3A_418 = arith.constant 64 : index
      %get3A_419 = tpu.vector_load %arg9[%get3A_417, %get3A_418] {strides = array<i32>} : memref<157x128xf32, #tpu.memory_space<vmem>>, vector<16xf32>,
      %gather3A_420 = tpu.vector_load_idx %arg6[%get3A_416] : memref<10240xf32, #tpu.memory_space<vmem>>[vector<16xi32>], vector<16xf32>,
      %mul3A_421 = arith.mulf %gather3A_420, %get3A_419 : vector<16xf32>
      %mul3A_422 = arith.constant 128 : i32
      %mul3A_423 = arith.muli %scan3A_360, %mul3A_422 : i32
      %add3A_424 = arith.constant 64 : i32
      %add3A_425 = arith.addi %mul3A_423, %add3A_424 : i32
      %swap3A_426 = arith.index_cast %add3A_425 : i32 to index
      %swap3A_427 = tpu.vector_load %arg10[%swap3A_426] {strides = array<i32>} : memref<20096xf32, #tpu.memory_space<vmem>>, vector<16xf32>,
      tpu.vector_store %arg10[%swap3A_426], %mul3A_421 {strides = array<i32>} : memref<20096xf32, #tpu.memory_space<vmem>>, vector<16xf32>,
      %get3A_428 = arith.index_cast %scan3A_360 : i32 to index
      %get3A_429 = arith.constant 80 : index
      %get3A_430 = tpu.vector_load %arg7[%get3A_428, %get3A_429] {strides = array<i32>} : memref<157x128xi32, #tpu.memory_space<vmem>>, vector<16xi32>,
      %get3A_431 = arith.index_cast %scan3A_360 : i32 to index
      %get3A_432 = arith.constant 80 : index
      %get3A_433 = tpu.vector_load %arg9[%get3A_431, %get3A_432] {strides = array<i32>} : memref<157x128xf32, #tpu.memory_space<vmem>>, vector<16xf32>,
      %gather3A_434 = tpu.vector_load_idx %arg6[%get3A_430] : memref<10240xf32, #tpu.memory_space<vmem>>[vector<16xi32>], vector<16xf32>,
      %mul3A_435 = arith.mulf %gather3A_434, %get3A_433 : vector<16xf32>
      %mul3A_436 = arith.constant 128 : i32
      %mul3A_437 = arith.muli %scan3A_360, %mul3A_436 : i32
      %add3A_438 = arith.constant 80 : i32
      %add3A_439 = arith.addi %mul3A_437, %add3A_438 : i32
      %swap3A_440 = arith.index_cast %add3A_439 : i32 to index
      %swap3A_441 = tpu.vector_load %arg10[%swap3A_440] {strides = array<i32>} : memref<20096xf32, #tpu.memory_space<vmem>>, vector<16xf32>,
      tpu.vector_store %arg10[%swap3A_440], %mul3A_435 {strides = array<i32>} : memref<20096xf32, #tpu.memory_space<vmem>>, vector<16xf32>,
      %get3A_442 = arith.index_cast %scan3A_360 : i32 to index
      %get3A_443 = arith.constant 96 : index
      %get3A_444 = tpu.vector_load %arg7[%get3A_442, %get3A_443] {strides = array<i32>} : memref<157x128xi32, #tpu.memory_space<vmem>>, vector<16xi32>,
      %get3A_445 = arith.index_cast %scan3A_360 : i32 to index
      %get3A_446 = arith.constant 96 : index
      %get3A_447 = tpu.vector_load %arg9[%get3A_445, %get3A_446] {strides = array<i32>} : memref<157x128xf32, #tpu.memory_space<vmem>>, vector<16xf32>,
      %gather3A_448 = tpu.vector_load_idx %arg6[%get3A_444] : memref<10240xf32, #tpu.memory_space<vmem>>[vector<16xi32>], vector<16xf32>,
      %mul3A_449 = arith.mulf %gather3A_448, %get3A_447 : vector<16xf32>
      %mul3A_450 = arith.constant 128 : i32
      %mul3A_451 = arith.muli %scan3A_360, %mul3A_450 : i32
      %add3A_452 = arith.constant 96 : i32
      %add3A_453 = arith.addi %mul3A_451, %add3A_452 : i32
      %swap3A_454 = arith.index_cast %add3A_453 : i32 to index
      %swap3A_455 = tpu.vector_load %arg10[%swap3A_454] {strides = array<i32>} : memref<20096xf32, #tpu.memory_space<vmem>>, vector<16xf32>,
      tpu.vector_store %arg10[%swap3A_454], %mul3A_449 {strides = array<i32>} : memref<20096xf32, #tpu.memory_space<vmem>>, vector<16xf32>,
      %get3A_456 = arith.index_cast %scan3A_360 : i32 to index
      %get3A_457 = arith.constant 112 : index
      %get3A_458 = tpu.vector_load %arg7[%get3A_456, %get3A_457] {strides = array<i32>} : memref<157x128xi32, #tpu.memory_space<vmem>>, vector<16xi32>,
      %get3A_459 = arith.index_cast %scan3A_360 : i32 to index
      %get3A_460 = arith.constant 112 : index
      %get3A_461 = tpu.vector_load %arg9[%get3A_459, %get3A_460] {strides = array<i32>} : memref<157x128xf32, #tpu.memory_space<vmem>>, vector<16xf32>,
      %gather3A_462 = tpu.vector_load_idx %arg6[%get3A_458] : memref<10240xf32, #tpu.memory_space<vmem>>[vector<16xi32>], vector<16xf32>,
      %mul3A_463 = arith.mulf %gather3A_462, %get3A_461 : vector<16xf32>
      %mul3A_464 = arith.constant 128 : i32
      %mul3A_465 = arith.muli %scan3A_360, %mul3A_464 : i32
      %add3A_466 = arith.constant 112 : i32
      %add3A_467 = arith.addi %mul3A_465, %add3A_466 : i32
      %swap3A_468 = arith.index_cast %add3A_467 : i32 to index
      %swap3A_469 = tpu.vector_load %arg10[%swap3A_468] {strides = array<i32>} : memref<20096xf32, #tpu.memory_space<vmem>>, vector<16xf32>,
      tpu.vector_store %arg10[%swap3A_468], %mul3A_463 {strides = array<i32>} : memref<20096xf32, #tpu.memory_space<vmem>>, vector<16xf32>,
      %scan3A_470 = arith.constant 0 : i32
      scf.yield %scan3A_470 : i32
    }
    %scan3A_241 = arith.constant 16 : i32
    %dma_start3A_242 = arith.constant 3072 : i32
    %dma_start3A_243 = tpu.memref_slice %arg10[%dma_start3A_242] : memref<20096xf32, #tpu.memory_space<vmem>> -> memref<2048xf32, #tpu.memory_space<vmem>>
    %dma_start3A_244 = arith.constant 3072 : i32
    %dma_start3A_245 = tpu.memref_slice %arg11[%dma_start3A_244] : memref<20096xi32, #tpu.memory_space<vmem>> -> memref<2048xi32, #tpu.memory_space<vmem>>
    %dma_start3A_246 = arith.constant 0 : i32
    %dma_start3A_247 = tpu.memref_slice %arg14[%dma_start3A_246] : memref<10240xf32, #tpu.memory_space<vmem_shared>> -> memref<10240xf32, #tpu.memory_space<vmem_shared>>
    tpu.enqueue_indirect_dma source(%dma_start3A_243 : memref<2048xf32, #tpu.memory_space<vmem>>) target(%dma_start3A_247 : memref<10240xf32, #tpu.memory_space<vmem_shared>>) offsets(%dma_start3A_245 : memref<2048xi32, #tpu.memory_space<vmem>>) semaphore(%arg16 : memref<!tpu.dma_semaphore, #tpu.memory_space<semaphore_mem>>) {add = true}
    %scan3A_248 = arith.constant 0 : i32
    %scan3A_249 = arith.constant 40 : i32
    %scan3A_250 = arith.constant 20 : i32
    %scan3A_251 = arith.addi %scan3A_249, %scan3A_250 : i32
    %scan3A_252 = arith.constant 1 : i32
    %scan3A_253 = scf.for %scan3A_360 = %scan3A_249 to %scan3A_251 step %scan3A_252 iter_args(%scan3A_361 = %scan3A_248) -> (i32)  : i32 {
      %get3A = arith.index_cast %scan3A_360 : i32 to index
      %get3A_362 = arith.constant 0 : index
      %get3A_363 = tpu.vector_load %arg7[%get3A, %get3A_362] {strides = array<i32>} : memref<157x128xi32, #tpu.memory_space<vmem>>, vector<16xi32>,
      %get3A_364 = arith.index_cast %scan3A_360 : i32 to index
      %get3A_365 = arith.constant 0 : index
      %get3A_366 = tpu.vector_load %arg9[%get3A_364, %get3A_365] {strides = array<i32>} : memref<157x128xf32, #tpu.memory_space<vmem>>, vector<16xf32>,
      %gather3A = tpu.vector_load_idx %arg6[%get3A_363] : memref<10240xf32, #tpu.memory_space<vmem>>[vector<16xi32>], vector<16xf32>,
      %mul3A_367 = arith.mulf %gather3A, %get3A_366 : vector<16xf32>
      %mul3A_368 = arith.constant 128 : i32
      %mul3A_369 = arith.muli %scan3A_360, %mul3A_368 : i32
      %add3A = arith.constant 0 : i32
      %add3A_370 = arith.addi %mul3A_369, %add3A : i32
      %swap3A = arith.index_cast %add3A_370 : i32 to index
      %swap3A_371 = tpu.vector_load %arg10[%swap3A] {strides = array<i32>} : memref<20096xf32, #tpu.memory_space<vmem>>, vector<16xf32>,
      tpu.vector_store %arg10[%swap3A], %mul3A_367 {strides = array<i32>} : memref<20096xf32, #tpu.memory_space<vmem>>, vector<16xf32>,
      %get3A_372 = arith.index_cast %scan3A_360 : i32 to index
      %get3A_373 = arith.constant 16 : index
      %get3A_374 = tpu.vector_load %arg7[%get3A_372, %get3A_373] {strides = array<i32>} : memref<157x128xi32, #tpu.memory_space<vmem>>, vector<16xi32>,
      %get3A_375 = arith.index_cast %scan3A_360 : i32 to index
      %get3A_376 = arith.constant 16 : index
      %get3A_377 = tpu.vector_load %arg9[%get3A_375, %get3A_376] {strides = array<i32>} : memref<157x128xf32, #tpu.memory_space<vmem>>, vector<16xf32>,
      %gather3A_378 = tpu.vector_load_idx %arg6[%get3A_374] : memref<10240xf32, #tpu.memory_space<vmem>>[vector<16xi32>], vector<16xf32>,
      %mul3A_379 = arith.mulf %gather3A_378, %get3A_377 : vector<16xf32>
      %mul3A_380 = arith.constant 128 : i32
      %mul3A_381 = arith.muli %scan3A_360, %mul3A_380 : i32
      %add3A_382 = arith.constant 16 : i32
      %add3A_383 = arith.addi %mul3A_381, %add3A_382 : i32
      %swap3A_384 = arith.index_cast %add3A_383 : i32 to index
      %swap3A_385 = tpu.vector_load %arg10[%swap3A_384] {strides = array<i32>} : memref<20096xf32, #tpu.memory_space<vmem>>, vector<16xf32>,
      tpu.vector_store %arg10[%swap3A_384], %mul3A_379 {strides = array<i32>} : memref<20096xf32, #tpu.memory_space<vmem>>, vector<16xf32>,
      %get3A_386 = arith.index_cast %scan3A_360 : i32 to index
      %get3A_387 = arith.constant 32 : index
      %get3A_388 = tpu.vector_load %arg7[%get3A_386, %get3A_387] {strides = array<i32>} : memref<157x128xi32, #tpu.memory_space<vmem>>, vector<16xi32>,
      %get3A_389 = arith.index_cast %scan3A_360 : i32 to index
      %get3A_390 = arith.constant 32 : index
      %get3A_391 = tpu.vector_load %arg9[%get3A_389, %get3A_390] {strides = array<i32>} : memref<157x128xf32, #tpu.memory_space<vmem>>, vector<16xf32>,
      %gather3A_392 = tpu.vector_load_idx %arg6[%get3A_388] : memref<10240xf32, #tpu.memory_space<vmem>>[vector<16xi32>], vector<16xf32>,
      %mul3A_393 = arith.mulf %gather3A_392, %get3A_391 : vector<16xf32>
      %mul3A_394 = arith.constant 128 : i32
      %mul3A_395 = arith.muli %scan3A_360, %mul3A_394 : i32
      %add3A_396 = arith.constant 32 : i32
      %add3A_397 = arith.addi %mul3A_395, %add3A_396 : i32
      %swap3A_398 = arith.index_cast %add3A_397 : i32 to index
      %swap3A_399 = tpu.vector_load %arg10[%swap3A_398] {strides = array<i32>} : memref<20096xf32, #tpu.memory_space<vmem>>, vector<16xf32>,
      tpu.vector_store %arg10[%swap3A_398], %mul3A_393 {strides = array<i32>} : memref<20096xf32, #tpu.memory_space<vmem>>, vector<16xf32>,
      %get3A_400 = arith.index_cast %scan3A_360 : i32 to index
      %get3A_401 = arith.constant 48 : index
      %get3A_402 = tpu.vector_load %arg7[%get3A_400, %get3A_401] {strides = array<i32>} : memref<157x128xi32, #tpu.memory_space<vmem>>, vector<16xi32>,
      %get3A_403 = arith.index_cast %scan3A_360 : i32 to index
      %get3A_404 = arith.constant 48 : index
      %get3A_405 = tpu.vector_load %arg9[%get3A_403, %get3A_404] {strides = array<i32>} : memref<157x128xf32, #tpu.memory_space<vmem>>, vector<16xf32>,
      %gather3A_406 = tpu.vector_load_idx %arg6[%get3A_402] : memref<10240xf32, #tpu.memory_space<vmem>>[vector<16xi32>], vector<16xf32>,
      %mul3A_407 = arith.mulf %gather3A_406, %get3A_405 : vector<16xf32>
      %mul3A_408 = arith.constant 128 : i32
      %mul3A_409 = arith.muli %scan3A_360, %mul3A_408 : i32
      %add3A_410 = arith.constant 48 : i32
      %add3A_411 = arith.addi %mul3A_409, %add3A_410 : i32
      %swap3A_412 = arith.index_cast %add3A_411 : i32 to index
      %swap3A_413 = tpu.vector_load %arg10[%swap3A_412] {strides = array<i32>} : memref<20096xf32, #tpu.memory_space<vmem>>, vector<16xf32>,
      tpu.vector_store %arg10[%swap3A_412], %mul3A_407 {strides = array<i32>} : memref<20096xf32, #tpu.memory_space<vmem>>, vector<16xf32>,
      %get3A_414 = arith.index_cast %scan3A_360 : i32 to index
      %get3A_415 = arith.constant 64 : index
      %get3A_416 = tpu.vector_load %arg7[%get3A_414, %get3A_415] {strides = array<i32>} : memref<157x128xi32, #tpu.memory_space<vmem>>, vector<16xi32>,
      %get3A_417 = arith.index_cast %scan3A_360 : i32 to index
      %get3A_418 = arith.constant 64 : index
      %get3A_419 = tpu.vector_load %arg9[%get3A_417, %get3A_418] {strides = array<i32>} : memref<157x128xf32, #tpu.memory_space<vmem>>, vector<16xf32>,
      %gather3A_420 = tpu.vector_load_idx %arg6[%get3A_416] : memref<10240xf32, #tpu.memory_space<vmem>>[vector<16xi32>], vector<16xf32>,
      %mul3A_421 = arith.mulf %gather3A_420, %get3A_419 : vector<16xf32>
      %mul3A_422 = arith.constant 128 : i32
      %mul3A_423 = arith.muli %scan3A_360, %mul3A_422 : i32
      %add3A_424 = arith.constant 64 : i32
      %add3A_425 = arith.addi %mul3A_423, %add3A_424 : i32
      %swap3A_426 = arith.index_cast %add3A_425 : i32 to index
      %swap3A_427 = tpu.vector_load %arg10[%swap3A_426] {strides = array<i32>} : memref<20096xf32, #tpu.memory_space<vmem>>, vector<16xf32>,
      tpu.vector_store %arg10[%swap3A_426], %mul3A_421 {strides = array<i32>} : memref<20096xf32, #tpu.memory_space<vmem>>, vector<16xf32>,
      %get3A_428 = arith.index_cast %scan3A_360 : i32 to index
      %get3A_429 = arith.constant 80 : index
      %get3A_430 = tpu.vector_load %arg7[%get3A_428, %get3A_429] {strides = array<i32>} : memref<157x128xi32, #tpu.memory_space<vmem>>, vector<16xi32>,
      %get3A_431 = arith.index_cast %scan3A_360 : i32 to index
      %get3A_432 = arith.constant 80 : index
      %get3A_433 = tpu.vector_load %arg9[%get3A_431, %get3A_432] {strides = array<i32>} : memref<157x128xf32, #tpu.memory_space<vmem>>, vector<16xf32>,
      %gather3A_434 = tpu.vector_load_idx %arg6[%get3A_430] : memref<10240xf32, #tpu.memory_space<vmem>>[vector<16xi32>], vector<16xf32>,
      %mul3A_435 = arith.mulf %gather3A_434, %get3A_433 : vector<16xf32>
      %mul3A_436 = arith.constant 128 : i32
      %mul3A_437 = arith.muli %scan3A_360, %mul3A_436 : i32
      %add3A_438 = arith.constant 80 : i32
      %add3A_439 = arith.addi %mul3A_437, %add3A_438 : i32
      %swap3A_440 = arith.index_cast %add3A_439 : i32 to index
      %swap3A_441 = tpu.vector_load %arg10[%swap3A_440] {strides = array<i32>} : memref<20096xf32, #tpu.memory_space<vmem>>, vector<16xf32>,
      tpu.vector_store %arg10[%swap3A_440], %mul3A_435 {strides = array<i32>} : memref<20096xf32, #tpu.memory_space<vmem>>, vector<16xf32>,
      %get3A_442 = arith.index_cast %scan3A_360 : i32 to index
      %get3A_443 = arith.constant 96 : index
      %get3A_444 = tpu.vector_load %arg7[%get3A_442, %get3A_443] {strides = array<i32>} : memref<157x128xi32, #tpu.memory_space<vmem>>, vector<16xi32>,
      %get3A_445 = arith.index_cast %scan3A_360 : i32 to index
      %get3A_446 = arith.constant 96 : index
      %get3A_447 = tpu.vector_load %arg9[%get3A_445, %get3A_446] {strides = array<i32>} : memref<157x128xf32, #tpu.memory_space<vmem>>, vector<16xf32>,
      %gather3A_448 = tpu.vector_load_idx %arg6[%get3A_444] : memref<10240xf32, #tpu.memory_space<vmem>>[vector<16xi32>], vector<16xf32>,
      %mul3A_449 = arith.mulf %gather3A_448, %get3A_447 : vector<16xf32>
      %mul3A_450 = arith.constant 128 : i32
      %mul3A_451 = arith.muli %scan3A_360, %mul3A_450 : i32
      %add3A_452 = arith.constant 96 : i32
      %add3A_453 = arith.addi %mul3A_451, %add3A_452 : i32
      %swap3A_454 = arith.index_cast %add3A_453 : i32 to index
      %swap3A_455 = tpu.vector_load %arg10[%swap3A_454] {strides = array<i32>} : memref<20096xf32, #tpu.memory_space<vmem>>, vector<16xf32>,
      tpu.vector_store %arg10[%swap3A_454], %mul3A_449 {strides = array<i32>} : memref<20096xf32, #tpu.memory_space<vmem>>, vector<16xf32>,
      %get3A_456 = arith.index_cast %scan3A_360 : i32 to index
      %get3A_457 = arith.constant 112 : index
      %get3A_458 = tpu.vector_load %arg7[%get3A_456, %get3A_457] {strides = array<i32>} : memref<157x128xi32, #tpu.memory_space<vmem>>, vector<16xi32>,
      %get3A_459 = arith.index_cast %scan3A_360 : i32 to index
      %get3A_460 = arith.constant 112 : index
      %get3A_461 = tpu.vector_load %arg9[%get3A_459, %get3A_460] {strides = array<i32>} : memref<157x128xf32, #tpu.memory_space<vmem>>, vector<16xf32>,
      %gather3A_462 = tpu.vector_load_idx %arg6[%get3A_458] : memref<10240xf32, #tpu.memory_space<vmem>>[vector<16xi32>], vector<16xf32>,
      %mul3A_463 = arith.mulf %gather3A_462, %get3A_461 : vector<16xf32>
      %mul3A_464 = arith.constant 128 : i32
      %mul3A_465 = arith.muli %scan3A_360, %mul3A_464 : i32
      %add3A_466 = arith.constant 112 : i32
      %add3A_467 = arith.addi %mul3A_465, %add3A_466 : i32
      %swap3A_468 = arith.index_cast %add3A_467 : i32 to index
      %swap3A_469 = tpu.vector_load %arg10[%swap3A_468] {strides = array<i32>} : memref<20096xf32, #tpu.memory_space<vmem>>, vector<16xf32>,
      tpu.vector_store %arg10[%swap3A_468], %mul3A_463 {strides = array<i32>} : memref<20096xf32, #tpu.memory_space<vmem>>, vector<16xf32>,
      %scan3A_470 = arith.constant 0 : i32
      scf.yield %scan3A_470 : i32
    }
    %scan3A_254 = arith.constant 20 : i32
    %dma_start3A_255 = arith.constant 5120 : i32
    %dma_start3A_256 = tpu.memref_slice %arg10[%dma_start3A_255] : memref<20096xf32, #tpu.memory_space<vmem>> -> memref<2560xf32, #tpu.memory_space<vmem>>
    %dma_start3A_257 = arith.constant 5120 : i32
    %dma_start3A_258 = tpu.memref_slice %arg11[%dma_start3A_257] : memref<20096xi32, #tpu.memory_space<vmem>> -> memref<2560xi32, #tpu.memory_space<vmem>>
    %dma_start3A_259 = arith.constant 0 : i32
    %dma_start3A_260 = tpu.memref_slice %arg14[%dma_start3A_259] : memref<10240xf32, #tpu.memory_space<vmem_shared>> -> memref<10240xf32, #tpu.memory_space<vmem_shared>>
    tpu.enqueue_indirect_dma source(%dma_start3A_256 : memref<2560xf32, #tpu.memory_space<vmem>>) target(%dma_start3A_260 : memref<10240xf32, #tpu.memory_space<vmem_shared>>) offsets(%dma_start3A_258 : memref<2560xi32, #tpu.memory_space<vmem>>) semaphore(%arg16 : memref<!tpu.dma_semaphore, #tpu.memory_space<semaphore_mem>>) {add = true}
    %scan3A_261 = arith.constant 0 : i32
    %scan3A_262 = arith.constant 60 : i32
    %scan3A_263 = arith.constant 24 : i32
    %scan3A_264 = arith.addi %scan3A_262, %scan3A_263 : i32
    %scan3A_265 = arith.constant 1 : i32
    %scan3A_266 = scf.for %scan3A_360 = %scan3A_262 to %scan3A_264 step %scan3A_265 iter_args(%scan3A_361 = %scan3A_261) -> (i32)  : i32 {
      %get3A = arith.index_cast %scan3A_360 : i32 to index
      %get3A_362 = arith.constant 0 : index
      %get3A_363 = tpu.vector_load %arg7[%get3A, %get3A_362] {strides = array<i32>} : memref<157x128xi32, #tpu.memory_space<vmem>>, vector<16xi32>,
      %get3A_364 = arith.index_cast %scan3A_360 : i32 to index
      %get3A_365 = arith.constant 0 : index
      %get3A_366 = tpu.vector_load %arg9[%get3A_364, %get3A_365] {strides = array<i32>} : memref<157x128xf32, #tpu.memory_space<vmem>>, vector<16xf32>,
      %gather3A = tpu.vector_load_idx %arg6[%get3A_363] : memref<10240xf32, #tpu.memory_space<vmem>>[vector<16xi32>], vector<16xf32>,
      %mul3A_367 = arith.mulf %gather3A, %get3A_366 : vector<16xf32>
      %mul3A_368 = arith.constant 128 : i32
      %mul3A_369 = arith.muli %scan3A_360, %mul3A_368 : i32
      %add3A = arith.constant 0 : i32
      %add3A_370 = arith.addi %mul3A_369, %add3A : i32
      %swap3A = arith.index_cast %add3A_370 : i32 to index
      %swap3A_371 = tpu.vector_load %arg10[%swap3A] {strides = array<i32>} : memref<20096xf32, #tpu.memory_space<vmem>>, vector<16xf32>,
      tpu.vector_store %arg10[%swap3A], %mul3A_367 {strides = array<i32>} : memref<20096xf32, #tpu.memory_space<vmem>>, vector<16xf32>,
      %get3A_372 = arith.index_cast %scan3A_360 : i32 to index
      %get3A_373 = arith.constant 16 : index
      %get3A_374 = tpu.vector_load %arg7[%get3A_372, %get3A_373] {strides = array<i32>} : memref<157x128xi32, #tpu.memory_space<vmem>>, vector<16xi32>,
      %get3A_375 = arith.index_cast %scan3A_360 : i32 to index
      %get3A_376 = arith.constant 16 : index
      %get3A_377 = tpu.vector_load %arg9[%get3A_375, %get3A_376] {strides = array<i32>} : memref<157x128xf32, #tpu.memory_space<vmem>>, vector<16xf32>,
      %gather3A_378 = tpu.vector_load_idx %arg6[%get3A_374] : memref<10240xf32, #tpu.memory_space<vmem>>[vector<16xi32>], vector<16xf32>,
      %mul3A_379 = arith.mulf %gather3A_378, %get3A_377 : vector<16xf32>
      %mul3A_380 = arith.constant 128 : i32
      %mul3A_381 = arith.muli %scan3A_360, %mul3A_380 : i32
      %add3A_382 = arith.constant 16 : i32
      %add3A_383 = arith.addi %mul3A_381, %add3A_382 : i32
      %swap3A_384 = arith.index_cast %add3A_383 : i32 to index
      %swap3A_385 = tpu.vector_load %arg10[%swap3A_384] {strides = array<i32>} : memref<20096xf32, #tpu.memory_space<vmem>>, vector<16xf32>,
      tpu.vector_store %arg10[%swap3A_384], %mul3A_379 {strides = array<i32>} : memref<20096xf32, #tpu.memory_space<vmem>>, vector<16xf32>,
      %get3A_386 = arith.index_cast %scan3A_360 : i32 to index
      %get3A_387 = arith.constant 32 : index
      %get3A_388 = tpu.vector_load %arg7[%get3A_386, %get3A_387] {strides = array<i32>} : memref<157x128xi32, #tpu.memory_space<vmem>>, vector<16xi32>,
      %get3A_389 = arith.index_cast %scan3A_360 : i32 to index
      %get3A_390 = arith.constant 32 : index
      %get3A_391 = tpu.vector_load %arg9[%get3A_389, %get3A_390] {strides = array<i32>} : memref<157x128xf32, #tpu.memory_space<vmem>>, vector<16xf32>,
      %gather3A_392 = tpu.vector_load_idx %arg6[%get3A_388] : memref<10240xf32, #tpu.memory_space<vmem>>[vector<16xi32>], vector<16xf32>,
      %mul3A_393 = arith.mulf %gather3A_392, %get3A_391 : vector<16xf32>
      %mul3A_394 = arith.constant 128 : i32
      %mul3A_395 = arith.muli %scan3A_360, %mul3A_394 : i32
      %add3A_396 = arith.constant 32 : i32
      %add3A_397 = arith.addi %mul3A_395, %add3A_396 : i32
      %swap3A_398 = arith.index_cast %add3A_397 : i32 to index
      %swap3A_399 = tpu.vector_load %arg10[%swap3A_398] {strides = array<i32>} : memref<20096xf32, #tpu.memory_space<vmem>>, vector<16xf32>,
      tpu.vector_store %arg10[%swap3A_398], %mul3A_393 {strides = array<i32>} : memref<20096xf32, #tpu.memory_space<vmem>>, vector<16xf32>,
      %get3A_400 = arith.index_cast %scan3A_360 : i32 to index
      %get3A_401 = arith.constant 48 : index
      %get3A_402 = tpu.vector_load %arg7[%get3A_400, %get3A_401] {strides = array<i32>} : memref<157x128xi32, #tpu.memory_space<vmem>>, vector<16xi32>,
      %get3A_403 = arith.index_cast %scan3A_360 : i32 to index
      %get3A_404 = arith.constant 48 : index
      %get3A_405 = tpu.vector_load %arg9[%get3A_403, %get3A_404] {strides = array<i32>} : memref<157x128xf32, #tpu.memory_space<vmem>>, vector<16xf32>,
      %gather3A_406 = tpu.vector_load_idx %arg6[%get3A_402] : memref<10240xf32, #tpu.memory_space<vmem>>[vector<16xi32>], vector<16xf32>,
      %mul3A_407 = arith.mulf %gather3A_406, %get3A_405 : vector<16xf32>
      %mul3A_408 = arith.constant 128 : i32
      %mul3A_409 = arith.muli %scan3A_360, %mul3A_408 : i32
      %add3A_410 = arith.constant 48 : i32
      %add3A_411 = arith.addi %mul3A_409, %add3A_410 : i32
      %swap3A_412 = arith.index_cast %add3A_411 : i32 to index
      %swap3A_413 = tpu.vector_load %arg10[%swap3A_412] {strides = array<i32>} : memref<20096xf32, #tpu.memory_space<vmem>>, vector<16xf32>,
      tpu.vector_store %arg10[%swap3A_412], %mul3A_407 {strides = array<i32>} : memref<20096xf32, #tpu.memory_space<vmem>>, vector<16xf32>,
      %get3A_414 = arith.index_cast %scan3A_360 : i32 to index
      %get3A_415 = arith.constant 64 : index
      %get3A_416 = tpu.vector_load %arg7[%get3A_414, %get3A_415] {strides = array<i32>} : memref<157x128xi32, #tpu.memory_space<vmem>>, vector<16xi32>,
      %get3A_417 = arith.index_cast %scan3A_360 : i32 to index
      %get3A_418 = arith.constant 64 : index
      %get3A_419 = tpu.vector_load %arg9[%get3A_417, %get3A_418] {strides = array<i32>} : memref<157x128xf32, #tpu.memory_space<vmem>>, vector<16xf32>,
      %gather3A_420 = tpu.vector_load_idx %arg6[%get3A_416] : memref<10240xf32, #tpu.memory_space<vmem>>[vector<16xi32>], vector<16xf32>,
      %mul3A_421 = arith.mulf %gather3A_420, %get3A_419 : vector<16xf32>
      %mul3A_422 = arith.constant 128 : i32
      %mul3A_423 = arith.muli %scan3A_360, %mul3A_422 : i32
      %add3A_424 = arith.constant 64 : i32
      %add3A_425 = arith.addi %mul3A_423, %add3A_424 : i32
      %swap3A_426 = arith.index_cast %add3A_425 : i32 to index
      %swap3A_427 = tpu.vector_load %arg10[%swap3A_426] {strides = array<i32>} : memref<20096xf32, #tpu.memory_space<vmem>>, vector<16xf32>,
      tpu.vector_store %arg10[%swap3A_426], %mul3A_421 {strides = array<i32>} : memref<20096xf32, #tpu.memory_space<vmem>>, vector<16xf32>,
      %get3A_428 = arith.index_cast %scan3A_360 : i32 to index
      %get3A_429 = arith.constant 80 : index
      %get3A_430 = tpu.vector_load %arg7[%get3A_428, %get3A_429] {strides = array<i32>} : memref<157x128xi32, #tpu.memory_space<vmem>>, vector<16xi32>,
      %get3A_431 = arith.index_cast %scan3A_360 : i32 to index
      %get3A_432 = arith.constant 80 : index
      %get3A_433 = tpu.vector_load %arg9[%get3A_431, %get3A_432] {strides = array<i32>} : memref<157x128xf32, #tpu.memory_space<vmem>>, vector<16xf32>,
      %gather3A_434 = tpu.vector_load_idx %arg6[%get3A_430] : memref<10240xf32, #tpu.memory_space<vmem>>[vector<16xi32>], vector<16xf32>,
      %mul3A_435 = arith.mulf %gather3A_434, %get3A_433 : vector<16xf32>
      %mul3A_436 = arith.constant 128 : i32
      %mul3A_437 = arith.muli %scan3A_360, %mul3A_436 : i32
      %add3A_438 = arith.constant 80 : i32
      %add3A_439 = arith.addi %mul3A_437, %add3A_438 : i32
      %swap3A_440 = arith.index_cast %add3A_439 : i32 to index
      %swap3A_441 = tpu.vector_load %arg10[%swap3A_440] {strides = array<i32>} : memref<20096xf32, #tpu.memory_space<vmem>>, vector<16xf32>,
      tpu.vector_store %arg10[%swap3A_440], %mul3A_435 {strides = array<i32>} : memref<20096xf32, #tpu.memory_space<vmem>>, vector<16xf32>,
      %get3A_442 = arith.index_cast %scan3A_360 : i32 to index
      %get3A_443 = arith.constant 96 : index
      %get3A_444 = tpu.vector_load %arg7[%get3A_442, %get3A_443] {strides = array<i32>} : memref<157x128xi32, #tpu.memory_space<vmem>>, vector<16xi32>,
      %get3A_445 = arith.index_cast %scan3A_360 : i32 to index
      %get3A_446 = arith.constant 96 : index
      %get3A_447 = tpu.vector_load %arg9[%get3A_445, %get3A_446] {strides = array<i32>} : memref<157x128xf32, #tpu.memory_space<vmem>>, vector<16xf32>,
      %gather3A_448 = tpu.vector_load_idx %arg6[%get3A_444] : memref<10240xf32, #tpu.memory_space<vmem>>[vector<16xi32>], vector<16xf32>,
      %mul3A_449 = arith.mulf %gather3A_448, %get3A_447 : vector<16xf32>
      %mul3A_450 = arith.constant 128 : i32
      %mul3A_451 = arith.muli %scan3A_360, %mul3A_450 : i32
      %add3A_452 = arith.constant 96 : i32
      %add3A_453 = arith.addi %mul3A_451, %add3A_452 : i32
      %swap3A_454 = arith.index_cast %add3A_453 : i32 to index
      %swap3A_455 = tpu.vector_load %arg10[%swap3A_454] {strides = array<i32>} : memref<20096xf32, #tpu.memory_space<vmem>>, vector<16xf32>,
      tpu.vector_store %arg10[%swap3A_454], %mul3A_449 {strides = array<i32>} : memref<20096xf32, #tpu.memory_space<vmem>>, vector<16xf32>,
      %get3A_456 = arith.index_cast %scan3A_360 : i32 to index
      %get3A_457 = arith.constant 112 : index
      %get3A_458 = tpu.vector_load %arg7[%get3A_456, %get3A_457] {strides = array<i32>} : memref<157x128xi32, #tpu.memory_space<vmem>>, vector<16xi32>,
      %get3A_459 = arith.index_cast %scan3A_360 : i32 to index
      %get3A_460 = arith.constant 112 : index
      %get3A_461 = tpu.vector_load %arg9[%get3A_459, %get3A_460] {strides = array<i32>} : memref<157x128xf32, #tpu.memory_space<vmem>>, vector<16xf32>,
      %gather3A_462 = tpu.vector_load_idx %arg6[%get3A_458] : memref<10240xf32, #tpu.memory_space<vmem>>[vector<16xi32>], vector<16xf32>,
      %mul3A_463 = arith.mulf %gather3A_462, %get3A_461 : vector<16xf32>
      %mul3A_464 = arith.constant 128 : i32
      %mul3A_465 = arith.muli %scan3A_360, %mul3A_464 : i32
      %add3A_466 = arith.constant 112 : i32
      %add3A_467 = arith.addi %mul3A_465, %add3A_466 : i32
      %swap3A_468 = arith.index_cast %add3A_467 : i32 to index
      %swap3A_469 = tpu.vector_load %arg10[%swap3A_468] {strides = array<i32>} : memref<20096xf32, #tpu.memory_space<vmem>>, vector<16xf32>,
      tpu.vector_store %arg10[%swap3A_468], %mul3A_463 {strides = array<i32>} : memref<20096xf32, #tpu.memory_space<vmem>>, vector<16xf32>,
      %scan3A_470 = arith.constant 0 : i32
      scf.yield %scan3A_470 : i32
    }
    %scan3A_267 = arith.constant 24 : i32
    %dma_start3A_268 = arith.constant 7680 : i32
    %dma_start3A_269 = tpu.memref_slice %arg10[%dma_start3A_268] : memref<20096xf32, #tpu.memory_space<vmem>> -> memref<3072xf32, #tpu.memory_space<vmem>>
    %dma_start3A_270 = arith.constant 7680 : i32
    %dma_start3A_271 = tpu.memref_slice %arg11[%dma_start3A_270] : memref<20096xi32, #tpu.memory_space<vmem>> -> memref<3072xi32, #tpu.memory_space<vmem>>
    %dma_start3A_272 = arith.constant 0 : i32
    %dma_start3A_273 = tpu.memref_slice %arg14[%dma_start3A_272] : memref<10240xf32, #tpu.memory_space<vmem_shared>> -> memref<10240xf32, #tpu.memory_space<vmem_shared>>
    tpu.enqueue_indirect_dma source(%dma_start3A_269 : memref<3072xf32, #tpu.memory_space<vmem>>) target(%dma_start3A_273 : memref<10240xf32, #tpu.memory_space<vmem_shared>>) offsets(%dma_start3A_271 : memref<3072xi32, #tpu.memory_space<vmem>>) semaphore(%arg16 : memref<!tpu.dma_semaphore, #tpu.memory_space<semaphore_mem>>) {add = true}
    %scan3A_274 = arith.constant 0 : i32
    %scan3A_275 = arith.constant 84 : i32
    %scan3A_276 = arith.constant 32 : i32
    %scan3A_277 = arith.addi %scan3A_275, %scan3A_276 : i32
    %scan3A_278 = arith.constant 1 : i32
    %scan3A_279 = scf.for %scan3A_360 = %scan3A_275 to %scan3A_277 step %scan3A_278 iter_args(%scan3A_361 = %scan3A_274) -> (i32)  : i32 {
      %get3A = arith.index_cast %scan3A_360 : i32 to index
      %get3A_362 = arith.constant 0 : index
      %get3A_363 = tpu.vector_load %arg7[%get3A, %get3A_362] {strides = array<i32>} : memref<157x128xi32, #tpu.memory_space<vmem>>, vector<16xi32>,
      %get3A_364 = arith.index_cast %scan3A_360 : i32 to index
      %get3A_365 = arith.constant 0 : index
      %get3A_366 = tpu.vector_load %arg9[%get3A_364, %get3A_365] {strides = array<i32>} : memref<157x128xf32, #tpu.memory_space<vmem>>, vector<16xf32>,
      %gather3A = tpu.vector_load_idx %arg6[%get3A_363] : memref<10240xf32, #tpu.memory_space<vmem>>[vector<16xi32>], vector<16xf32>,
      %mul3A_367 = arith.mulf %gather3A, %get3A_366 : vector<16xf32>
      %mul3A_368 = arith.constant 128 : i32
      %mul3A_369 = arith.muli %scan3A_360, %mul3A_368 : i32
      %add3A = arith.constant 0 : i32
      %add3A_370 = arith.addi %mul3A_369, %add3A : i32
      %swap3A = arith.index_cast %add3A_370 : i32 to index
      %swap3A_371 = tpu.vector_load %arg10[%swap3A] {strides = array<i32>} : memref<20096xf32, #tpu.memory_space<vmem>>, vector<16xf32>,
      tpu.vector_store %arg10[%swap3A], %mul3A_367 {strides = array<i32>} : memref<20096xf32, #tpu.memory_space<vmem>>, vector<16xf32>,
      %get3A_372 = arith.index_cast %scan3A_360 : i32 to index
      %get3A_373 = arith.constant 16 : index
      %get3A_374 = tpu.vector_load %arg7[%get3A_372, %get3A_373] {strides = array<i32>} : memref<157x128xi32, #tpu.memory_space<vmem>>, vector<16xi32>,
      %get3A_375 = arith.index_cast %scan3A_360 : i32 to index
      %get3A_376 = arith.constant 16 : index
      %get3A_377 = tpu.vector_load %arg9[%get3A_375, %get3A_376] {strides = array<i32>} : memref<157x128xf32, #tpu.memory_space<vmem>>, vector<16xf32>,
      %gather3A_378 = tpu.vector_load_idx %arg6[%get3A_374] : memref<10240xf32, #tpu.memory_space<vmem>>[vector<16xi32>], vector<16xf32>,
      %mul3A_379 = arith.mulf %gather3A_378, %get3A_377 : vector<16xf32>
      %mul3A_380 = arith.constant 128 : i32
      %mul3A_381 = arith.muli %scan3A_360, %mul3A_380 : i32
      %add3A_382 = arith.constant 16 : i32
      %add3A_383 = arith.addi %mul3A_381, %add3A_382 : i32
      %swap3A_384 = arith.index_cast %add3A_383 : i32 to index
      %swap3A_385 = tpu.vector_load %arg10[%swap3A_384] {strides = array<i32>} : memref<20096xf32, #tpu.memory_space<vmem>>, vector<16xf32>,
      tpu.vector_store %arg10[%swap3A_384], %mul3A_379 {strides = array<i32>} : memref<20096xf32, #tpu.memory_space<vmem>>, vector<16xf32>,
      %get3A_386 = arith.index_cast %scan3A_360 : i32 to index
      %get3A_387 = arith.constant 32 : index
      %get3A_388 = tpu.vector_load %arg7[%get3A_386, %get3A_387] {strides = array<i32>} : memref<157x128xi32, #tpu.memory_space<vmem>>, vector<16xi32>,
      %get3A_389 = arith.index_cast %scan3A_360 : i32 to index
      %get3A_390 = arith.constant 32 : index
      %get3A_391 = tpu.vector_load %arg9[%get3A_389, %get3A_390] {strides = array<i32>} : memref<157x128xf32, #tpu.memory_space<vmem>>, vector<16xf32>,
      %gather3A_392 = tpu.vector_load_idx %arg6[%get3A_388] : memref<10240xf32, #tpu.memory_space<vmem>>[vector<16xi32>], vector<16xf32>,
      %mul3A_393 = arith.mulf %gather3A_392, %get3A_391 : vector<16xf32>
      %mul3A_394 = arith.constant 128 : i32
      %mul3A_395 = arith.muli %scan3A_360, %mul3A_394 : i32
      %add3A_396 = arith.constant 32 : i32
      %add3A_397 = arith.addi %mul3A_395, %add3A_396 : i32
      %swap3A_398 = arith.index_cast %add3A_397 : i32 to index
      %swap3A_399 = tpu.vector_load %arg10[%swap3A_398] {strides = array<i32>} : memref<20096xf32, #tpu.memory_space<vmem>>, vector<16xf32>,
      tpu.vector_store %arg10[%swap3A_398], %mul3A_393 {strides = array<i32>} : memref<20096xf32, #tpu.memory_space<vmem>>, vector<16xf32>,
      %get3A_400 = arith.index_cast %scan3A_360 : i32 to index
      %get3A_401 = arith.constant 48 : index
      %get3A_402 = tpu.vector_load %arg7[%get3A_400, %get3A_401] {strides = array<i32>} : memref<157x128xi32, #tpu.memory_space<vmem>>, vector<16xi32>,
      %get3A_403 = arith.index_cast %scan3A_360 : i32 to index
      %get3A_404 = arith.constant 48 : index
      %get3A_405 = tpu.vector_load %arg9[%get3A_403, %get3A_404] {strides = array<i32>} : memref<157x128xf32, #tpu.memory_space<vmem>>, vector<16xf32>,
      %gather3A_406 = tpu.vector_load_idx %arg6[%get3A_402] : memref<10240xf32, #tpu.memory_space<vmem>>[vector<16xi32>], vector<16xf32>,
      %mul3A_407 = arith.mulf %gather3A_406, %get3A_405 : vector<16xf32>
      %mul3A_408 = arith.constant 128 : i32
      %mul3A_409 = arith.muli %scan3A_360, %mul3A_408 : i32
      %add3A_410 = arith.constant 48 : i32
      %add3A_411 = arith.addi %mul3A_409, %add3A_410 : i32
      %swap3A_412 = arith.index_cast %add3A_411 : i32 to index
      %swap3A_413 = tpu.vector_load %arg10[%swap3A_412] {strides = array<i32>} : memref<20096xf32, #tpu.memory_space<vmem>>, vector<16xf32>,
      tpu.vector_store %arg10[%swap3A_412], %mul3A_407 {strides = array<i32>} : memref<20096xf32, #tpu.memory_space<vmem>>, vector<16xf32>,
      %get3A_414 = arith.index_cast %scan3A_360 : i32 to index
      %get3A_415 = arith.constant 64 : index
      %get3A_416 = tpu.vector_load %arg7[%get3A_414, %get3A_415] {strides = array<i32>} : memref<157x128xi32, #tpu.memory_space<vmem>>, vector<16xi32>,
      %get3A_417 = arith.index_cast %scan3A_360 : i32 to index
      %get3A_418 = arith.constant 64 : index
      %get3A_419 = tpu.vector_load %arg9[%get3A_417, %get3A_418] {strides = array<i32>} : memref<157x128xf32, #tpu.memory_space<vmem>>, vector<16xf32>,
      %gather3A_420 = tpu.vector_load_idx %arg6[%get3A_416] : memref<10240xf32, #tpu.memory_space<vmem>>[vector<16xi32>], vector<16xf32>,
      %mul3A_421 = arith.mulf %gather3A_420, %get3A_419 : vector<16xf32>
      %mul3A_422 = arith.constant 128 : i32
      %mul3A_423 = arith.muli %scan3A_360, %mul3A_422 : i32
      %add3A_424 = arith.constant 64 : i32
      %add3A_425 = arith.addi %mul3A_423, %add3A_424 : i32
      %swap3A_426 = arith.index_cast %add3A_425 : i32 to index
      %swap3A_427 = tpu.vector_load %arg10[%swap3A_426] {strides = array<i32>} : memref<20096xf32, #tpu.memory_space<vmem>>, vector<16xf32>,
      tpu.vector_store %arg10[%swap3A_426], %mul3A_421 {strides = array<i32>} : memref<20096xf32, #tpu.memory_space<vmem>>, vector<16xf32>,
      %get3A_428 = arith.index_cast %scan3A_360 : i32 to index
      %get3A_429 = arith.constant 80 : index
      %get3A_430 = tpu.vector_load %arg7[%get3A_428, %get3A_429] {strides = array<i32>} : memref<157x128xi32, #tpu.memory_space<vmem>>, vector<16xi32>,
      %get3A_431 = arith.index_cast %scan3A_360 : i32 to index
      %get3A_432 = arith.constant 80 : index
      %get3A_433 = tpu.vector_load %arg9[%get3A_431, %get3A_432] {strides = array<i32>} : memref<157x128xf32, #tpu.memory_space<vmem>>, vector<16xf32>,
      %gather3A_434 = tpu.vector_load_idx %arg6[%get3A_430] : memref<10240xf32, #tpu.memory_space<vmem>>[vector<16xi32>], vector<16xf32>,
      %mul3A_435 = arith.mulf %gather3A_434, %get3A_433 : vector<16xf32>
      %mul3A_436 = arith.constant 128 : i32
      %mul3A_437 = arith.muli %scan3A_360, %mul3A_436 : i32
      %add3A_438 = arith.constant 80 : i32
      %add3A_439 = arith.addi %mul3A_437, %add3A_438 : i32
      %swap3A_440 = arith.index_cast %add3A_439 : i32 to index
      %swap3A_441 = tpu.vector_load %arg10[%swap3A_440] {strides = array<i32>} : memref<20096xf32, #tpu.memory_space<vmem>>, vector<16xf32>,
      tpu.vector_store %arg10[%swap3A_440], %mul3A_435 {strides = array<i32>} : memref<20096xf32, #tpu.memory_space<vmem>>, vector<16xf32>,
      %get3A_442 = arith.index_cast %scan3A_360 : i32 to index
      %get3A_443 = arith.constant 96 : index
      %get3A_444 = tpu.vector_load %arg7[%get3A_442, %get3A_443] {strides = array<i32>} : memref<157x128xi32, #tpu.memory_space<vmem>>, vector<16xi32>,
      %get3A_445 = arith.index_cast %scan3A_360 : i32 to index
      %get3A_446 = arith.constant 96 : index
      %get3A_447 = tpu.vector_load %arg9[%get3A_445, %get3A_446] {strides = array<i32>} : memref<157x128xf32, #tpu.memory_space<vmem>>, vector<16xf32>,
      %gather3A_448 = tpu.vector_load_idx %arg6[%get3A_444] : memref<10240xf32, #tpu.memory_space<vmem>>[vector<16xi32>], vector<16xf32>,
      %mul3A_449 = arith.mulf %gather3A_448, %get3A_447 : vector<16xf32>
      %mul3A_450 = arith.constant 128 : i32
      %mul3A_451 = arith.muli %scan3A_360, %mul3A_450 : i32
      %add3A_452 = arith.constant 96 : i32
      %add3A_453 = arith.addi %mul3A_451, %add3A_452 : i32
      %swap3A_454 = arith.index_cast %add3A_453 : i32 to index
      %swap3A_455 = tpu.vector_load %arg10[%swap3A_454] {strides = array<i32>} : memref<20096xf32, #tpu.memory_space<vmem>>, vector<16xf32>,
      tpu.vector_store %arg10[%swap3A_454], %mul3A_449 {strides = array<i32>} : memref<20096xf32, #tpu.memory_space<vmem>>, vector<16xf32>,
      %get3A_456 = arith.index_cast %scan3A_360 : i32 to index
      %get3A_457 = arith.constant 112 : index
      %get3A_458 = tpu.vector_load %arg7[%get3A_456, %get3A_457] {strides = array<i32>} : memref<157x128xi32, #tpu.memory_space<vmem>>, vector<16xi32>,
      %get3A_459 = arith.index_cast %scan3A_360 : i32 to index
      %get3A_460 = arith.constant 112 : index
      %get3A_461 = tpu.vector_load %arg9[%get3A_459, %get3A_460] {strides = array<i32>} : memref<157x128xf32, #tpu.memory_space<vmem>>, vector<16xf32>,
      %gather3A_462 = tpu.vector_load_idx %arg6[%get3A_458] : memref<10240xf32, #tpu.memory_space<vmem>>[vector<16xi32>], vector<16xf32>,
      %mul3A_463 = arith.mulf %gather3A_462, %get3A_461 : vector<16xf32>
      %mul3A_464 = arith.constant 128 : i32
      %mul3A_465 = arith.muli %scan3A_360, %mul3A_464 : i32
      %add3A_466 = arith.constant 112 : i32
      %add3A_467 = arith.addi %mul3A_465, %add3A_466 : i32
      %swap3A_468 = arith.index_cast %add3A_467 : i32 to index
      %swap3A_469 = tpu.vector_load %arg10[%swap3A_468] {strides = array<i32>} : memref<20096xf32, #tpu.memory_space<vmem>>, vector<16xf32>,
      tpu.vector_store %arg10[%swap3A_468], %mul3A_463 {strides = array<i32>} : memref<20096xf32, #tpu.memory_space<vmem>>, vector<16xf32>,
      %scan3A_470 = arith.constant 0 : i32
      scf.yield %scan3A_470 : i32
    }
    %scan3A_280 = arith.constant 32 : i32
    %dma_start3A_281 = arith.constant 10752 : i32
    %dma_start3A_282 = tpu.memref_slice %arg10[%dma_start3A_281] : memref<20096xf32, #tpu.memory_space<vmem>> -> memref<4096xf32, #tpu.memory_space<vmem>>
    %dma_start3A_283 = arith.constant 10752 : i32
    %dma_start3A_284 = tpu.memref_slice %arg11[%dma_start3A_283] : memref<20096xi32, #tpu.memory_space<vmem>> -> memref<4096xi32, #tpu.memory_space<vmem>>
    %dma_start3A_285 = arith.constant 0 : i32
    %dma_start3A_286 = tpu.memref_slice %arg14[%dma_start3A_285] : memref<10240xf32, #tpu.memory_space<vmem_shared>> -> memref<10240xf32, #tpu.memory_space<vmem_shared>>
    tpu.enqueue_indirect_dma source(%dma_start3A_282 : memref<4096xf32, #tpu.memory_space<vmem>>) target(%dma_start3A_286 : memref<10240xf32, #tpu.memory_space<vmem_shared>>) offsets(%dma_start3A_284 : memref<4096xi32, #tpu.memory_space<vmem>>) semaphore(%arg16 : memref<!tpu.dma_semaphore, #tpu.memory_space<semaphore_mem>>) {add = true}
    %scan3A_287 = arith.constant 0 : i32
    %scan3A_288 = arith.constant 116 : i32
    %scan3A_289 = arith.constant 41 : i32
    %scan3A_290 = arith.addi %scan3A_288, %scan3A_289 : i32
    %scan3A_291 = arith.constant 1 : i32
    %scan3A_292 = scf.for %scan3A_360 = %scan3A_288 to %scan3A_290 step %scan3A_291 iter_args(%scan3A_361 = %scan3A_287) -> (i32)  : i32 {
      %get3A = arith.index_cast %scan3A_360 : i32 to index
      %get3A_362 = arith.constant 0 : index
      %get3A_363 = tpu.vector_load %arg7[%get3A, %get3A_362] {strides = array<i32>} : memref<157x128xi32, #tpu.memory_space<vmem>>, vector<16xi32>,
      %get3A_364 = arith.index_cast %scan3A_360 : i32 to index
      %get3A_365 = arith.constant 0 : index
      %get3A_366 = tpu.vector_load %arg9[%get3A_364, %get3A_365] {strides = array<i32>} : memref<157x128xf32, #tpu.memory_space<vmem>>, vector<16xf32>,
      %gather3A = tpu.vector_load_idx %arg6[%get3A_363] : memref<10240xf32, #tpu.memory_space<vmem>>[vector<16xi32>], vector<16xf32>,
      %mul3A_367 = arith.mulf %gather3A, %get3A_366 : vector<16xf32>
      %mul3A_368 = arith.constant 128 : i32
      %mul3A_369 = arith.muli %scan3A_360, %mul3A_368 : i32
      %add3A = arith.constant 0 : i32
      %add3A_370 = arith.addi %mul3A_369, %add3A : i32
      %swap3A = arith.index_cast %add3A_370 : i32 to index
      %swap3A_371 = tpu.vector_load %arg10[%swap3A] {strides = array<i32>} : memref<20096xf32, #tpu.memory_space<vmem>>, vector<16xf32>,
      tpu.vector_store %arg10[%swap3A], %mul3A_367 {strides = array<i32>} : memref<20096xf32, #tpu.memory_space<vmem>>, vector<16xf32>,
      %get3A_372 = arith.index_cast %scan3A_360 : i32 to index
      %get3A_373 = arith.constant 16 : index
      %get3A_374 = tpu.vector_load %arg7[%get3A_372, %get3A_373] {strides = array<i32>} : memref<157x128xi32, #tpu.memory_space<vmem>>, vector<16xi32>,
      %get3A_375 = arith.index_cast %scan3A_360 : i32 to index
      %get3A_376 = arith.constant 16 : index
      %get3A_377 = tpu.vector_load %arg9[%get3A_375, %get3A_376] {strides = array<i32>} : memref<157x128xf32, #tpu.memory_space<vmem>>, vector<16xf32>,
      %gather3A_378 = tpu.vector_load_idx %arg6[%get3A_374] : memref<10240xf32, #tpu.memory_space<vmem>>[vector<16xi32>], vector<16xf32>,
      %mul3A_379 = arith.mulf %gather3A_378, %get3A_377 : vector<16xf32>
      %mul3A_380 = arith.constant 128 : i32
      %mul3A_381 = arith.muli %scan3A_360, %mul3A_380 : i32
      %add3A_382 = arith.constant 16 : i32
      %add3A_383 = arith.addi %mul3A_381, %add3A_382 : i32
      %swap3A_384 = arith.index_cast %add3A_383 : i32 to index
      %swap3A_385 = tpu.vector_load %arg10[%swap3A_384] {strides = array<i32>} : memref<20096xf32, #tpu.memory_space<vmem>>, vector<16xf32>,
      tpu.vector_store %arg10[%swap3A_384], %mul3A_379 {strides = array<i32>} : memref<20096xf32, #tpu.memory_space<vmem>>, vector<16xf32>,
      %get3A_386 = arith.index_cast %scan3A_360 : i32 to index
      %get3A_387 = arith.constant 32 : index
      %get3A_388 = tpu.vector_load %arg7[%get3A_386, %get3A_387] {strides = array<i32>} : memref<157x128xi32, #tpu.memory_space<vmem>>, vector<16xi32>,
      %get3A_389 = arith.index_cast %scan3A_360 : i32 to index
      %get3A_390 = arith.constant 32 : index
      %get3A_391 = tpu.vector_load %arg9[%get3A_389, %get3A_390] {strides = array<i32>} : memref<157x128xf32, #tpu.memory_space<vmem>>, vector<16xf32>,
      %gather3A_392 = tpu.vector_load_idx %arg6[%get3A_388] : memref<10240xf32, #tpu.memory_space<vmem>>[vector<16xi32>], vector<16xf32>,
      %mul3A_393 = arith.mulf %gather3A_392, %get3A_391 : vector<16xf32>
      %mul3A_394 = arith.constant 128 : i32
      %mul3A_395 = arith.muli %scan3A_360, %mul3A_394 : i32
      %add3A_396 = arith.constant 32 : i32
      %add3A_397 = arith.addi %mul3A_395, %add3A_396 : i32
      %swap3A_398 = arith.index_cast %add3A_397 : i32 to index
      %swap3A_399 = tpu.vector_load %arg10[%swap3A_398] {strides = array<i32>} : memref<20096xf32, #tpu.memory_space<vmem>>, vector<16xf32>,
      tpu.vector_store %arg10[%swap3A_398], %mul3A_393 {strides = array<i32>} : memref<20096xf32, #tpu.memory_space<vmem>>, vector<16xf32>,
      %get3A_400 = arith.index_cast %scan3A_360 : i32 to index
      %get3A_401 = arith.constant 48 : index
      %get3A_402 = tpu.vector_load %arg7[%get3A_400, %get3A_401] {strides = array<i32>} : memref<157x128xi32, #tpu.memory_space<vmem>>, vector<16xi32>,
      %get3A_403 = arith.index_cast %scan3A_360 : i32 to index
      %get3A_404 = arith.constant 48 : index
      %get3A_405 = tpu.vector_load %arg9[%get3A_403, %get3A_404] {strides = array<i32>} : memref<157x128xf32, #tpu.memory_space<vmem>>, vector<16xf32>,
      %gather3A_406 = tpu.vector_load_idx %arg6[%get3A_402] : memref<10240xf32, #tpu.memory_space<vmem>>[vector<16xi32>], vector<16xf32>,
      %mul3A_407 = arith.mulf %gather3A_406, %get3A_405 : vector<16xf32>
      %mul3A_408 = arith.constant 128 : i32
      %mul3A_409 = arith.muli %scan3A_360, %mul3A_408 : i32
      %add3A_410 = arith.constant 48 : i32
      %add3A_411 = arith.addi %mul3A_409, %add3A_410 : i32
      %swap3A_412 = arith.index_cast %add3A_411 : i32 to index
      %swap3A_413 = tpu.vector_load %arg10[%swap3A_412] {strides = array<i32>} : memref<20096xf32, #tpu.memory_space<vmem>>, vector<16xf32>,
      tpu.vector_store %arg10[%swap3A_412], %mul3A_407 {strides = array<i32>} : memref<20096xf32, #tpu.memory_space<vmem>>, vector<16xf32>,
      %get3A_414 = arith.index_cast %scan3A_360 : i32 to index
      %get3A_415 = arith.constant 64 : index
      %get3A_416 = tpu.vector_load %arg7[%get3A_414, %get3A_415] {strides = array<i32>} : memref<157x128xi32, #tpu.memory_space<vmem>>, vector<16xi32>,
      %get3A_417 = arith.index_cast %scan3A_360 : i32 to index
      %get3A_418 = arith.constant 64 : index
      %get3A_419 = tpu.vector_load %arg9[%get3A_417, %get3A_418] {strides = array<i32>} : memref<157x128xf32, #tpu.memory_space<vmem>>, vector<16xf32>,
      %gather3A_420 = tpu.vector_load_idx %arg6[%get3A_416] : memref<10240xf32, #tpu.memory_space<vmem>>[vector<16xi32>], vector<16xf32>,
      %mul3A_421 = arith.mulf %gather3A_420, %get3A_419 : vector<16xf32>
      %mul3A_422 = arith.constant 128 : i32
      %mul3A_423 = arith.muli %scan3A_360, %mul3A_422 : i32
      %add3A_424 = arith.constant 64 : i32
      %add3A_425 = arith.addi %mul3A_423, %add3A_424 : i32
      %swap3A_426 = arith.index_cast %add3A_425 : i32 to index
      %swap3A_427 = tpu.vector_load %arg10[%swap3A_426] {strides = array<i32>} : memref<20096xf32, #tpu.memory_space<vmem>>, vector<16xf32>,
      tpu.vector_store %arg10[%swap3A_426], %mul3A_421 {strides = array<i32>} : memref<20096xf32, #tpu.memory_space<vmem>>, vector<16xf32>,
      %get3A_428 = arith.index_cast %scan3A_360 : i32 to index
      %get3A_429 = arith.constant 80 : index
      %get3A_430 = tpu.vector_load %arg7[%get3A_428, %get3A_429] {strides = array<i32>} : memref<157x128xi32, #tpu.memory_space<vmem>>, vector<16xi32>,
      %get3A_431 = arith.index_cast %scan3A_360 : i32 to index
      %get3A_432 = arith.constant 80 : index
      %get3A_433 = tpu.vector_load %arg9[%get3A_431, %get3A_432] {strides = array<i32>} : memref<157x128xf32, #tpu.memory_space<vmem>>, vector<16xf32>,
      %gather3A_434 = tpu.vector_load_idx %arg6[%get3A_430] : memref<10240xf32, #tpu.memory_space<vmem>>[vector<16xi32>], vector<16xf32>,
      %mul3A_435 = arith.mulf %gather3A_434, %get3A_433 : vector<16xf32>
      %mul3A_436 = arith.constant 128 : i32
      %mul3A_437 = arith.muli %scan3A_360, %mul3A_436 : i32
      %add3A_438 = arith.constant 80 : i32
      %add3A_439 = arith.addi %mul3A_437, %add3A_438 : i32
      %swap3A_440 = arith.index_cast %add3A_439 : i32 to index
      %swap3A_441 = tpu.vector_load %arg10[%swap3A_440] {strides = array<i32>} : memref<20096xf32, #tpu.memory_space<vmem>>, vector<16xf32>,
      tpu.vector_store %arg10[%swap3A_440], %mul3A_435 {strides = array<i32>} : memref<20096xf32, #tpu.memory_space<vmem>>, vector<16xf32>,
      %get3A_442 = arith.index_cast %scan3A_360 : i32 to index
      %get3A_443 = arith.constant 96 : index
      %get3A_444 = tpu.vector_load %arg7[%get3A_442, %get3A_443] {strides = array<i32>} : memref<157x128xi32, #tpu.memory_space<vmem>>, vector<16xi32>,
      %get3A_445 = arith.index_cast %scan3A_360 : i32 to index
      %get3A_446 = arith.constant 96 : index
      %get3A_447 = tpu.vector_load %arg9[%get3A_445, %get3A_446] {strides = array<i32>} : memref<157x128xf32, #tpu.memory_space<vmem>>, vector<16xf32>,
      %gather3A_448 = tpu.vector_load_idx %arg6[%get3A_444] : memref<10240xf32, #tpu.memory_space<vmem>>[vector<16xi32>], vector<16xf32>,
      %mul3A_449 = arith.mulf %gather3A_448, %get3A_447 : vector<16xf32>
      %mul3A_450 = arith.constant 128 : i32
      %mul3A_451 = arith.muli %scan3A_360, %mul3A_450 : i32
      %add3A_452 = arith.constant 96 : i32
      %add3A_453 = arith.addi %mul3A_451, %add3A_452 : i32
      %swap3A_454 = arith.index_cast %add3A_453 : i32 to index
      %swap3A_455 = tpu.vector_load %arg10[%swap3A_454] {strides = array<i32>} : memref<20096xf32, #tpu.memory_space<vmem>>, vector<16xf32>,
      tpu.vector_store %arg10[%swap3A_454], %mul3A_449 {strides = array<i32>} : memref<20096xf32, #tpu.memory_space<vmem>>, vector<16xf32>,
      %get3A_456 = arith.index_cast %scan3A_360 : i32 to index
      %get3A_457 = arith.constant 112 : index
      %get3A_458 = tpu.vector_load %arg7[%get3A_456, %get3A_457] {strides = array<i32>} : memref<157x128xi32, #tpu.memory_space<vmem>>, vector<16xi32>,
      %get3A_459 = arith.index_cast %scan3A_360 : i32 to index
      %get3A_460 = arith.constant 112 : index
      %get3A_461 = tpu.vector_load %arg9[%get3A_459, %get3A_460] {strides = array<i32>} : memref<157x128xf32, #tpu.memory_space<vmem>>, vector<16xf32>,
      %gather3A_462 = tpu.vector_load_idx %arg6[%get3A_458] : memref<10240xf32, #tpu.memory_space<vmem>>[vector<16xi32>], vector<16xf32>,
      %mul3A_463 = arith.mulf %gather3A_462, %get3A_461 : vector<16xf32>
      %mul3A_464 = arith.constant 128 : i32
      %mul3A_465 = arith.muli %scan3A_360, %mul3A_464 : i32
      %add3A_466 = arith.constant 112 : i32
      %add3A_467 = arith.addi %mul3A_465, %add3A_466 : i32
      %swap3A_468 = arith.index_cast %add3A_467 : i32 to index
      %swap3A_469 = tpu.vector_load %arg10[%swap3A_468] {strides = array<i32>} : memref<20096xf32, #tpu.memory_space<vmem>>, vector<16xf32>,
      tpu.vector_store %arg10[%swap3A_468], %mul3A_463 {strides = array<i32>} : memref<20096xf32, #tpu.memory_space<vmem>>, vector<16xf32>,
      %scan3A_470 = arith.constant 0 : i32
      scf.yield %scan3A_470 : i32
    }
    %scan3A_293 = arith.constant 41 : i32
    %dma_start3A_294 = arith.constant 14848 : i32
    %dma_start3A_295 = tpu.memref_slice %arg10[%dma_start3A_294] : memref<20096xf32, #tpu.memory_space<vmem>> -> memref<5248xf32, #tpu.memory_space<vmem>>
    %dma_start3A_296 = arith.constant 14848 : i32
    %dma_start3A_297 = tpu.memref_slice %arg11[%dma_start3A_296] : memref<20096xi32, #tpu.memory_space<vmem>> -> memref<5248xi32, #tpu.memory_space<vmem>>
    %dma_start3A_298 = arith.constant 0 : i32
    %dma_start3A_299 = tpu.memref_slice %arg14[%dma_start3A_298] : memref<10240xf32, #tpu.memory_space<vmem_shared>> -> memref<10240xf32, #tpu.memory_space<vmem_shared>>
    tpu.enqueue_indirect_dma source(%dma_start3A_295 : memref<5248xf32, #tpu.memory_space<vmem>>) target(%dma_start3A_299 : memref<10240xf32, #tpu.memory_space<vmem_shared>>) offsets(%dma_start3A_297 : memref<5248xi32, #tpu.memory_space<vmem>>) semaphore(%arg16 : memref<!tpu.dma_semaphore, #tpu.memory_space<semaphore_mem>>) {add = true}
    %dma_wait3A_300 = arith.constant 0 : i32
    %dma_wait3A_301 = tpu.memref_slice %arg10[%dma_wait3A_300] : memref<20096xf32, #tpu.memory_space<vmem>> -> memref<512xf32, #tpu.memory_space<vmem>>
    %dma_wait3A_302 = arith.constant 0 : i32
    %dma_wait3A_303 = tpu.memref_slice %arg11[%dma_wait3A_302] : memref<20096xi32, #tpu.memory_space<vmem>> -> memref<512xi32, #tpu.memory_space<vmem>>
    %dma_wait3A_304 = arith.constant 0 : i32
    %dma_wait3A_305 = tpu.memref_slice %arg14[%dma_wait3A_304] : memref<10240xf32, #tpu.memory_space<vmem_shared>> -> memref<10240xf32, #tpu.memory_space<vmem_shared>>
    tpu.wait_indirect_dma semaphore(%arg16 : memref<!tpu.dma_semaphore, #tpu.memory_space<semaphore_mem>>) src(%dma_wait3A_301 : memref<512xf32, #tpu.memory_space<vmem>>) dst(%dma_wait3A_305 : memref<10240xf32, #tpu.memory_space<vmem_shared>>)
    %dma_wait3A_306 = arith.constant 512 : i32
    %dma_wait3A_307 = tpu.memref_slice %arg10[%dma_wait3A_306] : memref<20096xf32, #tpu.memory_space<vmem>> -> memref<1024xf32, #tpu.memory_space<vmem>>
    %dma_wait3A_308 = arith.constant 512 : i32
    %dma_wait3A_309 = tpu.memref_slice %arg11[%dma_wait3A_308] : memref<20096xi32, #tpu.memory_space<vmem>> -> memref<1024xi32, #tpu.memory_space<vmem>>
    %dma_wait3A_310 = arith.constant 0 : i32
    %dma_wait3A_311 = tpu.memref_slice %arg14[%dma_wait3A_310] : memref<10240xf32, #tpu.memory_space<vmem_shared>> -> memref<10240xf32, #tpu.memory_space<vmem_shared>>
    tpu.wait_indirect_dma semaphore(%arg16 : memref<!tpu.dma_semaphore, #tpu.memory_space<semaphore_mem>>) src(%dma_wait3A_307 : memref<1024xf32, #tpu.memory_space<vmem>>) dst(%dma_wait3A_311 : memref<10240xf32, #tpu.memory_space<vmem_shared>>)
    %dma_wait3A_312 = arith.constant 1536 : i32
    %dma_wait3A_313 = tpu.memref_slice %arg10[%dma_wait3A_312] : memref<20096xf32, #tpu.memory_space<vmem>> -> memref<1536xf32, #tpu.memory_space<vmem>>
    %dma_wait3A_314 = arith.constant 1536 : i32
    %dma_wait3A_315 = tpu.memref_slice %arg11[%dma_wait3A_314] : memref<20096xi32, #tpu.memory_space<vmem>> -> memref<1536xi32, #tpu.memory_space<vmem>>
    %dma_wait3A_316 = arith.constant 0 : i32
    %dma_wait3A_317 = tpu.memref_slice %arg14[%dma_wait3A_316] : memref<10240xf32, #tpu.memory_space<vmem_shared>> -> memref<10240xf32, #tpu.memory_space<vmem_shared>>
    tpu.wait_indirect_dma semaphore(%arg16 : memref<!tpu.dma_semaphore, #tpu.memory_space<semaphore_mem>>) src(%dma_wait3A_313 : memref<1536xf32, #tpu.memory_space<vmem>>) dst(%dma_wait3A_317 : memref<10240xf32, #tpu.memory_space<vmem_shared>>)
    %dma_wait3A_318 = arith.constant 3072 : i32
    %dma_wait3A_319 = tpu.memref_slice %arg10[%dma_wait3A_318] : memref<20096xf32, #tpu.memory_space<vmem>> -> memref<2048xf32, #tpu.memory_space<vmem>>
    %dma_wait3A_320 = arith.constant 3072 : i32
    %dma_wait3A_321 = tpu.memref_slice %arg11[%dma_wait3A_320] : memref<20096xi32, #tpu.memory_space<vmem>> -> memref<2048xi32, #tpu.memory_space<vmem>>
    %dma_wait3A_322 = arith.constant 0 : i32
    %dma_wait3A_323 = tpu.memref_slice %arg14[%dma_wait3A_322] : memref<10240xf32, #tpu.memory_space<vmem_shared>> -> memref<10240xf32, #tpu.memory_space<vmem_shared>>
    tpu.wait_indirect_dma semaphore(%arg16 : memref<!tpu.dma_semaphore, #tpu.memory_space<semaphore_mem>>) src(%dma_wait3A_319 : memref<2048xf32, #tpu.memory_space<vmem>>) dst(%dma_wait3A_323 : memref<10240xf32, #tpu.memory_space<vmem_shared>>)
    %dma_wait3A_324 = arith.constant 5120 : i32
    %dma_wait3A_325 = tpu.memref_slice %arg10[%dma_wait3A_324] : memref<20096xf32, #tpu.memory_space<vmem>> -> memref<2560xf32, #tpu.memory_space<vmem>>
    %dma_wait3A_326 = arith.constant 5120 : i32
    %dma_wait3A_327 = tpu.memref_slice %arg11[%dma_wait3A_326] : memref<20096xi32, #tpu.memory_space<vmem>> -> memref<2560xi32, #tpu.memory_space<vmem>>
    %dma_wait3A_328 = arith.constant 0 : i32
    %dma_wait3A_329 = tpu.memref_slice %arg14[%dma_wait3A_328] : memref<10240xf32, #tpu.memory_space<vmem_shared>> -> memref<10240xf32, #tpu.memory_space<vmem_shared>>
    tpu.wait_indirect_dma semaphore(%arg16 : memref<!tpu.dma_semaphore, #tpu.memory_space<semaphore_mem>>) src(%dma_wait3A_325 : memref<2560xf32, #tpu.memory_space<vmem>>) dst(%dma_wait3A_329 : memref<10240xf32, #tpu.memory_space<vmem_shared>>)
    %dma_wait3A_330 = arith.constant 7680 : i32
    %dma_wait3A_331 = tpu.memref_slice %arg10[%dma_wait3A_330] : memref<20096xf32, #tpu.memory_space<vmem>> -> memref<3072xf32, #tpu.memory_space<vmem>>
    %dma_wait3A_332 = arith.constant 7680 : i32
    %dma_wait3A_333 = tpu.memref_slice %arg11[%dma_wait3A_332] : memref<20096xi32, #tpu.memory_space<vmem>> -> memref<3072xi32, #tpu.memory_space<vmem>>
    %dma_wait3A_334 = arith.constant 0 : i32
    %dma_wait3A_335 = tpu.memref_slice %arg14[%dma_wait3A_334] : memref<10240xf32, #tpu.memory_space<vmem_shared>> -> memref<10240xf32, #tpu.memory_space<vmem_shared>>
    tpu.wait_indirect_dma semaphore(%arg16 : memref<!tpu.dma_semaphore, #tpu.memory_space<semaphore_mem>>) src(%dma_wait3A_331 : memref<3072xf32, #tpu.memory_space<vmem>>) dst(%dma_wait3A_335 : memref<10240xf32, #tpu.memory_space<vmem_shared>>)
    %dma_wait3A_336 = arith.constant 10752 : i32
    %dma_wait3A_337 = tpu.memref_slice %arg10[%dma_wait3A_336] : memref<20096xf32, #tpu.memory_space<vmem>> -> memref<4096xf32, #tpu.memory_space<vmem>>
    %dma_wait3A_338 = arith.constant 10752 : i32
    %dma_wait3A_339 = tpu.memref_slice %arg11[%dma_wait3A_338] : memref<20096xi32, #tpu.memory_space<vmem>> -> memref<4096xi32, #tpu.memory_space<vmem>>
    %dma_wait3A_340 = arith.constant 0 : i32
    %dma_wait3A_341 = tpu.memref_slice %arg14[%dma_wait3A_340] : memref<10240xf32, #tpu.memory_space<vmem_shared>> -> memref<10240xf32, #tpu.memory_space<vmem_shared>>
    tpu.wait_indirect_dma semaphore(%arg16 : memref<!tpu.dma_semaphore, #tpu.memory_space<semaphore_mem>>) src(%dma_wait3A_337 : memref<4096xf32, #tpu.memory_space<vmem>>) dst(%dma_wait3A_341 : memref<10240xf32, #tpu.memory_space<vmem_shared>>)
    %dma_wait3A_342 = arith.constant 14848 : i32
    %dma_wait3A_343 = tpu.memref_slice %arg10[%dma_wait3A_342] : memref<20096xf32, #tpu.memory_space<vmem>> -> memref<5248xf32, #tpu.memory_space<vmem>>
    %dma_wait3A_344 = arith.constant 14848 : i32
    %dma_wait3A_345 = tpu.memref_slice %arg11[%dma_wait3A_344] : memref<20096xi32, #tpu.memory_space<vmem>> -> memref<5248xi32, #tpu.memory_space<vmem>>
    %dma_wait3A_346 = arith.constant 0 : i32
    %dma_wait3A_347 = tpu.memref_slice %arg14[%dma_wait3A_346] : memref<10240xf32, #tpu.memory_space<vmem_shared>> -> memref<10240xf32, #tpu.memory_space<vmem_shared>>
    tpu.wait_indirect_dma semaphore(%arg16 : memref<!tpu.dma_semaphore, #tpu.memory_space<semaphore_mem>>) src(%dma_wait3A_343 : memref<5248xf32, #tpu.memory_space<vmem>>) dst(%dma_wait3A_347 : memref<10240xf32, #tpu.memory_space<vmem_shared>>)
    %barrier3A_348 = arith.constant 0 : index
    tpu.barrier barrier_id(%barrier3A_348)
    %mul3A_349 = arith.constant 640 : i32
    %mul3A_350 = arith.muli %arg1, %mul3A_349 : i32
    "tpu.region"() ({
      %run_scoped3A = tpu.sem_alloc : memref<!tpu.dma_semaphore, #tpu.memory_space<semaphore_mem>>
      %dma_start3A_360 = tpu.memref_slice %arg14[%mul3A_350] : memref<10240xf32, #tpu.memory_space<vmem_shared>> -> memref<640xf32, #tpu.memory_space<vmem_shared>>
      %dma_start3A_361 = tpu.memref_slice %arg14[%mul3A_350] : memref<10240xf32, #tpu.memory_space<vmem_shared>> -> memref<640xf32, #tpu.memory_space<vmem_shared>>
      tpu.enqueue_dma source(%dma_start3A_361 : memref<640xf32, #tpu.memory_space<vmem_shared>>) target(%arg12 : memref<640xf32, #tpu.memory_space<vmem>>) target_semaphore(%run_scoped3A : memref<!tpu.dma_semaphore, #tpu.memory_space<semaphore_mem>>)
      %dma_wait3A_362 = tpu.memref_slice %arg14[%mul3A_350] : memref<10240xf32, #tpu.memory_space<vmem_shared>> -> memref<640xf32, #tpu.memory_space<vmem_shared>>
      %dma_wait3A_363 = tpu.memref_slice %arg14[%mul3A_350] : memref<10240xf32, #tpu.memory_space<vmem_shared>> -> memref<640xf32, #tpu.memory_space<vmem_shared>>
      tpu.wait_dma2 semaphore(%run_scoped3A : memref<!tpu.dma_semaphore, #tpu.memory_space<semaphore_mem>>) src(%dma_wait3A_363 : memref<640xf32, #tpu.memory_space<vmem_shared>>) dst(%arg12 : memref<640xf32, #tpu.memory_space<vmem>>)
      tpu.yield
    }) : () -> ()
    %scan3A_351 = arith.constant 0 : i32
    %scan3A_352 = arith.constant 0 : i32
    %scan3A_353 = arith.constant 40 : i32
    %scan3A_354 = arith.addi %scan3A_352, %scan3A_353 : i32
    %scan3A_355 = arith.constant 1 : i32
    %scan3A_356 = scf.for %scan3A_360 = %scan3A_352 to %scan3A_354 step %scan3A_355 iter_args(%scan3A_361 = %scan3A_351) -> (i32)  : i32 {
      %mul3A_362 = arith.constant 16 : i32
      %mul3A_363 = arith.muli %scan3A_360, %mul3A_362 : i32
      %get3A = arith.index_cast %mul3A_363 : i32 to index
      %get3A_364 = tpu.vector_load %arg12[%get3A] {strides = array<i32>} : memref<640xf32, #tpu.memory_space<vmem>>, vector<16xf32>,
      %neg3A = arith.constant 0.000000e+00 : f32
      %neg3A_365 = vector.broadcast %neg3A : f32 to vector<16xf32>
      %neg3A_366 = arith.subf %neg3A_365, %get3A_364 : vector<16xf32>
      %exp3A = math.exp %neg3A_366 : vector<16xf32>
      %add3A = arith.constant 1.000000e+00 : f32
      %add3A_367 = vector.broadcast %add3A : f32 to vector<16xf32>
      %add3A_368 = arith.addf %add3A_367, %exp3A : vector<16xf32>
      %div3A = arith.constant 1.000000e+00 : f32
      %div3A_369 = vector.broadcast %div3A : f32 to vector<16xf32>
      %div3A_370 = arith.divf %div3A_369, %add3A_368 : vector<16xf32>
      %mul3A_371 = arith.constant 16 : i32
      %mul3A_372 = arith.muli %scan3A_360, %mul3A_371 : i32
      %swap3A = arith.index_cast %mul3A_372 : i32 to index
      %swap3A_373 = tpu.vector_load %arg12[%swap3A] {strides = array<i32>} : memref<640xf32, #tpu.memory_space<vmem>>, vector<16xf32>,
      tpu.vector_store %arg12[%swap3A], %div3A_370 {strides = array<i32>} : memref<640xf32, #tpu.memory_space<vmem>>, vector<16xf32>,
      %scan3A_374 = arith.constant 0 : i32
      scf.yield %scan3A_374 : i32
    }
    %scan3A_357 = arith.constant 40 : i32
    %mul3A_358 = arith.constant 640 : i32
    %mul3A_359 = arith.muli %arg1, %mul3A_358 : i32
    "tpu.region"() ({
      %run_scoped3A = tpu.sem_alloc : memref<!tpu.dma_semaphore, #tpu.memory_space<semaphore_mem>>
      %dma_start3A_360 = tpu.memref_slice %arg5[%mul3A_359] : memref<10240xf32, #tpu.memory_space<hbm>> -> memref<640xf32, #tpu.memory_space<hbm>>
      %dma_start3A_361 = tpu.memref_slice %arg5[%mul3A_359] : memref<10240xf32, #tpu.memory_space<hbm>> -> memref<640xf32, #tpu.memory_space<hbm>>
      tpu.enqueue_dma source(%arg12 : memref<640xf32, #tpu.memory_space<vmem>>) target(%dma_start3A_361 : memref<640xf32, #tpu.memory_space<hbm>>) target_semaphore(%run_scoped3A : memref<!tpu.dma_semaphore, #tpu.memory_space<semaphore_mem>>)
      %dma_wait3A_362 = tpu.memref_slice %arg5[%mul3A_359] : memref<10240xf32, #tpu.memory_space<hbm>> -> memref<640xf32, #tpu.memory_space<hbm>>
      %dma_wait3A_363 = tpu.memref_slice %arg5[%mul3A_359] : memref<10240xf32, #tpu.memory_space<hbm>> -> memref<640xf32, #tpu.memory_space<hbm>>
      tpu.wait_dma2 semaphore(%run_scoped3A : memref<!tpu.dma_semaphore, #tpu.memory_space<semaphore_mem>>) src(%arg12 : memref<640xf32, #tpu.memory_space<vmem>>) dst(%dma_wait3A_363 : memref<640xf32, #tpu.memory_space<hbm>>)
      tpu.yield
    }) : () -> ()
    return
  }
}

module attributes {stable_mosaic.version = 14 : i64} {
  func.func @_matvec_body(%arg0: memref<10000x128xf32, #tpu.memory_space<vmem>>, %arg1: memref<1x128xf32, #tpu.memory_space<vmem>>, %arg2: memref<10000xf32, #tpu.memory_space<vmem>>) attributes {dimension_semantics = [], scalar_prefetch = 0 : i64, scratch_operands = 0 : i64, tpu.core_type = #tpu.core_type<tc>} {
    %get3A = arith.constant 0 : index
    %get3A_0 = arith.constant 0 : index
    %get3A_1 = vector.load %arg1[%get3A, %get3A_0] : memref<1x128xf32, #tpu.memory_space<vmem>>, vector<1x128xf32>
    %get3A_2 = arith.constant 0 : index
    %get3A_3 = arith.constant 0 : index
    %get3A_4 = vector.load %arg0[%get3A_2, %get3A_3] : memref<10000x128xf32, #tpu.memory_space<vmem>>, vector<10000x128xf32>
    %dot_general3A = arith.constant dense<0.000000e+00> : vector<1x10000xf32>
    %dot_general3A_5 = tpu.matmul %get3A_1, %get3A_4, %dot_general3A {dimension_numbers = #tpu.dot_dimension_numbers<[1], [1], [0], [0], [0, 0, 1, 0], [], []>, transpose_lhs_hint = false} : vector<1x128xf32>, vector<10000x128xf32>, vector<1x10000xf32> -> vector<1x10000xf32>
    %reshape3A = vector.shape_cast %dot_general3A_5 : vector<1x10000xf32> to vector<10000xf32>
    %swap3A = arith.constant 0 : index
    %swap3A_6 = vector.load %arg2[%swap3A] : memref<10000xf32, #tpu.memory_space<vmem>>, vector<10000xf32>
    tpu.vector_store %arg2[%swap3A], %reshape3A {strides = array<i32>} : memref<10000xf32, #tpu.memory_space<vmem>>, vector<10000xf32>,
    return
  }
}

</mosaic_0001>

<sc_bundles>
// kernel: kernel.4.cloned.1.call-start
scs
__scs_entry_jumppad:
0x0: {  	(pc) =	sbr.rel $0x88, $3  }
0x1: {  	(tag) =	ssettag $0x0;
	lr =	simm.s32 $0x1  }
0x2: {  	[smem:$0x3F9D] =	sst lr;
	_ =	strace $0xD0000000  }
0x3: {  	_ = 	snop  }
0x4: {  	_ = 	snop  }
0x5: {  	_ = 	snop  }
0x6: {  	_ = 	snop  }
0x7: {  	_ = 	snop  }
__scs_overlays_trampoline_lowered:
0x8: {  	[smem:$0x3FAC] =	sst s0  }
0x9: {  	[smem:$0x3FAD] =	sst s1  }
0xa: {  	[smem:$0x3FAE] =	sst s2  }
0xb: {  	[smem:$0x3FAF] =	sst s3  }
0xc: {  	[smem:$0x3FB0] =	sst s4  }
0xd: {  	[smem:$0x3FB1] =	sst s5  }
0xe: {  	[smem:$0x3FB2] =	sst s6  }
0xf: {  	[smem:$0x3FB3] =	sst s7  }
0x10: {  	[smem:$0x3FB4] =	sst s8  }
0x11: {  	[smem:$0x3FB5] =	sst s9;
	s0 =	simm.s32 @!p0 $0x0  }
0x12: {  	s1 =	sld [smem:$0x3F9B];
	s0 =	simm.s32 @p0 $0x1  }
0x13: {  	[smem:$0x3FB6] =	sst s0;
	s0 =	simm.s32 @!p1 $0x0  }
0x14: {  	s2 =	sld [smem:$0x3F9A];
	s0 =	simm.s32 @p1 $0x1  }
0x15: {  	[smem:$0x3FB7] =	sst s0;
	s0 =	simm.s32 @!p2 $0x0  }
0x16: {  	s3 =	sld [smem:$0x3FDB];
	s0 =	simm.s32 @p2 $0x1  }
0x17: {  	s4 =	simm.s32 $0x1BF5;
	[smem:$0x3FB9] =	sst s0  }
0x18: {  	s0 =	sld [smem:$0x3F9C];
	_ =	swait.ge [sflag:s4], $0x0  }
0x19: {  	s7 =	sld [smem:$0x3F9D]  }
0x1a: {  	s8 =	sadd.s32 $0xFFFFE003, lr  }
0x1b: {  	s9 =	sadd.s32 $0xFFFFFEF7, lr;
	s5 =	simm.s32 $0xFFFFFFFF;
	p2 =	slt.u32 s8, $0xFFFFF086  }
0x1c: {  	p1 =	slt.u32 s9, $0xF7A;
	s5 =	simm.s32 @!p2 $0x0  }
0x1d: {  	s5 =	simm.s32 @p1 $0x1;
	p0 =	seq.s32 s7, s2  }
0x1e: {  	s7 =	smul.u32 @!p0 $0xF7A, s2;
	p2 =	seq.s32 @!p0 s5, $0x0  }
0x1f: {  	s9 =	smul.u32 $0xF7A, s1;
	s8 =	simm.s32 @!p0 $0x1BF5;
	p2 =	por !p2, p0  }
0x20: {  	[sflag:s8] =	ssyncset.s32 @!p0 $0xFFFFF086;
	s6 =	sadd.s32 @!p0 s3, s7;
	s7 =	simm.s32 @!p0 $0x108  }
0x21: {  	s3 =	sadd.s32 s3, s9;
	s6 =	sadd.s32 @!p0 $0x88, s6;
	s7 =	simm.s32 @p2 $0x1082  }
0x22: {  	[simem:s7], [sflag:s8] =	dma.local @!p0 [hbm:s6], $0xF7A  }
0x23: {  	s9 =	sor.u32 $0xD0000000, s2;
	s6 =	simm.s32 $0x108;
	_ =	swait.ge @!p0 [sflag:s8], $0x0  }
0x24: {  	s3 =	sadd.s32 $0x88, s3;
	s6 =	simm.s32 @!p1 $0x1082;
	[sflag:s4] =	ssyncset.s32 $0xFFFFF086  }
0x25: {  	[simem:s6], [sflag:s4] =	dma.local [hbm:s3], $0xF7A  }
0x26: {  	[smem:$0x3F9D] =	sst s1;
	(tag) =	ssettag s2;
	_ =	strace s9  }
0x27: {  	s1 =	sld [smem:$0x3FAD]  }
0x28: {  	s2 =	sld [smem:$0x3FAE]  }
0x29: {  	s4 =	sld [smem:$0x3FB0]  }
0x2a: {  	p0 =	seq.s32 s5, $0x0;
	s5 =	sld [smem:$0x3FB1]  }
0x2b: {  	s6 =	sld [smem:$0x3FB2]  }
0x2c: {  	s7 =	sld [smem:$0x3FB3]  }
0x2d: {  	s3 =	simm.s32 $0x108;
	s8 =	sld [smem:$0x3FB4]  }
0x2e: {  	s3 =	simm.s32 @!p0 $0x1082;
	s9 =	sld [smem:$0x3FB5]  }
0x2f: {  	lr =	sadd.s32 s0, s3;
	s0 =	sld [smem:$0x3FAC]  }
0x30: {  	s3 =	sld [smem:$0x3FAF]  }
0x31: {  	[smem:$0x3FB8] =	sst s10  }
0x32: {  	s10 =	sld [smem:$0x3FB6];
	_ =	sdelay $0x3  }
0x33: {  	p0 =	seq.s32 s10, $0x1;
	s10 =	sld [smem:$0x3FB8];
	_ =	sdelay $0x3  }
0x34: {  	[smem:$0x3FB8] =	sst s10  }
0x35: {  	s10 =	sld [smem:$0x3FB7];
	_ =	sdelay $0x3  }
0x36: {  	p1 =	seq.s32 s10, $0x1;
	s10 =	sld [smem:$0x3FB8];
	_ =	sdelay $0x3  }
0x37: {  	[smem:$0x3FB8] =	sst s10  }
0x38: {  	s10 =	sld [smem:$0x3FB9]  }
0x39: {  	_ = 	snop;
	(pc) =	sbr.ind lr, $3  }
0x3a: {  	_ = 	snop  }
0x3b: {  	_ = 	snop  }
0x3c: {  	p2 =	seq.s32 s10, $0x1;
	s10 =	sld [smem:$0x3FB8]  }
0x3d: {  	_ =	shalt  }
0x3e: {  	_ =	shalt  }
0x3f: {  	_ =	shalt  }
0x40: {  	_ =	shalt  }
0x41: {  	_ =	shalt  }
0x42: {  	_ =	shalt  }
0x43: {  	_ =	shalt  }
0x44: {  	_ =	shalt  }
0x45: {  	_ =	shalt  }
0x46: {  	_ =	shalt  }
0x47: {  	_ =	shalt  }
0x48: {  	_ =	shalt  }
0x49: {  	_ =	shalt  }
0x4a: {  	_ =	shalt  }
0x4b: {  	_ =	shalt  }
0x4c: {  	_ =	shalt  }
0x4d: {  	_ =	shalt  }
0x4e: {  	_ =	shalt  }
0x4f: {  	_ =	shalt  }
0x50: {  	_ =	shalt  }
0x51: {  	_ =	shalt  }
0x52: {  	_ =	shalt  }
0x53: {  	_ =	shalt  }
0x54: {  	_ =	shalt  }
0x55: {  	_ =	shalt  }
0x56: {  	_ =	shalt  }
0x57: {  	_ =	shalt  }
0x58: {  	_ =	shalt  }
0x59: {  	_ =	shalt  }
0x5a: {  	_ =	shalt  }
0x5b: {  	_ =	shalt  }
0x5c: {  	_ =	shalt  }
0x5d: {  	_ =	shalt  }
0x5e: {  	_ =	shalt  }
0x5f: {  	_ =	shalt  }
0x60: {  	_ =	shalt  }
0x61: {  	_ =	shalt  }
0x62: {  	_ =	shalt  }
0x63: {  	_ =	shalt  }
0x64: {  	_ =	shalt  }
0x65: {  	_ =	shalt  }
0x66: {  	_ =	shalt  }
0x67: {  	_ =	shalt  }
0x68: {  	_ =	shalt  }
0x69: {  	_ =	shalt  }
0x6a: {  	_ =	shalt  }
0x6b: {  	_ =	shalt  }
0x6c: {  	_ =	shalt  }
0x6d: {  	_ =	shalt  }
0x6e: {  	_ =	shalt  }
0x6f: {  	_ =	shalt  }
0x70: {  	_ =	shalt  }
0x71: {  	_ =	shalt  }
0x72: {  	_ =	shalt  }
0x73: {  	_ =	shalt  }
0x74: {  	_ =	shalt  }
0x75: {  	_ =	shalt  }
0x76: {  	_ =	shalt  }
0x77: {  	_ =	shalt  }
0x78: {  	_ =	shalt  }
0x79: {  	_ =	shalt  }
0x7a: {  	_ =	shalt  }
0x7b: {  	_ =	shalt  }
0x7c: {  	_ =	shalt  }
0x7d: {  	_ =	shalt  }
0x7e: {  	_ =	shalt  }
0x7f: {  	_ =	shalt  }
0x80: {  	_ =	shalt  }
0x81: {  	_ =	shalt  }
0x82: {  	_ =	shalt  }
0x83: {  	_ =	shalt  }
0x84: {  	_ =	shalt  }
0x85: {  	_ =	shalt  }
0x86: {  	_ =	shalt  }
0x87: {  	_ =	shalt  }
.Lfunc_end0:
.L_simem_size_0:
called_computation_lowered:
.L_overlay_start_0:
0x88: {  	s0 =	sld [smem:$0x3FD9]  }
0x89: {  	s1 =	sld [smem:$0x3FFE];
	_ =	sdelay $0x3  }
0x8a: {  	s0 =	sadd.s32 s1, s0  }
0x8b: {  	[smem:$0x3FC4] =	sst s0  }
0x8c: {  	_ = 	snop  }
0x8d: {  	s0 =	sld [smem:$0x3FC8]  }
0x8e: {  	s16 =	sld [smem:$0x3FC7];
	(tm) =	ssettm $0x1  }
0x8f: {  	s2 =	sld [smem:$0x3FFB];
	_ =	sdelay $0x3  }
0x90: {  	_ =	strace s2  }
0x91: {  	s2 =	sld [smem:$0x3FFC];
	_ =	sdelay $0x3  }
0x92: {  	_ =	strace s2  }
0x93: {  	s2 =	sld [smem:$0x3FFD];
	_ =	sdelay $0x3  }
0x94: {  	_ =	strace s2  }
0x95: {  	_ =	strace $0x8FFFFFFF  }
0x96: {  	s17 =	sld [smem:$0x3FDB];
	_ =	sdelay $0x1  }
0x97: {  	s3 =	simm.s32 $_scs_section_size  }
0x98: {  	s4 =	simm.s32 $_size__tile_overlayer_lowered;
	s5 =	simm.s32 $_tile_overlayer_lowered  }
0x99: {  	s20 =	simm.s32 $0x1BFF;
	s19 =	sshll.u32 s5, $0x1;
	s2 =	sadd.s32 s3, s17  }
0x9a: {  	s6 =	simm.s32 $0x0;
	s18 =	sshll.u32 s4, $0x1;
	s4 =	sadd.s32 s19, s2  }
0x9b: {  	[timem:s6], [sflag:s20] =	dma.local [hbm:s4], s18  }
0x9c: {  	_ =	swait.ge [sflag:s20], s18  }
0x9d: {  	s3 =	ssub.s32 $0x0, s18;
	[sflag:s20] =	ssyncset.done $0x0  }
0x9e: {  	[sflag:s20] =	ssyncadd.s32 s3;
	_ =	sdelay $0x1  }
0x9f: {  	s21 =	simm.s32 $0x1B8B  }
0xa0: {  	_ =	swait.ge [sflag:s21], $0x1  }
0xa1: {  	[sflag:s21] =	ssyncset.done $0x0  }
0xa2: {  	s23 =	simm.s32 $0x1B8E;
	s22 =	sld [smem:$0x3FFE];
	[sflag:s21] =	ssyncadd.s32 $0xFFFFFFFF  }
0xa3: {  	s24 =	simm.s32 $execute0_lowered;
	[smem:$0x3FD2] =	sst s23  }
0xa4: {  	s4 =	sshll.u32 s24, $0x1;
	_ =	strace $0x80000046;
	[dreg:$0x1] =	wrdreg $0xFFFFFFFF  }
0xa5: {  	s25 =	simm.s32 $_size_execute0_lowered;
	s2 =	sadd.s32 s2, s4;
	[dreg:$0x0] =	wrdreg $0x0  }
0xa6: {  	s4 =	sshll.u32 s25, $0x1;
	[dreg:$0x2] =	wrdreg s2  }
0xa7: {  	[dreg:$0x3] =	wrdreg s4  }
0xa8: {  	[dreg:$0x4] =	wrdreg $0xC0  }
0xa9: {  	_ =	task [dreg:s6], $0x5FFFF  }
0xaa: {  	[dreg:$0x1] =	wrdreg $0xFFFFFFFF  }
0xab: {  	[dreg:$0x0] =	wrdreg $0x60  }
0xac: {  	[dreg:$0x2] =	wrdreg s22  }
0xad: {  	[dreg:$0x3] =	wrdreg s0  }
0xae: {  	[dreg:$0x4] =	wrdreg s16  }
0xaf: {  	[dreg:$0x5] =	wrdreg $0x1B3000  }
0xb0: {  	[dreg:$0x6] =	wrdreg $0x1B5800  }
0xb1: {  	[dreg:$0x7] =	wrdreg $0x9  }
0xb2: {  	_ =	task.clear_ibuf [dreg:s6], $0x8FFFF;
	_ =	strace $0x90000046  }
0xb3: {  	s26 =	simm.s32 $0x9;
	_ =	strace $0x80000048  }
0xb4: {  	_ =	swait.ge [sflag:s26], $0x1  }
0xb5: {  	[sflag:s26] =	ssyncadd.s32 $0xFFFFFFFF  }
0xb6: {  	_ =	strace $0x90000048  }
0xb7: {  	_ =	sfence  }
0xb8: {  	s28 =	sld [smem:$0x0];
	_ =	sdelay $0x1  }
0xb9: {  	s29 =	srdreg.scid  }
0xba: {  	s30 =	sshll.u32 s29, $0xD;
	s31 =	sshrl.u32 s29, $0x2  }
0xbb: {  	s1 =	sand.u32 $0x1, s29;
	s2 =	sand.u32 $0x4000, s30;
	s0 =	sadd.s32 s31, s28  }
0xbc: {  	s1 =	sor.u32 s2, s1;
	s0 =	sshll.u32 s0, $0x11  }
0xbd: {  	s0 =	sor.u32 s0, s1  }
0xbe: {  	s0 =	sadd.s32 $0x8F2B, s0  }
0xbf: {  	[sflag:s0] =	ssyncadd.remote.s32 $0x1  }
0xc0: {  	_ =	sfence.sel $0xFFFF  }
0xc1: {  	[dreg:$0x0] =	wrdreg $0xFFFFFFFF;
	(pc) =	sbr.abs _section_cstart, $3  }
0xc2: {  	[dreg:$0x1] =	wrdreg $0xFFFFFFFF  }
0xc3: {  	_ =	task.clear_ibuf [dreg:s6], $0x2FFFF;
	_ =	strace $0x9FFFFFFF  }
0xc4: {  	(tm) =	ssettm $0x7FFFFFFF  }
0xc5: {  	_ =	shalt  }
tec
execute0_lowered:
.L_overlay_start_1:
0x0: {  	(tag) =	ssettag $0x1  }
0x1: {  	s3 =	rddreg [dreg:$0x0]  }
0x2: {  	s4 =	rddreg [dreg:$0x1]  }
0x3: {  	s6 =	rddreg [dreg:$0x2]  }
0x4: {  	s5 =	rddreg [dreg:$0x3]  }
0x5: {  	s2 =	rddreg [dreg:$0x4];
	s7 =	simm.s32 $0x0;
	s1 =	stileid.u32  }
0x6: {  	[smem:$0x7FF] =	sst s7;
	p0 =	seq.s32 s1, $0xF  }
0x7: {  	s0 =	rddreg [dreg:$0x5];
	_ =	strace $0x80000047;
	s8 =	sadd.s32 @p0 $0x12660, s4  }
0x8: {  	s9 =	simm.s32 @p0 $0x80;
	s10 =	simm.s32 @p0 $0x100;
	s11 =	simm.s32 @p0 $0x2800  }
0x9: {  	[tilespmem:s11], [sflag:$0x1] =	stream.strided.gather @p0 [hbm4b:s8+s9], $0x4880, s10, s9, $0x38;
	[tilespmem:$0x1B800] =	vst v63  }
0xa: {  	s12 =	simm.s32 @p0 $0x7680;
	s8 =	sadd.s32 @p0 $0x9330, s6;
	s11 =	sadd.s32 @p0 $0x12670, s4  }
0xb: {  	[tilespmem:s12], [sflag:$0x1] =	stream.strided.gather @p0 [hbm4b:s11+s9], $0x4880, s10, s9, $0x38;
	[tilespmem:$0x1B800] =	vst v63  }
0xc: {  	s9 =	simm.s32 @p0 $0x0;
	s10 =	simm.s32 @p0 $0xC500;
	s11 =	smul.u32 @!p0 $0x13A0, s1  }
0xd: {  	[tilespmem:s10], [sflag:$0x1] =	stream.linear.gather @p0 [hbm4b:s8+s9], $0x4880, $0x38;
	[tilespmem:$0x1B800] =	vst v63  }
0xe: {  	s4 =	sadd.s32 @!p0 s4, s11  }
0xf: {  	s8 =	simm.s32 @!p0 $0x80;
	s9 =	simm.s32 @!p0 $0x100;
	s10 =	simm.s32 @!p0 $0x2800  }
0x10: {  	[tilespmem:s10], [sflag:$0x1] =	stream.strided.gather @!p0 [hbm4b:s4+s8], $0x4E80, s9, s8, $0x38;
	[tilespmem:$0x1B800] =	vst v63  }
0x11: {  	s11 =	simm.s32 @!p0 $0x7680;
	s10 =	smul.u32 @!p0 $0x9D0, s1;
	s4 =	sadd.s32 @!p0 $0x10, s4  }
0x12: {  	[tilespmem:s11], [sflag:$0x1] =	stream.strided.gather @!p0 [hbm4b:s4+s8], $0x4E80, s9, s8, $0x38;
	[tilespmem:$0x1B800] =	vst v63  }
0x13: {  	s4 =	sadd.s32 @!p0 s6, s10;
	s6 =	simm.s32 @!p0 $0x0;
	s8 =	simm.s32 @!p0 $0xC500  }
0x14: {  	[tilespmem:s8], [sflag:$0x1] =	stream.linear.gather @!p0 [hbm4b:s4+s6], $0x4E80, $0x38;
	[tilespmem:$0x1B800] =	vst v63  }
0x15: {  	s30 =	sadd.s32 $0xA00, s3  }
0x16: {  	v0 =	vimm.f32 $0.0e+00;
	[tilespmem:s7], [sflag:$0x1] =	stream.linear.gather [hbm4b:s30+s7], $0x2710, $0x38;
	[tilespmem:$0x1B800] =	vst v63  }
0x17: {  	[tilespmem:$0x1B080] =	vst v0  }
0x18: {  	[tilespmem:$0x1B090] =	vst v0  }
0x19: {  	[tilespmem:$0x1B0A0] =	vst v0  }
0x1a: {  	[tilespmem:$0x1B0B0] =	vst v0  }
0x1b: {  	[tilespmem:$0x1B0C0] =	vst v0  }
0x1c: {  	[tilespmem:$0x1B0D0] =	vst v0  }
0x1d: {  	[tilespmem:$0x1B0E0] =	vst v0  }
0x1e: {  	[tilespmem:$0x1B0F0] =	vst v0  }
0x1f: {  	[tilespmem:$0x1B100] =	vst v0  }
0x20: {  	[tilespmem:$0x1B110] =	vst v0  }
0x21: {  	[tilespmem:$0x1B120] =	vst v0  }
0x22: {  	[tilespmem:$0x1B130] =	vst v0  }
0x23: {  	[tilespmem:$0x1B140] =	vst v0  }
0x24: {  	[tilespmem:$0x1B150] =	vst v0  }
0x25: {  	[tilespmem:$0x1B160] =	vst v0  }
0x26: {  	[tilespmem:$0x1B170] =	vst v0  }
0x27: {  	[tilespmem:$0x1B180] =	vst v0  }
0x28: {  	[tilespmem:$0x1B190] =	vst v0  }
0x29: {  	[tilespmem:$0x1B1A0] =	vst v0  }
0x2a: {  	[tilespmem:$0x1B1B0] =	vst v0  }
0x2b: {  	[tilespmem:$0x1B1C0] =	vst v0  }
0x2c: {  	[tilespmem:$0x1B1D0] =	vst v0  }
0x2d: {  	[tilespmem:$0x1B1E0] =	vst v0  }
0x2e: {  	[tilespmem:$0x1B1F0] =	vst v0  }
0x2f: {  	[tilespmem:$0x1B200] =	vst v0  }
0x30: {  	[tilespmem:$0x1B210] =	vst v0  }
0x31: {  	[tilespmem:$0x1B220] =	vst v0  }
0x32: {  	[tilespmem:$0x1B230] =	vst v0  }
0x33: {  	[tilespmem:$0x1B240] =	vst v0  }
0x34: {  	[tilespmem:$0x1B250] =	vst v0  }
0x35: {  	[tilespmem:$0x1B260] =	vst v0  }
0x36: {  	[tilespmem:$0x1B270] =	vst v0  }
0x37: {  	[tilespmem:$0x1B280] =	vst v0  }
0x38: {  	[tilespmem:$0x1B290] =	vst v0  }
0x39: {  	p0 =	sne.s32 s1, $0xF;
	[tilespmem:$0x1B2A0] =	vst v0  }
.Ltmp0:
0x3a: {  	[tilespmem:$0x1B2B0] =	vst v0;
	(pc) =	sbr.rel @p0 .LBB2_4-.Ltmp0, $4  }
0x3b: {  	s31 =	smul.u32 $0x280, s1;
	[tilespmem:$0x1B2C0] =	vst v0  }
0x3c: {  	[tilespmem:$0x1B2D0] =	vst v0  }
0x3d: {  	s6 =	sadd.s32 $0x1000, s3;
	s3 =	sadd.s32 s31, s2;
	[tilespmem:$0x1B2E0] =	vst v0  }
0x3e: {  	s4 =	sshrl.u32 s31, $0x3;
	s8 =	simm.s32 $0x1;
	s7 =	sadd.s32 s31, s5;
	[tilespmem:$0x1B2F0] =	vst v0  }
0x3f: {  	_ =	swait.ge [sflag:s8], $0x4880  }
0x40: {  	[sflag:s8] =	ssyncset.done $0x0  }
0x41: {  	[sflag:s8] =	ssyncadd.s32 $0xFFFFB780  }
0x42: {  	_ =	swait.ge [sflag:s8], $0x4880  }
0x43: {  	[sflag:s8] =	ssyncset.done $0x0  }
0x44: {  	[sflag:s8] =	ssyncadd.s32 $0xFFFFB780  }
0x45: {  	_ =	swait.ge [sflag:s8], $0x4880  }
0x46: {  	[sflag:s8] =	ssyncset.done $0x0  }
0x47: {  	[sflag:s8] =	ssyncadd.s32 $0xFFFFB780  }
0x48: {  	_ =	swait.ge [sflag:s8], $0x2710  }
0x49: {  	[sflag:s8] =	ssyncset.done $0x0  }
0x4a: {  	v1 =	vimm.s32 $0x0;
	v2 =	vimm.s32 $0x2710;
	s9 =	simm.s32 $0x200;
	[sflag:s8] =	ssyncadd.s32 $0xFFFFD8F0;
	s8 =	simm.s32 $0x0  }
.LBB2_2:
0x4b: {  	p0 =	seq.s32 s9, $0x1600;
	[tilespmem:s8+$0xBF70] =	vst v2  }
0x4c: {  	[tilespmem:s8+$0x7080] =	vst v1  }
0x4d: {  	[tilespmem:s8+$0x10D80] =	vst v0  }
0x4e: {  	[tilespmem:s8+$0xBF00] =	vst v2  }
0x4f: {  	[tilespmem:s8+$0x7090] =	vst v1  }
0x50: {  	[tilespmem:s8+$0x10D90] =	vst v0  }
0x51: {  	[tilespmem:s8+$0xBF10] =	vst v2  }
0x52: {  	[tilespmem:s8+$0x70A0] =	vst v1  }
0x53: {  	[tilespmem:s8+$0x10DA0] =	vst v0  }
0x54: {  	[tilespmem:s8+$0xBF20] =	vst v2  }
0x55: {  	[tilespmem:s8+$0x70B0] =	vst v1  }
0x56: {  	[tilespmem:s8+$0x10DB0] =	vst v0  }
0x57: {  	[tilespmem:s8+$0xBF30] =	vst v2  }
0x58: {  	[tilespmem:s8+$0x70C0] =	vst v1  }
0x59: {  	[tilespmem:s8+$0x10DC0] =	vst v0  }
0x5a: {  	[tilespmem:s8+$0xBF40] =	vst v2  }
0x5b: {  	[tilespmem:s8+$0x70D0] =	vst v1  }
0x5c: {  	[tilespmem:s8+$0x10DD0] =	vst v0  }
0x5d: {  	[tilespmem:s8+$0xBF50] =	vst v2  }
.Ltmp1:
0x5e: {  	[tilespmem:s8+$0x70E0] =	vst v1;
	(pc) =	sbr.rel @!p0 .LBB2_2-.Ltmp1, $4  }
0x5f: {  	[tilespmem:s8+$0x10DE0] =	vst v0  }
0x60: {  	[tilespmem:s8+$0xBF60] =	vst v2  }
0x61: {  	[tilespmem:s8+$0x70F0] =	vst v1  }
0x62: {  	[tilespmem:s8+$0x10DF0] =	vst v0;
	s8 =	sshra.s32 s9, $0x2;
	s9 =	sadd.s32 $0x200, s9  }
0x63: {  	[tilespmem:s8+$0xBF70] =	vst v2  }
0x64: {  	[tilespmem:s8+$0x7080] =	vst v1  }
0x65: {  	[tilespmem:s8+$0x10D80] =	vst v0  }
0x66: {  	[tilespmem:s8+$0xBF00] =	vst v2  }
0x67: {  	[tilespmem:s8+$0x7090] =	vst v1  }
0x68: {  	[tilespmem:s8+$0x10D90] =	vst v0  }
0x69: {  	[tilespmem:s8+$0xBF10] =	vst v2  }
0x6a: {  	[tilespmem:s8+$0x70A0] =	vst v1  }
0x6b: {  	[tilespmem:s8+$0x10DA0] =	vst v0  }
0x6c: {  	[tilespmem:s8+$0xBF20] =	vst v2  }
0x6d: {  	[tilespmem:s8+$0x70B0] =	vst v1  }
0x6e: {  	[tilespmem:s8+$0x10DB0] =	vst v0  }
0x6f: {  	[tilespmem:s8+$0xBF30] =	vst v2  }
0x70: {  	[tilespmem:s8+$0x70C0] =	vst v1  }
0x71: {  	[tilespmem:s8+$0x10DC0] =	vst v0  }
0x72: {  	[tilespmem:s8+$0xBF40] =	vst v2  }
0x73: {  	[tilespmem:s8+$0x70D0] =	vst v1  }
0x74: {  	[tilespmem:s8+$0x10DD0] =	vst v0  }
0x75: {  	[tilespmem:s8+$0xBF50] =	vst v2  }
.Ltmp2:
0x76: {  	[tilespmem:s8+$0x70E0] =	vst v1;
	(pc) =	sbr.rel .LBB2_5-.Ltmp2, $4  }
0x77: {  	[tilespmem:s8+$0x10DE0] =	vst v0  }
0x78: {  	[tilespmem:s8+$0xBF60] =	vst v2  }
0x79: {  	[tilespmem:s8+$0x70F0] =	vst v1  }
0x7a: {  	[tilespmem:s8+$0x10DF0] =	vst v0  }
.LBB2_4:
0x7b: {  	_ =	swait.ge [sflag:s8], $0x4E80  }
0x7c: {  	[sflag:s8] =	ssyncset.done $0x0  }
0x7d: {  	[sflag:s8] =	ssyncadd.s32 $0xFFFFB180  }
0x7e: {  	_ =	swait.ge [sflag:s8], $0x4E80  }
0x7f: {  	[sflag:s8] =	ssyncset.done $0x0  }
0x80: {  	[sflag:s8] =	ssyncadd.s32 $0xFFFFB180  }
0x81: {  	_ =	swait.ge [sflag:s8], $0x4E80  }
0x82: {  	[sflag:s8] =	ssyncset.done $0x0  }
0x83: {  	[sflag:s8] =	ssyncadd.s32 $0xFFFFB180  }
0x84: {  	_ =	swait.ge [sflag:s8], $0x2710  }
0x85: {  	[sflag:s8] =	ssyncset.done $0x0  }
0x86: {  	[sflag:s8] =	ssyncadd.s32 $0xFFFFD8F0  }
.LBB2_5:
0x87: {  	s8 =	simm.s32 $0x1B080;
	s9 =	simm.s32 $0x3  }
0x88: {  	[spmem:s7] =	stream.linear.scatter [tilespmem:s8], [sflag:$0x3], $0x280, $0x38;
	[tilespmem:$0x1B800] =	vst v63  }
0x89: {  	_ =	swait.ge [sflag:s9], $0x280  }
0x8a: {  	[sflag:s9] =	ssyncset.done $0x0  }
0x8b: {  	[sflag:s9] =	ssyncadd.s32 $0xFFFFFD80  }
0x8c: {  	[spmem:s3] =	stream.linear.scatter [tilespmem:s8], [sflag:$0x3], $0x280, $0x38;
	[tilespmem:$0x1B800] =	vst v63  }
0x8d: {  	_ =	swait.ge [sflag:s9], $0x280  }
0x8e: {  	[sflag:s9] =	ssyncset.done $0x0  }
0x8f: {  	[sflag:s9] =	ssyncadd.s32 $0xFFFFFD80  }
0x90: {  	[bflag:$0x0] =	sbarrier.arrive $0xFFFF  }
0x91: {  	v0 =	vld [tilespmem:$0x2800];
	_ =	sdelay $0x5  }
0x92: {  	v1 =	vld [tilespmem:$0xC500]  }
0x93: {  	s8 =	simm.s32 $0x0;
	v2 =	vld [tilespmem:$0x2810]  }
0x94: {  	v0 =	vld.idx.msk [tilespmem:v0+s8+$0x0], $0xffff  }
0x95: {  	v3 =	vld [tilespmem:$0x7680];
	_ =	sdelay $0x3  }
0x96: {  	v0 =	vmul.f32 v0, v1  }
0x97: {  	[tilespmem:$0x16200] =	vst v3  }
0x98: {  	[tilespmem:$0x11380] =	vst v0;
	v0 =	vld [tilespmem:$0xC510]  }
0x99: {  	v1 =	vld.idx.msk [tilespmem:v2+s8+$0x0], $0xffff  }
0x9a: {  	v2 =	vld [tilespmem:$0x2820]  }
0x9b: {  	v3 =	vld [tilespmem:$0x7690];
	_ =	sdelay $0x3  }
0x9c: {  	v0 =	vmul.f32 v1, v0  }
0x9d: {  	[tilespmem:$0x16210] =	vst v3  }
0x9e: {  	[tilespmem:$0x11390] =	vst v0;
	v0 =	vld [tilespmem:$0xC520]  }
0x9f: {  	v1 =	vld.idx.msk [tilespmem:v2+s8+$0x0], $0xffff  }
0xa0: {  	v2 =	vld [tilespmem:$0x2830]  }
0xa1: {  	v3 =	vld [tilespmem:$0x76A0];
	_ =	sdelay $0x3  }
0xa2: {  	v0 =	vmul.f32 v1, v0  }
0xa3: {  	[tilespmem:$0x16220] =	vst v3  }
0xa4: {  	[tilespmem:$0x113A0] =	vst v0;
	v0 =	vld [tilespmem:$0xC530]  }
0xa5: {  	v1 =	vld.idx.msk [tilespmem:v2+s8+$0x0], $0xffff  }
0xa6: {  	v2 =	vld [tilespmem:$0x2840]  }
0xa7: {  	v3 =	vld [tilespmem:$0x76B0];
	_ =	sdelay $0x3  }
0xa8: {  	v0 =	vmul.f32 v1, v0  }
0xa9: {  	[tilespmem:$0x16230] =	vst v3  }
0xaa: {  	[tilespmem:$0x113B0] =	vst v0;
	v0 =	vld [tilespmem:$0xC540]  }
0xab: {  	v1 =	vld.idx.msk [tilespmem:v2+s8+$0x0], $0xffff  }
0xac: {  	v2 =	vld [tilespmem:$0x2850]  }
0xad: {  	v3 =	vld [tilespmem:$0x76C0];
	_ =	sdelay $0x3  }
0xae: {  	v0 =	vmul.f32 v1, v0  }
0xaf: {  	[tilespmem:$0x16240] =	vst v3  }
0xb0: {  	[tilespmem:$0x113C0] =	vst v0;
	v0 =	vld [tilespmem:$0xC550]  }
0xb1: {  	v1 =	vld.idx.msk [tilespmem:v2+s8+$0x0], $0xffff  }
0xb2: {  	v2 =	vld [tilespmem:$0x2860]  }
0xb3: {  	v3 =	vld [tilespmem:$0x76D0];
	_ =	sdelay $0x3  }
0xb4: {  	v0 =	vmul.f32 v1, v0  }
0xb5: {  	[tilespmem:$0x16250] =	vst v3  }
0xb6: {  	[tilespmem:$0x113D0] =	vst v0;
	v0 =	vld [tilespmem:$0xC560]  }
0xb7: {  	v1 =	vld.idx.msk [tilespmem:v2+s8+$0x0], $0xffff  }
0xb8: {  	v2 =	vld [tilespmem:$0x2870]  }
0xb9: {  	v3 =	vld [tilespmem:$0x76E0];
	_ =	sdelay $0x3  }
0xba: {  	v0 =	vmul.f32 v1, v0  }
0xbb: {  	[tilespmem:$0x16260] =	vst v3  }
0xbc: {  	[tilespmem:$0x113E0] =	vst v0;
	v0 =	vld [tilespmem:$0xC570]  }
0xbd: {  	v1 =	vld.idx.msk [tilespmem:v2+s8+$0x0], $0xffff  }
0xbe: {  	v2 =	vld [tilespmem:$0x2880]  }
0xbf: {  	v3 =	vld [tilespmem:$0x76F0];
	_ =	sdelay $0x3  }
0xc0: {  	v0 =	vmul.f32 v1, v0  }
0xc1: {  	[tilespmem:$0x16270] =	vst v3  }
0xc2: {  	[tilespmem:$0x113F0] =	vst v0;
	v0 =	vld [tilespmem:$0xC580]  }
0xc3: {  	v1 =	vld.idx.msk [tilespmem:v2+s8+$0x0], $0xffff  }
0xc4: {  	v2 =	vld [tilespmem:$0x2890]  }
0xc5: {  	v3 =	vld [tilespmem:$0x7700];
	_ =	sdelay $0x3  }
0xc6: {  	v0 =	vmul.f32 v1, v0  }
0xc7: {  	[tilespmem:$0x16280] =	vst v3  }
0xc8: {  	[tilespmem:$0x11400] =	vst v0;
	v0 =	vld [tilespmem:$0xC590]  }
0xc9: {  	v1 =	vld.idx.msk [tilespmem:v2+s8+$0x0], $0xffff  }
0xca: {  	v2 =	vld [tilespmem:$0x28A0]  }
0xcb: {  	v3 =	vld [tilespmem:$0x7710];
	_ =	sdelay $0x3  }
0xcc: {  	v0 =	vmul.f32 v1, v0  }
0xcd: {  	[tilespmem:$0x16290] =	vst v3  }
0xce: {  	[tilespmem:$0x11410] =	vst v0;
	v0 =	vld [tilespmem:$0xC5A0]  }
0xcf: {  	v1 =	vld.idx.msk [tilespmem:v2+s8+$0x0], $0xffff  }
0xd0: {  	v2 =	vld [tilespmem:$0x28B0]  }
0xd1: {  	v3 =	vld [tilespmem:$0x7720];
	_ =	sdelay $0x3  }
0xd2: {  	v0 =	vmul.f32 v1, v0  }
0xd3: {  	[tilespmem:$0x162A0] =	vst v3  }
0xd4: {  	[tilespmem:$0x11420] =	vst v0;
	v0 =	vld [tilespmem:$0xC5B0]  }
0xd5: {  	v1 =	vld.idx.msk [tilespmem:v2+s8+$0x0], $0xffff  }
0xd6: {  	v2 =	vld [tilespmem:$0x28C0]  }
0xd7: {  	v3 =	vld [tilespmem:$0x7730];
	_ =	sdelay $0x3  }
0xd8: {  	v0 =	vmul.f32 v1, v0  }
0xd9: {  	[tilespmem:$0x162B0] =	vst v3  }
0xda: {  	[tilespmem:$0x11430] =	vst v0;
	v0 =	vld [tilespmem:$0xC5C0]  }
0xdb: {  	v1 =	vld.idx.msk [tilespmem:v2+s8+$0x0], $0xffff  }
0xdc: {  	v2 =	vld [tilespmem:$0x28D0]  }
0xdd: {  	v3 =	vld [tilespmem:$0x7740];
	_ =	sdelay $0x3  }
0xde: {  	v0 =	vmul.f32 v1, v0  }
0xdf: {  	[tilespmem:$0x162C0] =	vst v3  }
0xe0: {  	[tilespmem:$0x11440] =	vst v0;
	v0 =	vld [tilespmem:$0xC5D0]  }
0xe1: {  	v1 =	vld.idx.msk [tilespmem:v2+s8+$0x0], $0xffff  }
0xe2: {  	v2 =	vld [tilespmem:$0x28E0]  }
0xe3: {  	v3 =	vld [tilespmem:$0x7750];
	_ =	sdelay $0x3  }
0xe4: {  	v0 =	vmul.f32 v1, v0  }
0xe5: {  	[tilespmem:$0x162D0] =	vst v3  }
0xe6: {  	[tilespmem:$0x11450] =	vst v0;
	v0 =	vld [tilespmem:$0xC5E0]  }
0xe7: {  	v1 =	vld.idx.msk [tilespmem:v2+s8+$0x0], $0xffff  }
0xe8: {  	v2 =	vld [tilespmem:$0x28F0]  }
0xe9: {  	v3 =	vld [tilespmem:$0x7760];
	_ =	sdelay $0x3  }
0xea: {  	v0 =	vmul.f32 v1, v0  }
0xeb: {  	[tilespmem:$0x162E0] =	vst v3  }
0xec: {  	[tilespmem:$0x11460] =	vst v0;
	v0 =	vld [tilespmem:$0xC5F0]  }
0xed: {  	v1 =	vld.idx.msk [tilespmem:v2+s8+$0x0], $0xffff  }
0xee: {  	v2 =	vld [tilespmem:$0x2900]  }
0xef: {  	v3 =	vld [tilespmem:$0x7770];
	_ =	sdelay $0x3  }
0xf0: {  	v0 =	vmul.f32 v1, v0  }
0xf1: {  	[tilespmem:$0x162F0] =	vst v3  }
0xf2: {  	[tilespmem:$0x11470] =	vst v0;
	v0 =	vld [tilespmem:$0xC600]  }
0xf3: {  	v1 =	vld.idx.msk [tilespmem:v2+s8+$0x0], $0xffff  }
0xf4: {  	v2 =	vld [tilespmem:$0x2910]  }
0xf5: {  	v3 =	vld [tilespmem:$0x7780];
	_ =	sdelay $0x3  }
0xf6: {  	v0 =	vmul.f32 v1, v0  }
0xf7: {  	[tilespmem:$0x16300] =	vst v3  }
0xf8: {  	[tilespmem:$0x11480] =	vst v0;
	v0 =	vld [tilespmem:$0xC610]  }
0xf9: {  	v1 =	vld.idx.msk [tilespmem:v2+s8+$0x0], $0xffff  }
0xfa: {  	v2 =	vld [tilespmem:$0x2920]  }
0xfb: {  	v3 =	vld [tilespmem:$0x7790];
	_ =	sdelay $0x3  }
0xfc: {  	v0 =	vmul.f32 v1, v0  }
0xfd: {  	[tilespmem:$0x16310] =	vst v3  }
0xfe: {  	[tilespmem:$0x11490] =	vst v0;
	v0 =	vld [tilespmem:$0xC620]  }
0xff: {  	v1 =	vld.idx.msk [tilespmem:v2+s8+$0x0], $0xffff  }
0x100: {  	v2 =	vld [tilespmem:$0x2930]  }
0x101: {  	v3 =	vld [tilespmem:$0x77A0];
	_ =	sdelay $0x3  }
0x102: {  	v0 =	vmul.f32 v1, v0  }
0x103: {  	[tilespmem:$0x16320] =	vst v3  }
0x104: {  	[tilespmem:$0x114A0] =	vst v0;
	v0 =	vld [tilespmem:$0xC630]  }
0x105: {  	v1 =	vld.idx.msk [tilespmem:v2+s8+$0x0], $0xffff  }
0x106: {  	v2 =	vld [tilespmem:$0x2940]  }
0x107: {  	v3 =	vld [tilespmem:$0x77B0];
	_ =	sdelay $0x3  }
0x108: {  	v0 =	vmul.f32 v1, v0  }
0x109: {  	[tilespmem:$0x16330] =	vst v3  }
0x10a: {  	[tilespmem:$0x114B0] =	vst v0;
	v0 =	vld [tilespmem:$0xC640]  }
0x10b: {  	v1 =	vld.idx.msk [tilespmem:v2+s8+$0x0], $0xffff  }
0x10c: {  	v2 =	vld [tilespmem:$0x2950]  }
0x10d: {  	v3 =	vld [tilespmem:$0x77C0];
	_ =	sdelay $0x3  }
0x10e: {  	v0 =	vmul.f32 v1, v0  }
0x10f: {  	[tilespmem:$0x16340] =	vst v3  }
0x110: {  	[tilespmem:$0x114C0] =	vst v0;
	v0 =	vld [tilespmem:$0xC650]  }
0x111: {  	v1 =	vld.idx.msk [tilespmem:v2+s8+$0x0], $0xffff  }
0x112: {  	v2 =	vld [tilespmem:$0x2960]  }
0x113: {  	v3 =	vld [tilespmem:$0x77D0];
	_ =	sdelay $0x3  }
0x114: {  	v0 =	vmul.f32 v1, v0  }
0x115: {  	[tilespmem:$0x16350] =	vst v3  }
0x116: {  	[tilespmem:$0x114D0] =	vst v0;
	v0 =	vld [tilespmem:$0xC660]  }
0x117: {  	v1 =	vld.idx.msk [tilespmem:v2+s8+$0x0], $0xffff  }
0x118: {  	v2 =	vld [tilespmem:$0x2970]  }
0x119: {  	v3 =	vld [tilespmem:$0x77E0];
	_ =	sdelay $0x3  }
0x11a: {  	v0 =	vmul.f32 v1, v0  }
0x11b: {  	[tilespmem:$0x16360] =	vst v3  }
0x11c: {  	[tilespmem:$0x114E0] =	vst v0;
	v0 =	vld [tilespmem:$0xC670]  }
0x11d: {  	v1 =	vld.idx.msk [tilespmem:v2+s8+$0x0], $0xffff  }
0x11e: {  	v2 =	vld [tilespmem:$0x2980]  }
0x11f: {  	v3 =	vld [tilespmem:$0x77F0];
	_ =	sdelay $0x3  }
0x120: {  	v0 =	vmul.f32 v1, v0  }
0x121: {  	[tilespmem:$0x16370] =	vst v3  }
0x122: {  	[tilespmem:$0x114F0] =	vst v0;
	v0 =	vld [tilespmem:$0xC680]  }
0x123: {  	v1 =	vld.idx.msk [tilespmem:v2+s8+$0x0], $0xffff  }
0x124: {  	v2 =	vld [tilespmem:$0x2990]  }
0x125: {  	v3 =	vld [tilespmem:$0x7800];
	_ =	sdelay $0x3  }
0x126: {  	v0 =	vmul.f32 v1, v0  }
0x127: {  	[tilespmem:$0x16380] =	vst v3  }
0x128: {  	[tilespmem:$0x11500] =	vst v0;
	v0 =	vld [tilespmem:$0xC690]  }
0x129: {  	v1 =	vld.idx.msk [tilespmem:v2+s8+$0x0], $0xffff  }
0x12a: {  	v2 =	vld [tilespmem:$0x29A0]  }
0x12b: {  	v3 =	vld [tilespmem:$0x7810];
	_ =	sdelay $0x3  }
0x12c: {  	v0 =	vmul.f32 v1, v0  }
0x12d: {  	[tilespmem:$0x16390] =	vst v3  }
0x12e: {  	[tilespmem:$0x11510] =	vst v0;
	v0 =	vld [tilespmem:$0xC6A0]  }
0x12f: {  	v1 =	vld.idx.msk [tilespmem:v2+s8+$0x0], $0xffff  }
0x130: {  	v2 =	vld [tilespmem:$0x29B0]  }
0x131: {  	v3 =	vld [tilespmem:$0x7820];
	_ =	sdelay $0x3  }
0x132: {  	v0 =	vmul.f32 v1, v0  }
0x133: {  	[tilespmem:$0x163A0] =	vst v3  }
0x134: {  	[tilespmem:$0x11520] =	vst v0;
	v0 =	vld [tilespmem:$0xC6B0]  }
0x135: {  	v1 =	vld.idx.msk [tilespmem:v2+s8+$0x0], $0xffff  }
0x136: {  	v2 =	vld [tilespmem:$0x29C0]  }
0x137: {  	v3 =	vld [tilespmem:$0x7830];
	_ =	sdelay $0x3  }
0x138: {  	v0 =	vmul.f32 v1, v0  }
0x139: {  	[tilespmem:$0x163B0] =	vst v3  }
0x13a: {  	[tilespmem:$0x11530] =	vst v0;
	v0 =	vld [tilespmem:$0xC6C0]  }
0x13b: {  	v1 =	vld.idx.msk [tilespmem:v2+s8+$0x0], $0xffff  }
0x13c: {  	v2 =	vld [tilespmem:$0x29D0]  }
0x13d: {  	v3 =	vld [tilespmem:$0x7840];
	_ =	sdelay $0x3  }
0x13e: {  	v0 =	vmul.f32 v1, v0  }
0x13f: {  	[tilespmem:$0x163C0] =	vst v3  }
0x140: {  	[tilespmem:$0x11540] =	vst v0;
	v0 =	vld [tilespmem:$0xC6D0]  }
0x141: {  	v1 =	vld.idx.msk [tilespmem:v2+s8+$0x0], $0xffff  }
0x142: {  	v2 =	vld [tilespmem:$0x29E0]  }
0x143: {  	v3 =	vld [tilespmem:$0x7850];
	_ =	sdelay $0x3  }
0x144: {  	v0 =	vmul.f32 v1, v0  }
0x145: {  	[tilespmem:$0x163D0] =	vst v3  }
0x146: {  	[tilespmem:$0x11550] =	vst v0;
	v0 =	vld [tilespmem:$0xC6E0]  }
0x147: {  	v1 =	vld.idx.msk [tilespmem:v2+s8+$0x0], $0xffff  }
0x148: {  	v2 =	vld [tilespmem:$0x29F0]  }
0x149: {  	v3 =	vld [tilespmem:$0x7860];
	_ =	sdelay $0x3  }
0x14a: {  	v0 =	vmul.f32 v1, v0  }
0x14b: {  	[tilespmem:$0x163E0] =	vst v3  }
0x14c: {  	[tilespmem:$0x11560] =	vst v0;
	v0 =	vld [tilespmem:$0xC6F0]  }
0x14d: {  	v1 =	vld.idx.msk [tilespmem:v2+s8+$0x0], $0xffff  }
0x14e: {  	v2 =	vld [tilespmem:$0x7870];
	_ =	sdelay $0x3  }
0x14f: {  	v0 =	vmul.f32 v1, v0  }
0x150: {  	s31 =	simm.s32 $0x200;
	[tilespmem:$0x163F0] =	vst v2  }
0x151: {  	s10 =	simm.s32 $0x16200;
	s11 =	simm.s32 $0x11380;
	s9 =	simm.s32 $0x0;
	[tilespmem:$0x11570] =	vst v0  }
0x152: {  	[spmem:s5] =	stream.indirect.scatter.add.f32 [tilespmem:s11], [sflag:$0x2], $0x1, s10, s31, $0xb8;
	[tilespmem:$0x1B800] =	vst v63  }
0x153: {  	v0 =	vld [tilespmem:s9+$0x2A00];
	_ =	sdelay $0x3  }
0x154: {  	v1 =	vld [tilespmem:s9+$0x7880];
	_ =	sdelay $0x2  }
0x155: {  	v2 =	vld [tilespmem:s9+$0xC700]  }
0x156: {  	v0 =	vld.idx.msk [tilespmem:v0+s8+$0x0], $0xffff  }
0x157: {  	[tilespmem:s9+$0x16400] =	vst v1;
	v1 =	vld [tilespmem:s9+$0x2A10];
	_ =	sdelay $0x4  }
0x158: {  	v0 =	vmul.f32 v0, v2  }
0x159: {  	v2 =	vld [tilespmem:s9+$0x2A20]  }
0x15a: {  	[tilespmem:s9+$0x11580] =	vst v0;
	v0 =	vld [tilespmem:s9+$0xC710]  }
0x15b: {  	v1 =	vld.idx.msk [tilespmem:v1+s8+$0x0], $0xffff  }
0x15c: {  	v3 =	vld [tilespmem:s9+$0x7890];
	_ =	sdelay $0x3  }
0x15d: {  	v0 =	vmul.f32 v1, v0  }
0x15e: {  	[tilespmem:s9+$0x16410] =	vst v3  }
0x15f: {  	[tilespmem:s9+$0x11590] =	vst v0;
	v0 =	vld [tilespmem:s9+$0xC720]  }
0x160: {  	v1 =	vld.idx.msk [tilespmem:v2+s8+$0x0], $0xffff  }
0x161: {  	v2 =	vld [tilespmem:s9+$0x2A30]  }
0x162: {  	v3 =	vld [tilespmem:s9+$0x78A0];
	_ =	sdelay $0x3  }
0x163: {  	v0 =	vmul.f32 v1, v0  }
0x164: {  	[tilespmem:s9+$0x16420] =	vst v3  }
0x165: {  	[tilespmem:s9+$0x115A0] =	vst v0;
	v0 =	vld [tilespmem:s9+$0xC730]  }
0x166: {  	v1 =	vld.idx.msk [tilespmem:v2+s8+$0x0], $0xffff  }
0x167: {  	v2 =	vld [tilespmem:s9+$0x2A40]  }
0x168: {  	v3 =	vld [tilespmem:s9+$0x78B0];
	_ =	sdelay $0x3  }
0x169: {  	v0 =	vmul.f32 v1, v0  }
0x16a: {  	[tilespmem:s9+$0x16430] =	vst v3  }
0x16b: {  	[tilespmem:s9+$0x115B0] =	vst v0;
	v0 =	vld [tilespmem:s9+$0xC740]  }
0x16c: {  	v1 =	vld.idx.msk [tilespmem:v2+s8+$0x0], $0xffff  }
0x16d: {  	v2 =	vld [tilespmem:s9+$0x2A50]  }
0x16e: {  	v3 =	vld [tilespmem:s9+$0x78C0];
	_ =	sdelay $0x3  }
0x16f: {  	v0 =	vmul.f32 v1, v0  }
0x170: {  	[tilespmem:s9+$0x16440] =	vst v3  }
0x171: {  	[tilespmem:s9+$0x115C0] =	vst v0;
	v0 =	vld [tilespmem:s9+$0xC750]  }
0x172: {  	v1 =	vld.idx.msk [tilespmem:v2+s8+$0x0], $0xffff  }
0x173: {  	v2 =	vld [tilespmem:s9+$0x2A60]  }
0x174: {  	v3 =	vld [tilespmem:s9+$0x78D0];
	_ =	sdelay $0x3  }
0x175: {  	v0 =	vmul.f32 v1, v0  }
0x176: {  	[tilespmem:s9+$0x16450] =	vst v3;
	v1 =	vld [tilespmem:s9+$0xC760]  }
0x177: {  	[tilespmem:s9+$0x115D0] =	vst v0;
	v0 =	vld [tilespmem:s9+$0x2A70]  }
0x178: {  	s4 =	sadd.s32 s6, s4;
	s10 =	simm.s32 $0x200;
	s11 =	simm.s32 $0x400;
	v2 =	vld.idx.msk [tilespmem:v2+s8+$0x0], $0xffff  }
.LBB2_6:
0x179: {  	p0 =	sne.s32 s11, $0xE00;
	v3 =	vld [tilespmem:s9+$0x78E0];
	_ =	sdelay $0x1  }
0x17a: {  	v4 =	vld [tilespmem:s9+$0x78F0];
	_ =	sdelay $0x1  }
0x17b: {  	v1 =	vmul.f32 v2, v1  }
0x17c: {  	[tilespmem:s9+$0x16460] =	vst v3  }
0x17d: {  	[tilespmem:s9+$0x115E0] =	vst v1;
	v1 =	vld [tilespmem:s9+$0xC770]  }
0x17e: {  	s12 =	sshra.s32 s10, $0x2;
	s10 =	smov.u32 s11;
	v0 =	vld.idx.msk [tilespmem:v0+s8+$0x0], $0xffff;
	[tilespmem:s9+$0x16470] =	vst v4  }
0x17f: {  	v2 =	vld [tilespmem:s12+$0x2A00];
	_ =	sdelay $0x2  }
0x180: {  	v3 =	vld [tilespmem:s12+$0x7880];
	_ =	sdelay $0x1  }
0x181: {  	v0 =	vmul.f32 v0, v1;
	_ =	sdelay $0x1  }
0x182: {  	v1 =	vld [tilespmem:s12+$0xC700];
	[tilespmem:s9+$0x115F0] =	vst v0;
	s9 =	smov.u32 s12  }
0x183: {  	v0 =	vld.idx.msk [tilespmem:v2+s8+$0x0], $0xffff;
	[tilespmem:s9+$0x16400] =	vst v3  }
0x184: {  	v2 =	vld [tilespmem:s9+$0x2A10];
	_ =	sdelay $0x2  }
0x185: {  	v3 =	vld [tilespmem:s9+$0x7890];
	_ =	sdelay $0x1  }
0x186: {  	v0 =	vmul.f32 v0, v1;
	_ =	sdelay $0x1  }
0x187: {  	[tilespmem:s9+$0x11580] =	vst v0;
	v0 =	vld [tilespmem:s9+$0xC710]  }
0x188: {  	v1 =	vld.idx.msk [tilespmem:v2+s8+$0x0], $0xffff;
	[tilespmem:s9+$0x16410] =	vst v3  }
0x189: {  	v2 =	vld [tilespmem:s9+$0x2A20];
	_ =	sdelay $0x4  }
0x18a: {  	v0 =	vmul.f32 v1, v0;
	_ =	sdelay $0x1  }
0x18b: {  	[tilespmem:s9+$0x11590] =	vst v0;
	v0 =	vld [tilespmem:s9+$0xC720]  }
0x18c: {  	v1 =	vld.idx.msk [tilespmem:v2+s8+$0x0], $0xffff  }
0x18d: {  	v2 =	vld [tilespmem:s9+$0x2A30]  }
0x18e: {  	v3 =	vld [tilespmem:s9+$0x78A0];
	_ =	sdelay $0x3  }
0x18f: {  	v0 =	vmul.f32 v1, v0  }
0x190: {  	[tilespmem:s9+$0x16420] =	vst v3  }
0x191: {  	[tilespmem:s9+$0x115A0] =	vst v0;
	v0 =	vld [tilespmem:s9+$0xC730]  }
0x192: {  	v1 =	vld.idx.msk [tilespmem:v2+s8+$0x0], $0xffff  }
0x193: {  	v2 =	vld [tilespmem:s9+$0x2A40]  }
0x194: {  	v3 =	vld [tilespmem:s9+$0x78B0];
	_ =	sdelay $0x3  }
0x195: {  	v0 =	vmul.f32 v1, v0  }
0x196: {  	[tilespmem:s9+$0x16430] =	vst v3  }
0x197: {  	[tilespmem:s9+$0x115B0] =	vst v0;
	v0 =	vld [tilespmem:s9+$0xC740]  }
0x198: {  	v1 =	vld.idx.msk [tilespmem:v2+s8+$0x0], $0xffff  }
0x199: {  	v2 =	vld [tilespmem:s9+$0x2A50]  }
0x19a: {  	v3 =	vld [tilespmem:s9+$0x78C0];
	_ =	sdelay $0x3  }
0x19b: {  	v0 =	vmul.f32 v1, v0  }
0x19c: {  	[tilespmem:s9+$0x16440] =	vst v3  }
0x19d: {  	[tilespmem:s9+$0x115C0] =	vst v0;
	v0 =	vld [tilespmem:s9+$0xC750]  }
0x19e: {  	v1 =	vld.idx.msk [tilespmem:v2+s8+$0x0], $0xffff  }
0x19f: {  	v2 =	vld [tilespmem:s9+$0x2A60]  }
0x1a0: {  	v3 =	vld [tilespmem:s9+$0x78D0];
	_ =	sdelay $0x3  }
.Ltmp3:
0x1a1: {  	v0 =	vmul.f32 v1, v0;
	(pc) =	sbr.rel @p0 .LBB2_6-.Ltmp3, $4  }
0x1a2: {  	[tilespmem:s9+$0x16450] =	vst v3  }
0x1a3: {  	[tilespmem:s9+$0x115D0] =	vst v0;
	v1 =	vld [tilespmem:s9+$0xC760]  }
0x1a4: {  	v2 =	vld.idx.msk [tilespmem:v2+s8+$0x0], $0xffff  }
0x1a5: {  	s11 =	sadd.s32 $0x200, s11;
	v0 =	vld [tilespmem:s9+$0x2A70]  }
0x1a6: {  	_ = 	snop  }
0x1a7: {  	v3 =	vld [tilespmem:s9+$0x78E0];
	_ =	sdelay $0x1  }
0x1a8: {  	v4 =	vld [tilespmem:s9+$0x78F0];
	_ =	sdelay $0x1  }
0x1a9: {  	v1 =	vmul.f32 v2, v1  }
0x1aa: {  	[tilespmem:s9+$0x16460] =	vst v3  }
0x1ab: {  	[tilespmem:s9+$0x115E0] =	vst v1;
	v1 =	vld [tilespmem:s9+$0xC770]  }
0x1ac: {  	s10 =	sshra.s32 s10, $0x2;
	v0 =	vld.idx.msk [tilespmem:v0+s8+$0x0], $0xffff;
	[tilespmem:s9+$0x16470] =	vst v4  }
0x1ad: {  	v2 =	vld [tilespmem:s10+$0x2A00];
	_ =	sdelay $0x4  }
0x1ae: {  	v0 =	vmul.f32 v0, v1  }
0x1af: {  	v3 =	vld [tilespmem:s10+$0x7880]  }
0x1b0: {  	v1 =	vld [tilespmem:s10+$0xC700];
	[tilespmem:s9+$0x115F0] =	vst v0  }
0x1b1: {  	v0 =	vld.idx.msk [tilespmem:v2+s8+$0x0], $0xffff  }
0x1b2: {  	v2 =	vld [tilespmem:s10+$0x2A10];
	_ =	sdelay $0x4  }
0x1b3: {  	v0 =	vmul.f32 v0, v1  }
0x1b4: {  	[tilespmem:s10+$0x16400] =	vst v3  }
0x1b5: {  	[tilespmem:s10+$0x11580] =	vst v0;
	v0 =	vld [tilespmem:s10+$0xC710]  }
0x1b6: {  	v1 =	vld.idx.msk [tilespmem:v2+s8+$0x0], $0xffff  }
0x1b7: {  	v2 =	vld [tilespmem:s10+$0x2A20]  }
0x1b8: {  	v3 =	vld [tilespmem:s10+$0x7890];
	_ =	sdelay $0x3  }
0x1b9: {  	v0 =	vmul.f32 v1, v0  }
0x1ba: {  	[tilespmem:s10+$0x16410] =	vst v3  }
0x1bb: {  	[tilespmem:s10+$0x11590] =	vst v0;
	v0 =	vld [tilespmem:s10+$0xC720]  }
0x1bc: {  	v1 =	vld.idx.msk [tilespmem:v2+s8+$0x0], $0xffff  }
0x1bd: {  	v2 =	vld [tilespmem:s10+$0x2A30]  }
0x1be: {  	v3 =	vld [tilespmem:s10+$0x78A0];
	_ =	sdelay $0x3  }
0x1bf: {  	v0 =	vmul.f32 v1, v0  }
0x1c0: {  	[tilespmem:s10+$0x16420] =	vst v3  }
0x1c1: {  	[tilespmem:s10+$0x115A0] =	vst v0;
	v0 =	vld [tilespmem:s10+$0xC730]  }
0x1c2: {  	v1 =	vld.idx.msk [tilespmem:v2+s8+$0x0], $0xffff  }
0x1c3: {  	v2 =	vld [tilespmem:s10+$0x2A40]  }
0x1c4: {  	v3 =	vld [tilespmem:s10+$0x78B0];
	_ =	sdelay $0x3  }
0x1c5: {  	v0 =	vmul.f32 v1, v0  }
0x1c6: {  	[tilespmem:s10+$0x16430] =	vst v3  }
0x1c7: {  	[tilespmem:s10+$0x115B0] =	vst v0;
	v0 =	vld [tilespmem:s10+$0xC740]  }
0x1c8: {  	v1 =	vld.idx.msk [tilespmem:v2+s8+$0x0], $0xffff  }
0x1c9: {  	v2 =	vld [tilespmem:s10+$0x2A50]  }
0x1ca: {  	v3 =	vld [tilespmem:s10+$0x78C0];
	_ =	sdelay $0x3  }
0x1cb: {  	v0 =	vmul.f32 v1, v0  }
0x1cc: {  	[tilespmem:s10+$0x16440] =	vst v3  }
0x1cd: {  	[tilespmem:s10+$0x115C0] =	vst v0;
	v0 =	vld [tilespmem:s10+$0xC750]  }
0x1ce: {  	v1 =	vld.idx.msk [tilespmem:v2+s8+$0x0], $0xffff  }
0x1cf: {  	v2 =	vld [tilespmem:s10+$0x2A60]  }
0x1d0: {  	v3 =	vld [tilespmem:s10+$0x78D0];
	_ =	sdelay $0x3  }
0x1d1: {  	v0 =	vmul.f32 v1, v0  }
0x1d2: {  	[tilespmem:s10+$0x16450] =	vst v3  }
0x1d3: {  	[tilespmem:s10+$0x115D0] =	vst v0;
	v0 =	vld [tilespmem:s10+$0xC760]  }
0x1d4: {  	v1 =	vld.idx.msk [tilespmem:v2+s8+$0x0], $0xffff  }
0x1d5: {  	v2 =	vld [tilespmem:s10+$0x2A70]  }
0x1d6: {  	v3 =	vld [tilespmem:s10+$0x78E0];
	_ =	sdelay $0x3  }
0x1d7: {  	v0 =	vmul.f32 v1, v0  }
0x1d8: {  	[tilespmem:s10+$0x16460] =	vst v3  }
0x1d9: {  	[tilespmem:s10+$0x115E0] =	vst v0;
	v0 =	vld [tilespmem:s10+$0xC770]  }
0x1da: {  	v1 =	vld.idx.msk [tilespmem:v2+s8+$0x0], $0xffff  }
0x1db: {  	v2 =	vld [tilespmem:s10+$0x78F0];
	_ =	sdelay $0x3  }
0x1dc: {  	v0 =	vmul.f32 v1, v0  }
0x1dd: {  	s29 =	simm.s32 $0x400;
	[tilespmem:s10+$0x16470] =	vst v2  }
0x1de: {  	s30 =	simm.s32 $0x16400;
	s31 =	simm.s32 $0x11580;
	s9 =	simm.s32 $0x0;
	[tilespmem:s10+$0x115F0] =	vst v0  }
0x1df: {  	[spmem:s5] =	stream.indirect.scatter.add.f32 [tilespmem:s31], [sflag:$0x2], $0x1, s30, s29, $0xb8;
	[tilespmem:$0x1B800] =	vst v63  }
0x1e0: {  	v0 =	vld [tilespmem:s9+$0x2E00];
	_ =	sdelay $0x3  }
0x1e1: {  	v1 =	vld [tilespmem:s9+$0x7C80];
	_ =	sdelay $0x2  }
0x1e2: {  	s8 =	simm.s32 $0x0;
	v2 =	vld [tilespmem:s9+$0xCB00]  }
0x1e3: {  	v0 =	vld.idx.msk [tilespmem:v0+s8+$0x0], $0xffff  }
0x1e4: {  	[tilespmem:s9+$0x16800] =	vst v1;
	v1 =	vld [tilespmem:s9+$0x2E10];
	_ =	sdelay $0x4  }
0x1e5: {  	v0 =	vmul.f32 v0, v2  }
0x1e6: {  	v2 =	vld [tilespmem:s9+$0x2E20]  }
0x1e7: {  	[tilespmem:s9+$0x11980] =	vst v0;
	v0 =	vld [tilespmem:s9+$0xCB10]  }
0x1e8: {  	v1 =	vld.idx.msk [tilespmem:v1+s8+$0x0], $0xffff  }
0x1e9: {  	v3 =	vld [tilespmem:s9+$0x7C90];
	_ =	sdelay $0x3  }
0x1ea: {  	v0 =	vmul.f32 v1, v0  }
0x1eb: {  	[tilespmem:s9+$0x16810] =	vst v3  }
0x1ec: {  	[tilespmem:s9+$0x11990] =	vst v0;
	v0 =	vld [tilespmem:s9+$0xCB20]  }
0x1ed: {  	v1 =	vld.idx.msk [tilespmem:v2+s8+$0x0], $0xffff  }
0x1ee: {  	v2 =	vld [tilespmem:s9+$0x2E30]  }
0x1ef: {  	v3 =	vld [tilespmem:s9+$0x7CA0];
	_ =	sdelay $0x3  }
0x1f0: {  	v0 =	vmul.f32 v1, v0  }
0x1f1: {  	[tilespmem:s9+$0x16820] =	vst v3  }
0x1f2: {  	[tilespmem:s9+$0x119A0] =	vst v0;
	v0 =	vld [tilespmem:s9+$0xCB30]  }
0x1f3: {  	v1 =	vld.idx.msk [tilespmem:v2+s8+$0x0], $0xffff  }
0x1f4: {  	v2 =	vld [tilespmem:s9+$0x2E40]  }
0x1f5: {  	v3 =	vld [tilespmem:s9+$0x7CB0];
	_ =	sdelay $0x3  }
0x1f6: {  	v0 =	vmul.f32 v1, v0  }
0x1f7: {  	[tilespmem:s9+$0x16830] =	vst v3  }
0x1f8: {  	[tilespmem:s9+$0x119B0] =	vst v0;
	v0 =	vld [tilespmem:s9+$0xCB40]  }
0x1f9: {  	v1 =	vld.idx.msk [tilespmem:v2+s8+$0x0], $0xffff  }
0x1fa: {  	v2 =	vld [tilespmem:s9+$0x2E50]  }
0x1fb: {  	v3 =	vld [tilespmem:s9+$0x7CC0];
	_ =	sdelay $0x3  }
0x1fc: {  	v0 =	vmul.f32 v1, v0  }
0x1fd: {  	[tilespmem:s9+$0x16840] =	vst v3  }
0x1fe: {  	[tilespmem:s9+$0x119C0] =	vst v0;
	v0 =	vld [tilespmem:s9+$0xCB50]  }
0x1ff: {  	v1 =	vld.idx.msk [tilespmem:v2+s8+$0x0], $0xffff  }
0x200: {  	v2 =	vld [tilespmem:s9+$0x2E60]  }
0x201: {  	v3 =	vld [tilespmem:s9+$0x7CD0];
	_ =	sdelay $0x3  }
0x202: {  	v0 =	vmul.f32 v1, v0  }
0x203: {  	[tilespmem:s9+$0x16850] =	vst v3;
	v1 =	vld [tilespmem:s9+$0xCB60]  }
0x204: {  	[tilespmem:s9+$0x119D0] =	vst v0;
	v0 =	vld [tilespmem:s9+$0x2E70]  }
0x205: {  	s11 =	simm.s32 $0x400;
	s10 =	simm.s32 $0x200;
	v2 =	vld.idx.msk [tilespmem:v2+s8+$0x0], $0xffff  }
.LBB2_8:
0x206: {  	p0 =	sne.s32 s11, $0x1600;
	v3 =	vld [tilespmem:s9+$0x7CE0];
	_ =	sdelay $0x1  }
0x207: {  	v4 =	vld [tilespmem:s9+$0x7CF0];
	_ =	sdelay $0x1  }
0x208: {  	v1 =	vmul.f32 v2, v1  }
0x209: {  	[tilespmem:s9+$0x16860] =	vst v3  }
0x20a: {  	[tilespmem:s9+$0x119E0] =	vst v1;
	v1 =	vld [tilespmem:s9+$0xCB70]  }
0x20b: {  	s12 =	sshra.s32 s10, $0x2;
	s10 =	smov.u32 s11;
	v0 =	vld.idx.msk [tilespmem:v0+s8+$0x0], $0xffff;
	[tilespmem:s9+$0x16870] =	vst v4  }
0x20c: {  	v2 =	vld [tilespmem:s12+$0x2E00];
	_ =	sdelay $0x2  }
0x20d: {  	v3 =	vld [tilespmem:s12+$0x7C80];
	_ =	sdelay $0x1  }
0x20e: {  	v0 =	vmul.f32 v0, v1;
	_ =	sdelay $0x1  }
0x20f: {  	v1 =	vld [tilespmem:s12+$0xCB00];
	[tilespmem:s9+$0x119F0] =	vst v0;
	s9 =	smov.u32 s12  }
0x210: {  	v0 =	vld.idx.msk [tilespmem:v2+s8+$0x0], $0xffff;
	[tilespmem:s9+$0x16800] =	vst v3  }
0x211: {  	v2 =	vld [tilespmem:s9+$0x2E10];
	_ =	sdelay $0x2  }
0x212: {  	v3 =	vld [tilespmem:s9+$0x7C90];
	_ =	sdelay $0x1  }
0x213: {  	v0 =	vmul.f32 v0, v1;
	_ =	sdelay $0x1  }
0x214: {  	[tilespmem:s9+$0x11980] =	vst v0;
	v0 =	vld [tilespmem:s9+$0xCB10]  }
0x215: {  	v1 =	vld.idx.msk [tilespmem:v2+s8+$0x0], $0xffff;
	[tilespmem:s9+$0x16810] =	vst v3  }
0x216: {  	v2 =	vld [tilespmem:s9+$0x2E20];
	_ =	sdelay $0x4  }
0x217: {  	v0 =	vmul.f32 v1, v0;
	_ =	sdelay $0x1  }
0x218: {  	[tilespmem:s9+$0x11990] =	vst v0;
	v0 =	vld [tilespmem:s9+$0xCB20]  }
0x219: {  	v1 =	vld.idx.msk [tilespmem:v2+s8+$0x0], $0xffff  }
0x21a: {  	v2 =	vld [tilespmem:s9+$0x2E30]  }
0x21b: {  	v3 =	vld [tilespmem:s9+$0x7CA0];
	_ =	sdelay $0x3  }
0x21c: {  	v0 =	vmul.f32 v1, v0  }
0x21d: {  	[tilespmem:s9+$0x16820] =	vst v3  }
0x21e: {  	[tilespmem:s9+$0x119A0] =	vst v0;
	v0 =	vld [tilespmem:s9+$0xCB30]  }
0x21f: {  	v1 =	vld.idx.msk [tilespmem:v2+s8+$0x0], $0xffff  }
0x220: {  	v2 =	vld [tilespmem:s9+$0x2E40]  }
0x221: {  	v3 =	vld [tilespmem:s9+$0x7CB0];
	_ =	sdelay $0x3  }
0x222: {  	v0 =	vmul.f32 v1, v0  }
0x223: {  	[tilespmem:s9+$0x16830] =	vst v3  }
0x224: {  	[tilespmem:s9+$0x119B0] =	vst v0;
	v0 =	vld [tilespmem:s9+$0xCB40]  }
0x225: {  	v1 =	vld.idx.msk [tilespmem:v2+s8+$0x0], $0xffff  }
0x226: {  	v2 =	vld [tilespmem:s9+$0x2E50]  }
0x227: {  	v3 =	vld [tilespmem:s9+$0x7CC0];
	_ =	sdelay $0x3  }
0x228: {  	v0 =	vmul.f32 v1, v0  }
0x229: {  	[tilespmem:s9+$0x16840] =	vst v3  }
0x22a: {  	[tilespmem:s9+$0x119C0] =	vst v0;
	v0 =	vld [tilespmem:s9+$0xCB50]  }
0x22b: {  	v1 =	vld.idx.msk [tilespmem:v2+s8+$0x0], $0xffff  }
0x22c: {  	v2 =	vld [tilespmem:s9+$0x2E60]  }
0x22d: {  	v3 =	vld [tilespmem:s9+$0x7CD0];
	_ =	sdelay $0x3  }
.Ltmp4:
0x22e: {  	v0 =	vmul.f32 v1, v0;
	(pc) =	sbr.rel @p0 .LBB2_8-.Ltmp4, $4  }
0x22f: {  	[tilespmem:s9+$0x16850] =	vst v3  }
0x230: {  	[tilespmem:s9+$0x119D0] =	vst v0;
	v1 =	vld [tilespmem:s9+$0xCB60]  }
0x231: {  	v2 =	vld.idx.msk [tilespmem:v2+s8+$0x0], $0xffff  }
0x232: {  	s11 =	sadd.s32 $0x200, s11;
	v0 =	vld [tilespmem:s9+$0x2E70]  }
0x233: {  	_ = 	snop  }
0x234: {  	v3 =	vld [tilespmem:s9+$0x7CE0];
	_ =	sdelay $0x1  }
0x235: {  	v4 =	vld [tilespmem:s9+$0x7CF0];
	_ =	sdelay $0x1  }
0x236: {  	v1 =	vmul.f32 v2, v1  }
0x237: {  	[tilespmem:s9+$0x16860] =	vst v3  }
0x238: {  	[tilespmem:s9+$0x119E0] =	vst v1;
	v1 =	vld [tilespmem:s9+$0xCB70]  }
0x239: {  	s10 =	sshra.s32 s10, $0x2;
	v0 =	vld.idx.msk [tilespmem:v0+s8+$0x0], $0xffff;
	[tilespmem:s9+$0x16870] =	vst v4  }
0x23a: {  	v2 =	vld [tilespmem:s10+$0x2E00];
	_ =	sdelay $0x4  }
0x23b: {  	v0 =	vmul.f32 v0, v1  }
0x23c: {  	v3 =	vld [tilespmem:s10+$0x7C80]  }
0x23d: {  	v1 =	vld [tilespmem:s10+$0xCB00];
	[tilespmem:s9+$0x119F0] =	vst v0  }
0x23e: {  	v0 =	vld.idx.msk [tilespmem:v2+s8+$0x0], $0xffff  }
0x23f: {  	v2 =	vld [tilespmem:s10+$0x2E10];
	_ =	sdelay $0x4  }
0x240: {  	v0 =	vmul.f32 v0, v1  }
0x241: {  	[tilespmem:s10+$0x16800] =	vst v3  }
0x242: {  	[tilespmem:s10+$0x11980] =	vst v0;
	v0 =	vld [tilespmem:s10+$0xCB10]  }
0x243: {  	v1 =	vld.idx.msk [tilespmem:v2+s8+$0x0], $0xffff  }
0x244: {  	v2 =	vld [tilespmem:s10+$0x2E20]  }
0x245: {  	v3 =	vld [tilespmem:s10+$0x7C90];
	_ =	sdelay $0x3  }
0x246: {  	v0 =	vmul.f32 v1, v0  }
0x247: {  	[tilespmem:s10+$0x16810] =	vst v3  }
0x248: {  	[tilespmem:s10+$0x11990] =	vst v0;
	v0 =	vld [tilespmem:s10+$0xCB20]  }
0x249: {  	v1 =	vld.idx.msk [tilespmem:v2+s8+$0x0], $0xffff  }
0x24a: {  	v2 =	vld [tilespmem:s10+$0x2E30]  }
0x24b: {  	v3 =	vld [tilespmem:s10+$0x7CA0];
	_ =	sdelay $0x3  }
0x24c: {  	v0 =	vmul.f32 v1, v0  }
0x24d: {  	[tilespmem:s10+$0x16820] =	vst v3  }
0x24e: {  	[tilespmem:s10+$0x119A0] =	vst v0;
	v0 =	vld [tilespmem:s10+$0xCB30]  }
0x24f: {  	v1 =	vld.idx.msk [tilespmem:v2+s8+$0x0], $0xffff  }
0x250: {  	v2 =	vld [tilespmem:s10+$0x2E40]  }
0x251: {  	v3 =	vld [tilespmem:s10+$0x7CB0];
	_ =	sdelay $0x3  }
0x252: {  	v0 =	vmul.f32 v1, v0  }
0x253: {  	[tilespmem:s10+$0x16830] =	vst v3  }
0x254: {  	[tilespmem:s10+$0x119B0] =	vst v0;
	v0 =	vld [tilespmem:s10+$0xCB40]  }
0x255: {  	v1 =	vld.idx.msk [tilespmem:v2+s8+$0x0], $0xffff  }
0x256: {  	v2 =	vld [tilespmem:s10+$0x2E50]  }
0x257: {  	v3 =	vld [tilespmem:s10+$0x7CC0];
	_ =	sdelay $0x3  }
0x258: {  	v0 =	vmul.f32 v1, v0  }
0x259: {  	[tilespmem:s10+$0x16840] =	vst v3  }
0x25a: {  	[tilespmem:s10+$0x119C0] =	vst v0;
	v0 =	vld [tilespmem:s10+$0xCB50]  }
0x25b: {  	v1 =	vld.idx.msk [tilespmem:v2+s8+$0x0], $0xffff  }
0x25c: {  	v2 =	vld [tilespmem:s10+$0x2E60]  }
0x25d: {  	v3 =	vld [tilespmem:s10+$0x7CD0];
	_ =	sdelay $0x3  }
0x25e: {  	v0 =	vmul.f32 v1, v0  }
0x25f: {  	[tilespmem:s10+$0x16850] =	vst v3  }
0x260: {  	[tilespmem:s10+$0x119D0] =	vst v0;
	v0 =	vld [tilespmem:s10+$0xCB60]  }
0x261: {  	v1 =	vld.idx.msk [tilespmem:v2+s8+$0x0], $0xffff  }
0x262: {  	v2 =	vld [tilespmem:s10+$0x2E70]  }
0x263: {  	v3 =	vld [tilespmem:s10+$0x7CE0];
	_ =	sdelay $0x3  }
0x264: {  	v0 =	vmul.f32 v1, v0  }
0x265: {  	[tilespmem:s10+$0x16860] =	vst v3  }
0x266: {  	[tilespmem:s10+$0x119E0] =	vst v0;
	v0 =	vld [tilespmem:s10+$0xCB70]  }
0x267: {  	v1 =	vld.idx.msk [tilespmem:v2+s8+$0x0], $0xffff  }
0x268: {  	v2 =	vld [tilespmem:s10+$0x7CF0];
	_ =	sdelay $0x3  }
0x269: {  	v0 =	vmul.f32 v1, v0  }
0x26a: {  	s29 =	simm.s32 $0x600;
	[tilespmem:s10+$0x16870] =	vst v2  }
0x26b: {  	s30 =	simm.s32 $0x16800;
	s31 =	simm.s32 $0x11980;
	s9 =	simm.s32 $0x0;
	[tilespmem:s10+$0x119F0] =	vst v0  }
0x26c: {  	[spmem:s5] =	stream.indirect.scatter.add.f32 [tilespmem:s31], [sflag:$0x2], $0x1, s30, s29, $0xb8;
	[tilespmem:$0x1B800] =	vst v63  }
0x26d: {  	v0 =	vld [tilespmem:s9+$0x3400];
	_ =	sdelay $0x3  }
0x26e: {  	v1 =	vld [tilespmem:s9+$0x8280];
	_ =	sdelay $0x2  }
0x26f: {  	s8 =	simm.s32 $0x0;
	v2 =	vld [tilespmem:s9+$0xD100]  }
0x270: {  	v0 =	vld.idx.msk [tilespmem:v0+s8+$0x0], $0xffff  }
0x271: {  	[tilespmem:s9+$0x16E00] =	vst v1;
	v1 =	vld [tilespmem:s9+$0x3410];
	_ =	sdelay $0x4  }
0x272: {  	v0 =	vmul.f32 v0, v2  }
0x273: {  	v2 =	vld [tilespmem:s9+$0x3420]  }
0x274: {  	[tilespmem:s9+$0x11F80] =	vst v0;
	v0 =	vld [tilespmem:s9+$0xD110]  }
0x275: {  	v1 =	vld.idx.msk [tilespmem:v1+s8+$0x0], $0xffff  }
0x276: {  	v3 =	vld [tilespmem:s9+$0x8290];
	_ =	sdelay $0x3  }
0x277: {  	v0 =	vmul.f32 v1, v0  }
0x278: {  	[tilespmem:s9+$0x16E10] =	vst v3  }
0x279: {  	[tilespmem:s9+$0x11F90] =	vst v0;
	v0 =	vld [tilespmem:s9+$0xD120]  }
0x27a: {  	v1 =	vld.idx.msk [tilespmem:v2+s8+$0x0], $0xffff  }
0x27b: {  	v2 =	vld [tilespmem:s9+$0x3430]  }
0x27c: {  	v3 =	vld [tilespmem:s9+$0x82A0];
	_ =	sdelay $0x3  }
0x27d: {  	v0 =	vmul.f32 v1, v0  }
0x27e: {  	[tilespmem:s9+$0x16E20] =	vst v3  }
0x27f: {  	[tilespmem:s9+$0x11FA0] =	vst v0;
	v0 =	vld [tilespmem:s9+$0xD130]  }
0x280: {  	v1 =	vld.idx.msk [tilespmem:v2+s8+$0x0], $0xffff  }
0x281: {  	v2 =	vld [tilespmem:s9+$0x3440]  }
0x282: {  	v3 =	vld [tilespmem:s9+$0x82B0];
	_ =	sdelay $0x3  }
0x283: {  	v0 =	vmul.f32 v1, v0  }
0x284: {  	[tilespmem:s9+$0x16E30] =	vst v3  }
0x285: {  	[tilespmem:s9+$0x11FB0] =	vst v0;
	v0 =	vld [tilespmem:s9+$0xD140]  }
0x286: {  	v1 =	vld.idx.msk [tilespmem:v2+s8+$0x0], $0xffff  }
0x287: {  	v2 =	vld [tilespmem:s9+$0x3450]  }
0x288: {  	v3 =	vld [tilespmem:s9+$0x82C0];
	_ =	sdelay $0x3  }
0x289: {  	v0 =	vmul.f32 v1, v0  }
0x28a: {  	[tilespmem:s9+$0x16E40] =	vst v3  }
0x28b: {  	[tilespmem:s9+$0x11FC0] =	vst v0;
	v0 =	vld [tilespmem:s9+$0xD150]  }
0x28c: {  	v1 =	vld.idx.msk [tilespmem:v2+s8+$0x0], $0xffff  }
0x28d: {  	v2 =	vld [tilespmem:s9+$0x3460]  }
0x28e: {  	v3 =	vld [tilespmem:s9+$0x82D0];
	_ =	sdelay $0x3  }
0x28f: {  	v0 =	vmul.f32 v1, v0  }
0x290: {  	[tilespmem:s9+$0x16E50] =	vst v3;
	v1 =	vld [tilespmem:s9+$0xD160]  }
0x291: {  	[tilespmem:s9+$0x11FD0] =	vst v0;
	v0 =	vld [tilespmem:s9+$0x3470]  }
0x292: {  	s11 =	simm.s32 $0x400;
	s10 =	simm.s32 $0x200;
	v2 =	vld.idx.msk [tilespmem:v2+s8+$0x0], $0xffff  }
.LBB2_10:
0x293: {  	p0 =	sne.s32 s11, $0x1E00;
	v3 =	vld [tilespmem:s9+$0x82E0];
	_ =	sdelay $0x1  }
0x294: {  	v4 =	vld [tilespmem:s9+$0x82F0];
	_ =	sdelay $0x1  }
0x295: {  	v1 =	vmul.f32 v2, v1  }
0x296: {  	[tilespmem:s9+$0x16E60] =	vst v3  }
0x297: {  	[tilespmem:s9+$0x11FE0] =	vst v1;
	v1 =	vld [tilespmem:s9+$0xD170]  }
0x298: {  	s12 =	sshra.s32 s10, $0x2;
	s10 =	smov.u32 s11;
	v0 =	vld.idx.msk [tilespmem:v0+s8+$0x0], $0xffff;
	[tilespmem:s9+$0x16E70] =	vst v4  }
0x299: {  	v2 =	vld [tilespmem:s12+$0x3400];
	_ =	sdelay $0x2  }
0x29a: {  	v3 =	vld [tilespmem:s12+$0x8280];
	_ =	sdelay $0x1  }
0x29b: {  	v0 =	vmul.f32 v0, v1;
	_ =	sdelay $0x1  }
0x29c: {  	v1 =	vld [tilespmem:s12+$0xD100];
	[tilespmem:s9+$0x11FF0] =	vst v0;
	s9 =	smov.u32 s12  }
0x29d: {  	v0 =	vld.idx.msk [tilespmem:v2+s8+$0x0], $0xffff;
	[tilespmem:s9+$0x16E00] =	vst v3  }
0x29e: {  	v2 =	vld [tilespmem:s9+$0x3410];
	_ =	sdelay $0x2  }
0x29f: {  	v3 =	vld [tilespmem:s9+$0x8290];
	_ =	sdelay $0x1  }
0x2a0: {  	v0 =	vmul.f32 v0, v1;
	_ =	sdelay $0x1  }
0x2a1: {  	[tilespmem:s9+$0x11F80] =	vst v0;
	v0 =	vld [tilespmem:s9+$0xD110]  }
0x2a2: {  	v1 =	vld.idx.msk [tilespmem:v2+s8+$0x0], $0xffff;
	[tilespmem:s9+$0x16E10] =	vst v3  }
0x2a3: {  	v2 =	vld [tilespmem:s9+$0x3420];
	_ =	sdelay $0x4  }
0x2a4: {  	v0 =	vmul.f32 v1, v0;
	_ =	sdelay $0x1  }
0x2a5: {  	[tilespmem:s9+$0x11F90] =	vst v0;
	v0 =	vld [tilespmem:s9+$0xD120]  }
0x2a6: {  	v1 =	vld.idx.msk [tilespmem:v2+s8+$0x0], $0xffff  }
0x2a7: {  	v2 =	vld [tilespmem:s9+$0x3430]  }
0x2a8: {  	v3 =	vld [tilespmem:s9+$0x82A0];
	_ =	sdelay $0x3  }
0x2a9: {  	v0 =	vmul.f32 v1, v0  }
0x2aa: {  	[tilespmem:s9+$0x16E20] =	vst v3  }
0x2ab: {  	[tilespmem:s9+$0x11FA0] =	vst v0;
	v0 =	vld [tilespmem:s9+$0xD130]  }
0x2ac: {  	v1 =	vld.idx.msk [tilespmem:v2+s8+$0x0], $0xffff  }
0x2ad: {  	v2 =	vld [tilespmem:s9+$0x3440]  }
0x2ae: {  	v3 =	vld [tilespmem:s9+$0x82B0];
	_ =	sdelay $0x3  }
0x2af: {  	v0 =	vmul.f32 v1, v0  }
0x2b0: {  	[tilespmem:s9+$0x16E30] =	vst v3  }
0x2b1: {  	[tilespmem:s9+$0x11FB0] =	vst v0;
	v0 =	vld [tilespmem:s9+$0xD140]  }
0x2b2: {  	v1 =	vld.idx.msk [tilespmem:v2+s8+$0x0], $0xffff  }
0x2b3: {  	v2 =	vld [tilespmem:s9+$0x3450]  }
0x2b4: {  	v3 =	vld [tilespmem:s9+$0x82C0];
	_ =	sdelay $0x3  }
0x2b5: {  	v0 =	vmul.f32 v1, v0  }
0x2b6: {  	[tilespmem:s9+$0x16E40] =	vst v3  }
0x2b7: {  	[tilespmem:s9+$0x11FC0] =	vst v0;
	v0 =	vld [tilespmem:s9+$0xD150]  }
0x2b8: {  	v1 =	vld.idx.msk [tilespmem:v2+s8+$0x0], $0xffff  }
0x2b9: {  	v2 =	vld [tilespmem:s9+$0x3460]  }
0x2ba: {  	v3 =	vld [tilespmem:s9+$0x82D0];
	_ =	sdelay $0x3  }
.Ltmp5:
0x2bb: {  	v0 =	vmul.f32 v1, v0;
	(pc) =	sbr.rel @p0 .LBB2_10-.Ltmp5, $4  }
0x2bc: {  	[tilespmem:s9+$0x16E50] =	vst v3  }
0x2bd: {  	[tilespmem:s9+$0x11FD0] =	vst v0;
	v1 =	vld [tilespmem:s9+$0xD160]  }
0x2be: {  	v2 =	vld.idx.msk [tilespmem:v2+s8+$0x0], $0xffff  }
0x2bf: {  	s11 =	sadd.s32 $0x200, s11;
	v0 =	vld [tilespmem:s9+$0x3470]  }
0x2c0: {  	_ = 	snop  }
0x2c1: {  	v3 =	vld [tilespmem:s9+$0x82E0];
	_ =	sdelay $0x1  }
0x2c2: {  	v4 =	vld [tilespmem:s9+$0x82F0];
	_ =	sdelay $0x1  }
0x2c3: {  	v1 =	vmul.f32 v2, v1  }
0x2c4: {  	[tilespmem:s9+$0x16E60] =	vst v3  }
0x2c5: {  	[tilespmem:s9+$0x11FE0] =	vst v1;
	v1 =	vld [tilespmem:s9+$0xD170]  }
0x2c6: {  	s10 =	sshra.s32 s10, $0x2;
	v0 =	vld.idx.msk [tilespmem:v0+s8+$0x0], $0xffff;
	[tilespmem:s9+$0x16E70] =	vst v4  }
0x2c7: {  	v2 =	vld [tilespmem:s10+$0x3400];
	_ =	sdelay $0x4  }
0x2c8: {  	v0 =	vmul.f32 v0, v1  }
0x2c9: {  	v3 =	vld [tilespmem:s10+$0x8280]  }
0x2ca: {  	v1 =	vld [tilespmem:s10+$0xD100];
	[tilespmem:s9+$0x11FF0] =	vst v0  }
0x2cb: {  	v0 =	vld.idx.msk [tilespmem:v2+s8+$0x0], $0xffff  }
0x2cc: {  	v2 =	vld [tilespmem:s10+$0x3410];
	_ =	sdelay $0x4  }
0x2cd: {  	v0 =	vmul.f32 v0, v1  }
0x2ce: {  	[tilespmem:s10+$0x16E00] =	vst v3  }
0x2cf: {  	[tilespmem:s10+$0x11F80] =	vst v0;
	v0 =	vld [tilespmem:s10+$0xD110]  }
0x2d0: {  	v1 =	vld.idx.msk [tilespmem:v2+s8+$0x0], $0xffff  }
0x2d1: {  	v2 =	vld [tilespmem:s10+$0x3420]  }
0x2d2: {  	v3 =	vld [tilespmem:s10+$0x8290];
	_ =	sdelay $0x3  }
0x2d3: {  	v0 =	vmul.f32 v1, v0  }
0x2d4: {  	[tilespmem:s10+$0x16E10] =	vst v3  }
0x2d5: {  	[tilespmem:s10+$0x11F90] =	vst v0;
	v0 =	vld [tilespmem:s10+$0xD120]  }
0x2d6: {  	v1 =	vld.idx.msk [tilespmem:v2+s8+$0x0], $0xffff  }
0x2d7: {  	v2 =	vld [tilespmem:s10+$0x3430]  }
0x2d8: {  	v3 =	vld [tilespmem:s10+$0x82A0];
	_ =	sdelay $0x3  }
0x2d9: {  	v0 =	vmul.f32 v1, v0  }
0x2da: {  	[tilespmem:s10+$0x16E20] =	vst v3  }
0x2db: {  	[tilespmem:s10+$0x11FA0] =	vst v0;
	v0 =	vld [tilespmem:s10+$0xD130]  }
0x2dc: {  	v1 =	vld.idx.msk [tilespmem:v2+s8+$0x0], $0xffff  }
0x2dd: {  	v2 =	vld [tilespmem:s10+$0x3440]  }
0x2de: {  	v3 =	vld [tilespmem:s10+$0x82B0];
	_ =	sdelay $0x3  }
0x2df: {  	v0 =	vmul.f32 v1, v0  }
0x2e0: {  	[tilespmem:s10+$0x16E30] =	vst v3  }
0x2e1: {  	[tilespmem:s10+$0x11FB0] =	vst v0;
	v0 =	vld [tilespmem:s10+$0xD140]  }
0x2e2: {  	v1 =	vld.idx.msk [tilespmem:v2+s8+$0x0], $0xffff  }
0x2e3: {  	v2 =	vld [tilespmem:s10+$0x3450]  }
0x2e4: {  	v3 =	vld [tilespmem:s10+$0x82C0];
	_ =	sdelay $0x3  }
0x2e5: {  	v0 =	vmul.f32 v1, v0  }
0x2e6: {  	[tilespmem:s10+$0x16E40] =	vst v3  }
0x2e7: {  	[tilespmem:s10+$0x11FC0] =	vst v0;
	v0 =	vld [tilespmem:s10+$0xD150]  }
0x2e8: {  	v1 =	vld.idx.msk [tilespmem:v2+s8+$0x0], $0xffff  }
0x2e9: {  	v2 =	vld [tilespmem:s10+$0x3460]  }
0x2ea: {  	v3 =	vld [tilespmem:s10+$0x82D0];
	_ =	sdelay $0x3  }
0x2eb: {  	v0 =	vmul.f32 v1, v0  }
0x2ec: {  	[tilespmem:s10+$0x16E50] =	vst v3  }
0x2ed: {  	[tilespmem:s10+$0x11FD0] =	vst v0;
	v0 =	vld [tilespmem:s10+$0xD160]  }
0x2ee: {  	v1 =	vld.idx.msk [tilespmem:v2+s8+$0x0], $0xffff  }
0x2ef: {  	v2 =	vld [tilespmem:s10+$0x3470]  }
0x2f0: {  	v3 =	vld [tilespmem:s10+$0x82E0];
	_ =	sdelay $0x3  }
0x2f1: {  	v0 =	vmul.f32 v1, v0  }
0x2f2: {  	[tilespmem:s10+$0x16E60] =	vst v3  }
0x2f3: {  	[tilespmem:s10+$0x11FE0] =	vst v0;
	v0 =	vld [tilespmem:s10+$0xD170]  }
0x2f4: {  	v1 =	vld.idx.msk [tilespmem:v2+s8+$0x0], $0xffff  }
0x2f5: {  	v2 =	vld [tilespmem:s10+$0x82F0];
	_ =	sdelay $0x3  }
0x2f6: {  	v0 =	vmul.f32 v1, v0  }
0x2f7: {  	s29 =	simm.s32 $0x800;
	[tilespmem:s10+$0x16E70] =	vst v2  }
0x2f8: {  	s30 =	simm.s32 $0x16E00;
	s31 =	simm.s32 $0x11F80;
	s9 =	simm.s32 $0x0;
	[tilespmem:s10+$0x11FF0] =	vst v0  }
0x2f9: {  	[spmem:s5] =	stream.indirect.scatter.add.f32 [tilespmem:s31], [sflag:$0x2], $0x1, s30, s29, $0xb8;
	[tilespmem:$0x1B800] =	vst v63  }
0x2fa: {  	v0 =	vld [tilespmem:s9+$0x3C00];
	_ =	sdelay $0x3  }
0x2fb: {  	v1 =	vld [tilespmem:s9+$0x8A80];
	_ =	sdelay $0x2  }
0x2fc: {  	s8 =	simm.s32 $0x0;
	v2 =	vld [tilespmem:s9+$0xD900]  }
0x2fd: {  	v0 =	vld.idx.msk [tilespmem:v0+s8+$0x0], $0xffff  }
0x2fe: {  	[tilespmem:s9+$0x17600] =	vst v1;
	v1 =	vld [tilespmem:s9+$0x3C10];
	_ =	sdelay $0x4  }
0x2ff: {  	v0 =	vmul.f32 v0, v2  }
0x300: {  	v2 =	vld [tilespmem:s9+$0x3C20]  }
0x301: {  	[tilespmem:s9+$0x12780] =	vst v0;
	v0 =	vld [tilespmem:s9+$0xD910]  }
0x302: {  	v1 =	vld.idx.msk [tilespmem:v1+s8+$0x0], $0xffff  }
0x303: {  	v3 =	vld [tilespmem:s9+$0x8A90];
	_ =	sdelay $0x3  }
0x304: {  	v0 =	vmul.f32 v1, v0  }
0x305: {  	[tilespmem:s9+$0x17610] =	vst v3  }
0x306: {  	[tilespmem:s9+$0x12790] =	vst v0;
	v0 =	vld [tilespmem:s9+$0xD920]  }
0x307: {  	v1 =	vld.idx.msk [tilespmem:v2+s8+$0x0], $0xffff  }
0x308: {  	v2 =	vld [tilespmem:s9+$0x3C30]  }
0x309: {  	v3 =	vld [tilespmem:s9+$0x8AA0];
	_ =	sdelay $0x3  }
0x30a: {  	v0 =	vmul.f32 v1, v0  }
0x30b: {  	[tilespmem:s9+$0x17620] =	vst v3  }
0x30c: {  	[tilespmem:s9+$0x127A0] =	vst v0;
	v0 =	vld [tilespmem:s9+$0xD930]  }
0x30d: {  	v1 =	vld.idx.msk [tilespmem:v2+s8+$0x0], $0xffff  }
0x30e: {  	v2 =	vld [tilespmem:s9+$0x3C40]  }
0x30f: {  	v3 =	vld [tilespmem:s9+$0x8AB0];
	_ =	sdelay $0x3  }
0x310: {  	v0 =	vmul.f32 v1, v0  }
0x311: {  	[tilespmem:s9+$0x17630] =	vst v3  }
0x312: {  	[tilespmem:s9+$0x127B0] =	vst v0;
	v0 =	vld [tilespmem:s9+$0xD940]  }
0x313: {  	v1 =	vld.idx.msk [tilespmem:v2+s8+$0x0], $0xffff  }
0x314: {  	v2 =	vld [tilespmem:s9+$0x3C50]  }
0x315: {  	v3 =	vld [tilespmem:s9+$0x8AC0];
	_ =	sdelay $0x3  }
0x316: {  	v0 =	vmul.f32 v1, v0  }
0x317: {  	[tilespmem:s9+$0x17640] =	vst v3  }
0x318: {  	[tilespmem:s9+$0x127C0] =	vst v0;
	v0 =	vld [tilespmem:s9+$0xD950]  }
0x319: {  	v1 =	vld.idx.msk [tilespmem:v2+s8+$0x0], $0xffff  }
0x31a: {  	v2 =	vld [tilespmem:s9+$0x3C60]  }
0x31b: {  	v3 =	vld [tilespmem:s9+$0x8AD0];
	_ =	sdelay $0x3  }
0x31c: {  	v0 =	vmul.f32 v1, v0  }
0x31d: {  	[tilespmem:s9+$0x17650] =	vst v3;
	v1 =	vld [tilespmem:s9+$0xD960]  }
0x31e: {  	[tilespmem:s9+$0x127D0] =	vst v0;
	v0 =	vld [tilespmem:s9+$0x3C70]  }
0x31f: {  	s11 =	simm.s32 $0x400;
	s10 =	simm.s32 $0x200;
	v2 =	vld.idx.msk [tilespmem:v2+s8+$0x0], $0xffff  }
.LBB2_12:
0x320: {  	p0 =	sne.s32 s11, $0x2600;
	v3 =	vld [tilespmem:s9+$0x8AE0];
	_ =	sdelay $0x1  }
0x321: {  	v4 =	vld [tilespmem:s9+$0x8AF0];
	_ =	sdelay $0x1  }
0x322: {  	v1 =	vmul.f32 v2, v1  }
0x323: {  	[tilespmem:s9+$0x17660] =	vst v3  }
0x324: {  	[tilespmem:s9+$0x127E0] =	vst v1;
	v1 =	vld [tilespmem:s9+$0xD970]  }
0x325: {  	s12 =	sshra.s32 s10, $0x2;
	s10 =	smov.u32 s11;
	v0 =	vld.idx.msk [tilespmem:v0+s8+$0x0], $0xffff;
	[tilespmem:s9+$0x17670] =	vst v4  }
0x326: {  	v2 =	vld [tilespmem:s12+$0x3C00];
	_ =	sdelay $0x2  }
0x327: {  	v3 =	vld [tilespmem:s12+$0x8A80];
	_ =	sdelay $0x1  }
0x328: {  	v0 =	vmul.f32 v0, v1;
	_ =	sdelay $0x1  }
0x329: {  	v1 =	vld [tilespmem:s12+$0xD900];
	[tilespmem:s9+$0x127F0] =	vst v0;
	s9 =	smov.u32 s12  }
0x32a: {  	v0 =	vld.idx.msk [tilespmem:v2+s8+$0x0], $0xffff;
	[tilespmem:s9+$0x17600] =	vst v3  }
0x32b: {  	v2 =	vld [tilespmem:s9+$0x3C10];
	_ =	sdelay $0x2  }
0x32c: {  	v3 =	vld [tilespmem:s9+$0x8A90];
	_ =	sdelay $0x1  }
0x32d: {  	v0 =	vmul.f32 v0, v1;
	_ =	sdelay $0x1  }
0x32e: {  	[tilespmem:s9+$0x12780] =	vst v0;
	v0 =	vld [tilespmem:s9+$0xD910]  }
0x32f: {  	v1 =	vld.idx.msk [tilespmem:v2+s8+$0x0], $0xffff;
	[tilespmem:s9+$0x17610] =	vst v3  }
0x330: {  	v2 =	vld [tilespmem:s9+$0x3C20];
	_ =	sdelay $0x4  }
0x331: {  	v0 =	vmul.f32 v1, v0;
	_ =	sdelay $0x1  }
0x332: {  	[tilespmem:s9+$0x12790] =	vst v0;
	v0 =	vld [tilespmem:s9+$0xD920]  }
0x333: {  	v1 =	vld.idx.msk [tilespmem:v2+s8+$0x0], $0xffff  }
0x334: {  	v2 =	vld [tilespmem:s9+$0x3C30]  }
0x335: {  	v3 =	vld [tilespmem:s9+$0x8AA0];
	_ =	sdelay $0x3  }
0x336: {  	v0 =	vmul.f32 v1, v0  }
0x337: {  	[tilespmem:s9+$0x17620] =	vst v3  }
0x338: {  	[tilespmem:s9+$0x127A0] =	vst v0;
	v0 =	vld [tilespmem:s9+$0xD930]  }
0x339: {  	v1 =	vld.idx.msk [tilespmem:v2+s8+$0x0], $0xffff  }
0x33a: {  	v2 =	vld [tilespmem:s9+$0x3C40]  }
0x33b: {  	v3 =	vld [tilespmem:s9+$0x8AB0];
	_ =	sdelay $0x3  }
0x33c: {  	v0 =	vmul.f32 v1, v0  }
0x33d: {  	[tilespmem:s9+$0x17630] =	vst v3  }
0x33e: {  	[tilespmem:s9+$0x127B0] =	vst v0;
	v0 =	vld [tilespmem:s9+$0xD940]  }
0x33f: {  	v1 =	vld.idx.msk [tilespmem:v2+s8+$0x0], $0xffff  }
0x340: {  	v2 =	vld [tilespmem:s9+$0x3C50]  }
0x341: {  	v3 =	vld [tilespmem:s9+$0x8AC0];
	_ =	sdelay $0x3  }
0x342: {  	v0 =	vmul.f32 v1, v0  }
0x343: {  	[tilespmem:s9+$0x17640] =	vst v3  }
0x344: {  	[tilespmem:s9+$0x127C0] =	vst v0;
	v0 =	vld [tilespmem:s9+$0xD950]  }
0x345: {  	v1 =	vld.idx.msk [tilespmem:v2+s8+$0x0], $0xffff  }
0x346: {  	v2 =	vld [tilespmem:s9+$0x3C60]  }
0x347: {  	v3 =	vld [tilespmem:s9+$0x8AD0];
	_ =	sdelay $0x3  }
.Ltmp6:
0x348: {  	v0 =	vmul.f32 v1, v0;
	(pc) =	sbr.rel @p0 .LBB2_12-.Ltmp6, $4  }
0x349: {  	[tilespmem:s9+$0x17650] =	vst v3  }
0x34a: {  	[tilespmem:s9+$0x127D0] =	vst v0;
	v1 =	vld [tilespmem:s9+$0xD960]  }
0x34b: {  	v2 =	vld.idx.msk [tilespmem:v2+s8+$0x0], $0xffff  }
0x34c: {  	s11 =	sadd.s32 $0x200, s11;
	v0 =	vld [tilespmem:s9+$0x3C70]  }
0x34d: {  	_ = 	snop  }
0x34e: {  	v3 =	vld [tilespmem:s9+$0x8AE0];
	_ =	sdelay $0x1  }
0x34f: {  	v4 =	vld [tilespmem:s9+$0x8AF0];
	_ =	sdelay $0x1  }
0x350: {  	v1 =	vmul.f32 v2, v1  }
0x351: {  	[tilespmem:s9+$0x17660] =	vst v3  }
0x352: {  	[tilespmem:s9+$0x127E0] =	vst v1;
	v1 =	vld [tilespmem:s9+$0xD970]  }
0x353: {  	s10 =	sshra.s32 s10, $0x2;
	v0 =	vld.idx.msk [tilespmem:v0+s8+$0x0], $0xffff;
	[tilespmem:s9+$0x17670] =	vst v4  }
0x354: {  	v2 =	vld [tilespmem:s10+$0x3C00];
	_ =	sdelay $0x4  }
0x355: {  	v0 =	vmul.f32 v0, v1  }
0x356: {  	v3 =	vld [tilespmem:s10+$0x8A80]  }
0x357: {  	v1 =	vld [tilespmem:s10+$0xD900];
	[tilespmem:s9+$0x127F0] =	vst v0  }
0x358: {  	v0 =	vld.idx.msk [tilespmem:v2+s8+$0x0], $0xffff  }
0x359: {  	v2 =	vld [tilespmem:s10+$0x3C10];
	_ =	sdelay $0x4  }
0x35a: {  	v0 =	vmul.f32 v0, v1  }
0x35b: {  	[tilespmem:s10+$0x17600] =	vst v3  }
0x35c: {  	[tilespmem:s10+$0x12780] =	vst v0;
	v0 =	vld [tilespmem:s10+$0xD910]  }
0x35d: {  	v1 =	vld.idx.msk [tilespmem:v2+s8+$0x0], $0xffff  }
0x35e: {  	v2 =	vld [tilespmem:s10+$0x3C20]  }
0x35f: {  	v3 =	vld [tilespmem:s10+$0x8A90];
	_ =	sdelay $0x3  }
0x360: {  	v0 =	vmul.f32 v1, v0  }
0x361: {  	[tilespmem:s10+$0x17610] =	vst v3  }
0x362: {  	[tilespmem:s10+$0x12790] =	vst v0;
	v0 =	vld [tilespmem:s10+$0xD920]  }
0x363: {  	v1 =	vld.idx.msk [tilespmem:v2+s8+$0x0], $0xffff  }
0x364: {  	v2 =	vld [tilespmem:s10+$0x3C30]  }
0x365: {  	v3 =	vld [tilespmem:s10+$0x8AA0];
	_ =	sdelay $0x3  }
0x366: {  	v0 =	vmul.f32 v1, v0  }
0x367: {  	[tilespmem:s10+$0x17620] =	vst v3  }
0x368: {  	[tilespmem:s10+$0x127A0] =	vst v0;
	v0 =	vld [tilespmem:s10+$0xD930]  }
0x369: {  	v1 =	vld.idx.msk [tilespmem:v2+s8+$0x0], $0xffff  }
0x36a: {  	v2 =	vld [tilespmem:s10+$0x3C40]  }
0x36b: {  	v3 =	vld [tilespmem:s10+$0x8AB0];
	_ =	sdelay $0x3  }
0x36c: {  	v0 =	vmul.f32 v1, v0  }
0x36d: {  	[tilespmem:s10+$0x17630] =	vst v3  }
0x36e: {  	[tilespmem:s10+$0x127B0] =	vst v0;
	v0 =	vld [tilespmem:s10+$0xD940]  }
0x36f: {  	v1 =	vld.idx.msk [tilespmem:v2+s8+$0x0], $0xffff  }
0x370: {  	v2 =	vld [tilespmem:s10+$0x3C50]  }
0x371: {  	v3 =	vld [tilespmem:s10+$0x8AC0];
	_ =	sdelay $0x3  }
0x372: {  	v0 =	vmul.f32 v1, v0  }
0x373: {  	[tilespmem:s10+$0x17640] =	vst v3  }
0x374: {  	[tilespmem:s10+$0x127C0] =	vst v0;
	v0 =	vld [tilespmem:s10+$0xD950]  }
0x375: {  	v1 =	vld.idx.msk [tilespmem:v2+s8+$0x0], $0xffff  }
0x376: {  	v2 =	vld [tilespmem:s10+$0x3C60]  }
0x377: {  	v3 =	vld [tilespmem:s10+$0x8AD0];
	_ =	sdelay $0x3  }
0x378: {  	v0 =	vmul.f32 v1, v0  }
0x379: {  	[tilespmem:s10+$0x17650] =	vst v3  }
0x37a: {  	[tilespmem:s10+$0x127D0] =	vst v0;
	v0 =	vld [tilespmem:s10+$0xD960]  }
0x37b: {  	v1 =	vld.idx.msk [tilespmem:v2+s8+$0x0], $0xffff  }
0x37c: {  	v2 =	vld [tilespmem:s10+$0x3C70]  }
0x37d: {  	v3 =	vld [tilespmem:s10+$0x8AE0];
	_ =	sdelay $0x3  }
0x37e: {  	v0 =	vmul.f32 v1, v0  }
0x37f: {  	[tilespmem:s10+$0x17660] =	vst v3  }
0x380: {  	[tilespmem:s10+$0x127E0] =	vst v0;
	v0 =	vld [tilespmem:s10+$0xD970]  }
0x381: {  	v1 =	vld.idx.msk [tilespmem:v2+s8+$0x0], $0xffff  }
0x382: {  	v2 =	vld [tilespmem:s10+$0x8AF0];
	_ =	sdelay $0x3  }
0x383: {  	v0 =	vmul.f32 v1, v0  }
0x384: {  	s29 =	simm.s32 $0xA00;
	[tilespmem:s10+$0x17670] =	vst v2  }
0x385: {  	s30 =	simm.s32 $0x17600;
	s31 =	simm.s32 $0x12780;
	s9 =	simm.s32 $0x0;
	[tilespmem:s10+$0x127F0] =	vst v0  }
0x386: {  	[spmem:s5] =	stream.indirect.scatter.add.f32 [tilespmem:s31], [sflag:$0x2], $0x1, s30, s29, $0xb8;
	[tilespmem:$0x1B800] =	vst v63  }
0x387: {  	v0 =	vld [tilespmem:s9+$0x4600];
	_ =	sdelay $0x3  }
0x388: {  	v1 =	vld [tilespmem:s9+$0x9480];
	_ =	sdelay $0x2  }
0x389: {  	s8 =	simm.s32 $0x0;
	v2 =	vld [tilespmem:s9+$0xE300]  }
0x38a: {  	v0 =	vld.idx.msk [tilespmem:v0+s8+$0x0], $0xffff  }
0x38b: {  	[tilespmem:s9+$0x18000] =	vst v1;
	v1 =	vld [tilespmem:s9+$0x4610];
	_ =	sdelay $0x4  }
0x38c: {  	v0 =	vmul.f32 v0, v2  }
0x38d: {  	v2 =	vld [tilespmem:s9+$0x4620]  }
0x38e: {  	[tilespmem:s9+$0x13180] =	vst v0;
	v0 =	vld [tilespmem:s9+$0xE310]  }
0x38f: {  	v1 =	vld.idx.msk [tilespmem:v1+s8+$0x0], $0xffff  }
0x390: {  	v3 =	vld [tilespmem:s9+$0x9490];
	_ =	sdelay $0x3  }
0x391: {  	v0 =	vmul.f32 v1, v0  }
0x392: {  	[tilespmem:s9+$0x18010] =	vst v3  }
0x393: {  	[tilespmem:s9+$0x13190] =	vst v0;
	v0 =	vld [tilespmem:s9+$0xE320]  }
0x394: {  	v1 =	vld.idx.msk [tilespmem:v2+s8+$0x0], $0xffff  }
0x395: {  	v2 =	vld [tilespmem:s9+$0x4630]  }
0x396: {  	v3 =	vld [tilespmem:s9+$0x94A0];
	_ =	sdelay $0x3  }
0x397: {  	v0 =	vmul.f32 v1, v0  }
0x398: {  	[tilespmem:s9+$0x18020] =	vst v3  }
0x399: {  	[tilespmem:s9+$0x131A0] =	vst v0;
	v0 =	vld [tilespmem:s9+$0xE330]  }
0x39a: {  	v1 =	vld.idx.msk [tilespmem:v2+s8+$0x0], $0xffff  }
0x39b: {  	v2 =	vld [tilespmem:s9+$0x4640]  }
0x39c: {  	v3 =	vld [tilespmem:s9+$0x94B0];
	_ =	sdelay $0x3  }
0x39d: {  	v0 =	vmul.f32 v1, v0  }
0x39e: {  	[tilespmem:s9+$0x18030] =	vst v3  }
0x39f: {  	[tilespmem:s9+$0x131B0] =	vst v0;
	v0 =	vld [tilespmem:s9+$0xE340]  }
0x3a0: {  	v1 =	vld.idx.msk [tilespmem:v2+s8+$0x0], $0xffff  }
0x3a1: {  	v2 =	vld [tilespmem:s9+$0x4650]  }
0x3a2: {  	v3 =	vld [tilespmem:s9+$0x94C0];
	_ =	sdelay $0x3  }
0x3a3: {  	v0 =	vmul.f32 v1, v0  }
0x3a4: {  	[tilespmem:s9+$0x18040] =	vst v3  }
0x3a5: {  	[tilespmem:s9+$0x131C0] =	vst v0;
	v0 =	vld [tilespmem:s9+$0xE350]  }
0x3a6: {  	v1 =	vld.idx.msk [tilespmem:v2+s8+$0x0], $0xffff  }
0x3a7: {  	v2 =	vld [tilespmem:s9+$0x4660]  }
0x3a8: {  	v3 =	vld [tilespmem:s9+$0x94D0];
	_ =	sdelay $0x3  }
0x3a9: {  	v0 =	vmul.f32 v1, v0  }
0x3aa: {  	[tilespmem:s9+$0x18050] =	vst v3;
	v1 =	vld [tilespmem:s9+$0xE360]  }
0x3ab: {  	[tilespmem:s9+$0x131D0] =	vst v0;
	v0 =	vld [tilespmem:s9+$0x4670]  }
0x3ac: {  	s11 =	simm.s32 $0x400;
	s10 =	simm.s32 $0x200;
	v2 =	vld.idx.msk [tilespmem:v2+s8+$0x0], $0xffff  }
.LBB2_14:
0x3ad: {  	p0 =	sne.s32 s11, $0x2E00;
	v3 =	vld [tilespmem:s9+$0x94E0];
	_ =	sdelay $0x1  }
0x3ae: {  	v4 =	vld [tilespmem:s9+$0x94F0];
	_ =	sdelay $0x1  }
0x3af: {  	v1 =	vmul.f32 v2, v1  }
0x3b0: {  	[tilespmem:s9+$0x18060] =	vst v3  }
0x3b1: {  	[tilespmem:s9+$0x131E0] =	vst v1;
	v1 =	vld [tilespmem:s9+$0xE370]  }
0x3b2: {  	s12 =	sshra.s32 s10, $0x2;
	s10 =	smov.u32 s11;
	v0 =	vld.idx.msk [tilespmem:v0+s8+$0x0], $0xffff;
	[tilespmem:s9+$0x18070] =	vst v4  }
0x3b3: {  	v2 =	vld [tilespmem:s12+$0x4600];
	_ =	sdelay $0x2  }
0x3b4: {  	v3 =	vld [tilespmem:s12+$0x9480];
	_ =	sdelay $0x1  }
0x3b5: {  	v0 =	vmul.f32 v0, v1;
	_ =	sdelay $0x1  }
0x3b6: {  	v1 =	vld [tilespmem:s12+$0xE300];
	[tilespmem:s9+$0x131F0] =	vst v0;
	s9 =	smov.u32 s12  }
0x3b7: {  	v0 =	vld.idx.msk [tilespmem:v2+s8+$0x0], $0xffff;
	[tilespmem:s9+$0x18000] =	vst v3  }
0x3b8: {  	v2 =	vld [tilespmem:s9+$0x4610];
	_ =	sdelay $0x2  }
0x3b9: {  	v3 =	vld [tilespmem:s9+$0x9490];
	_ =	sdelay $0x1  }
0x3ba: {  	v0 =	vmul.f32 v0, v1;
	_ =	sdelay $0x1  }
0x3bb: {  	[tilespmem:s9+$0x13180] =	vst v0;
	v0 =	vld [tilespmem:s9+$0xE310]  }
0x3bc: {  	v1 =	vld.idx.msk [tilespmem:v2+s8+$0x0], $0xffff;
	[tilespmem:s9+$0x18010] =	vst v3  }
0x3bd: {  	v2 =	vld [tilespmem:s9+$0x4620];
	_ =	sdelay $0x4  }
0x3be: {  	v0 =	vmul.f32 v1, v0;
	_ =	sdelay $0x1  }
0x3bf: {  	[tilespmem:s9+$0x13190] =	vst v0;
	v0 =	vld [tilespmem:s9+$0xE320]  }
0x3c0: {  	v1 =	vld.idx.msk [tilespmem:v2+s8+$0x0], $0xffff  }
0x3c1: {  	v2 =	vld [tilespmem:s9+$0x4630]  }
0x3c2: {  	v3 =	vld [tilespmem:s9+$0x94A0];
	_ =	sdelay $0x3  }
0x3c3: {  	v0 =	vmul.f32 v1, v0  }
0x3c4: {  	[tilespmem:s9+$0x18020] =	vst v3  }
0x3c5: {  	[tilespmem:s9+$0x131A0] =	vst v0;
	v0 =	vld [tilespmem:s9+$0xE330]  }
0x3c6: {  	v1 =	vld.idx.msk [tilespmem:v2+s8+$0x0], $0xffff  }
0x3c7: {  	v2 =	vld [tilespmem:s9+$0x4640]  }
0x3c8: {  	v3 =	vld [tilespmem:s9+$0x94B0];
	_ =	sdelay $0x3  }
0x3c9: {  	v0 =	vmul.f32 v1, v0  }
0x3ca: {  	[tilespmem:s9+$0x18030] =	vst v3  }
0x3cb: {  	[tilespmem:s9+$0x131B0] =	vst v0;
	v0 =	vld [tilespmem:s9+$0xE340]  }
0x3cc: {  	v1 =	vld.idx.msk [tilespmem:v2+s8+$0x0], $0xffff  }
0x3cd: {  	v2 =	vld [tilespmem:s9+$0x4650]  }
0x3ce: {  	v3 =	vld [tilespmem:s9+$0x94C0];
	_ =	sdelay $0x3  }
0x3cf: {  	v0 =	vmul.f32 v1, v0  }
0x3d0: {  	[tilespmem:s9+$0x18040] =	vst v3  }
0x3d1: {  	[tilespmem:s9+$0x131C0] =	vst v0;
	v0 =	vld [tilespmem:s9+$0xE350]  }
0x3d2: {  	v1 =	vld.idx.msk [tilespmem:v2+s8+$0x0], $0xffff  }
0x3d3: {  	v2 =	vld [tilespmem:s9+$0x4660]  }
0x3d4: {  	v3 =	vld [tilespmem:s9+$0x94D0];
	_ =	sdelay $0x3  }
.Ltmp7:
0x3d5: {  	v0 =	vmul.f32 v1, v0;
	(pc) =	sbr.rel @p0 .LBB2_14-.Ltmp7, $4  }
0x3d6: {  	[tilespmem:s9+$0x18050] =	vst v3  }
0x3d7: {  	[tilespmem:s9+$0x131D0] =	vst v0;
	v1 =	vld [tilespmem:s9+$0xE360]  }
0x3d8: {  	v2 =	vld.idx.msk [tilespmem:v2+s8+$0x0], $0xffff  }
0x3d9: {  	s11 =	sadd.s32 $0x200, s11;
	v0 =	vld [tilespmem:s9+$0x4670]  }
0x3da: {  	_ = 	snop  }
0x3db: {  	v3 =	vld [tilespmem:s9+$0x94E0];
	_ =	sdelay $0x1  }
0x3dc: {  	v4 =	vld [tilespmem:s9+$0x94F0];
	_ =	sdelay $0x1  }
0x3dd: {  	v1 =	vmul.f32 v2, v1  }
0x3de: {  	[tilespmem:s9+$0x18060] =	vst v3  }
0x3df: {  	[tilespmem:s9+$0x131E0] =	vst v1;
	v1 =	vld [tilespmem:s9+$0xE370]  }
0x3e0: {  	s10 =	sshra.s32 s10, $0x2;
	v0 =	vld.idx.msk [tilespmem:v0+s8+$0x0], $0xffff;
	[tilespmem:s9+$0x18070] =	vst v4  }
0x3e1: {  	v2 =	vld [tilespmem:s10+$0x4600];
	_ =	sdelay $0x4  }
0x3e2: {  	v0 =	vmul.f32 v0, v1  }
0x3e3: {  	v3 =	vld [tilespmem:s10+$0x9480]  }
0x3e4: {  	v1 =	vld [tilespmem:s10+$0xE300];
	[tilespmem:s9+$0x131F0] =	vst v0  }
0x3e5: {  	v0 =	vld.idx.msk [tilespmem:v2+s8+$0x0], $0xffff  }
0x3e6: {  	v2 =	vld [tilespmem:s10+$0x4610];
	_ =	sdelay $0x4  }
0x3e7: {  	v0 =	vmul.f32 v0, v1  }
0x3e8: {  	[tilespmem:s10+$0x18000] =	vst v3  }
0x3e9: {  	[tilespmem:s10+$0x13180] =	vst v0;
	v0 =	vld [tilespmem:s10+$0xE310]  }
0x3ea: {  	v1 =	vld.idx.msk [tilespmem:v2+s8+$0x0], $0xffff  }
0x3eb: {  	v2 =	vld [tilespmem:s10+$0x4620]  }
0x3ec: {  	v3 =	vld [tilespmem:s10+$0x9490];
	_ =	sdelay $0x3  }
0x3ed: {  	v0 =	vmul.f32 v1, v0  }
0x3ee: {  	[tilespmem:s10+$0x18010] =	vst v3  }
0x3ef: {  	[tilespmem:s10+$0x13190] =	vst v0;
	v0 =	vld [tilespmem:s10+$0xE320]  }
0x3f0: {  	v1 =	vld.idx.msk [tilespmem:v2+s8+$0x0], $0xffff  }
0x3f1: {  	v2 =	vld [tilespmem:s10+$0x4630]  }
0x3f2: {  	v3 =	vld [tilespmem:s10+$0x94A0];
	_ =	sdelay $0x3  }
0x3f3: {  	v0 =	vmul.f32 v1, v0  }
0x3f4: {  	[tilespmem:s10+$0x18020] =	vst v3  }
0x3f5: {  	[tilespmem:s10+$0x131A0] =	vst v0;
	v0 =	vld [tilespmem:s10+$0xE330]  }
0x3f6: {  	v1 =	vld.idx.msk [tilespmem:v2+s8+$0x0], $0xffff  }
0x3f7: {  	v2 =	vld [tilespmem:s10+$0x4640]  }
0x3f8: {  	v3 =	vld [tilespmem:s10+$0x94B0];
	_ =	sdelay $0x3  }
0x3f9: {  	v0 =	vmul.f32 v1, v0  }
0x3fa: {  	[tilespmem:s10+$0x18030] =	vst v3  }
0x3fb: {  	[tilespmem:s10+$0x131B0] =	vst v0;
	v0 =	vld [tilespmem:s10+$0xE340]  }
0x3fc: {  	v1 =	vld.idx.msk [tilespmem:v2+s8+$0x0], $0xffff  }
0x3fd: {  	v2 =	vld [tilespmem:s10+$0x4650]  }
0x3fe: {  	v3 =	vld [tilespmem:s10+$0x94C0];
	_ =	sdelay $0x3  }
0x3ff: {  	v0 =	vmul.f32 v1, v0  }
0x400: {  	[tilespmem:s10+$0x18040] =	vst v3  }
0x401: {  	[tilespmem:s10+$0x131C0] =	vst v0;
	v0 =	vld [tilespmem:s10+$0xE350]  }
0x402: {  	v1 =	vld.idx.msk [tilespmem:v2+s8+$0x0], $0xffff  }
0x403: {  	v2 =	vld [tilespmem:s10+$0x4660]  }
0x404: {  	v3 =	vld [tilespmem:s10+$0x94D0];
	_ =	sdelay $0x3  }
0x405: {  	v0 =	vmul.f32 v1, v0  }
0x406: {  	[tilespmem:s10+$0x18050] =	vst v3  }
0x407: {  	[tilespmem:s10+$0x131D0] =	vst v0;
	v0 =	vld [tilespmem:s10+$0xE360]  }
0x408: {  	v1 =	vld.idx.msk [tilespmem:v2+s8+$0x0], $0xffff  }
0x409: {  	v2 =	vld [tilespmem:s10+$0x4670]  }
0x40a: {  	v3 =	vld [tilespmem:s10+$0x94E0];
	_ =	sdelay $0x3  }
0x40b: {  	v0 =	vmul.f32 v1, v0  }
0x40c: {  	[tilespmem:s10+$0x18060] =	vst v3  }
0x40d: {  	[tilespmem:s10+$0x131E0] =	vst v0;
	v0 =	vld [tilespmem:s10+$0xE370]  }
0x40e: {  	v1 =	vld.idx.msk [tilespmem:v2+s8+$0x0], $0xffff  }
0x40f: {  	v2 =	vld [tilespmem:s10+$0x94F0];
	_ =	sdelay $0x3  }
0x410: {  	v0 =	vmul.f32 v1, v0  }
0x411: {  	s29 =	simm.s32 $0xC00;
	[tilespmem:s10+$0x18070] =	vst v2  }
0x412: {  	s30 =	simm.s32 $0x18000;
	s31 =	simm.s32 $0x13180;
	s9 =	simm.s32 $0x0;
	[tilespmem:s10+$0x131F0] =	vst v0  }
0x413: {  	[spmem:s5] =	stream.indirect.scatter.add.f32 [tilespmem:s31], [sflag:$0x2], $0x1, s30, s29, $0xb8;
	[tilespmem:$0x1B800] =	vst v63  }
0x414: {  	v0 =	vld [tilespmem:s9+$0x5200];
	_ =	sdelay $0x3  }
0x415: {  	v1 =	vld [tilespmem:s9+$0xA080];
	_ =	sdelay $0x2  }
0x416: {  	s8 =	simm.s32 $0x0;
	v2 =	vld [tilespmem:s9+$0xEF00]  }
0x417: {  	v0 =	vld.idx.msk [tilespmem:v0+s8+$0x0], $0xffff  }
0x418: {  	[tilespmem:s9+$0x18C00] =	vst v1;
	v1 =	vld [tilespmem:s9+$0x5210];
	_ =	sdelay $0x4  }
0x419: {  	v0 =	vmul.f32 v0, v2  }
0x41a: {  	v2 =	vld [tilespmem:s9+$0x5220]  }
0x41b: {  	[tilespmem:s9+$0x13D80] =	vst v0;
	v0 =	vld [tilespmem:s9+$0xEF10]  }
0x41c: {  	v1 =	vld.idx.msk [tilespmem:v1+s8+$0x0], $0xffff  }
0x41d: {  	v3 =	vld [tilespmem:s9+$0xA090];
	_ =	sdelay $0x3  }
0x41e: {  	v0 =	vmul.f32 v1, v0  }
0x41f: {  	[tilespmem:s9+$0x18C10] =	vst v3  }
0x420: {  	[tilespmem:s9+$0x13D90] =	vst v0;
	v0 =	vld [tilespmem:s9+$0xEF20]  }
0x421: {  	v1 =	vld.idx.msk [tilespmem:v2+s8+$0x0], $0xffff  }
0x422: {  	v2 =	vld [tilespmem:s9+$0x5230]  }
0x423: {  	v3 =	vld [tilespmem:s9+$0xA0A0];
	_ =	sdelay $0x3  }
0x424: {  	v0 =	vmul.f32 v1, v0  }
0x425: {  	[tilespmem:s9+$0x18C20] =	vst v3  }
0x426: {  	[tilespmem:s9+$0x13DA0] =	vst v0;
	v0 =	vld [tilespmem:s9+$0xEF30]  }
0x427: {  	v1 =	vld.idx.msk [tilespmem:v2+s8+$0x0], $0xffff  }
0x428: {  	v2 =	vld [tilespmem:s9+$0x5240]  }
0x429: {  	v3 =	vld [tilespmem:s9+$0xA0B0];
	_ =	sdelay $0x3  }
0x42a: {  	v0 =	vmul.f32 v1, v0  }
0x42b: {  	[tilespmem:s9+$0x18C30] =	vst v3  }
0x42c: {  	[tilespmem:s9+$0x13DB0] =	vst v0;
	v0 =	vld [tilespmem:s9+$0xEF40]  }
0x42d: {  	v1 =	vld.idx.msk [tilespmem:v2+s8+$0x0], $0xffff  }
0x42e: {  	v2 =	vld [tilespmem:s9+$0x5250]  }
0x42f: {  	v3 =	vld [tilespmem:s9+$0xA0C0];
	_ =	sdelay $0x3  }
0x430: {  	v0 =	vmul.f32 v1, v0  }
0x431: {  	[tilespmem:s9+$0x18C40] =	vst v3  }
0x432: {  	[tilespmem:s9+$0x13DC0] =	vst v0;
	v0 =	vld [tilespmem:s9+$0xEF50]  }
0x433: {  	v1 =	vld.idx.msk [tilespmem:v2+s8+$0x0], $0xffff  }
0x434: {  	v2 =	vld [tilespmem:s9+$0x5260]  }
0x435: {  	v3 =	vld [tilespmem:s9+$0xA0D0];
	_ =	sdelay $0x3  }
0x436: {  	v0 =	vmul.f32 v1, v0  }
0x437: {  	[tilespmem:s9+$0x18C50] =	vst v3;
	v1 =	vld [tilespmem:s9+$0xEF60]  }
0x438: {  	[tilespmem:s9+$0x13DD0] =	vst v0;
	v0 =	vld [tilespmem:s9+$0x5270]  }
0x439: {  	s11 =	simm.s32 $0x400;
	s10 =	simm.s32 $0x200;
	v2 =	vld.idx.msk [tilespmem:v2+s8+$0x0], $0xffff  }
.LBB2_16:
0x43a: {  	p0 =	sne.s32 s11, $0x3E00;
	v3 =	vld [tilespmem:s9+$0xA0E0];
	_ =	sdelay $0x1  }
0x43b: {  	v4 =	vld [tilespmem:s9+$0xA0F0];
	_ =	sdelay $0x1  }
0x43c: {  	v1 =	vmul.f32 v2, v1  }
0x43d: {  	[tilespmem:s9+$0x18C60] =	vst v3  }
0x43e: {  	[tilespmem:s9+$0x13DE0] =	vst v1;
	v1 =	vld [tilespmem:s9+$0xEF70]  }
0x43f: {  	s12 =	sshra.s32 s10, $0x2;
	s10 =	smov.u32 s11;
	v0 =	vld.idx.msk [tilespmem:v0+s8+$0x0], $0xffff;
	[tilespmem:s9+$0x18C70] =	vst v4  }
0x440: {  	v2 =	vld [tilespmem:s12+$0x5200];
	_ =	sdelay $0x2  }
0x441: {  	v3 =	vld [tilespmem:s12+$0xA080];
	_ =	sdelay $0x1  }
0x442: {  	v0 =	vmul.f32 v0, v1;
	_ =	sdelay $0x1  }
0x443: {  	v1 =	vld [tilespmem:s12+$0xEF00];
	[tilespmem:s9+$0x13DF0] =	vst v0;
	s9 =	smov.u32 s12  }
0x444: {  	v0 =	vld.idx.msk [tilespmem:v2+s8+$0x0], $0xffff;
	[tilespmem:s9+$0x18C00] =	vst v3  }
0x445: {  	v2 =	vld [tilespmem:s9+$0x5210];
	_ =	sdelay $0x2  }
0x446: {  	v3 =	vld [tilespmem:s9+$0xA090];
	_ =	sdelay $0x1  }
0x447: {  	v0 =	vmul.f32 v0, v1;
	_ =	sdelay $0x1  }
0x448: {  	[tilespmem:s9+$0x13D80] =	vst v0;
	v0 =	vld [tilespmem:s9+$0xEF10]  }
0x449: {  	v1 =	vld.idx.msk [tilespmem:v2+s8+$0x0], $0xffff;
	[tilespmem:s9+$0x18C10] =	vst v3  }
0x44a: {  	v2 =	vld [tilespmem:s9+$0x5220];
	_ =	sdelay $0x4  }
0x44b: {  	v0 =	vmul.f32 v1, v0;
	_ =	sdelay $0x1  }
0x44c: {  	[tilespmem:s9+$0x13D90] =	vst v0;
	v0 =	vld [tilespmem:s9+$0xEF20]  }
0x44d: {  	v1 =	vld.idx.msk [tilespmem:v2+s8+$0x0], $0xffff  }
0x44e: {  	v2 =	vld [tilespmem:s9+$0x5230]  }
0x44f: {  	v3 =	vld [tilespmem:s9+$0xA0A0];
	_ =	sdelay $0x3  }
0x450: {  	v0 =	vmul.f32 v1, v0  }
0x451: {  	[tilespmem:s9+$0x18C20] =	vst v3  }
0x452: {  	[tilespmem:s9+$0x13DA0] =	vst v0;
	v0 =	vld [tilespmem:s9+$0xEF30]  }
0x453: {  	v1 =	vld.idx.msk [tilespmem:v2+s8+$0x0], $0xffff  }
0x454: {  	v2 =	vld [tilespmem:s9+$0x5240]  }
0x455: {  	v3 =	vld [tilespmem:s9+$0xA0B0];
	_ =	sdelay $0x3  }
0x456: {  	v0 =	vmul.f32 v1, v0  }
0x457: {  	[tilespmem:s9+$0x18C30] =	vst v3  }
0x458: {  	[tilespmem:s9+$0x13DB0] =	vst v0;
	v0 =	vld [tilespmem:s9+$0xEF40]  }
0x459: {  	v1 =	vld.idx.msk [tilespmem:v2+s8+$0x0], $0xffff  }
0x45a: {  	v2 =	vld [tilespmem:s9+$0x5250]  }
0x45b: {  	v3 =	vld [tilespmem:s9+$0xA0C0];
	_ =	sdelay $0x3  }
0x45c: {  	v0 =	vmul.f32 v1, v0  }
0x45d: {  	[tilespmem:s9+$0x18C40] =	vst v3  }
0x45e: {  	[tilespmem:s9+$0x13DC0] =	vst v0;
	v0 =	vld [tilespmem:s9+$0xEF50]  }
0x45f: {  	v1 =	vld.idx.msk [tilespmem:v2+s8+$0x0], $0xffff  }
0x460: {  	v2 =	vld [tilespmem:s9+$0x5260]  }
0x461: {  	v3 =	vld [tilespmem:s9+$0xA0D0];
	_ =	sdelay $0x3  }
.Ltmp8:
0x462: {  	v0 =	vmul.f32 v1, v0;
	(pc) =	sbr.rel @p0 .LBB2_16-.Ltmp8, $4  }
0x463: {  	[tilespmem:s9+$0x18C50] =	vst v3  }
0x464: {  	[tilespmem:s9+$0x13DD0] =	vst v0;
	v1 =	vld [tilespmem:s9+$0xEF60]  }
0x465: {  	v2 =	vld.idx.msk [tilespmem:v2+s8+$0x0], $0xffff  }
0x466: {  	s11 =	sadd.s32 $0x200, s11;
	v0 =	vld [tilespmem:s9+$0x5270]  }
0x467: {  	_ = 	snop  }
0x468: {  	v3 =	vld [tilespmem:s9+$0xA0E0];
	_ =	sdelay $0x1  }
0x469: {  	v4 =	vld [tilespmem:s9+$0xA0F0];
	_ =	sdelay $0x1  }
0x46a: {  	v1 =	vmul.f32 v2, v1  }
0x46b: {  	[tilespmem:s9+$0x18C60] =	vst v3  }
0x46c: {  	[tilespmem:s9+$0x13DE0] =	vst v1;
	v1 =	vld [tilespmem:s9+$0xEF70]  }
0x46d: {  	s10 =	sshra.s32 s10, $0x2;
	v0 =	vld.idx.msk [tilespmem:v0+s8+$0x0], $0xffff;
	[tilespmem:s9+$0x18C70] =	vst v4  }
0x46e: {  	v2 =	vld [tilespmem:s10+$0x5200];
	_ =	sdelay $0x4  }
0x46f: {  	v0 =	vmul.f32 v0, v1  }
0x470: {  	v3 =	vld [tilespmem:s10+$0xA080]  }
0x471: {  	v1 =	vld [tilespmem:s10+$0xEF00];
	[tilespmem:s9+$0x13DF0] =	vst v0  }
0x472: {  	v0 =	vld.idx.msk [tilespmem:v2+s8+$0x0], $0xffff  }
0x473: {  	v2 =	vld [tilespmem:s10+$0x5210];
	_ =	sdelay $0x4  }
0x474: {  	v0 =	vmul.f32 v0, v1  }
0x475: {  	[tilespmem:s10+$0x18C00] =	vst v3  }
0x476: {  	[tilespmem:s10+$0x13D80] =	vst v0;
	v0 =	vld [tilespmem:s10+$0xEF10]  }
0x477: {  	v1 =	vld.idx.msk [tilespmem:v2+s8+$0x0], $0xffff  }
0x478: {  	v2 =	vld [tilespmem:s10+$0x5220]  }
0x479: {  	v3 =	vld [tilespmem:s10+$0xA090];
	_ =	sdelay $0x3  }
0x47a: {  	v0 =	vmul.f32 v1, v0  }
0x47b: {  	[tilespmem:s10+$0x18C10] =	vst v3  }
0x47c: {  	[tilespmem:s10+$0x13D90] =	vst v0;
	v0 =	vld [tilespmem:s10+$0xEF20]  }
0x47d: {  	v1 =	vld.idx.msk [tilespmem:v2+s8+$0x0], $0xffff  }
0x47e: {  	v2 =	vld [tilespmem:s10+$0x5230]  }
0x47f: {  	v3 =	vld [tilespmem:s10+$0xA0A0];
	_ =	sdelay $0x3  }
0x480: {  	v0 =	vmul.f32 v1, v0  }
0x481: {  	[tilespmem:s10+$0x18C20] =	vst v3  }
0x482: {  	[tilespmem:s10+$0x13DA0] =	vst v0;
	v0 =	vld [tilespmem:s10+$0xEF30]  }
0x483: {  	v1 =	vld.idx.msk [tilespmem:v2+s8+$0x0], $0xffff  }
0x484: {  	v2 =	vld [tilespmem:s10+$0x5240]  }
0x485: {  	v3 =	vld [tilespmem:s10+$0xA0B0];
	_ =	sdelay $0x3  }
0x486: {  	v0 =	vmul.f32 v1, v0  }
0x487: {  	[tilespmem:s10+$0x18C30] =	vst v3  }
0x488: {  	[tilespmem:s10+$0x13DB0] =	vst v0;
	v0 =	vld [tilespmem:s10+$0xEF40]  }
0x489: {  	v1 =	vld.idx.msk [tilespmem:v2+s8+$0x0], $0xffff  }
0x48a: {  	v2 =	vld [tilespmem:s10+$0x5250]  }
0x48b: {  	v3 =	vld [tilespmem:s10+$0xA0C0];
	_ =	sdelay $0x3  }
0x48c: {  	v0 =	vmul.f32 v1, v0  }
0x48d: {  	[tilespmem:s10+$0x18C40] =	vst v3  }
0x48e: {  	[tilespmem:s10+$0x13DC0] =	vst v0;
	v0 =	vld [tilespmem:s10+$0xEF50]  }
0x48f: {  	v1 =	vld.idx.msk [tilespmem:v2+s8+$0x0], $0xffff  }
0x490: {  	v2 =	vld [tilespmem:s10+$0x5260]  }
0x491: {  	v3 =	vld [tilespmem:s10+$0xA0D0];
	_ =	sdelay $0x3  }
0x492: {  	v0 =	vmul.f32 v1, v0  }
0x493: {  	[tilespmem:s10+$0x18C50] =	vst v3  }
0x494: {  	[tilespmem:s10+$0x13DD0] =	vst v0;
	v0 =	vld [tilespmem:s10+$0xEF60]  }
0x495: {  	v1 =	vld.idx.msk [tilespmem:v2+s8+$0x0], $0xffff  }
0x496: {  	v2 =	vld [tilespmem:s10+$0x5270]  }
0x497: {  	v3 =	vld [tilespmem:s10+$0xA0E0];
	_ =	sdelay $0x3  }
0x498: {  	v0 =	vmul.f32 v1, v0  }
0x499: {  	[tilespmem:s10+$0x18C60] =	vst v3  }
0x49a: {  	[tilespmem:s10+$0x13DE0] =	vst v0;
	v0 =	vld [tilespmem:s10+$0xEF70]  }
0x49b: {  	v1 =	vld.idx.msk [tilespmem:v2+s8+$0x0], $0xffff  }
0x49c: {  	v2 =	vld [tilespmem:s10+$0xA0F0];
	_ =	sdelay $0x3  }
0x49d: {  	v0 =	vmul.f32 v1, v0  }
0x49e: {  	s29 =	simm.s32 $0x1000;
	[tilespmem:s10+$0x18C70] =	vst v2  }
0x49f: {  	s30 =	simm.s32 $0x18C00;
	s31 =	simm.s32 $0x13D80;
	s9 =	simm.s32 $0x0;
	[tilespmem:s10+$0x13DF0] =	vst v0  }
0x4a0: {  	[spmem:s5] =	stream.indirect.scatter.add.f32 [tilespmem:s31], [sflag:$0x2], $0x1, s30, s29, $0xb8;
	[tilespmem:$0x1B800] =	vst v63  }
0x4a1: {  	v0 =	vld [tilespmem:s9+$0x6200];
	_ =	sdelay $0x3  }
0x4a2: {  	v1 =	vld [tilespmem:s9+$0xB080];
	_ =	sdelay $0x2  }
0x4a3: {  	s8 =	simm.s32 $0x0;
	v2 =	vld [tilespmem:s9+$0xFF00]  }
0x4a4: {  	v0 =	vld.idx.msk [tilespmem:v0+s8+$0x0], $0xffff  }
0x4a5: {  	[tilespmem:s9+$0x19C00] =	vst v1;
	v1 =	vld [tilespmem:s9+$0x6210];
	_ =	sdelay $0x4  }
0x4a6: {  	v0 =	vmul.f32 v0, v2  }
0x4a7: {  	v2 =	vld [tilespmem:s9+$0x6220]  }
0x4a8: {  	[tilespmem:s9+$0x14D80] =	vst v0;
	v0 =	vld [tilespmem:s9+$0xFF10]  }
0x4a9: {  	v1 =	vld.idx.msk [tilespmem:v1+s8+$0x0], $0xffff  }
0x4aa: {  	v3 =	vld [tilespmem:s9+$0xB090];
	_ =	sdelay $0x3  }
0x4ab: {  	v0 =	vmul.f32 v1, v0  }
0x4ac: {  	[tilespmem:s9+$0x19C10] =	vst v3  }
0x4ad: {  	[tilespmem:s9+$0x14D90] =	vst v0;
	v0 =	vld [tilespmem:s9+$0xFF20]  }
0x4ae: {  	v1 =	vld.idx.msk [tilespmem:v2+s8+$0x0], $0xffff  }
0x4af: {  	v2 =	vld [tilespmem:s9+$0x6230]  }
0x4b0: {  	v3 =	vld [tilespmem:s9+$0xB0A0];
	_ =	sdelay $0x3  }
0x4b1: {  	v0 =	vmul.f32 v1, v0  }
0x4b2: {  	[tilespmem:s9+$0x19C20] =	vst v3  }
0x4b3: {  	[tilespmem:s9+$0x14DA0] =	vst v0;
	v0 =	vld [tilespmem:s9+$0xFF30]  }
0x4b4: {  	v1 =	vld.idx.msk [tilespmem:v2+s8+$0x0], $0xffff  }
0x4b5: {  	v2 =	vld [tilespmem:s9+$0x6240]  }
0x4b6: {  	v3 =	vld [tilespmem:s9+$0xB0B0];
	_ =	sdelay $0x3  }
0x4b7: {  	v0 =	vmul.f32 v1, v0  }
0x4b8: {  	[tilespmem:s9+$0x19C30] =	vst v3  }
0x4b9: {  	[tilespmem:s9+$0x14DB0] =	vst v0;
	v0 =	vld [tilespmem:s9+$0xFF40]  }
0x4ba: {  	v1 =	vld.idx.msk [tilespmem:v2+s8+$0x0], $0xffff  }
0x4bb: {  	v2 =	vld [tilespmem:s9+$0x6250]  }
0x4bc: {  	v3 =	vld [tilespmem:s9+$0xB0C0];
	_ =	sdelay $0x3  }
0x4bd: {  	v0 =	vmul.f32 v1, v0  }
0x4be: {  	[tilespmem:s9+$0x19C40] =	vst v3  }
0x4bf: {  	[tilespmem:s9+$0x14DC0] =	vst v0;
	v0 =	vld [tilespmem:s9+$0xFF50]  }
0x4c0: {  	v1 =	vld.idx.msk [tilespmem:v2+s8+$0x0], $0xffff  }
0x4c1: {  	v2 =	vld [tilespmem:s9+$0x6260]  }
0x4c2: {  	v3 =	vld [tilespmem:s9+$0xB0D0];
	_ =	sdelay $0x3  }
0x4c3: {  	v0 =	vmul.f32 v1, v0  }
0x4c4: {  	[tilespmem:s9+$0x19C50] =	vst v3;
	v1 =	vld [tilespmem:s9+$0xFF60]  }
0x4c5: {  	[tilespmem:s9+$0x14DD0] =	vst v0;
	v0 =	vld [tilespmem:s9+$0x6270]  }
0x4c6: {  	s11 =	simm.s32 $0x400;
	s10 =	simm.s32 $0x200;
	v2 =	vld.idx.msk [tilespmem:v2+s8+$0x0], $0xffff  }
.LBB2_18:
0x4c7: {  	p0 =	sne.s32 s11, $0x5000;
	v3 =	vld [tilespmem:s9+$0xB0E0];
	_ =	sdelay $0x1  }
0x4c8: {  	v4 =	vld [tilespmem:s9+$0xB0F0];
	_ =	sdelay $0x1  }
0x4c9: {  	v1 =	vmul.f32 v2, v1  }
0x4ca: {  	[tilespmem:s9+$0x19C60] =	vst v3  }
0x4cb: {  	[tilespmem:s9+$0x14DE0] =	vst v1;
	v1 =	vld [tilespmem:s9+$0xFF70]  }
0x4cc: {  	s12 =	sshra.s32 s10, $0x2;
	s10 =	smov.u32 s11;
	v0 =	vld.idx.msk [tilespmem:v0+s8+$0x0], $0xffff;
	[tilespmem:s9+$0x19C70] =	vst v4  }
0x4cd: {  	v2 =	vld [tilespmem:s12+$0x6200];
	_ =	sdelay $0x2  }
0x4ce: {  	v3 =	vld [tilespmem:s12+$0xB080];
	_ =	sdelay $0x1  }
0x4cf: {  	v0 =	vmul.f32 v0, v1;
	_ =	sdelay $0x1  }
0x4d0: {  	v1 =	vld [tilespmem:s12+$0xFF00];
	[tilespmem:s9+$0x14DF0] =	vst v0;
	s9 =	smov.u32 s12  }
0x4d1: {  	v0 =	vld.idx.msk [tilespmem:v2+s8+$0x0], $0xffff;
	[tilespmem:s9+$0x19C00] =	vst v3  }
0x4d2: {  	v2 =	vld [tilespmem:s9+$0x6210];
	_ =	sdelay $0x2  }
0x4d3: {  	v3 =	vld [tilespmem:s9+$0xB090];
	_ =	sdelay $0x1  }
0x4d4: {  	v0 =	vmul.f32 v0, v1;
	_ =	sdelay $0x1  }
0x4d5: {  	[tilespmem:s9+$0x14D80] =	vst v0;
	v0 =	vld [tilespmem:s9+$0xFF10]  }
0x4d6: {  	v1 =	vld.idx.msk [tilespmem:v2+s8+$0x0], $0xffff;
	[tilespmem:s9+$0x19C10] =	vst v3  }
0x4d7: {  	v2 =	vld [tilespmem:s9+$0x6220];
	_ =	sdelay $0x4  }
0x4d8: {  	v0 =	vmul.f32 v1, v0;
	_ =	sdelay $0x1  }
0x4d9: {  	[tilespmem:s9+$0x14D90] =	vst v0;
	v0 =	vld [tilespmem:s9+$0xFF20]  }
0x4da: {  	v1 =	vld.idx.msk [tilespmem:v2+s8+$0x0], $0xffff  }
0x4db: {  	v2 =	vld [tilespmem:s9+$0x6230]  }
0x4dc: {  	v3 =	vld [tilespmem:s9+$0xB0A0];
	_ =	sdelay $0x3  }
0x4dd: {  	v0 =	vmul.f32 v1, v0  }
0x4de: {  	[tilespmem:s9+$0x19C20] =	vst v3  }
0x4df: {  	[tilespmem:s9+$0x14DA0] =	vst v0;
	v0 =	vld [tilespmem:s9+$0xFF30]  }
0x4e0: {  	v1 =	vld.idx.msk [tilespmem:v2+s8+$0x0], $0xffff  }
0x4e1: {  	v2 =	vld [tilespmem:s9+$0x6240]  }
0x4e2: {  	v3 =	vld [tilespmem:s9+$0xB0B0];
	_ =	sdelay $0x3  }
0x4e3: {  	v0 =	vmul.f32 v1, v0  }
0x4e4: {  	[tilespmem:s9+$0x19C30] =	vst v3  }
0x4e5: {  	[tilespmem:s9+$0x14DB0] =	vst v0;
	v0 =	vld [tilespmem:s9+$0xFF40]  }
0x4e6: {  	v1 =	vld.idx.msk [tilespmem:v2+s8+$0x0], $0xffff  }
0x4e7: {  	v2 =	vld [tilespmem:s9+$0x6250]  }
0x4e8: {  	v3 =	vld [tilespmem:s9+$0xB0C0];
	_ =	sdelay $0x3  }
0x4e9: {  	v0 =	vmul.f32 v1, v0  }
0x4ea: {  	[tilespmem:s9+$0x19C40] =	vst v3  }
0x4eb: {  	[tilespmem:s9+$0x14DC0] =	vst v0;
	v0 =	vld [tilespmem:s9+$0xFF50]  }
0x4ec: {  	v1 =	vld.idx.msk [tilespmem:v2+s8+$0x0], $0xffff  }
0x4ed: {  	v2 =	vld [tilespmem:s9+$0x6260]  }
0x4ee: {  	v3 =	vld [tilespmem:s9+$0xB0D0];
	_ =	sdelay $0x3  }
.Ltmp9:
0x4ef: {  	v0 =	vmul.f32 v1, v0;
	(pc) =	sbr.rel @p0 .LBB2_18-.Ltmp9, $4  }
0x4f0: {  	[tilespmem:s9+$0x19C50] =	vst v3  }
0x4f1: {  	[tilespmem:s9+$0x14DD0] =	vst v0;
	v1 =	vld [tilespmem:s9+$0xFF60]  }
0x4f2: {  	v2 =	vld.idx.msk [tilespmem:v2+s8+$0x0], $0xffff  }
0x4f3: {  	s11 =	sadd.s32 $0x200, s11;
	v0 =	vld [tilespmem:s9+$0x6270]  }
0x4f4: {  	_ = 	snop  }
0x4f5: {  	v3 =	vld [tilespmem:s9+$0xB0E0];
	_ =	sdelay $0x1  }
0x4f6: {  	v4 =	vld [tilespmem:s9+$0xB0F0];
	_ =	sdelay $0x1  }
0x4f7: {  	v1 =	vmul.f32 v2, v1  }
0x4f8: {  	[tilespmem:s9+$0x19C60] =	vst v3  }
0x4f9: {  	[tilespmem:s9+$0x14DE0] =	vst v1;
	v1 =	vld [tilespmem:s9+$0xFF70]  }
0x4fa: {  	s10 =	sshra.s32 s10, $0x2;
	v0 =	vld.idx.msk [tilespmem:v0+s8+$0x0], $0xffff;
	[tilespmem:s9+$0x19C70] =	vst v4  }
0x4fb: {  	v2 =	vld [tilespmem:s10+$0x6200];
	_ =	sdelay $0x4  }
0x4fc: {  	v0 =	vmul.f32 v0, v1  }
0x4fd: {  	v3 =	vld [tilespmem:s10+$0xB080]  }
0x4fe: {  	v1 =	vld [tilespmem:s10+$0xFF00];
	[tilespmem:s9+$0x14DF0] =	vst v0  }
0x4ff: {  	v0 =	vld.idx.msk [tilespmem:v2+s8+$0x0], $0xffff  }
0x500: {  	v2 =	vld [tilespmem:s10+$0x6210];
	_ =	sdelay $0x4  }
0x501: {  	v0 =	vmul.f32 v0, v1  }
0x502: {  	[tilespmem:s10+$0x19C00] =	vst v3  }
0x503: {  	[tilespmem:s10+$0x14D80] =	vst v0;
	v0 =	vld [tilespmem:s10+$0xFF10]  }
0x504: {  	v1 =	vld.idx.msk [tilespmem:v2+s8+$0x0], $0xffff  }
0x505: {  	v2 =	vld [tilespmem:s10+$0x6220]  }
0x506: {  	v3 =	vld [tilespmem:s10+$0xB090];
	_ =	sdelay $0x3  }
0x507: {  	v0 =	vmul.f32 v1, v0  }
0x508: {  	[tilespmem:s10+$0x19C10] =	vst v3  }
0x509: {  	[tilespmem:s10+$0x14D90] =	vst v0;
	v0 =	vld [tilespmem:s10+$0xFF20]  }
0x50a: {  	v1 =	vld.idx.msk [tilespmem:v2+s8+$0x0], $0xffff  }
0x50b: {  	v2 =	vld [tilespmem:s10+$0x6230]  }
0x50c: {  	v3 =	vld [tilespmem:s10+$0xB0A0];
	_ =	sdelay $0x3  }
0x50d: {  	v0 =	vmul.f32 v1, v0  }
0x50e: {  	[tilespmem:s10+$0x19C20] =	vst v3  }
0x50f: {  	[tilespmem:s10+$0x14DA0] =	vst v0;
	v0 =	vld [tilespmem:s10+$0xFF30]  }
0x510: {  	v1 =	vld.idx.msk [tilespmem:v2+s8+$0x0], $0xffff  }
0x511: {  	v2 =	vld [tilespmem:s10+$0x6240]  }
0x512: {  	v3 =	vld [tilespmem:s10+$0xB0B0];
	_ =	sdelay $0x3  }
0x513: {  	v0 =	vmul.f32 v1, v0  }
0x514: {  	[tilespmem:s10+$0x19C30] =	vst v3  }
0x515: {  	[tilespmem:s10+$0x14DB0] =	vst v0;
	v0 =	vld [tilespmem:s10+$0xFF40]  }
0x516: {  	v1 =	vld.idx.msk [tilespmem:v2+s8+$0x0], $0xffff  }
0x517: {  	v2 =	vld [tilespmem:s10+$0x6250]  }
0x518: {  	v3 =	vld [tilespmem:s10+$0xB0C0];
	_ =	sdelay $0x3  }
0x519: {  	v0 =	vmul.f32 v1, v0  }
0x51a: {  	[tilespmem:s10+$0x19C40] =	vst v3  }
0x51b: {  	[tilespmem:s10+$0x14DC0] =	vst v0;
	v0 =	vld [tilespmem:s10+$0xFF50]  }
0x51c: {  	v1 =	vld.idx.msk [tilespmem:v2+s8+$0x0], $0xffff  }
0x51d: {  	v2 =	vld [tilespmem:s10+$0x6260]  }
0x51e: {  	v3 =	vld [tilespmem:s10+$0xB0D0];
	_ =	sdelay $0x3  }
0x51f: {  	v0 =	vmul.f32 v1, v0  }
0x520: {  	[tilespmem:s10+$0x19C50] =	vst v3  }
0x521: {  	[tilespmem:s10+$0x14DD0] =	vst v0;
	v0 =	vld [tilespmem:s10+$0xFF60]  }
0x522: {  	v1 =	vld.idx.msk [tilespmem:v2+s8+$0x0], $0xffff  }
0x523: {  	v2 =	vld [tilespmem:s10+$0x6270]  }
0x524: {  	v3 =	vld [tilespmem:s10+$0xB0E0];
	_ =	sdelay $0x3  }
0x525: {  	v0 =	vmul.f32 v1, v0  }
0x526: {  	[tilespmem:s10+$0x19C60] =	vst v3  }
0x527: {  	[tilespmem:s10+$0x14DE0] =	vst v0;
	v0 =	vld [tilespmem:s10+$0xFF70]  }
0x528: {  	v1 =	vld.idx.msk [tilespmem:v2+s8+$0x0], $0xffff  }
0x529: {  	v2 =	vld [tilespmem:s10+$0xB0F0];
	_ =	sdelay $0x3  }
0x52a: {  	v0 =	vmul.f32 v1, v0  }
0x52b: {  	s22 =	simm.s32 $0x1480;
	[tilespmem:s10+$0x19C70] =	vst v2  }
0x52c: {  	s23 =	simm.s32 $0x19C00;
	s24 =	simm.s32 $0x14D80;
	s25 =	simm.s32 $0x2;
	[tilespmem:s10+$0x14DF0] =	vst v0  }
0x52d: {  	[spmem:s5] =	stream.indirect.scatter.add.f32 [tilespmem:s24], [sflag:$0x2], $0x1, s23, s22, $0xb8;
	[tilespmem:$0x1B800] =	vst v63  }
0x52e: {  	_ =	swait.ge [sflag:s25], $0x200  }
0x52f: {  	[sflag:s25] =	ssyncset.done $0x0  }
0x530: {  	[sflag:s25] =	ssyncadd.s32 $0xFFFFFE00  }
0x531: {  	_ =	swait.ge [sflag:s25], $0x400  }
0x532: {  	[sflag:s25] =	ssyncset.done $0x0  }
0x533: {  	[sflag:s25] =	ssyncadd.s32 $0xFFFFFC00  }
0x534: {  	_ =	swait.ge [sflag:s25], $0x600  }
0x535: {  	[sflag:s25] =	ssyncset.done $0x0  }
0x536: {  	[sflag:s25] =	ssyncadd.s32 $0xFFFFFA00  }
0x537: {  	_ =	swait.ge [sflag:s25], $0x800  }
0x538: {  	[sflag:s25] =	ssyncset.done $0x0  }
0x539: {  	[sflag:s25] =	ssyncadd.s32 $0xFFFFF800  }
0x53a: {  	_ =	swait.ge [sflag:s25], $0xA00  }
0x53b: {  	[sflag:s25] =	ssyncset.done $0x0  }
0x53c: {  	[sflag:s25] =	ssyncadd.s32 $0xFFFFF600  }
0x53d: {  	_ =	swait.ge [sflag:s25], $0xC00  }
0x53e: {  	[sflag:s25] =	ssyncset.done $0x0  }
0x53f: {  	[sflag:s25] =	ssyncadd.s32 $0xFFFFF400  }
0x540: {  	_ =	swait.ge [sflag:s25], $0x1000  }
0x541: {  	[sflag:s25] =	ssyncset.done $0x0  }
0x542: {  	[sflag:s25] =	ssyncadd.s32 $0xFFFFF000  }
0x543: {  	_ =	swait.ge [sflag:s25], $0x1480  }
0x544: {  	[sflag:s25] =	ssyncset.done $0x0  }
0x545: {  	s26 =	sshll.u32 s1, $0x6;
	s7 =	sshrl.u32 s7, $0x3;
	[sflag:s25] =	ssyncadd.s32 $0xFFFFEB80  }
0x546: {  	s28 =	simm.s32 $0x3;
	s5 =	sor.u32 $0x1C03, s26;
	[bflag:$0x0] =	sbarrier.arrive $0xFFFF  }
0x547: {  	[hbm:s4], [sflag:s5] =	dma.local [spmem:s7], $0x50  }
0x548: {  	_ =	swait.ge [sflag:s28], $0x50  }
0x549: {  	[sflag:s28] =	ssyncset.done $0x0  }
0x54a: {  	[sflag:s28] =	ssyncadd.s32 $0xFFFFFFB0  }
0x54b: {  	s5 =	simm.s32 $0x0;
	[bflag:$0x0] =	sbarrier.arrive $0xFFFF  }
0x54c: {  	[tilespmem:s5], [sflag:$0x3] =	stream.linear.gather [hbm4b:s6+s5], $0x2800, $0x38;
	[tilespmem:$0x1B800] =	vst v63  }
0x54d: {  	_ =	swait.ge [sflag:s28], $0x2800  }
0x54e: {  	[sflag:s28] =	ssyncset.done $0x0  }
0x54f: {  	[sflag:s28] =	ssyncadd.s32 $0xFFFFD800  }
0x550: {  	v0 =	vld [tilespmem:$0x2800];
	_ =	sdelay $0x5  }
0x551: {  	v1 =	vld [tilespmem:$0xC500]  }
0x552: {  	v2 =	vld [tilespmem:$0x2810]  }
0x553: {  	v0 =	vld.idx.msk [tilespmem:v0+s5+$0x0], $0xffff;
	_ =	sdelay $0x4  }
0x554: {  	v0 =	vmul.f32 v0, v1;
	_ =	sdelay $0x1  }
0x555: {  	[tilespmem:$0x11380] =	vst v0;
	v0 =	vld [tilespmem:$0xC510]  }
0x556: {  	v1 =	vld.idx.msk [tilespmem:v2+s5+$0x0], $0xffff  }
0x557: {  	v2 =	vld [tilespmem:$0x2820];
	_ =	sdelay $0x4  }
0x558: {  	v0 =	vmul.f32 v1, v0;
	_ =	sdelay $0x1  }
0x559: {  	[tilespmem:$0x11390] =	vst v0;
	v0 =	vld [tilespmem:$0xC520]  }
0x55a: {  	v1 =	vld.idx.msk [tilespmem:v2+s5+$0x0], $0xffff  }
0x55b: {  	v2 =	vld [tilespmem:$0x2830];
	_ =	sdelay $0x4  }
0x55c: {  	v0 =	vmul.f32 v1, v0;
	_ =	sdelay $0x1  }
0x55d: {  	[tilespmem:$0x113A0] =	vst v0;
	v0 =	vld [tilespmem:$0xC530]  }
0x55e: {  	v1 =	vld.idx.msk [tilespmem:v2+s5+$0x0], $0xffff  }
0x55f: {  	v2 =	vld [tilespmem:$0x2840];
	_ =	sdelay $0x4  }
0x560: {  	v0 =	vmul.f32 v1, v0;
	_ =	sdelay $0x1  }
0x561: {  	[tilespmem:$0x113B0] =	vst v0;
	v0 =	vld [tilespmem:$0xC540]  }
0x562: {  	v1 =	vld.idx.msk [tilespmem:v2+s5+$0x0], $0xffff  }
0x563: {  	v2 =	vld [tilespmem:$0x2850];
	_ =	sdelay $0x4  }
0x564: {  	v0 =	vmul.f32 v1, v0;
	_ =	sdelay $0x1  }
0x565: {  	[tilespmem:$0x113C0] =	vst v0;
	v0 =	vld [tilespmem:$0xC550]  }
0x566: {  	v1 =	vld.idx.msk [tilespmem:v2+s5+$0x0], $0xffff  }
0x567: {  	v2 =	vld [tilespmem:$0x2860];
	_ =	sdelay $0x4  }
0x568: {  	v0 =	vmul.f32 v1, v0;
	_ =	sdelay $0x1  }
0x569: {  	[tilespmem:$0x113D0] =	vst v0;
	v0 =	vld [tilespmem:$0xC560]  }
0x56a: {  	v1 =	vld.idx.msk [tilespmem:v2+s5+$0x0], $0xffff  }
0x56b: {  	v2 =	vld [tilespmem:$0x2870];
	_ =	sdelay $0x4  }
0x56c: {  	v0 =	vmul.f32 v1, v0;
	_ =	sdelay $0x1  }
0x56d: {  	[tilespmem:$0x113E0] =	vst v0;
	v0 =	vld [tilespmem:$0xC570]  }
0x56e: {  	v1 =	vld.idx.msk [tilespmem:v2+s5+$0x0], $0xffff  }
0x56f: {  	v2 =	vld [tilespmem:$0x2880];
	_ =	sdelay $0x4  }
0x570: {  	v0 =	vmul.f32 v1, v0;
	_ =	sdelay $0x1  }
0x571: {  	[tilespmem:$0x113F0] =	vst v0;
	v0 =	vld [tilespmem:$0xC580]  }
0x572: {  	v1 =	vld.idx.msk [tilespmem:v2+s5+$0x0], $0xffff  }
0x573: {  	v2 =	vld [tilespmem:$0x2890];
	_ =	sdelay $0x4  }
0x574: {  	v0 =	vmul.f32 v1, v0;
	_ =	sdelay $0x1  }
0x575: {  	[tilespmem:$0x11400] =	vst v0;
	v0 =	vld [tilespmem:$0xC590]  }
0x576: {  	v1 =	vld.idx.msk [tilespmem:v2+s5+$0x0], $0xffff  }
0x577: {  	v2 =	vld [tilespmem:$0x28A0];
	_ =	sdelay $0x4  }
0x578: {  	v0 =	vmul.f32 v1, v0;
	_ =	sdelay $0x1  }
0x579: {  	[tilespmem:$0x11410] =	vst v0;
	v0 =	vld [tilespmem:$0xC5A0]  }
0x57a: {  	v1 =	vld.idx.msk [tilespmem:v2+s5+$0x0], $0xffff  }
0x57b: {  	v2 =	vld [tilespmem:$0x28B0];
	_ =	sdelay $0x4  }
0x57c: {  	v0 =	vmul.f32 v1, v0;
	_ =	sdelay $0x1  }
0x57d: {  	[tilespmem:$0x11420] =	vst v0;
	v0 =	vld [tilespmem:$0xC5B0]  }
0x57e: {  	v1 =	vld.idx.msk [tilespmem:v2+s5+$0x0], $0xffff  }
0x57f: {  	v2 =	vld [tilespmem:$0x28C0];
	_ =	sdelay $0x4  }
0x580: {  	v0 =	vmul.f32 v1, v0;
	_ =	sdelay $0x1  }
0x581: {  	[tilespmem:$0x11430] =	vst v0;
	v0 =	vld [tilespmem:$0xC5C0]  }
0x582: {  	v1 =	vld.idx.msk [tilespmem:v2+s5+$0x0], $0xffff  }
0x583: {  	v2 =	vld [tilespmem:$0x28D0];
	_ =	sdelay $0x4  }
0x584: {  	v0 =	vmul.f32 v1, v0;
	_ =	sdelay $0x1  }
0x585: {  	[tilespmem:$0x11440] =	vst v0;
	v0 =	vld [tilespmem:$0xC5D0]  }
0x586: {  	v1 =	vld.idx.msk [tilespmem:v2+s5+$0x0], $0xffff  }
0x587: {  	v2 =	vld [tilespmem:$0x28E0];
	_ =	sdelay $0x4  }
0x588: {  	v0 =	vmul.f32 v1, v0;
	_ =	sdelay $0x1  }
0x589: {  	[tilespmem:$0x11450] =	vst v0;
	v0 =	vld [tilespmem:$0xC5E0]  }
0x58a: {  	v1 =	vld.idx.msk [tilespmem:v2+s5+$0x0], $0xffff  }
0x58b: {  	v2 =	vld [tilespmem:$0x28F0];
	_ =	sdelay $0x4  }
0x58c: {  	v0 =	vmul.f32 v1, v0;
	_ =	sdelay $0x1  }
0x58d: {  	[tilespmem:$0x11460] =	vst v0;
	v0 =	vld [tilespmem:$0xC5F0]  }
0x58e: {  	v1 =	vld.idx.msk [tilespmem:v2+s5+$0x0], $0xffff  }
0x58f: {  	v2 =	vld [tilespmem:$0x2900];
	_ =	sdelay $0x4  }
0x590: {  	v0 =	vmul.f32 v1, v0;
	_ =	sdelay $0x1  }
0x591: {  	[tilespmem:$0x11470] =	vst v0;
	v0 =	vld [tilespmem:$0xC600]  }
0x592: {  	v1 =	vld.idx.msk [tilespmem:v2+s5+$0x0], $0xffff  }
0x593: {  	v2 =	vld [tilespmem:$0x2910];
	_ =	sdelay $0x4  }
0x594: {  	v0 =	vmul.f32 v1, v0;
	_ =	sdelay $0x1  }
0x595: {  	[tilespmem:$0x11480] =	vst v0;
	v0 =	vld [tilespmem:$0xC610]  }
0x596: {  	v1 =	vld.idx.msk [tilespmem:v2+s5+$0x0], $0xffff  }
0x597: {  	v2 =	vld [tilespmem:$0x2920];
	_ =	sdelay $0x4  }
0x598: {  	v0 =	vmul.f32 v1, v0;
	_ =	sdelay $0x1  }
0x599: {  	[tilespmem:$0x11490] =	vst v0;
	v0 =	vld [tilespmem:$0xC620]  }
0x59a: {  	v1 =	vld.idx.msk [tilespmem:v2+s5+$0x0], $0xffff  }
0x59b: {  	v2 =	vld [tilespmem:$0x2930];
	_ =	sdelay $0x4  }
0x59c: {  	v0 =	vmul.f32 v1, v0;
	_ =	sdelay $0x1  }
0x59d: {  	[tilespmem:$0x114A0] =	vst v0;
	v0 =	vld [tilespmem:$0xC630]  }
0x59e: {  	v1 =	vld.idx.msk [tilespmem:v2+s5+$0x0], $0xffff  }
0x59f: {  	v2 =	vld [tilespmem:$0x2940];
	_ =	sdelay $0x4  }
0x5a0: {  	v0 =	vmul.f32 v1, v0;
	_ =	sdelay $0x1  }
0x5a1: {  	[tilespmem:$0x114B0] =	vst v0;
	v0 =	vld [tilespmem:$0xC640]  }
0x5a2: {  	v1 =	vld.idx.msk [tilespmem:v2+s5+$0x0], $0xffff  }
0x5a3: {  	v2 =	vld [tilespmem:$0x2950];
	_ =	sdelay $0x4  }
0x5a4: {  	v0 =	vmul.f32 v1, v0;
	_ =	sdelay $0x1  }
0x5a5: {  	[tilespmem:$0x114C0] =	vst v0;
	v0 =	vld [tilespmem:$0xC650]  }
0x5a6: {  	v1 =	vld.idx.msk [tilespmem:v2+s5+$0x0], $0xffff  }
0x5a7: {  	v2 =	vld [tilespmem:$0x2960];
	_ =	sdelay $0x4  }
0x5a8: {  	v0 =	vmul.f32 v1, v0;
	_ =	sdelay $0x1  }
0x5a9: {  	[tilespmem:$0x114D0] =	vst v0;
	v0 =	vld [tilespmem:$0xC660]  }
0x5aa: {  	v1 =	vld.idx.msk [tilespmem:v2+s5+$0x0], $0xffff  }
0x5ab: {  	v2 =	vld [tilespmem:$0x2970];
	_ =	sdelay $0x4  }
0x5ac: {  	v0 =	vmul.f32 v1, v0;
	_ =	sdelay $0x1  }
0x5ad: {  	[tilespmem:$0x114E0] =	vst v0;
	v0 =	vld [tilespmem:$0xC670]  }
0x5ae: {  	v1 =	vld.idx.msk [tilespmem:v2+s5+$0x0], $0xffff  }
0x5af: {  	v2 =	vld [tilespmem:$0x2980];
	_ =	sdelay $0x4  }
0x5b0: {  	v0 =	vmul.f32 v1, v0;
	_ =	sdelay $0x1  }
0x5b1: {  	[tilespmem:$0x114F0] =	vst v0;
	v0 =	vld [tilespmem:$0xC680]  }
0x5b2: {  	v1 =	vld.idx.msk [tilespmem:v2+s5+$0x0], $0xffff  }
0x5b3: {  	v2 =	vld [tilespmem:$0x2990];
	_ =	sdelay $0x4  }
0x5b4: {  	v0 =	vmul.f32 v1, v0;
	_ =	sdelay $0x1  }
0x5b5: {  	[tilespmem:$0x11500] =	vst v0;
	v0 =	vld [tilespmem:$0xC690]  }
0x5b6: {  	v1 =	vld.idx.msk [tilespmem:v2+s5+$0x0], $0xffff  }
0x5b7: {  	v2 =	vld [tilespmem:$0x29A0];
	_ =	sdelay $0x4  }
0x5b8: {  	v0 =	vmul.f32 v1, v0;
	_ =	sdelay $0x1  }
0x5b9: {  	[tilespmem:$0x11510] =	vst v0;
	v0 =	vld [tilespmem:$0xC6A0]  }
0x5ba: {  	v1 =	vld.idx.msk [tilespmem:v2+s5+$0x0], $0xffff  }
0x5bb: {  	v2 =	vld [tilespmem:$0x29B0];
	_ =	sdelay $0x4  }
0x5bc: {  	v0 =	vmul.f32 v1, v0;
	_ =	sdelay $0x1  }
0x5bd: {  	[tilespmem:$0x11520] =	vst v0;
	v0 =	vld [tilespmem:$0xC6B0]  }
0x5be: {  	v1 =	vld.idx.msk [tilespmem:v2+s5+$0x0], $0xffff  }
0x5bf: {  	v2 =	vld [tilespmem:$0x29C0];
	_ =	sdelay $0x4  }
0x5c0: {  	v0 =	vmul.f32 v1, v0;
	_ =	sdelay $0x1  }
0x5c1: {  	[tilespmem:$0x11530] =	vst v0;
	v0 =	vld [tilespmem:$0xC6C0]  }
0x5c2: {  	v1 =	vld.idx.msk [tilespmem:v2+s5+$0x0], $0xffff  }
0x5c3: {  	v2 =	vld [tilespmem:$0x29D0];
	_ =	sdelay $0x4  }
0x5c4: {  	v0 =	vmul.f32 v1, v0;
	_ =	sdelay $0x1  }
0x5c5: {  	[tilespmem:$0x11540] =	vst v0;
	v0 =	vld [tilespmem:$0xC6D0]  }
0x5c6: {  	v1 =	vld.idx.msk [tilespmem:v2+s5+$0x0], $0xffff  }
0x5c7: {  	v2 =	vld [tilespmem:$0x29E0];
	_ =	sdelay $0x4  }
0x5c8: {  	v0 =	vmul.f32 v1, v0;
	_ =	sdelay $0x1  }
0x5c9: {  	[tilespmem:$0x11550] =	vst v0;
	v0 =	vld [tilespmem:$0xC6E0]  }
0x5ca: {  	v1 =	vld.idx.msk [tilespmem:v2+s5+$0x0], $0xffff  }
0x5cb: {  	v2 =	vld [tilespmem:$0x29F0];
	_ =	sdelay $0x4  }
0x5cc: {  	v0 =	vmul.f32 v1, v0;
	_ =	sdelay $0x1  }
0x5cd: {  	[tilespmem:$0x11560] =	vst v0;
	v0 =	vld [tilespmem:$0xC6F0]  }
0x5ce: {  	v1 =	vld.idx.msk [tilespmem:v2+s5+$0x0], $0xffff;
	_ =	sdelay $0x4  }
0x5cf: {  	v0 =	vmul.f32 v1, v0  }
0x5d0: {  	s29 =	simm.s32 $0x200  }
0x5d1: {  	s30 =	simm.s32 $0x16200;
	s31 =	simm.s32 $0x11380;
	s6 =	simm.s32 $0x0;
	[tilespmem:$0x11570] =	vst v0  }
0x5d2: {  	[spmem:s2] =	stream.indirect.scatter.add.f32 [tilespmem:s31], [sflag:$0x2], $0x1, s30, s29, $0xb8;
	[tilespmem:$0x1B800] =	vst v63  }
0x5d3: {  	v0 =	vld [tilespmem:s6+$0x2A00];
	_ =	sdelay $0x5  }
0x5d4: {  	v1 =	vld [tilespmem:s6+$0xC700]  }
0x5d5: {  	v2 =	vld [tilespmem:s6+$0x2A10]  }
0x5d6: {  	v0 =	vld.idx.msk [tilespmem:v0+s5+$0x0], $0xffff;
	_ =	sdelay $0x4  }
0x5d7: {  	v0 =	vmul.f32 v0, v1;
	_ =	sdelay $0x1  }
0x5d8: {  	[tilespmem:s6+$0x11580] =	vst v0;
	v0 =	vld [tilespmem:s6+$0xC710]  }
0x5d9: {  	v1 =	vld.idx.msk [tilespmem:v2+s5+$0x0], $0xffff  }
0x5da: {  	v2 =	vld [tilespmem:s6+$0x2A20];
	_ =	sdelay $0x4  }
0x5db: {  	v0 =	vmul.f32 v1, v0;
	_ =	sdelay $0x1  }
0x5dc: {  	[tilespmem:s6+$0x11590] =	vst v0;
	v0 =	vld [tilespmem:s6+$0xC720]  }
0x5dd: {  	v1 =	vld.idx.msk [tilespmem:v2+s5+$0x0], $0xffff  }
0x5de: {  	v2 =	vld [tilespmem:s6+$0x2A30];
	_ =	sdelay $0x4  }
0x5df: {  	v0 =	vmul.f32 v1, v0;
	_ =	sdelay $0x1  }
0x5e0: {  	[tilespmem:s6+$0x115A0] =	vst v0;
	v0 =	vld [tilespmem:s6+$0xC730]  }
0x5e1: {  	v1 =	vld.idx.msk [tilespmem:v2+s5+$0x0], $0xffff  }
0x5e2: {  	v2 =	vld [tilespmem:s6+$0x2A40];
	_ =	sdelay $0x4  }
0x5e3: {  	v0 =	vmul.f32 v1, v0;
	_ =	sdelay $0x1  }
0x5e4: {  	[tilespmem:s6+$0x115B0] =	vst v0;
	v0 =	vld [tilespmem:s6+$0xC740]  }
0x5e5: {  	v1 =	vld.idx.msk [tilespmem:v2+s5+$0x0], $0xffff  }
0x5e6: {  	v2 =	vld [tilespmem:s6+$0x2A50];
	_ =	sdelay $0x4  }
0x5e7: {  	v0 =	vmul.f32 v1, v0;
	_ =	sdelay $0x1  }
0x5e8: {  	[tilespmem:s6+$0x115C0] =	vst v0;
	v0 =	vld [tilespmem:s6+$0xC750]  }
0x5e9: {  	v1 =	vld.idx.msk [tilespmem:v2+s5+$0x0], $0xffff  }
0x5ea: {  	v2 =	vld [tilespmem:s6+$0x2A60];
	_ =	sdelay $0x4  }
0x5eb: {  	v0 =	vmul.f32 v1, v0;
	_ =	sdelay $0x1  }
0x5ec: {  	[tilespmem:s6+$0x115D0] =	vst v0;
	v0 =	vld [tilespmem:s6+$0xC760]  }
0x5ed: {  	v1 =	vld.idx.msk [tilespmem:v2+s5+$0x0], $0xffff  }
0x5ee: {  	v2 =	vld [tilespmem:s6+$0x2A70];
	_ =	sdelay $0x4  }
0x5ef: {  	v0 =	vmul.f32 v1, v0;
	_ =	sdelay $0x1  }
0x5f0: {  	[tilespmem:s6+$0x115E0] =	vst v0;
	v0 =	vld [tilespmem:s6+$0xC770]  }
0x5f1: {  	s8 =	simm.s32 $0x80;
	s7 =	simm.s32 $0x400;
	v1 =	vld.idx.msk [tilespmem:v2+s5+$0x0], $0xffff  }
.LBB2_20:
0x5f2: {  	p0 =	sne.s32 s7, $0xE00;
	v2 =	vld [tilespmem:s8+$0x2A00];
	_ =	sdelay $0x4  }
0x5f3: {  	v0 =	vmul.f32 v1, v0;
	_ =	sdelay $0x1  }
0x5f4: {  	v1 =	vld [tilespmem:s8+$0xC700];
	[tilespmem:s6+$0x115F0] =	vst v0;
	s6 =	smov.u32 s8  }
0x5f5: {  	v0 =	vld.idx.msk [tilespmem:v2+s5+$0x0], $0xffff  }
0x5f6: {  	v2 =	vld [tilespmem:s6+$0x2A10];
	_ =	sdelay $0x4  }
0x5f7: {  	v0 =	vmul.f32 v0, v1;
	_ =	sdelay $0x1  }
0x5f8: {  	[tilespmem:s6+$0x11580] =	vst v0;
	v0 =	vld [tilespmem:s6+$0xC710]  }
0x5f9: {  	v1 =	vld.idx.msk [tilespmem:v2+s5+$0x0], $0xffff  }
0x5fa: {  	v2 =	vld [tilespmem:s6+$0x2A20];
	_ =	sdelay $0x4  }
0x5fb: {  	v0 =	vmul.f32 v1, v0;
	_ =	sdelay $0x1  }
0x5fc: {  	[tilespmem:s6+$0x11590] =	vst v0;
	v0 =	vld [tilespmem:s6+$0xC720]  }
0x5fd: {  	v1 =	vld.idx.msk [tilespmem:v2+s5+$0x0], $0xffff  }
0x5fe: {  	v2 =	vld [tilespmem:s6+$0x2A30];
	_ =	sdelay $0x4  }
0x5ff: {  	v0 =	vmul.f32 v1, v0;
	_ =	sdelay $0x1  }
0x600: {  	[tilespmem:s6+$0x115A0] =	vst v0;
	v0 =	vld [tilespmem:s6+$0xC730]  }
0x601: {  	v1 =	vld.idx.msk [tilespmem:v2+s5+$0x0], $0xffff  }
0x602: {  	v2 =	vld [tilespmem:s6+$0x2A40];
	_ =	sdelay $0x4  }
0x603: {  	v0 =	vmul.f32 v1, v0;
	_ =	sdelay $0x1  }
0x604: {  	[tilespmem:s6+$0x115B0] =	vst v0;
	v0 =	vld [tilespmem:s6+$0xC740]  }
0x605: {  	v1 =	vld.idx.msk [tilespmem:v2+s5+$0x0], $0xffff  }
0x606: {  	v2 =	vld [tilespmem:s6+$0x2A50];
	_ =	sdelay $0x4  }
0x607: {  	v0 =	vmul.f32 v1, v0;
	_ =	sdelay $0x1  }
0x608: {  	[tilespmem:s6+$0x115C0] =	vst v0;
	v0 =	vld [tilespmem:s6+$0xC750]  }
0x609: {  	v1 =	vld.idx.msk [tilespmem:v2+s5+$0x0], $0xffff  }
0x60a: {  	v2 =	vld [tilespmem:s6+$0x2A60];
	_ =	sdelay $0x4  }
0x60b: {  	v0 =	vmul.f32 v1, v0;
	_ =	sdelay $0x1  }
0x60c: {  	[tilespmem:s6+$0x115D0] =	vst v0;
	v0 =	vld [tilespmem:s6+$0xC760]  }
0x60d: {  	v1 =	vld.idx.msk [tilespmem:v2+s5+$0x0], $0xffff  }
0x60e: {  	v2 =	vld [tilespmem:s6+$0x2A70];
	_ =	sdelay $0x3  }
.Ltmp10:
0x60f: {  	(pc) =	sbr.rel @p0 .LBB2_20-.Ltmp10, $3  }
0x610: {  	v0 =	vmul.f32 v1, v0;
	_ =	sdelay $0x1  }
0x611: {  	[tilespmem:s6+$0x115E0] =	vst v0;
	v0 =	vld [tilespmem:s6+$0xC770]  }
0x612: {  	s8 =	sshra.s32 s7, $0x2;
	s7 =	sadd.s32 $0x200, s7;
	v1 =	vld.idx.msk [tilespmem:v2+s5+$0x0], $0xffff  }
0x613: {  	v2 =	vld [tilespmem:s8+$0x2A00];
	_ =	sdelay $0x4  }
0x614: {  	v0 =	vmul.f32 v1, v0;
	_ =	sdelay $0x1  }
0x615: {  	v1 =	vld [tilespmem:s8+$0xC700];
	[tilespmem:s6+$0x115F0] =	vst v0  }
0x616: {  	v0 =	vld.idx.msk [tilespmem:v2+s5+$0x0], $0xffff  }
0x617: {  	v2 =	vld [tilespmem:s8+$0x2A10];
	_ =	sdelay $0x4  }
0x618: {  	v0 =	vmul.f32 v0, v1;
	_ =	sdelay $0x1  }
0x619: {  	[tilespmem:s8+$0x11580] =	vst v0;
	v0 =	vld [tilespmem:s8+$0xC710]  }
0x61a: {  	v1 =	vld.idx.msk [tilespmem:v2+s5+$0x0], $0xffff  }
0x61b: {  	v2 =	vld [tilespmem:s8+$0x2A20];
	_ =	sdelay $0x4  }
0x61c: {  	v0 =	vmul.f32 v1, v0;
	_ =	sdelay $0x1  }
0x61d: {  	[tilespmem:s8+$0x11590] =	vst v0;
	v0 =	vld [tilespmem:s8+$0xC720]  }
0x61e: {  	v1 =	vld.idx.msk [tilespmem:v2+s5+$0x0], $0xffff  }
0x61f: {  	v2 =	vld [tilespmem:s8+$0x2A30];
	_ =	sdelay $0x4  }
0x620: {  	v0 =	vmul.f32 v1, v0;
	_ =	sdelay $0x1  }
0x621: {  	[tilespmem:s8+$0x115A0] =	vst v0;
	v0 =	vld [tilespmem:s8+$0xC730]  }
0x622: {  	v1 =	vld.idx.msk [tilespmem:v2+s5+$0x0], $0xffff  }
0x623: {  	v2 =	vld [tilespmem:s8+$0x2A40];
	_ =	sdelay $0x4  }
0x624: {  	v0 =	vmul.f32 v1, v0;
	_ =	sdelay $0x1  }
0x625: {  	[tilespmem:s8+$0x115B0] =	vst v0;
	v0 =	vld [tilespmem:s8+$0xC740]  }
0x626: {  	v1 =	vld.idx.msk [tilespmem:v2+s5+$0x0], $0xffff  }
0x627: {  	v2 =	vld [tilespmem:s8+$0x2A50];
	_ =	sdelay $0x4  }
0x628: {  	v0 =	vmul.f32 v1, v0;
	_ =	sdelay $0x1  }
0x629: {  	[tilespmem:s8+$0x115C0] =	vst v0;
	v0 =	vld [tilespmem:s8+$0xC750]  }
0x62a: {  	v1 =	vld.idx.msk [tilespmem:v2+s5+$0x0], $0xffff  }
0x62b: {  	v2 =	vld [tilespmem:s8+$0x2A60];
	_ =	sdelay $0x4  }
0x62c: {  	v0 =	vmul.f32 v1, v0;
	_ =	sdelay $0x1  }
0x62d: {  	[tilespmem:s8+$0x115D0] =	vst v0;
	v0 =	vld [tilespmem:s8+$0xC760]  }
0x62e: {  	v1 =	vld.idx.msk [tilespmem:v2+s5+$0x0], $0xffff  }
0x62f: {  	v2 =	vld [tilespmem:s8+$0x2A70];
	_ =	sdelay $0x4  }
0x630: {  	v0 =	vmul.f32 v1, v0;
	_ =	sdelay $0x1  }
0x631: {  	[tilespmem:s8+$0x115E0] =	vst v0;
	v0 =	vld [tilespmem:s8+$0xC770]  }
0x632: {  	v1 =	vld.idx.msk [tilespmem:v2+s5+$0x0], $0xffff;
	_ =	sdelay $0x4  }
0x633: {  	v0 =	vmul.f32 v1, v0  }
0x634: {  	s30 =	simm.s32 $0x400  }
0x635: {  	s31 =	simm.s32 $0x16400;
	s7 =	simm.s32 $0x11580;
	s6 =	simm.s32 $0x0;
	[tilespmem:s8+$0x115F0] =	vst v0  }
0x636: {  	[spmem:s2] =	stream.indirect.scatter.add.f32 [tilespmem:s7], [sflag:$0x2], $0x1, s31, s30, $0xb8;
	[tilespmem:$0x1B800] =	vst v63  }
0x637: {  	v0 =	vld [tilespmem:s6+$0x2E00];
	_ =	sdelay $0x5  }
0x638: {  	v1 =	vld [tilespmem:s6+$0xCB00]  }
0x639: {  	s5 =	simm.s32 $0x0;
	v2 =	vld [tilespmem:s6+$0x2E10]  }
0x63a: {  	v0 =	vld.idx.msk [tilespmem:v0+s5+$0x0], $0xffff;
	_ =	sdelay $0x4  }
0x63b: {  	v0 =	vmul.f32 v0, v1;
	_ =	sdelay $0x1  }
0x63c: {  	[tilespmem:s6+$0x11980] =	vst v0;
	v0 =	vld [tilespmem:s6+$0xCB10]  }
0x63d: {  	v1 =	vld.idx.msk [tilespmem:v2+s5+$0x0], $0xffff  }
0x63e: {  	v2 =	vld [tilespmem:s6+$0x2E20];
	_ =	sdelay $0x4  }
0x63f: {  	v0 =	vmul.f32 v1, v0;
	_ =	sdelay $0x1  }
0x640: {  	[tilespmem:s6+$0x11990] =	vst v0;
	v0 =	vld [tilespmem:s6+$0xCB20]  }
0x641: {  	v1 =	vld.idx.msk [tilespmem:v2+s5+$0x0], $0xffff  }
0x642: {  	v2 =	vld [tilespmem:s6+$0x2E30];
	_ =	sdelay $0x4  }
0x643: {  	v0 =	vmul.f32 v1, v0;
	_ =	sdelay $0x1  }
0x644: {  	[tilespmem:s6+$0x119A0] =	vst v0;
	v0 =	vld [tilespmem:s6+$0xCB30]  }
0x645: {  	v1 =	vld.idx.msk [tilespmem:v2+s5+$0x0], $0xffff  }
0x646: {  	v2 =	vld [tilespmem:s6+$0x2E40];
	_ =	sdelay $0x4  }
0x647: {  	v0 =	vmul.f32 v1, v0;
	_ =	sdelay $0x1  }
0x648: {  	[tilespmem:s6+$0x119B0] =	vst v0;
	v0 =	vld [tilespmem:s6+$0xCB40]  }
0x649: {  	v1 =	vld.idx.msk [tilespmem:v2+s5+$0x0], $0xffff  }
0x64a: {  	v2 =	vld [tilespmem:s6+$0x2E50];
	_ =	sdelay $0x4  }
0x64b: {  	v0 =	vmul.f32 v1, v0;
	_ =	sdelay $0x1  }
0x64c: {  	[tilespmem:s6+$0x119C0] =	vst v0;
	v0 =	vld [tilespmem:s6+$0xCB50]  }
0x64d: {  	v1 =	vld.idx.msk [tilespmem:v2+s5+$0x0], $0xffff  }
0x64e: {  	v2 =	vld [tilespmem:s6+$0x2E60];
	_ =	sdelay $0x4  }
0x64f: {  	v0 =	vmul.f32 v1, v0;
	_ =	sdelay $0x1  }
0x650: {  	[tilespmem:s6+$0x119D0] =	vst v0;
	v0 =	vld [tilespmem:s6+$0xCB60]  }
0x651: {  	v1 =	vld.idx.msk [tilespmem:v2+s5+$0x0], $0xffff  }
0x652: {  	v2 =	vld [tilespmem:s6+$0x2E70];
	_ =	sdelay $0x4  }
0x653: {  	v0 =	vmul.f32 v1, v0;
	_ =	sdelay $0x1  }
0x654: {  	[tilespmem:s6+$0x119E0] =	vst v0;
	v0 =	vld [tilespmem:s6+$0xCB70]  }
0x655: {  	s8 =	simm.s32 $0x80;
	s7 =	simm.s32 $0x400;
	v1 =	vld.idx.msk [tilespmem:v2+s5+$0x0], $0xffff  }
.LBB2_22:
0x656: {  	p0 =	sne.s32 s7, $0x1600;
	v2 =	vld [tilespmem:s8+$0x2E00];
	_ =	sdelay $0x4  }
0x657: {  	v0 =	vmul.f32 v1, v0;
	_ =	sdelay $0x1  }
0x658: {  	v1 =	vld [tilespmem:s8+$0xCB00];
	[tilespmem:s6+$0x119F0] =	vst v0;
	s6 =	smov.u32 s8  }
0x659: {  	v0 =	vld.idx.msk [tilespmem:v2+s5+$0x0], $0xffff  }
0x65a: {  	v2 =	vld [tilespmem:s6+$0x2E10];
	_ =	sdelay $0x4  }
0x65b: {  	v0 =	vmul.f32 v0, v1;
	_ =	sdelay $0x1  }
0x65c: {  	[tilespmem:s6+$0x11980] =	vst v0;
	v0 =	vld [tilespmem:s6+$0xCB10]  }
0x65d: {  	v1 =	vld.idx.msk [tilespmem:v2+s5+$0x0], $0xffff  }
0x65e: {  	v2 =	vld [tilespmem:s6+$0x2E20];
	_ =	sdelay $0x4  }
0x65f: {  	v0 =	vmul.f32 v1, v0;
	_ =	sdelay $0x1  }
0x660: {  	[tilespmem:s6+$0x11990] =	vst v0;
	v0 =	vld [tilespmem:s6+$0xCB20]  }
0x661: {  	v1 =	vld.idx.msk [tilespmem:v2+s5+$0x0], $0xffff  }
0x662: {  	v2 =	vld [tilespmem:s6+$0x2E30];
	_ =	sdelay $0x4  }
0x663: {  	v0 =	vmul.f32 v1, v0;
	_ =	sdelay $0x1  }
0x664: {  	[tilespmem:s6+$0x119A0] =	vst v0;
	v0 =	vld [tilespmem:s6+$0xCB30]  }
0x665: {  	v1 =	vld.idx.msk [tilespmem:v2+s5+$0x0], $0xffff  }
0x666: {  	v2 =	vld [tilespmem:s6+$0x2E40];
	_ =	sdelay $0x4  }
0x667: {  	v0 =	vmul.f32 v1, v0;
	_ =	sdelay $0x1  }
0x668: {  	[tilespmem:s6+$0x119B0] =	vst v0;
	v0 =	vld [tilespmem:s6+$0xCB40]  }
0x669: {  	v1 =	vld.idx.msk [tilespmem:v2+s5+$0x0], $0xffff  }
0x66a: {  	v2 =	vld [tilespmem:s6+$0x2E50];
	_ =	sdelay $0x4  }
0x66b: {  	v0 =	vmul.f32 v1, v0;
	_ =	sdelay $0x1  }
0x66c: {  	[tilespmem:s6+$0x119C0] =	vst v0;
	v0 =	vld [tilespmem:s6+$0xCB50]  }
0x66d: {  	v1 =	vld.idx.msk [tilespmem:v2+s5+$0x0], $0xffff  }
0x66e: {  	v2 =	vld [tilespmem:s6+$0x2E60];
	_ =	sdelay $0x4  }
0x66f: {  	v0 =	vmul.f32 v1, v0;
	_ =	sdelay $0x1  }
0x670: {  	[tilespmem:s6+$0x119D0] =	vst v0;
	v0 =	vld [tilespmem:s6+$0xCB60]  }
0x671: {  	v1 =	vld.idx.msk [tilespmem:v2+s5+$0x0], $0xffff  }
0x672: {  	v2 =	vld [tilespmem:s6+$0x2E70];
	_ =	sdelay $0x3  }
.Ltmp11:
0x673: {  	(pc) =	sbr.rel @p0 .LBB2_22-.Ltmp11, $3  }
0x674: {  	v0 =	vmul.f32 v1, v0;
	_ =	sdelay $0x1  }
0x675: {  	[tilespmem:s6+$0x119E0] =	vst v0;
	v0 =	vld [tilespmem:s6+$0xCB70]  }
0x676: {  	s8 =	sshra.s32 s7, $0x2;
	s7 =	sadd.s32 $0x200, s7;
	v1 =	vld.idx.msk [tilespmem:v2+s5+$0x0], $0xffff  }
0x677: {  	v2 =	vld [tilespmem:s8+$0x2E00];
	_ =	sdelay $0x4  }
0x678: {  	v0 =	vmul.f32 v1, v0;
	_ =	sdelay $0x1  }
0x679: {  	v1 =	vld [tilespmem:s8+$0xCB00];
	[tilespmem:s6+$0x119F0] =	vst v0  }
0x67a: {  	v0 =	vld.idx.msk [tilespmem:v2+s5+$0x0], $0xffff  }
0x67b: {  	v2 =	vld [tilespmem:s8+$0x2E10];
	_ =	sdelay $0x4  }
0x67c: {  	v0 =	vmul.f32 v0, v1;
	_ =	sdelay $0x1  }
0x67d: {  	[tilespmem:s8+$0x11980] =	vst v0;
	v0 =	vld [tilespmem:s8+$0xCB10]  }
0x67e: {  	v1 =	vld.idx.msk [tilespmem:v2+s5+$0x0], $0xffff  }
0x67f: {  	v2 =	vld [tilespmem:s8+$0x2E20];
	_ =	sdelay $0x4  }
0x680: {  	v0 =	vmul.f32 v1, v0;
	_ =	sdelay $0x1  }
0x681: {  	[tilespmem:s8+$0x11990] =	vst v0;
	v0 =	vld [tilespmem:s8+$0xCB20]  }
0x682: {  	v1 =	vld.idx.msk [tilespmem:v2+s5+$0x0], $0xffff  }
0x683: {  	v2 =	vld [tilespmem:s8+$0x2E30];
	_ =	sdelay $0x4  }
0x684: {  	v0 =	vmul.f32 v1, v0;
	_ =	sdelay $0x1  }
0x685: {  	[tilespmem:s8+$0x119A0] =	vst v0;
	v0 =	vld [tilespmem:s8+$0xCB30]  }
0x686: {  	v1 =	vld.idx.msk [tilespmem:v2+s5+$0x0], $0xffff  }
0x687: {  	v2 =	vld [tilespmem:s8+$0x2E40];
	_ =	sdelay $0x4  }
0x688: {  	v0 =	vmul.f32 v1, v0;
	_ =	sdelay $0x1  }
0x689: {  	[tilespmem:s8+$0x119B0] =	vst v0;
	v0 =	vld [tilespmem:s8+$0xCB40]  }
0x68a: {  	v1 =	vld.idx.msk [tilespmem:v2+s5+$0x0], $0xffff  }
0x68b: {  	v2 =	vld [tilespmem:s8+$0x2E50];
	_ =	sdelay $0x4  }
0x68c: {  	v0 =	vmul.f32 v1, v0;
	_ =	sdelay $0x1  }
0x68d: {  	[tilespmem:s8+$0x119C0] =	vst v0;
	v0 =	vld [tilespmem:s8+$0xCB50]  }
0x68e: {  	v1 =	vld.idx.msk [tilespmem:v2+s5+$0x0], $0xffff  }
0x68f: {  	v2 =	vld [tilespmem:s8+$0x2E60];
	_ =	sdelay $0x4  }
0x690: {  	v0 =	vmul.f32 v1, v0;
	_ =	sdelay $0x1  }
0x691: {  	[tilespmem:s8+$0x119D0] =	vst v0;
	v0 =	vld [tilespmem:s8+$0xCB60]  }
0x692: {  	v1 =	vld.idx.msk [tilespmem:v2+s5+$0x0], $0xffff  }
0x693: {  	v2 =	vld [tilespmem:s8+$0x2E70];
	_ =	sdelay $0x4  }
0x694: {  	v0 =	vmul.f32 v1, v0;
	_ =	sdelay $0x1  }
0x695: {  	[tilespmem:s8+$0x119E0] =	vst v0;
	v0 =	vld [tilespmem:s8+$0xCB70]  }
0x696: {  	v1 =	vld.idx.msk [tilespmem:v2+s5+$0x0], $0xffff;
	_ =	sdelay $0x4  }
0x697: {  	v0 =	vmul.f32 v1, v0  }
0x698: {  	s30 =	simm.s32 $0x600  }
0x699: {  	s31 =	simm.s32 $0x16800;
	s7 =	simm.s32 $0x11980;
	s6 =	simm.s32 $0x0;
	[tilespmem:s8+$0x119F0] =	vst v0  }
0x69a: {  	[spmem:s2] =	stream.indirect.scatter.add.f32 [tilespmem:s7], [sflag:$0x2], $0x1, s31, s30, $0xb8;
	[tilespmem:$0x1B800] =	vst v63  }
0x69b: {  	v0 =	vld [tilespmem:s6+$0x3400];
	_ =	sdelay $0x5  }
0x69c: {  	v1 =	vld [tilespmem:s6+$0xD100]  }
0x69d: {  	s5 =	simm.s32 $0x0;
	v2 =	vld [tilespmem:s6+$0x3410]  }
0x69e: {  	v0 =	vld.idx.msk [tilespmem:v0+s5+$0x0], $0xffff;
	_ =	sdelay $0x4  }
0x69f: {  	v0 =	vmul.f32 v0, v1;
	_ =	sdelay $0x1  }
0x6a0: {  	[tilespmem:s6+$0x11F80] =	vst v0;
	v0 =	vld [tilespmem:s6+$0xD110]  }
0x6a1: {  	v1 =	vld.idx.msk [tilespmem:v2+s5+$0x0], $0xffff  }
0x6a2: {  	v2 =	vld [tilespmem:s6+$0x3420];
	_ =	sdelay $0x4  }
0x6a3: {  	v0 =	vmul.f32 v1, v0;
	_ =	sdelay $0x1  }
0x6a4: {  	[tilespmem:s6+$0x11F90] =	vst v0;
	v0 =	vld [tilespmem:s6+$0xD120]  }
0x6a5: {  	v1 =	vld.idx.msk [tilespmem:v2+s5+$0x0], $0xffff  }
0x6a6: {  	v2 =	vld [tilespmem:s6+$0x3430];
	_ =	sdelay $0x4  }
0x6a7: {  	v0 =	vmul.f32 v1, v0;
	_ =	sdelay $0x1  }
0x6a8: {  	[tilespmem:s6+$0x11FA0] =	vst v0;
	v0 =	vld [tilespmem:s6+$0xD130]  }
0x6a9: {  	v1 =	vld.idx.msk [tilespmem:v2+s5+$0x0], $0xffff  }
0x6aa: {  	v2 =	vld [tilespmem:s6+$0x3440];
	_ =	sdelay $0x4  }
0x6ab: {  	v0 =	vmul.f32 v1, v0;
	_ =	sdelay $0x1  }
0x6ac: {  	[tilespmem:s6+$0x11FB0] =	vst v0;
	v0 =	vld [tilespmem:s6+$0xD140]  }
0x6ad: {  	v1 =	vld.idx.msk [tilespmem:v2+s5+$0x0], $0xffff  }
0x6ae: {  	v2 =	vld [tilespmem:s6+$0x3450];
	_ =	sdelay $0x4  }
0x6af: {  	v0 =	vmul.f32 v1, v0;
	_ =	sdelay $0x1  }
0x6b0: {  	[tilespmem:s6+$0x11FC0] =	vst v0;
	v0 =	vld [tilespmem:s6+$0xD150]  }
0x6b1: {  	v1 =	vld.idx.msk [tilespmem:v2+s5+$0x0], $0xffff  }
0x6b2: {  	v2 =	vld [tilespmem:s6+$0x3460];
	_ =	sdelay $0x4  }
0x6b3: {  	v0 =	vmul.f32 v1, v0;
	_ =	sdelay $0x1  }
0x6b4: {  	[tilespmem:s6+$0x11FD0] =	vst v0;
	v0 =	vld [tilespmem:s6+$0xD160]  }
0x6b5: {  	v1 =	vld.idx.msk [tilespmem:v2+s5+$0x0], $0xffff  }
0x6b6: {  	v2 =	vld [tilespmem:s6+$0x3470];
	_ =	sdelay $0x4  }
0x6b7: {  	v0 =	vmul.f32 v1, v0;
	_ =	sdelay $0x1  }
0x6b8: {  	[tilespmem:s6+$0x11FE0] =	vst v0;
	v0 =	vld [tilespmem:s6+$0xD170]  }
0x6b9: {  	s8 =	simm.s32 $0x80;
	s7 =	simm.s32 $0x400;
	v1 =	vld.idx.msk [tilespmem:v2+s5+$0x0], $0xffff  }
.LBB2_24:
0x6ba: {  	p0 =	sne.s32 s7, $0x1E00;
	v2 =	vld [tilespmem:s8+$0x3400];
	_ =	sdelay $0x4  }
0x6bb: {  	v0 =	vmul.f32 v1, v0;
	_ =	sdelay $0x1  }
0x6bc: {  	v1 =	vld [tilespmem:s8+$0xD100];
	[tilespmem:s6+$0x11FF0] =	vst v0;
	s6 =	smov.u32 s8  }
0x6bd: {  	v0 =	vld.idx.msk [tilespmem:v2+s5+$0x0], $0xffff  }
0x6be: {  	v2 =	vld [tilespmem:s6+$0x3410];
	_ =	sdelay $0x4  }
0x6bf: {  	v0 =	vmul.f32 v0, v1;
	_ =	sdelay $0x1  }
0x6c0: {  	[tilespmem:s6+$0x11F80] =	vst v0;
	v0 =	vld [tilespmem:s6+$0xD110]  }
0x6c1: {  	v1 =	vld.idx.msk [tilespmem:v2+s5+$0x0], $0xffff  }
0x6c2: {  	v2 =	vld [tilespmem:s6+$0x3420];
	_ =	sdelay $0x4  }
0x6c3: {  	v0 =	vmul.f32 v1, v0;
	_ =	sdelay $0x1  }
0x6c4: {  	[tilespmem:s6+$0x11F90] =	vst v0;
	v0 =	vld [tilespmem:s6+$0xD120]  }
0x6c5: {  	v1 =	vld.idx.msk [tilespmem:v2+s5+$0x0], $0xffff  }
0x6c6: {  	v2 =	vld [tilespmem:s6+$0x3430];
	_ =	sdelay $0x4  }
0x6c7: {  	v0 =	vmul.f32 v1, v0;
	_ =	sdelay $0x1  }
0x6c8: {  	[tilespmem:s6+$0x11FA0] =	vst v0;
	v0 =	vld [tilespmem:s6+$0xD130]  }
0x6c9: {  	v1 =	vld.idx.msk [tilespmem:v2+s5+$0x0], $0xffff  }
0x6ca: {  	v2 =	vld [tilespmem:s6+$0x3440];
	_ =	sdelay $0x4  }
0x6cb: {  	v0 =	vmul.f32 v1, v0;
	_ =	sdelay $0x1  }
0x6cc: {  	[tilespmem:s6+$0x11FB0] =	vst v0;
	v0 =	vld [tilespmem:s6+$0xD140]  }
0x6cd: {  	v1 =	vld.idx.msk [tilespmem:v2+s5+$0x0], $0xffff  }
0x6ce: {  	v2 =	vld [tilespmem:s6+$0x3450];
	_ =	sdelay $0x4  }
0x6cf: {  	v0 =	vmul.f32 v1, v0;
	_ =	sdelay $0x1  }
0x6d0: {  	[tilespmem:s6+$0x11FC0] =	vst v0;
	v0 =	vld [tilespmem:s6+$0xD150]  }
0x6d1: {  	v1 =	vld.idx.msk [tilespmem:v2+s5+$0x0], $0xffff  }
0x6d2: {  	v2 =	vld [tilespmem:s6+$0x3460];
	_ =	sdelay $0x4  }
0x6d3: {  	v0 =	vmul.f32 v1, v0;
	_ =	sdelay $0x1  }
0x6d4: {  	[tilespmem:s6+$0x11FD0] =	vst v0;
	v0 =	vld [tilespmem:s6+$0xD160]  }
0x6d5: {  	v1 =	vld.idx.msk [tilespmem:v2+s5+$0x0], $0xffff  }
0x6d6: {  	v2 =	vld [tilespmem:s6+$0x3470];
	_ =	sdelay $0x3  }
.Ltmp12:
0x6d7: {  	(pc) =	sbr.rel @p0 .LBB2_24-.Ltmp12, $3  }
0x6d8: {  	v0 =	vmul.f32 v1, v0;
	_ =	sdelay $0x1  }
0x6d9: {  	[tilespmem:s6+$0x11FE0] =	vst v0;
	v0 =	vld [tilespmem:s6+$0xD170]  }
0x6da: {  	s8 =	sshra.s32 s7, $0x2;
	s7 =	sadd.s32 $0x200, s7;
	v1 =	vld.idx.msk [tilespmem:v2+s5+$0x0], $0xffff  }
0x6db: {  	v2 =	vld [tilespmem:s8+$0x3400];
	_ =	sdelay $0x4  }
0x6dc: {  	v0 =	vmul.f32 v1, v0;
	_ =	sdelay $0x1  }
0x6dd: {  	v1 =	vld [tilespmem:s8+$0xD100];
	[tilespmem:s6+$0x11FF0] =	vst v0  }
0x6de: {  	v0 =	vld.idx.msk [tilespmem:v2+s5+$0x0], $0xffff  }
0x6df: {  	v2 =	vld [tilespmem:s8+$0x3410];
	_ =	sdelay $0x4  }
0x6e0: {  	v0 =	vmul.f32 v0, v1;
	_ =	sdelay $0x1  }
0x6e1: {  	[tilespmem:s8+$0x11F80] =	vst v0;
	v0 =	vld [tilespmem:s8+$0xD110]  }
0x6e2: {  	v1 =	vld.idx.msk [tilespmem:v2+s5+$0x0], $0xffff  }
0x6e3: {  	v2 =	vld [tilespmem:s8+$0x3420];
	_ =	sdelay $0x4  }
0x6e4: {  	v0 =	vmul.f32 v1, v0;
	_ =	sdelay $0x1  }
0x6e5: {  	[tilespmem:s8+$0x11F90] =	vst v0;
	v0 =	vld [tilespmem:s8+$0xD120]  }
0x6e6: {  	v1 =	vld.idx.msk [tilespmem:v2+s5+$0x0], $0xffff  }
0x6e7: {  	v2 =	vld [tilespmem:s8+$0x3430];
	_ =	sdelay $0x4  }
0x6e8: {  	v0 =	vmul.f32 v1, v0;
	_ =	sdelay $0x1  }
0x6e9: {  	[tilespmem:s8+$0x11FA0] =	vst v0;
	v0 =	vld [tilespmem:s8+$0xD130]  }
0x6ea: {  	v1 =	vld.idx.msk [tilespmem:v2+s5+$0x0], $0xffff  }
0x6eb: {  	v2 =	vld [tilespmem:s8+$0x3440];
	_ =	sdelay $0x4  }
0x6ec: {  	v0 =	vmul.f32 v1, v0;
	_ =	sdelay $0x1  }
0x6ed: {  	[tilespmem:s8+$0x11FB0] =	vst v0;
	v0 =	vld [tilespmem:s8+$0xD140]  }
0x6ee: {  	v1 =	vld.idx.msk [tilespmem:v2+s5+$0x0], $0xffff  }
0x6ef: {  	v2 =	vld [tilespmem:s8+$0x3450];
	_ =	sdelay $0x4  }
0x6f0: {  	v0 =	vmul.f32 v1, v0;
	_ =	sdelay $0x1  }
0x6f1: {  	[tilespmem:s8+$0x11FC0] =	vst v0;
	v0 =	vld [tilespmem:s8+$0xD150]  }
0x6f2: {  	v1 =	vld.idx.msk [tilespmem:v2+s5+$0x0], $0xffff  }
0x6f3: {  	v2 =	vld [tilespmem:s8+$0x3460];
	_ =	sdelay $0x4  }
0x6f4: {  	v0 =	vmul.f32 v1, v0;
	_ =	sdelay $0x1  }
0x6f5: {  	[tilespmem:s8+$0x11FD0] =	vst v0;
	v0 =	vld [tilespmem:s8+$0xD160]  }
0x6f6: {  	v1 =	vld.idx.msk [tilespmem:v2+s5+$0x0], $0xffff  }
0x6f7: {  	v2 =	vld [tilespmem:s8+$0x3470];
	_ =	sdelay $0x4  }
0x6f8: {  	v0 =	vmul.f32 v1, v0;
	_ =	sdelay $0x1  }
0x6f9: {  	[tilespmem:s8+$0x11FE0] =	vst v0;
	v0 =	vld [tilespmem:s8+$0xD170]  }
0x6fa: {  	v1 =	vld.idx.msk [tilespmem:v2+s5+$0x0], $0xffff;
	_ =	sdelay $0x4  }
0x6fb: {  	v0 =	vmul.f32 v1, v0  }
0x6fc: {  	s30 =	simm.s32 $0x800  }
0x6fd: {  	s31 =	simm.s32 $0x16E00;
	s7 =	simm.s32 $0x11F80;
	s6 =	simm.s32 $0x0;
	[tilespmem:s8+$0x11FF0] =	vst v0  }
0x6fe: {  	[spmem:s2] =	stream.indirect.scatter.add.f32 [tilespmem:s7], [sflag:$0x2], $0x1, s31, s30, $0xb8;
	[tilespmem:$0x1B800] =	vst v63  }
0x6ff: {  	v0 =	vld [tilespmem:s6+$0x3C00];
	_ =	sdelay $0x5  }
0x700: {  	v1 =	vld [tilespmem:s6+$0xD900]  }
0x701: {  	s5 =	simm.s32 $0x0;
	v2 =	vld [tilespmem:s6+$0x3C10]  }
0x702: {  	v0 =	vld.idx.msk [tilespmem:v0+s5+$0x0], $0xffff;
	_ =	sdelay $0x4  }
0x703: {  	v0 =	vmul.f32 v0, v1;
	_ =	sdelay $0x1  }
0x704: {  	[tilespmem:s6+$0x12780] =	vst v0;
	v0 =	vld [tilespmem:s6+$0xD910]  }
0x705: {  	v1 =	vld.idx.msk [tilespmem:v2+s5+$0x0], $0xffff  }
0x706: {  	v2 =	vld [tilespmem:s6+$0x3C20];
	_ =	sdelay $0x4  }
0x707: {  	v0 =	vmul.f32 v1, v0;
	_ =	sdelay $0x1  }
0x708: {  	[tilespmem:s6+$0x12790] =	vst v0;
	v0 =	vld [tilespmem:s6+$0xD920]  }
0x709: {  	v1 =	vld.idx.msk [tilespmem:v2+s5+$0x0], $0xffff  }
0x70a: {  	v2 =	vld [tilespmem:s6+$0x3C30];
	_ =	sdelay $0x4  }
0x70b: {  	v0 =	vmul.f32 v1, v0;
	_ =	sdelay $0x1  }
0x70c: {  	[tilespmem:s6+$0x127A0] =	vst v0;
	v0 =	vld [tilespmem:s6+$0xD930]  }
0x70d: {  	v1 =	vld.idx.msk [tilespmem:v2+s5+$0x0], $0xffff  }
0x70e: {  	v2 =	vld [tilespmem:s6+$0x3C40];
	_ =	sdelay $0x4  }
0x70f: {  	v0 =	vmul.f32 v1, v0;
	_ =	sdelay $0x1  }
0x710: {  	[tilespmem:s6+$0x127B0] =	vst v0;
	v0 =	vld [tilespmem:s6+$0xD940]  }
0x711: {  	v1 =	vld.idx.msk [tilespmem:v2+s5+$0x0], $0xffff  }
0x712: {  	v2 =	vld [tilespmem:s6+$0x3C50];
	_ =	sdelay $0x4  }
0x713: {  	v0 =	vmul.f32 v1, v0;
	_ =	sdelay $0x1  }
0x714: {  	[tilespmem:s6+$0x127C0] =	vst v0;
	v0 =	vld [tilespmem:s6+$0xD950]  }
0x715: {  	v1 =	vld.idx.msk [tilespmem:v2+s5+$0x0], $0xffff  }
0x716: {  	v2 =	vld [tilespmem:s6+$0x3C60];
	_ =	sdelay $0x4  }
0x717: {  	v0 =	vmul.f32 v1, v0;
	_ =	sdelay $0x1  }
0x718: {  	[tilespmem:s6+$0x127D0] =	vst v0;
	v0 =	vld [tilespmem:s6+$0xD960]  }
0x719: {  	v1 =	vld.idx.msk [tilespmem:v2+s5+$0x0], $0xffff  }
0x71a: {  	v2 =	vld [tilespmem:s6+$0x3C70];
	_ =	sdelay $0x4  }
0x71b: {  	v0 =	vmul.f32 v1, v0;
	_ =	sdelay $0x1  }
0x71c: {  	[tilespmem:s6+$0x127E0] =	vst v0;
	v0 =	vld [tilespmem:s6+$0xD970]  }
0x71d: {  	s8 =	simm.s32 $0x80;
	s7 =	simm.s32 $0x400;
	v1 =	vld.idx.msk [tilespmem:v2+s5+$0x0], $0xffff  }
.LBB2_26:
0x71e: {  	p0 =	sne.s32 s7, $0x2600;
	v2 =	vld [tilespmem:s8+$0x3C00];
	_ =	sdelay $0x4  }
0x71f: {  	v0 =	vmul.f32 v1, v0;
	_ =	sdelay $0x1  }
0x720: {  	v1 =	vld [tilespmem:s8+$0xD900];
	[tilespmem:s6+$0x127F0] =	vst v0;
	s6 =	smov.u32 s8  }
0x721: {  	v0 =	vld.idx.msk [tilespmem:v2+s5+$0x0], $0xffff  }
0x722: {  	v2 =	vld [tilespmem:s6+$0x3C10];
	_ =	sdelay $0x4  }
0x723: {  	v0 =	vmul.f32 v0, v1;
	_ =	sdelay $0x1  }
0x724: {  	[tilespmem:s6+$0x12780] =	vst v0;
	v0 =	vld [tilespmem:s6+$0xD910]  }
0x725: {  	v1 =	vld.idx.msk [tilespmem:v2+s5+$0x0], $0xffff  }
0x726: {  	v2 =	vld [tilespmem:s6+$0x3C20];
	_ =	sdelay $0x4  }
0x727: {  	v0 =	vmul.f32 v1, v0;
	_ =	sdelay $0x1  }
0x728: {  	[tilespmem:s6+$0x12790] =	vst v0;
	v0 =	vld [tilespmem:s6+$0xD920]  }
0x729: {  	v1 =	vld.idx.msk [tilespmem:v2+s5+$0x0], $0xffff  }
0x72a: {  	v2 =	vld [tilespmem:s6+$0x3C30];
	_ =	sdelay $0x4  }
0x72b: {  	v0 =	vmul.f32 v1, v0;
	_ =	sdelay $0x1  }
0x72c: {  	[tilespmem:s6+$0x127A0] =	vst v0;
	v0 =	vld [tilespmem:s6+$0xD930]  }
0x72d: {  	v1 =	vld.idx.msk [tilespmem:v2+s5+$0x0], $0xffff  }
0x72e: {  	v2 =	vld [tilespmem:s6+$0x3C40];
	_ =	sdelay $0x4  }
0x72f: {  	v0 =	vmul.f32 v1, v0;
	_ =	sdelay $0x1  }
0x730: {  	[tilespmem:s6+$0x127B0] =	vst v0;
	v0 =	vld [tilespmem:s6+$0xD940]  }
0x731: {  	v1 =	vld.idx.msk [tilespmem:v2+s5+$0x0], $0xffff  }
0x732: {  	v2 =	vld [tilespmem:s6+$0x3C50];
	_ =	sdelay $0x4  }
0x733: {  	v0 =	vmul.f32 v1, v0;
	_ =	sdelay $0x1  }
0x734: {  	[tilespmem:s6+$0x127C0] =	vst v0;
	v0 =	vld [tilespmem:s6+$0xD950]  }
0x735: {  	v1 =	vld.idx.msk [tilespmem:v2+s5+$0x0], $0xffff  }
0x736: {  	v2 =	vld [tilespmem:s6+$0x3C60];
	_ =	sdelay $0x4  }
0x737: {  	v0 =	vmul.f32 v1, v0;
	_ =	sdelay $0x1  }
0x738: {  	[tilespmem:s6+$0x127D0] =	vst v0;
	v0 =	vld [tilespmem:s6+$0xD960]  }
0x739: {  	v1 =	vld.idx.msk [tilespmem:v2+s5+$0x0], $0xffff  }
0x73a: {  	v2 =	vld [tilespmem:s6+$0x3C70];
	_ =	sdelay $0x3  }
.Ltmp13:
0x73b: {  	(pc) =	sbr.rel @p0 .LBB2_26-.Ltmp13, $3  }
0x73c: {  	v0 =	vmul.f32 v1, v0;
	_ =	sdelay $0x1  }
0x73d: {  	[tilespmem:s6+$0x127E0] =	vst v0;
	v0 =	vld [tilespmem:s6+$0xD970]  }
0x73e: {  	s8 =	sshra.s32 s7, $0x2;
	s7 =	sadd.s32 $0x200, s7;
	v1 =	vld.idx.msk [tilespmem:v2+s5+$0x0], $0xffff  }
0x73f: {  	v2 =	vld [tilespmem:s8+$0x3C00];
	_ =	sdelay $0x4  }
0x740: {  	v0 =	vmul.f32 v1, v0;
	_ =	sdelay $0x1  }
0x741: {  	v1 =	vld [tilespmem:s8+$0xD900];
	[tilespmem:s6+$0x127F0] =	vst v0  }
0x742: {  	v0 =	vld.idx.msk [tilespmem:v2+s5+$0x0], $0xffff  }
0x743: {  	v2 =	vld [tilespmem:s8+$0x3C10];
	_ =	sdelay $0x4  }
0x744: {  	v0 =	vmul.f32 v0, v1;
	_ =	sdelay $0x1  }
0x745: {  	[tilespmem:s8+$0x12780] =	vst v0;
	v0 =	vld [tilespmem:s8+$0xD910]  }
0x746: {  	v1 =	vld.idx.msk [tilespmem:v2+s5+$0x0], $0xffff  }
0x747: {  	v2 =	vld [tilespmem:s8+$0x3C20];
	_ =	sdelay $0x4  }
0x748: {  	v0 =	vmul.f32 v1, v0;
	_ =	sdelay $0x1  }
0x749: {  	[tilespmem:s8+$0x12790] =	vst v0;
	v0 =	vld [tilespmem:s8+$0xD920]  }
0x74a: {  	v1 =	vld.idx.msk [tilespmem:v2+s5+$0x0], $0xffff  }
0x74b: {  	v2 =	vld [tilespmem:s8+$0x3C30];
	_ =	sdelay $0x4  }
0x74c: {  	v0 =	vmul.f32 v1, v0;
	_ =	sdelay $0x1  }
0x74d: {  	[tilespmem:s8+$0x127A0] =	vst v0;
	v0 =	vld [tilespmem:s8+$0xD930]  }
0x74e: {  	v1 =	vld.idx.msk [tilespmem:v2+s5+$0x0], $0xffff  }
0x74f: {  	v2 =	vld [tilespmem:s8+$0x3C40];
	_ =	sdelay $0x4  }
0x750: {  	v0 =	vmul.f32 v1, v0;
	_ =	sdelay $0x1  }
0x751: {  	[tilespmem:s8+$0x127B0] =	vst v0;
	v0 =	vld [tilespmem:s8+$0xD940]  }
0x752: {  	v1 =	vld.idx.msk [tilespmem:v2+s5+$0x0], $0xffff  }
0x753: {  	v2 =	vld [tilespmem:s8+$0x3C50];
	_ =	sdelay $0x4  }
0x754: {  	v0 =	vmul.f32 v1, v0;
	_ =	sdelay $0x1  }
0x755: {  	[tilespmem:s8+$0x127C0] =	vst v0;
	v0 =	vld [tilespmem:s8+$0xD950]  }
0x756: {  	v1 =	vld.idx.msk [tilespmem:v2+s5+$0x0], $0xffff  }
0x757: {  	v2 =	vld [tilespmem:s8+$0x3C60];
	_ =	sdelay $0x4  }
0x758: {  	v0 =	vmul.f32 v1, v0;
	_ =	sdelay $0x1  }
0x759: {  	[tilespmem:s8+$0x127D0] =	vst v0;
	v0 =	vld [tilespmem:s8+$0xD960]  }
0x75a: {  	v1 =	vld.idx.msk [tilespmem:v2+s5+$0x0], $0xffff  }
0x75b: {  	v2 =	vld [tilespmem:s8+$0x3C70];
	_ =	sdelay $0x4  }
0x75c: {  	v0 =	vmul.f32 v1, v0;
	_ =	sdelay $0x1  }
0x75d: {  	[tilespmem:s8+$0x127E0] =	vst v0;
	v0 =	vld [tilespmem:s8+$0xD970]  }
0x75e: {  	v1 =	vld.idx.msk [tilespmem:v2+s5+$0x0], $0xffff;
	_ =	sdelay $0x4  }
0x75f: {  	v0 =	vmul.f32 v1, v0  }
0x760: {  	s30 =	simm.s32 $0xA00  }
0x761: {  	s31 =	simm.s32 $0x17600;
	s7 =	simm.s32 $0x12780;
	s6 =	simm.s32 $0x0;
	[tilespmem:s8+$0x127F0] =	vst v0  }
0x762: {  	[spmem:s2] =	stream.indirect.scatter.add.f32 [tilespmem:s7], [sflag:$0x2], $0x1, s31, s30, $0xb8;
	[tilespmem:$0x1B800] =	vst v63  }
0x763: {  	v0 =	vld [tilespmem:s6+$0x4600];
	_ =	sdelay $0x5  }
0x764: {  	v1 =	vld [tilespmem:s6+$0xE300]  }
0x765: {  	s5 =	simm.s32 $0x0;
	v2 =	vld [tilespmem:s6+$0x4610]  }
0x766: {  	v0 =	vld.idx.msk [tilespmem:v0+s5+$0x0], $0xffff;
	_ =	sdelay $0x4  }
0x767: {  	v0 =	vmul.f32 v0, v1;
	_ =	sdelay $0x1  }
0x768: {  	[tilespmem:s6+$0x13180] =	vst v0;
	v0 =	vld [tilespmem:s6+$0xE310]  }
0x769: {  	v1 =	vld.idx.msk [tilespmem:v2+s5+$0x0], $0xffff  }
0x76a: {  	v2 =	vld [tilespmem:s6+$0x4620];
	_ =	sdelay $0x4  }
0x76b: {  	v0 =	vmul.f32 v1, v0;
	_ =	sdelay $0x1  }
0x76c: {  	[tilespmem:s6+$0x13190] =	vst v0;
	v0 =	vld [tilespmem:s6+$0xE320]  }
0x76d: {  	v1 =	vld.idx.msk [tilespmem:v2+s5+$0x0], $0xffff  }
0x76e: {  	v2 =	vld [tilespmem:s6+$0x4630];
	_ =	sdelay $0x4  }
0x76f: {  	v0 =	vmul.f32 v1, v0;
	_ =	sdelay $0x1  }
0x770: {  	[tilespmem:s6+$0x131A0] =	vst v0;
	v0 =	vld [tilespmem:s6+$0xE330]  }
0x771: {  	v1 =	vld.idx.msk [tilespmem:v2+s5+$0x0], $0xffff  }
0x772: {  	v2 =	vld [tilespmem:s6+$0x4640];
	_ =	sdelay $0x4  }
0x773: {  	v0 =	vmul.f32 v1, v0;
	_ =	sdelay $0x1  }
0x774: {  	[tilespmem:s6+$0x131B0] =	vst v0;
	v0 =	vld [tilespmem:s6+$0xE340]  }
0x775: {  	v1 =	vld.idx.msk [tilespmem:v2+s5+$0x0], $0xffff  }
0x776: {  	v2 =	vld [tilespmem:s6+$0x4650];
	_ =	sdelay $0x4  }
0x777: {  	v0 =	vmul.f32 v1, v0;
	_ =	sdelay $0x1  }
0x778: {  	[tilespmem:s6+$0x131C0] =	vst v0;
	v0 =	vld [tilespmem:s6+$0xE350]  }
0x779: {  	v1 =	vld.idx.msk [tilespmem:v2+s5+$0x0], $0xffff  }
0x77a: {  	v2 =	vld [tilespmem:s6+$0x4660];
	_ =	sdelay $0x4  }
0x77b: {  	v0 =	vmul.f32 v1, v0;
	_ =	sdelay $0x1  }
0x77c: {  	[tilespmem:s6+$0x131D0] =	vst v0;
	v0 =	vld [tilespmem:s6+$0xE360]  }
0x77d: {  	v1 =	vld.idx.msk [tilespmem:v2+s5+$0x0], $0xffff  }
0x77e: {  	v2 =	vld [tilespmem:s6+$0x4670];
	_ =	sdelay $0x4  }
0x77f: {  	v0 =	vmul.f32 v1, v0;
	_ =	sdelay $0x1  }
0x780: {  	[tilespmem:s6+$0x131E0] =	vst v0;
	v0 =	vld [tilespmem:s6+$0xE370]  }
0x781: {  	s8 =	simm.s32 $0x80;
	s7 =	simm.s32 $0x400;
	v1 =	vld.idx.msk [tilespmem:v2+s5+$0x0], $0xffff  }
.LBB2_28:
0x782: {  	p0 =	sne.s32 s7, $0x2E00;
	v2 =	vld [tilespmem:s8+$0x4600];
	_ =	sdelay $0x4  }
0x783: {  	v0 =	vmul.f32 v1, v0;
	_ =	sdelay $0x1  }
0x784: {  	v1 =	vld [tilespmem:s8+$0xE300];
	[tilespmem:s6+$0x131F0] =	vst v0;
	s6 =	smov.u32 s8  }
0x785: {  	v0 =	vld.idx.msk [tilespmem:v2+s5+$0x0], $0xffff  }
0x786: {  	v2 =	vld [tilespmem:s6+$0x4610];
	_ =	sdelay $0x4  }
0x787: {  	v0 =	vmul.f32 v0, v1;
	_ =	sdelay $0x1  }
0x788: {  	[tilespmem:s6+$0x13180] =	vst v0;
	v0 =	vld [tilespmem:s6+$0xE310]  }
0x789: {  	v1 =	vld.idx.msk [tilespmem:v2+s5+$0x0], $0xffff  }
0x78a: {  	v2 =	vld [tilespmem:s6+$0x4620];
	_ =	sdelay $0x4  }
0x78b: {  	v0 =	vmul.f32 v1, v0;
	_ =	sdelay $0x1  }
0x78c: {  	[tilespmem:s6+$0x13190] =	vst v0;
	v0 =	vld [tilespmem:s6+$0xE320]  }
0x78d: {  	v1 =	vld.idx.msk [tilespmem:v2+s5+$0x0], $0xffff  }
0x78e: {  	v2 =	vld [tilespmem:s6+$0x4630];
	_ =	sdelay $0x4  }
0x78f: {  	v0 =	vmul.f32 v1, v0;
	_ =	sdelay $0x1  }
0x790: {  	[tilespmem:s6+$0x131A0] =	vst v0;
	v0 =	vld [tilespmem:s6+$0xE330]  }
0x791: {  	v1 =	vld.idx.msk [tilespmem:v2+s5+$0x0], $0xffff  }
0x792: {  	v2 =	vld [tilespmem:s6+$0x4640];
	_ =	sdelay $0x4  }
0x793: {  	v0 =	vmul.f32 v1, v0;
	_ =	sdelay $0x1  }
0x794: {  	[tilespmem:s6+$0x131B0] =	vst v0;
	v0 =	vld [tilespmem:s6+$0xE340]  }
0x795: {  	v1 =	vld.idx.msk [tilespmem:v2+s5+$0x0], $0xffff  }
0x796: {  	v2 =	vld [tilespmem:s6+$0x4650];
	_ =	sdelay $0x4  }
0x797: {  	v0 =	vmul.f32 v1, v0;
	_ =	sdelay $0x1  }
0x798: {  	[tilespmem:s6+$0x131C0] =	vst v0;
	v0 =	vld [tilespmem:s6+$0xE350]  }
0x799: {  	v1 =	vld.idx.msk [tilespmem:v2+s5+$0x0], $0xffff  }
0x79a: {  	v2 =	vld [tilespmem:s6+$0x4660];
	_ =	sdelay $0x4  }
0x79b: {  	v0 =	vmul.f32 v1, v0;
	_ =	sdelay $0x1  }
0x79c: {  	[tilespmem:s6+$0x131D0] =	vst v0;
	v0 =	vld [tilespmem:s6+$0xE360]  }
0x79d: {  	v1 =	vld.idx.msk [tilespmem:v2+s5+$0x0], $0xffff  }
0x79e: {  	v2 =	vld [tilespmem:s6+$0x4670];
	_ =	sdelay $0x3  }
.Ltmp14:
0x79f: {  	(pc) =	sbr.rel @p0 .LBB2_28-.Ltmp14, $3  }
0x7a0: {  	v0 =	vmul.f32 v1, v0;
	_ =	sdelay $0x1  }
0x7a1: {  	[tilespmem:s6+$0x131E0] =	vst v0;
	v0 =	vld [tilespmem:s6+$0xE370]  }
0x7a2: {  	s8 =	sshra.s32 s7, $0x2;
	s7 =	sadd.s32 $0x200, s7;
	v1 =	vld.idx.msk [tilespmem:v2+s5+$0x0], $0xffff  }
0x7a3: {  	v2 =	vld [tilespmem:s8+$0x4600];
	_ =	sdelay $0x4  }
0x7a4: {  	v0 =	vmul.f32 v1, v0;
	_ =	sdelay $0x1  }
0x7a5: {  	v1 =	vld [tilespmem:s8+$0xE300];
	[tilespmem:s6+$0x131F0] =	vst v0  }
0x7a6: {  	v0 =	vld.idx.msk [tilespmem:v2+s5+$0x0], $0xffff  }
0x7a7: {  	v2 =	vld [tilespmem:s8+$0x4610];
	_ =	sdelay $0x4  }
0x7a8: {  	v0 =	vmul.f32 v0, v1;
	_ =	sdelay $0x1  }
0x7a9: {  	[tilespmem:s8+$0x13180] =	vst v0;
	v0 =	vld [tilespmem:s8+$0xE310]  }
0x7aa: {  	v1 =	vld.idx.msk [tilespmem:v2+s5+$0x0], $0xffff  }
0x7ab: {  	v2 =	vld [tilespmem:s8+$0x4620];
	_ =	sdelay $0x4  }
0x7ac: {  	v0 =	vmul.f32 v1, v0;
	_ =	sdelay $0x1  }
0x7ad: {  	[tilespmem:s8+$0x13190] =	vst v0;
	v0 =	vld [tilespmem:s8+$0xE320]  }
0x7ae: {  	v1 =	vld.idx.msk [tilespmem:v2+s5+$0x0], $0xffff  }
0x7af: {  	v2 =	vld [tilespmem:s8+$0x4630];
	_ =	sdelay $0x4  }
0x7b0: {  	v0 =	vmul.f32 v1, v0;
	_ =	sdelay $0x1  }
0x7b1: {  	[tilespmem:s8+$0x131A0] =	vst v0;
	v0 =	vld [tilespmem:s8+$0xE330]  }
0x7b2: {  	v1 =	vld.idx.msk [tilespmem:v2+s5+$0x0], $0xffff  }
0x7b3: {  	v2 =	vld [tilespmem:s8+$0x4640];
	_ =	sdelay $0x4  }
0x7b4: {  	v0 =	vmul.f32 v1, v0;
	_ =	sdelay $0x1  }
0x7b5: {  	[tilespmem:s8+$0x131B0] =	vst v0;
	v0 =	vld [tilespmem:s8+$0xE340]  }
0x7b6: {  	v1 =	vld.idx.msk [tilespmem:v2+s5+$0x0], $0xffff  }
0x7b7: {  	v2 =	vld [tilespmem:s8+$0x4650];
	_ =	sdelay $0x4  }
0x7b8: {  	v0 =	vmul.f32 v1, v0;
	_ =	sdelay $0x1  }
0x7b9: {  	[tilespmem:s8+$0x131C0] =	vst v0;
	v0 =	vld [tilespmem:s8+$0xE350]  }
0x7ba: {  	v1 =	vld.idx.msk [tilespmem:v2+s5+$0x0], $0xffff  }
0x7bb: {  	v2 =	vld [tilespmem:s8+$0x4660];
	_ =	sdelay $0x4  }
0x7bc: {  	v0 =	vmul.f32 v1, v0;
	_ =	sdelay $0x1  }
0x7bd: {  	[tilespmem:s8+$0x131D0] =	vst v0;
	v0 =	vld [tilespmem:s8+$0xE360]  }
0x7be: {  	v1 =	vld.idx.msk [tilespmem:v2+s5+$0x0], $0xffff  }
0x7bf: {  	v2 =	vld [tilespmem:s8+$0x4670];
	_ =	sdelay $0x4  }
0x7c0: {  	v0 =	vmul.f32 v1, v0;
	_ =	sdelay $0x1  }
0x7c1: {  	[tilespmem:s8+$0x131E0] =	vst v0;
	v0 =	vld [tilespmem:s8+$0xE370]  }
0x7c2: {  	v1 =	vld.idx.msk [tilespmem:v2+s5+$0x0], $0xffff;
	_ =	sdelay $0x4  }
0x7c3: {  	v0 =	vmul.f32 v1, v0  }
0x7c4: {  	s30 =	simm.s32 $0xC00  }
0x7c5: {  	s31 =	simm.s32 $0x18000;
	s7 =	simm.s32 $0x13180;
	s6 =	simm.s32 $0x0;
	[tilespmem:s8+$0x131F0] =	vst v0  }
0x7c6: {  	[spmem:s2] =	stream.indirect.scatter.add.f32 [tilespmem:s7], [sflag:$0x2], $0x1, s31, s30, $0xb8;
	[tilespmem:$0x1B800] =	vst v63  }
0x7c7: {  	v0 =	vld [tilespmem:s6+$0x5200];
	_ =	sdelay $0x5  }
0x7c8: {  	v1 =	vld [tilespmem:s6+$0xEF00]  }
0x7c9: {  	s5 =	simm.s32 $0x0;
	v2 =	vld [tilespmem:s6+$0x5210]  }
0x7ca: {  	v0 =	vld.idx.msk [tilespmem:v0+s5+$0x0], $0xffff;
	_ =	sdelay $0x4  }
0x7cb: {  	v0 =	vmul.f32 v0, v1;
	_ =	sdelay $0x1  }
0x7cc: {  	[tilespmem:s6+$0x13D80] =	vst v0;
	v0 =	vld [tilespmem:s6+$0xEF10]  }
0x7cd: {  	v1 =	vld.idx.msk [tilespmem:v2+s5+$0x0], $0xffff  }
0x7ce: {  	v2 =	vld [tilespmem:s6+$0x5220];
	_ =	sdelay $0x4  }
0x7cf: {  	v0 =	vmul.f32 v1, v0;
	_ =	sdelay $0x1  }
0x7d0: {  	[tilespmem:s6+$0x13D90] =	vst v0;
	v0 =	vld [tilespmem:s6+$0xEF20]  }
0x7d1: {  	v1 =	vld.idx.msk [tilespmem:v2+s5+$0x0], $0xffff  }
0x7d2: {  	v2 =	vld [tilespmem:s6+$0x5230];
	_ =	sdelay $0x4  }
0x7d3: {  	v0 =	vmul.f32 v1, v0;
	_ =	sdelay $0x1  }
0x7d4: {  	[tilespmem:s6+$0x13DA0] =	vst v0;
	v0 =	vld [tilespmem:s6+$0xEF30]  }
0x7d5: {  	v1 =	vld.idx.msk [tilespmem:v2+s5+$0x0], $0xffff  }
0x7d6: {  	v2 =	vld [tilespmem:s6+$0x5240];
	_ =	sdelay $0x4  }
0x7d7: {  	v0 =	vmul.f32 v1, v0;
	_ =	sdelay $0x1  }
0x7d8: {  	[tilespmem:s6+$0x13DB0] =	vst v0;
	v0 =	vld [tilespmem:s6+$0xEF40]  }
0x7d9: {  	v1 =	vld.idx.msk [tilespmem:v2+s5+$0x0], $0xffff  }
0x7da: {  	v2 =	vld [tilespmem:s6+$0x5250];
	_ =	sdelay $0x4  }
0x7db: {  	v0 =	vmul.f32 v1, v0;
	_ =	sdelay $0x1  }
0x7dc: {  	[tilespmem:s6+$0x13DC0] =	vst v0;
	v0 =	vld [tilespmem:s6+$0xEF50]  }
0x7dd: {  	v1 =	vld.idx.msk [tilespmem:v2+s5+$0x0], $0xffff  }
0x7de: {  	v2 =	vld [tilespmem:s6+$0x5260];
	_ =	sdelay $0x4  }
0x7df: {  	v0 =	vmul.f32 v1, v0;
	_ =	sdelay $0x1  }
0x7e0: {  	[tilespmem:s6+$0x13DD0] =	vst v0;
	v0 =	vld [tilespmem:s6+$0xEF60]  }
0x7e1: {  	v1 =	vld.idx.msk [tilespmem:v2+s5+$0x0], $0xffff  }
0x7e2: {  	v2 =	vld [tilespmem:s6+$0x5270];
	_ =	sdelay $0x4  }
0x7e3: {  	v0 =	vmul.f32 v1, v0;
	_ =	sdelay $0x1  }
0x7e4: {  	[tilespmem:s6+$0x13DE0] =	vst v0;
	v0 =	vld [tilespmem:s6+$0xEF70]  }
0x7e5: {  	s8 =	simm.s32 $0x80;
	s7 =	simm.s32 $0x400;
	v1 =	vld.idx.msk [tilespmem:v2+s5+$0x0], $0xffff  }
.LBB2_30:
0x7e6: {  	p0 =	sne.s32 s7, $0x3E00;
	v2 =	vld [tilespmem:s8+$0x5200];
	_ =	sdelay $0x4  }
0x7e7: {  	v0 =	vmul.f32 v1, v0;
	_ =	sdelay $0x1  }
0x7e8: {  	v1 =	vld [tilespmem:s8+$0xEF00];
	[tilespmem:s6+$0x13DF0] =	vst v0;
	s6 =	smov.u32 s8  }
0x7e9: {  	v0 =	vld.idx.msk [tilespmem:v2+s5+$0x0], $0xffff  }
0x7ea: {  	v2 =	vld [tilespmem:s6+$0x5210];
	_ =	sdelay $0x4  }
0x7eb: {  	v0 =	vmul.f32 v0, v1;
	_ =	sdelay $0x1  }
0x7ec: {  	[tilespmem:s6+$0x13D80] =	vst v0;
	v0 =	vld [tilespmem:s6+$0xEF10]  }
0x7ed: {  	v1 =	vld.idx.msk [tilespmem:v2+s5+$0x0], $0xffff  }
0x7ee: {  	v2 =	vld [tilespmem:s6+$0x5220];
	_ =	sdelay $0x4  }
0x7ef: {  	v0 =	vmul.f32 v1, v0;
	_ =	sdelay $0x1  }
0x7f0: {  	[tilespmem:s6+$0x13D90] =	vst v0;
	v0 =	vld [tilespmem:s6+$0xEF20]  }
0x7f1: {  	v1 =	vld.idx.msk [tilespmem:v2+s5+$0x0], $0xffff  }
0x7f2: {  	v2 =	vld [tilespmem:s6+$0x5230];
	_ =	sdelay $0x4  }
0x7f3: {  	v0 =	vmul.f32 v1, v0;
	_ =	sdelay $0x1  }
0x7f4: {  	[tilespmem:s6+$0x13DA0] =	vst v0;
	v0 =	vld [tilespmem:s6+$0xEF30]  }
0x7f5: {  	v1 =	vld.idx.msk [tilespmem:v2+s5+$0x0], $0xffff  }
0x7f6: {  	v2 =	vld [tilespmem:s6+$0x5240];
	_ =	sdelay $0x4  }
0x7f7: {  	v0 =	vmul.f32 v1, v0;
	_ =	sdelay $0x1  }
0x7f8: {  	[tilespmem:s6+$0x13DB0] =	vst v0;
	v0 =	vld [tilespmem:s6+$0xEF40]  }
0x7f9: {  	v1 =	vld.idx.msk [tilespmem:v2+s5+$0x0], $0xffff  }
0x7fa: {  	v2 =	vld [tilespmem:s6+$0x5250];
	_ =	sdelay $0x4  }
0x7fb: {  	v0 =	vmul.f32 v1, v0;
	_ =	sdelay $0x1  }
0x7fc: {  	[tilespmem:s6+$0x13DC0] =	vst v0;
	v0 =	vld [tilespmem:s6+$0xEF50]  }
0x7fd: {  	v1 =	vld.idx.msk [tilespmem:v2+s5+$0x0], $0xffff  }
0x7fe: {  	v2 =	vld [tilespmem:s6+$0x5260];
	_ =	sdelay $0x4  }
0x7ff: {  	v0 =	vmul.f32 v1, v0;
	_ =	sdelay $0x1  }
0x800: {  	[tilespmem:s6+$0x13DD0] =	vst v0;
	v0 =	vld [tilespmem:s6+$0xEF60]  }
0x801: {  	v1 =	vld.idx.msk [tilespmem:v2+s5+$0x0], $0xffff  }
0x802: {  	v2 =	vld [tilespmem:s6+$0x5270];
	_ =	sdelay $0x3  }
.Ltmp15:
0x803: {  	(pc) =	sbr.rel @p0 .LBB2_30-.Ltmp15, $3  }
0x804: {  	v0 =	vmul.f32 v1, v0;
	_ =	sdelay $0x1  }
0x805: {  	[tilespmem:s6+$0x13DE0] =	vst v0;
	v0 =	vld [tilespmem:s6+$0xEF70]  }
0x806: {  	s8 =	sshra.s32 s7, $0x2;
	s7 =	sadd.s32 $0x200, s7;
	v1 =	vld.idx.msk [tilespmem:v2+s5+$0x0], $0xffff  }
0x807: {  	v2 =	vld [tilespmem:s8+$0x5200];
	_ =	sdelay $0x4  }
0x808: {  	v0 =	vmul.f32 v1, v0;
	_ =	sdelay $0x1  }
0x809: {  	v1 =	vld [tilespmem:s8+$0xEF00];
	[tilespmem:s6+$0x13DF0] =	vst v0  }
0x80a: {  	v0 =	vld.idx.msk [tilespmem:v2+s5+$0x0], $0xffff  }
0x80b: {  	v2 =	vld [tilespmem:s8+$0x5210];
	_ =	sdelay $0x4  }
0x80c: {  	v0 =	vmul.f32 v0, v1;
	_ =	sdelay $0x1  }
0x80d: {  	[tilespmem:s8+$0x13D80] =	vst v0;
	v0 =	vld [tilespmem:s8+$0xEF10]  }
0x80e: {  	v1 =	vld.idx.msk [tilespmem:v2+s5+$0x0], $0xffff  }
0x80f: {  	v2 =	vld [tilespmem:s8+$0x5220];
	_ =	sdelay $0x4  }
0x810: {  	v0 =	vmul.f32 v1, v0;
	_ =	sdelay $0x1  }
0x811: {  	[tilespmem:s8+$0x13D90] =	vst v0;
	v0 =	vld [tilespmem:s8+$0xEF20]  }
0x812: {  	v1 =	vld.idx.msk [tilespmem:v2+s5+$0x0], $0xffff  }
0x813: {  	v2 =	vld [tilespmem:s8+$0x5230];
	_ =	sdelay $0x4  }
0x814: {  	v0 =	vmul.f32 v1, v0;
	_ =	sdelay $0x1  }
0x815: {  	[tilespmem:s8+$0x13DA0] =	vst v0;
	v0 =	vld [tilespmem:s8+$0xEF30]  }
0x816: {  	v1 =	vld.idx.msk [tilespmem:v2+s5+$0x0], $0xffff  }
0x817: {  	v2 =	vld [tilespmem:s8+$0x5240];
	_ =	sdelay $0x4  }
0x818: {  	v0 =	vmul.f32 v1, v0;
	_ =	sdelay $0x1  }
0x819: {  	[tilespmem:s8+$0x13DB0] =	vst v0;
	v0 =	vld [tilespmem:s8+$0xEF40]  }
0x81a: {  	v1 =	vld.idx.msk [tilespmem:v2+s5+$0x0], $0xffff  }
0x81b: {  	v2 =	vld [tilespmem:s8+$0x5250];
	_ =	sdelay $0x4  }
0x81c: {  	v0 =	vmul.f32 v1, v0;
	_ =	sdelay $0x1  }
0x81d: {  	[tilespmem:s8+$0x13DC0] =	vst v0;
	v0 =	vld [tilespmem:s8+$0xEF50]  }
0x81e: {  	v1 =	vld.idx.msk [tilespmem:v2+s5+$0x0], $0xffff  }
0x81f: {  	v2 =	vld [tilespmem:s8+$0x5260];
	_ =	sdelay $0x4  }
0x820: {  	v0 =	vmul.f32 v1, v0;
	_ =	sdelay $0x1  }
0x821: {  	[tilespmem:s8+$0x13DD0] =	vst v0;
	v0 =	vld [tilespmem:s8+$0xEF60]  }
0x822: {  	v1 =	vld.idx.msk [tilespmem:v2+s5+$0x0], $0xffff  }
0x823: {  	v2 =	vld [tilespmem:s8+$0x5270];
	_ =	sdelay $0x4  }
0x824: {  	v0 =	vmul.f32 v1, v0;
	_ =	sdelay $0x1  }
0x825: {  	[tilespmem:s8+$0x13DE0] =	vst v0;
	v0 =	vld [tilespmem:s8+$0xEF70]  }
0x826: {  	v1 =	vld.idx.msk [tilespmem:v2+s5+$0x0], $0xffff;
	_ =	sdelay $0x4  }
0x827: {  	v0 =	vmul.f32 v1, v0  }
0x828: {  	s30 =	simm.s32 $0x1000  }
0x829: {  	s31 =	simm.s32 $0x18C00;
	s7 =	simm.s32 $0x13D80;
	s6 =	simm.s32 $0x0;
	[tilespmem:s8+$0x13DF0] =	vst v0  }
0x82a: {  	[spmem:s2] =	stream.indirect.scatter.add.f32 [tilespmem:s7], [sflag:$0x2], $0x1, s31, s30, $0xb8;
	[tilespmem:$0x1B800] =	vst v63  }
0x82b: {  	v0 =	vld [tilespmem:s6+$0x6200];
	_ =	sdelay $0x5  }
0x82c: {  	v1 =	vld [tilespmem:s6+$0xFF00]  }
0x82d: {  	s5 =	simm.s32 $0x0;
	v2 =	vld [tilespmem:s6+$0x6210]  }
0x82e: {  	v0 =	vld.idx.msk [tilespmem:v0+s5+$0x0], $0xffff;
	_ =	sdelay $0x4  }
0x82f: {  	v0 =	vmul.f32 v0, v1;
	_ =	sdelay $0x1  }
0x830: {  	[tilespmem:s6+$0x14D80] =	vst v0;
	v0 =	vld [tilespmem:s6+$0xFF10]  }
0x831: {  	v1 =	vld.idx.msk [tilespmem:v2+s5+$0x0], $0xffff  }
0x832: {  	v2 =	vld [tilespmem:s6+$0x6220];
	_ =	sdelay $0x4  }
0x833: {  	v0 =	vmul.f32 v1, v0;
	_ =	sdelay $0x1  }
0x834: {  	[tilespmem:s6+$0x14D90] =	vst v0;
	v0 =	vld [tilespmem:s6+$0xFF20]  }
0x835: {  	v1 =	vld.idx.msk [tilespmem:v2+s5+$0x0], $0xffff  }
0x836: {  	v2 =	vld [tilespmem:s6+$0x6230];
	_ =	sdelay $0x4  }
0x837: {  	v0 =	vmul.f32 v1, v0;
	_ =	sdelay $0x1  }
0x838: {  	[tilespmem:s6+$0x14DA0] =	vst v0;
	v0 =	vld [tilespmem:s6+$0xFF30]  }
0x839: {  	v1 =	vld.idx.msk [tilespmem:v2+s5+$0x0], $0xffff  }
0x83a: {  	v2 =	vld [tilespmem:s6+$0x6240];
	_ =	sdelay $0x4  }
0x83b: {  	v0 =	vmul.f32 v1, v0;
	_ =	sdelay $0x1  }
0x83c: {  	[tilespmem:s6+$0x14DB0] =	vst v0;
	v0 =	vld [tilespmem:s6+$0xFF40]  }
0x83d: {  	v1 =	vld.idx.msk [tilespmem:v2+s5+$0x0], $0xffff  }
0x83e: {  	v2 =	vld [tilespmem:s6+$0x6250];
	_ =	sdelay $0x4  }
0x83f: {  	v0 =	vmul.f32 v1, v0;
	_ =	sdelay $0x1  }
0x840: {  	[tilespmem:s6+$0x14DC0] =	vst v0;
	v0 =	vld [tilespmem:s6+$0xFF50]  }
0x841: {  	v1 =	vld.idx.msk [tilespmem:v2+s5+$0x0], $0xffff  }
0x842: {  	v2 =	vld [tilespmem:s6+$0x6260];
	_ =	sdelay $0x4  }
0x843: {  	v0 =	vmul.f32 v1, v0;
	_ =	sdelay $0x1  }
0x844: {  	[tilespmem:s6+$0x14DD0] =	vst v0;
	v0 =	vld [tilespmem:s6+$0xFF60]  }
0x845: {  	v1 =	vld.idx.msk [tilespmem:v2+s5+$0x0], $0xffff  }
0x846: {  	v2 =	vld [tilespmem:s6+$0x6270];
	_ =	sdelay $0x4  }
0x847: {  	v0 =	vmul.f32 v1, v0;
	_ =	sdelay $0x1  }
0x848: {  	[tilespmem:s6+$0x14DE0] =	vst v0;
	v0 =	vld [tilespmem:s6+$0xFF70]  }
0x849: {  	s8 =	simm.s32 $0x80;
	s7 =	simm.s32 $0x400;
	v1 =	vld.idx.msk [tilespmem:v2+s5+$0x0], $0xffff  }
.LBB2_32:
0x84a: {  	p0 =	sne.s32 s7, $0x5000;
	v2 =	vld [tilespmem:s8+$0x6200];
	_ =	sdelay $0x4  }
0x84b: {  	v0 =	vmul.f32 v1, v0;
	_ =	sdelay $0x1  }
0x84c: {  	v1 =	vld [tilespmem:s8+$0xFF00];
	[tilespmem:s6+$0x14DF0] =	vst v0;
	s6 =	smov.u32 s8  }
0x84d: {  	v0 =	vld.idx.msk [tilespmem:v2+s5+$0x0], $0xffff  }
0x84e: {  	v2 =	vld [tilespmem:s6+$0x6210];
	_ =	sdelay $0x4  }
0x84f: {  	v0 =	vmul.f32 v0, v1;
	_ =	sdelay $0x1  }
0x850: {  	[tilespmem:s6+$0x14D80] =	vst v0;
	v0 =	vld [tilespmem:s6+$0xFF10]  }
0x851: {  	v1 =	vld.idx.msk [tilespmem:v2+s5+$0x0], $0xffff  }
0x852: {  	v2 =	vld [tilespmem:s6+$0x6220];
	_ =	sdelay $0x4  }
0x853: {  	v0 =	vmul.f32 v1, v0;
	_ =	sdelay $0x1  }
0x854: {  	[tilespmem:s6+$0x14D90] =	vst v0;
	v0 =	vld [tilespmem:s6+$0xFF20]  }
0x855: {  	v1 =	vld.idx.msk [tilespmem:v2+s5+$0x0], $0xffff  }
0x856: {  	v2 =	vld [tilespmem:s6+$0x6230];
	_ =	sdelay $0x4  }
0x857: {  	v0 =	vmul.f32 v1, v0;
	_ =	sdelay $0x1  }
0x858: {  	[tilespmem:s6+$0x14DA0] =	vst v0;
	v0 =	vld [tilespmem:s6+$0xFF30]  }
0x859: {  	v1 =	vld.idx.msk [tilespmem:v2+s5+$0x0], $0xffff  }
0x85a: {  	v2 =	vld [tilespmem:s6+$0x6240];
	_ =	sdelay $0x4  }
0x85b: {  	v0 =	vmul.f32 v1, v0;
	_ =	sdelay $0x1  }
0x85c: {  	[tilespmem:s6+$0x14DB0] =	vst v0;
	v0 =	vld [tilespmem:s6+$0xFF40]  }
0x85d: {  	v1 =	vld.idx.msk [tilespmem:v2+s5+$0x0], $0xffff  }
0x85e: {  	v2 =	vld [tilespmem:s6+$0x6250];
	_ =	sdelay $0x4  }
0x85f: {  	v0 =	vmul.f32 v1, v0;
	_ =	sdelay $0x1  }
0x860: {  	[tilespmem:s6+$0x14DC0] =	vst v0;
	v0 =	vld [tilespmem:s6+$0xFF50]  }
0x861: {  	v1 =	vld.idx.msk [tilespmem:v2+s5+$0x0], $0xffff  }
0x862: {  	v2 =	vld [tilespmem:s6+$0x6260];
	_ =	sdelay $0x4  }
0x863: {  	v0 =	vmul.f32 v1, v0;
	_ =	sdelay $0x1  }
0x864: {  	[tilespmem:s6+$0x14DD0] =	vst v0;
	v0 =	vld [tilespmem:s6+$0xFF60]  }
0x865: {  	v1 =	vld.idx.msk [tilespmem:v2+s5+$0x0], $0xffff  }
0x866: {  	v2 =	vld [tilespmem:s6+$0x6270];
	_ =	sdelay $0x3  }
.Ltmp16:
0x867: {  	(pc) =	sbr.rel @p0 .LBB2_32-.Ltmp16, $3  }
0x868: {  	v0 =	vmul.f32 v1, v0;
	_ =	sdelay $0x1  }
0x869: {  	[tilespmem:s6+$0x14DE0] =	vst v0;
	v0 =	vld [tilespmem:s6+$0xFF70]  }
0x86a: {  	s8 =	sshra.s32 s7, $0x2;
	s7 =	sadd.s32 $0x200, s7;
	v1 =	vld.idx.msk [tilespmem:v2+s5+$0x0], $0xffff  }
0x86b: {  	v2 =	vld [tilespmem:s8+$0x6200];
	_ =	sdelay $0x3  }
0x86c: {  	v0 =	vmul.f32 v1, v0;
	_ =	sdelay $0x1  }
0x86d: {  	v42 =	vld [tilespmem:s8+$0xFF00];
	[tilespmem:s6+$0x14DF0] =	vst v0  }
0x86e: {  	v43 =	vld [tilespmem:s8+$0x6210]  }
0x86f: {  	v0 =	vld.idx.msk [tilespmem:v2+s5+$0x0], $0xffff;
	_ =	sdelay $0x4  }
0x870: {  	v0 =	vmul.f32 v0, v42  }
0x871: {  	v44 =	vld [tilespmem:s8+$0xFF10]  }
0x872: {  	v46 =	vld [tilespmem:s8+$0x6220];
	[tilespmem:s8+$0x14D80] =	vst v0  }
0x873: {  	v45 =	vld.idx.msk [tilespmem:v43+s5+$0x0], $0xffff;
	_ =	sdelay $0x4  }
0x874: {  	v0 =	vmul.f32 v45, v44  }
0x875: {  	v47 =	vld [tilespmem:s8+$0xFF20]  }
0x876: {  	v49 =	vld [tilespmem:s8+$0x6230];
	[tilespmem:s8+$0x14D90] =	vst v0  }
0x877: {  	v48 =	vld.idx.msk [tilespmem:v46+s5+$0x0], $0xffff;
	_ =	sdelay $0x4  }
0x878: {  	v0 =	vmul.f32 v48, v47  }
0x879: {  	v50 =	vld [tilespmem:s8+$0xFF30]  }
0x87a: {  	v52 =	vld [tilespmem:s8+$0x6240];
	[tilespmem:s8+$0x14DA0] =	vst v0  }
0x87b: {  	v51 =	vld.idx.msk [tilespmem:v49+s5+$0x0], $0xffff;
	_ =	sdelay $0x4  }
0x87c: {  	v0 =	vmul.f32 v51, v50  }
0x87d: {  	v53 =	vld [tilespmem:s8+$0xFF40]  }
0x87e: {  	v55 =	vld [tilespmem:s8+$0x6250];
	[tilespmem:s8+$0x14DB0] =	vst v0  }
0x87f: {  	v54 =	vld.idx.msk [tilespmem:v52+s5+$0x0], $0xffff;
	_ =	sdelay $0x4  }
0x880: {  	v0 =	vmul.f32 v54, v53  }
0x881: {  	v56 =	vld [tilespmem:s8+$0xFF50]  }
0x882: {  	v58 =	vld [tilespmem:s8+$0x6260];
	[tilespmem:s8+$0x14DC0] =	vst v0  }
0x883: {  	v57 =	vld.idx.msk [tilespmem:v55+s5+$0x0], $0xffff;
	_ =	sdelay $0x4  }
0x884: {  	v0 =	vmul.f32 v57, v56  }
0x885: {  	v59 =	vld [tilespmem:s8+$0xFF60]  }
0x886: {  	v61 =	vld [tilespmem:s8+$0x6270];
	[tilespmem:s8+$0x14DD0] =	vst v0  }
0x887: {  	v60 =	vld.idx.msk [tilespmem:v58+s5+$0x0], $0xffff;
	_ =	sdelay $0x4  }
0x888: {  	v0 =	vmul.f32 v60, v59;
	_ =	sdelay $0x1  }
0x889: {  	v62 =	vld [tilespmem:s8+$0xFF70];
	[tilespmem:s8+$0x14DE0] =	vst v0  }
0x88a: {  	v63 =	vld.idx.msk [tilespmem:v61+s5+$0x0], $0xffff;
	_ =	sdelay $0x4  }
0x88b: {  	v0 =	vmul.f32 v63, v62  }
0x88c: {  	s26 =	simm.s32 $0x1480  }
0x88d: {  	s28 =	simm.s32 $0x19C00;
	s7 =	simm.s32 $0x14D80;
	s29 =	simm.s32 $0x2;
	[tilespmem:s8+$0x14DF0] =	vst v0  }
0x88e: {  	[spmem:s2] =	stream.indirect.scatter.add.f32 [tilespmem:s7], [sflag:$0x2], $0x1, s28, s26, $0xb8;
	[tilespmem:$0x1B800] =	vst v63  }
0x88f: {  	_ =	swait.ge [sflag:s29], $0x200  }
0x890: {  	[sflag:s29] =	ssyncset.done $0x0  }
0x891: {  	[sflag:s29] =	ssyncadd.s32 $0xFFFFFE00  }
0x892: {  	_ =	swait.ge [sflag:s29], $0x400  }
0x893: {  	[sflag:s29] =	ssyncset.done $0x0  }
0x894: {  	[sflag:s29] =	ssyncadd.s32 $0xFFFFFC00  }
0x895: {  	_ =	swait.ge [sflag:s29], $0x600  }
0x896: {  	[sflag:s29] =	ssyncset.done $0x0  }
0x897: {  	[sflag:s29] =	ssyncadd.s32 $0xFFFFFA00  }
0x898: {  	_ =	swait.ge [sflag:s29], $0x800  }
0x899: {  	[sflag:s29] =	ssyncset.done $0x0  }
0x89a: {  	[sflag:s29] =	ssyncadd.s32 $0xFFFFF800  }
0x89b: {  	_ =	swait.ge [sflag:s29], $0xA00  }
0x89c: {  	[sflag:s29] =	ssyncset.done $0x0  }
0x89d: {  	[sflag:s29] =	ssyncadd.s32 $0xFFFFF600  }
0x89e: {  	_ =	swait.ge [sflag:s29], $0xC00  }
0x89f: {  	[sflag:s29] =	ssyncset.done $0x0  }
0x8a0: {  	[sflag:s29] =	ssyncadd.s32 $0xFFFFF400  }
0x8a1: {  	_ =	swait.ge [sflag:s29], $0x1000  }
0x8a2: {  	[sflag:s29] =	ssyncset.done $0x0  }
0x8a3: {  	[sflag:s29] =	ssyncadd.s32 $0xFFFFF000  }
0x8a4: {  	_ =	swait.ge [sflag:s29], $0x1480  }
0x8a5: {  	[sflag:s29] =	ssyncset.done $0x0  }
0x8a6: {  	[sflag:s29] =	ssyncadd.s32 $0xFFFFEB80  }
0x8a7: {  	s30 =	simm.s32 $0x1B080;
	s31 =	simm.s32 $0x3;
	[bflag:$0x0] =	sbarrier.arrive $0xFFFF  }
0x8a8: {  	[tilespmem:s30], [sflag:$0x3] =	stream.linear.gather [spmem:s3], $0x280, $0x38;
	[tilespmem:$0x1B800] =	vst v63  }
0x8a9: {  	_ =	swait.ge [sflag:s31], $0x280  }
0x8aa: {  	[sflag:s31] =	ssyncset.done $0x0  }
0x8ab: {  	s2 =	simm.s32 $0x0;
	s3 =	simm.s32 $0x40;
	[sflag:s31] =	ssyncadd.s32 $0xFFFFFD80  }
.LBB2_34:
0x8ac: {  	p0 =	sne.s32 s3, $0x9C0;
	v0 =	vld [tilespmem:s2+$0x1B080];
	_ =	sdelay $0x4  }
0x8ad: {  	v0 =	vsub.f32 $0.0e+00, v0;
	_ =	sdelay $0x1  }
0x8ae: {  	v0 =	vmul.f32 $1.442695020e+00, v0;
	_ =	sdelay $0x1  }
0x8af: {  	(erf) = vpow2.f32 v0;
	_ =	sdelay $0x8  }
0x8b0: {  	v0 =	vpop (erf)  }
0x8b1: {  	v0 =	vadd.f32 $1.000000000e+00, v0;
	_ =	sdelay $0x1  }
0x8b2: {  	(erf) = vrcp.f32 v0;
	_ =	sdelay $0x5  }
.Ltmp17:
0x8b3: {  	(pc) =	sbr.rel @p0 .LBB2_34-.Ltmp17, $3  }
0x8b4: {  	_ =	sdelay $0x1  }
0x8b5: {  	v0 =	vpop (erf)  }
0x8b6: {  	[tilespmem:s2+$0x1B080] =	vst v0;
	s2 =	sshra.s32 s3, $0x2;
	s3 =	sadd.s32 $0x40, s3  }
0x8b7: {  	v0 =	vld [tilespmem:s2+$0x1B080];
	_ =	sdelay $0x4  }
0x8b8: {  	v0 =	vsub.f32 $0.0e+00, v0;
	_ =	sdelay $0x1  }
0x8b9: {  	v0 =	vmul.f32 $1.442695020e+00, v0;
	_ =	sdelay $0x1  }
0x8ba: {  	(erf) = vpow2.f32 v0;
	_ =	sdelay $0x8  }
0x8bb: {  	v0 =	vpop (erf)  }
0x8bc: {  	v0 =	vadd.f32 $1.000000000e+00, v0;
	_ =	sdelay $0x1  }
0x8bd: {  	(erf) = vrcp.f32 v0;
	_ =	sdelay $0x8  }
0x8be: {  	v0 =	vpop (erf)  }
0x8bf: {  	s30 =	simm.s32 $0x0;
	s3 =	simm.s32 $0x1B080;
	s31 =	simm.s32 $0x3;
	[tilespmem:s2+$0x1B080] =	vst v0  }
0x8c0: {  	[hbm4b:s4+s30] =	stream.linear.scatter [tilespmem:s3], [sflag:$0x3], $0x280, $0x38;
	[tilespmem:$0x1B800] =	vst v63  }
0x8c1: {  	_ =	swait.ge [sflag:s31], $0x280  }
0x8c2: {  	[sflag:s31] =	ssyncset.done $0x0  }
0x8c3: {  	[sflag:s31] =	ssyncadd.s32 $0xFFFFFD80  }
0x8c4: {  	_ =	sfence.sel $0x180000  }
0x8c5: {  	[bflag:$0x0] =	sbarrier.arrive $0xFFFF  }
0x8c6: {  	p0 =	sne.s32 s1, $0x0;
	_ =	strace $0x90000047  }
0x8c7: {  	s0 =	sadd.s32 @!p0 $0x100000, s0;
	[bflag:$0x2] =	sbarrier.arrive $0xFFFF  }
0x8c8: {  	[sflag:s0] =	ssyncadd.tile.s32 @!p0 $0x1;
	_ =	shalt  }
.Lfunc_end2:
_tile_overlayer_lowered:
.L_overlay_start_2:
0x8c9: {  	(tag) =	ssettag $0x2  }
0x8ca: {  	s0 =	rddreg [dreg:$0x0];
	s2 =	stileid.u32  }
0x8cb: {  	s1 =	rddreg [dreg:$0x1];
	p0 =	sne.s32 s2, $0x0  }
0x8cc: {  	s3 =	rddreg [dreg:$0x2];
	[bflag:$0x3] =	sbarrier.arrive $0xFFFF;
	s2 =	simm.s32 @!p0 $0x1C03  }
0x8cd: {  	[timem:s3], [sflag:s2] =	dma.local @!p0 [hbm:s0], s1  }
0x8ce: {  	s0 =	simm.s32 @!p0 $0x3  }
0x8cf: {  	_ =	swait.ge @!p0 [sflag:s0], s1  }
0x8d0: {  	s1 =	ssub.s32 @!p0 $0x0, s1;
	[sflag:s0] =	ssyncset.done @!p0 $0x0  }
0x8d1: {  	[sflag:s0] =	ssyncadd.s32 @!p0 s1  }
0x8d2: {  	[bflag:$0x3] =	sbarrier.arrive $0xFFFF  }
0x8d3: {  	_ =	shalt  }

</sc_bundles>
